<compile_context>
chip_gen: v7x
topology: tpu7x:2x2x1
jax: 0.10.2.dev20260603
libtpu: 0.0.44.dev20260713+nightly
codegen_flags: <defaults>
</compile_context>

<pallas_src>
import functools

import jax
import jax.numpy as jnp
from jax import lax
from jax.experimental import pallas as pl
from jax.experimental.pallas import tpu as pltpu
from jax.experimental.pallas import tpu_sc as plsc

N = 10000
E = 320000
IN_DIM = 128
HID_DIM = 32

NC = 2
NS = 16
NW = NC * NS
LANES = 16

CHUNK = 128
NCH = E // CHUNK
CPT = NCH // NW
TAIL = NCH - CPT * NW
NBUF = 6
ROWS_PER_TILE = N // NS
NP = 10240
RROWS = NP // LANES
RPT = RROWS // NS

_mesh = plsc.VectorSubcoreMesh(core_axis_name="c", subcore_axis_name="s")
_sc_params = pltpu.CompilerParams(
    needs_layout_passes=False, use_tc_tiling_on_sc=False)


def _zero_rows(ref, nrows):
  def body(j, _):
    ref[j, :] = jnp.zeros((LANES,), ref.dtype)
    return 0
  lax.fori_loop(0, nrows, body, 0, unroll=8)


def _stage_idx(src2d, dst_v, wid):
  pltpu.sync_copy(src2d.at[pl.ds(CPT * wid, CPT)], dst_v.at[pl.ds(0, CPT)])

  @pl.when(wid < TAIL)
  def _():
    pltpu.sync_copy(src2d.at[pl.ds(CPT * NW + wid, 1)],
                    dst_v.at[pl.ds(CPT, 1)])


def _reduce_to_spmem_and_writeout(acc2, idx5, zbuf, dstage, sh, out_hbm,
                                  cid, sid):
  iota = lax.iota(jnp.int32, LANES)
  for j in range(RROWS // 128):
    for t in range(128 // LANES):
      idx5[j, pl.ds(t * LANES, LANES)] = iota + (128 * j + LANES * t)
  for j in range(RROWS // 128):
    pltpu.sync_copy(acc2.at[pl.ds(128 * j, 128)], sh.at[idx5.at[j]], add=True)
  plsc.subcore_barrier()
  pltpu.sync_copy(sh.at[pl.ds(sid * RPT, RPT)], zbuf)
  def cb(j, _):
    dstage[pl.ds(j * LANES, LANES)] = zbuf[j, :]
    return 0
  lax.fori_loop(0, RPT, cb, 0, unroll=8)
  pltpu.sync_copy(
      dstage, out_hbm.at[pl.ds(cid * NP + sid * RPT * LANES, RPT * LANES)])


@functools.partial(
    pl.kernel,
    out_type=jax.ShapeDtypeStruct((NC * NP,), jnp.float32),
    mesh=_mesh,
    compiler_params=_sc_params,
    scratch_types=[
        pltpu.VMEM((CPT + 1, CHUNK), jnp.int32),
        pltpu.VMEM((RROWS, LANES), jnp.float32),
        pltpu.VMEM((RROWS // 128, 128), jnp.int32),
        pltpu.VMEM((RPT, LANES), jnp.float32),
        pltpu.VMEM((RPT * LANES,), jnp.float32),
        pltpu.VMEM_SHARED((RROWS, LANES), jnp.float32),
    ],
)
def _sc_degree(col_hbm, out_hbm, col_v, acc2, idx5, zbuf, dstage, deg_sh):
  cid = lax.axis_index("c")
  sid = lax.axis_index("s")
  wid = sid * NC + cid
  _stage_idx(col_hbm, col_v, wid)
  _zero_rows(acc2, RROWS)
  _zero_rows(zbuf, RPT)
  pltpu.sync_copy(zbuf, deg_sh.at[pl.ds(sid * RPT, RPT)])
  plsc.subcore_barrier()
  ones = jnp.ones((LANES,), jnp.float32)

  def hist(k, _):
    for t in range(CHUNK // LANES):
      c = col_v[k, pl.ds(t * LANES, LANES)]
      plsc.addupdate_scatter(
          acc2, [jnp.right_shift(c, 4), jnp.bitwise_and(c, 15)], ones)
    return 0
  lax.fori_loop(0, CPT, hist, 0, unroll=4)

  @pl.when(wid < TAIL)
  def _():
    hist(CPT, 0)
  _reduce_to_spmem_and_writeout(
      acc2, idx5, zbuf, dstage, deg_sh, out_hbm, cid, sid)


@functools.partial(
    pl.kernel,
    out_type=jax.ShapeDtypeStruct((NC, N, HID_DIM), jnp.float32),
    mesh=_mesh,
    compiler_params=_sc_params,
    scratch_types=[
        pltpu.VMEM((CPT + 1, CHUNK), jnp.int32),
        pltpu.VMEM((CPT + 1, CHUNK), jnp.int32),
        pltpu.VMEM((NBUF, CHUNK, HID_DIM), jnp.float32),
        pltpu.VMEM((ROWS_PER_TILE, HID_DIM), jnp.float32),
        pltpu.VMEM_SHARED((N, HID_DIM), jnp.float32),
        pltpu.SemaphoreType.DMA,
        pltpu.SemaphoreType.DMA,
    ],
)
def _sc_agg1(row_hbm, col_hbm, y_hbm, out_hbm,
             ridx_v, cidx_v, rows_v, stage_v, agg_sh, gsem, ssem):
  cid = lax.axis_index("c")
  sid = lax.axis_index("s")
  wid = sid * NC + cid
  n_mine = CPT + jnp.where(wid < TAIL, 1, 0)

  def zbody(j, _):
    stage_v[j, pl.ds(0, LANES)] = jnp.zeros((LANES,), jnp.float32)
    stage_v[j, pl.ds(LANES, LANES)] = jnp.zeros((LANES,), jnp.float32)
    return 0
  lax.fori_loop(0, ROWS_PER_TILE, zbody, 0, unroll=8)
  pltpu.sync_copy(stage_v, agg_sh.at[pl.ds(sid * ROWS_PER_TILE, ROWS_PER_TILE)])

  _stage_idx(row_hbm, ridx_v, wid)
  _stage_idx(col_hbm, cidx_v, wid)
  plsc.subcore_barrier()

  for b in range(4):
    pltpu.async_copy(y_hbm.at[ridx_v.at[b]], rows_v.at[b], gsem)

  def body(k, _):
    b = lax.rem(k, NBUF)
    pltpu.make_async_copy(y_hbm.at[ridx_v.at[k]], rows_v.at[b], gsem).wait()
    pltpu.async_copy(rows_v.at[b], agg_sh.at[cidx_v.at[k]], ssem, add=True)
    km2 = k - 2

    @pl.when(km2 >= 0)
    def _():
      pltpu.make_async_copy(rows_v.at[lax.rem(km2, NBUF)],
                            agg_sh.at[cidx_v.at[km2]], ssem).wait()
    nk = k + 4

    @pl.when(nk < n_mine)
    def _():
      pltpu.async_copy(y_hbm.at[ridx_v.at[nk]], rows_v.at[lax.rem(nk, NBUF)],
                       gsem)
    return 0
  lax.fori_loop(0, n_mine, body, 0)

  for j in (2, 1):
    k = n_mine - j

    @pl.when(k >= 0)
    def _():
      pltpu.make_async_copy(rows_v.at[lax.rem(k, NBUF)],
                            agg_sh.at[cidx_v.at[k]], ssem).wait()
  plsc.subcore_barrier()

  pltpu.sync_copy(agg_sh.at[pl.ds(sid * ROWS_PER_TILE, ROWS_PER_TILE)],
                  out_hbm.at[cid, pl.ds(sid * ROWS_PER_TILE, ROWS_PER_TILE)])


@functools.partial(
    pl.kernel,
    out_type=jax.ShapeDtypeStruct((NC * NP,), jnp.float32),
    mesh=_mesh,
    compiler_params=_sc_params,
    scratch_types=[
        pltpu.VMEM((CPT + 1, CHUNK), jnp.int32),
        pltpu.VMEM((CPT + 1, CHUNK), jnp.int32),
        pltpu.VMEM((N,), jnp.float32),
        pltpu.VMEM((RROWS, LANES), jnp.float32),
        pltpu.VMEM((RROWS // 128, 128), jnp.int32),
        pltpu.VMEM((RPT, LANES), jnp.float32),
        pltpu.VMEM((RPT * LANES,), jnp.float32),
        pltpu.VMEM_SHARED((RROWS, LANES), jnp.float32),
    ],
)
def _sc_agg2(row_hbm, col_hbm, y2_hbm, out_hbm,
             row_v, col_v, y2_v, acc2, idx5, zbuf, dstage, agg_sh):
  cid = lax.axis_index("c")
  sid = lax.axis_index("s")
  wid = sid * NC + cid
  _stage_idx(row_hbm, row_v, wid)
  _stage_idx(col_hbm, col_v, wid)
  pltpu.sync_copy(y2_hbm, y2_v)
  _zero_rows(acc2, RROWS)
  _zero_rows(zbuf, RPT)
  pltpu.sync_copy(zbuf, agg_sh.at[pl.ds(sid * RPT, RPT)])
  plsc.subcore_barrier()

  def body(k, _):
    for t in range(CHUNK // LANES):
      r = row_v[k, pl.ds(t * LANES, LANES)]
      c = col_v[k, pl.ds(t * LANES, LANES)]
      v = plsc.load_gather(y2_v, [r])
      plsc.addupdate_scatter(
          acc2, [jnp.right_shift(c, 4), jnp.bitwise_and(c, 15)], v)
    return 0
  lax.fori_loop(0, CPT, body, 0, unroll=4)

  @pl.when(wid < TAIL)
  def _():
    body(CPT, 0)
  _reduce_to_spmem_and_writeout(
      acc2, idx5, zbuf, dstage, agg_sh, out_hbm, cid, sid)


def _tc_d_body(p_ref, d_ref, acc_ref):
  i = pl.program_id(0)
  p = p_ref[...].reshape(1, NP)

  @pl.when(i == 0)
  def _():
    acc_ref[...] = p

  @pl.when(i == NC - 1)
  def _():
    d_ref[...] = lax.rsqrt(acc_ref[:, :N] + p[:, :N] + 1.0)


def _tc_y_body(x_ref, w1_ref, d_ref, y_ref):
  xw = jnp.dot(x_ref[...], w1_ref[...], preferred_element_type=jnp.float32)
  d_col = jnp.transpose(d_ref[...], (1, 0))
  y_ref[...] = d_col * xw


def _tc_h_body(a_ref, y_ref, d_ref, b1_ref, w2_ref, y2_ref):
  d_col = jnp.transpose(d_ref[...], (1, 0))
  agg = a_ref[0] + a_ref[1] + y_ref[...]
  h = jnp.maximum(d_col * agg + b1_ref[...], 0.0)
  hw = jnp.dot(h, w2_ref[...], preferred_element_type=jnp.float32)
  y2_ref[...] = jnp.transpose(d_col * hw, (1, 0))


def _tc_out_body(p2_ref, y2_ref, d_ref, b2_ref, o_ref, acc_ref):
  i = pl.program_id(0)
  p = p2_ref[...].reshape(1, NP)

  @pl.when(i == 0)
  def _():
    acc_ref[...] = p

  @pl.when(i == NC - 1)
  def _():
    o_row = (d_ref[...] * (acc_ref[:, :N] + p[:, :N] + y2_ref[...])
             + b2_ref[...])
    o_ref[...] = jnp.transpose(o_row, (1, 0))


def kernel(x, edge_index, W1, b1, W2, b2):
  row2 = edge_index[0].reshape(NCH, CHUNK)
  col2 = edge_index[1].reshape(NCH, CHUNK)

  deg_part = _sc_degree(col2)

  d_row = pl.pallas_call(
      _tc_d_body,
      grid=(NC,),
      in_specs=[pl.BlockSpec((NP,), lambda i: (i,))],
      out_specs=pl.BlockSpec((1, N), lambda i: (0, 0)),
      out_shape=jax.ShapeDtypeStruct((1, N), jnp.float32),
      scratch_shapes=[pltpu.VMEM((1, NP), jnp.float32)],
  )(deg_part)

  y = pl.pallas_call(
      _tc_y_body,
      out_shape=jax.ShapeDtypeStruct((N, HID_DIM), jnp.float32),
  )(x, W1, d_row)

  agg1 = _sc_agg1(row2, col2, y)

  y2_row = pl.pallas_call(
      _tc_h_body,
      out_shape=jax.ShapeDtypeStruct((1, N), jnp.float32),
  )(agg1, y, d_row, b1.reshape(1, HID_DIM), W2)

  p2 = _sc_agg2(row2, col2, y2_row.reshape(N))

  out = pl.pallas_call(
      _tc_out_body,
      grid=(NC,),
      in_specs=[
          pl.BlockSpec((NP,), lambda i: (i,)),
          pl.BlockSpec((1, N), lambda i: (0, 0)),
          pl.BlockSpec((1, N), lambda i: (0, 0)),
          pl.BlockSpec((1, 1), lambda i: (0, 0)),
      ],
      out_specs=pl.BlockSpec((N, 1), lambda i: (0, 0)),
      out_shape=jax.ShapeDtypeStruct((N, 1), jnp.float32),
      scratch_shapes=[pltpu.VMEM((1, NP), jnp.float32)],
  )(p2, y2_row, d_row, b2.reshape(1, 1))

  return out

# --- scband reference (transcript-rebuilt; emitter-appended) ---
"""Pipeline reference for scband-gcnmodel-73169062855340 (READ-ONLY COPY).

The authoritative reference and input builder live on the scoring server;
editing this copy changes nothing except your own understanding.
"""

import jax, jax.numpy as jnp
import numpy as np

N_NODES = 10000
N_EDGES = 320000
IN_DIM = 128
HID_DIM = 32
OUT_DIM = 1


def setup_inputs(seed: int = 0) -> dict:
    key = jax.random.key(seed)
    k1, k2, k3, k4 = jax.random.split(key, 4)
    x = jax.random.normal(k1, (N_NODES, IN_DIM), dtype=jnp.float32)
    edge_index = jax.random.randint(k2, (2, N_EDGES), 0, N_NODES, dtype=jnp.int32)
    W1 = jax.random.normal(k3, (IN_DIM, HID_DIM), dtype=jnp.float32) * (1.0 / np.sqrt(IN_DIM))
    b1 = jnp.zeros((HID_DIM,), dtype=jnp.float32)
    W2 = jax.random.normal(k4, (HID_DIM, OUT_DIM), dtype=jnp.float32) * (1.0 / np.sqrt(HID_DIM))
    b2 = jnp.zeros((OUT_DIM,), dtype=jnp.float32)
    return {"x": x, "edge_index": edge_index, "W1": W1, "b1": b1, "W2": W2, "b2": b2}


def gcn_conv(x, edge_index, W, b):
    # Faithful PyG GCNConv: add self-loops, symmetric D^{-1/2}(A+I)D^{-1/2} normalization.
    N = x.shape[0]
    xw = x @ W
    row = edge_index[0]
    col = edge_index[1]
    loop = jnp.arange(N, dtype=row.dtype)
    row = jnp.concatenate([row, loop])
    col = jnp.concatenate([col, loop])
    ones = jnp.ones(row.shape[0], dtype=xw.dtype)
    deg = jax.ops.segment_sum(ones, col, num_segments=N)
    deg_inv_sqrt = jnp.where(deg > 0, 1.0 / jnp.sqrt(deg), 0.0)
    norm = deg_inv_sqrt[row] * deg_inv_sqrt[col]
    msgs = xw[row] * norm[:, None]
    out = jax.ops.segment_sum(msgs, col, num_segments=N)
    return out + b


def reference(x, edge_index, W1, b1, W2, b2):
    h = gcn_conv(x, edge_index, W1, b1)
    h = jax.nn.relu(h)
    out = gcn_conv(h, edge_index, W2, b2)
    return out

if __name__ == "__main__":
    import jax
    _d = setup_inputs()
    print(jax.jit(kernel)(*tuple(_d.values())))

</pallas_src>

<mosaic_0001>
#map = affine_map<(d0, d1) -> (0, 0)>
#map1 = affine_map<(d0, d1) -> (0, 0, 0)>
module attributes {stable_mosaic.version = 14 : i64} {
  func.func @_sc_agg1(%arg0: i32, %arg1: i32, %arg2: memref<2500x128xi32, #tpu.memory_space<hbm>>, %arg3: memref<2500x128xi32, #tpu.memory_space<hbm>>, %arg4: memref<10000x32xf32, #tpu.memory_space<hbm>>, %arg5: memref<2x10000x32xf32, #tpu.memory_space<hbm>>, %arg6: memref<79x128xi32, #tpu.memory_space<vmem>>, %arg7: memref<79x128xi32, #tpu.memory_space<vmem>>, %arg8: memref<6x128x32xf32, #tpu.memory_space<vmem>>, %arg9: memref<625x32xf32, #tpu.memory_space<vmem>>, %arg10: memref<10000x32xf32, #tpu.memory_space<vmem_shared>>, %arg11: memref<!tpu.dma_semaphore, #tpu.memory_space<semaphore_mem>>, %arg12: memref<!tpu.dma_semaphore, #tpu.memory_space<semaphore_mem>>) attributes {dimension_semantics = [#tpu.dimension_semantics<core_parallel>, #tpu.dimension_semantics<subcore_parallel>], iteration_bounds = array<i64: 2, 16>, scalar_prefetch = 0 : i64, scratch_operands = 7 : i64, tpu.core_type = #tpu.core_type<sc_vector_subcore>, window_params = [{transform_indices = #map}, {transform_indices = #map}, {transform_indices = #map}, {transform_indices = #map1}]} {
    %mul3A = arith.constant 2 : i32
    %mul3A_0 = arith.muli %arg1, %mul3A : i32
    %add3A = arith.addi %mul3A_0, %arg0 : i32
    %lt3A = arith.constant 4 : i32
    %lt3A_1 = arith.cmpi slt, %add3A, %lt3A : i32
    %jit3A = arith.constant 1 : i32
    %jit3A_2 = arith.constant 0 : i32
    %select_n3A = arith.select %lt3A_1, %jit3A, %jit3A_2 : i32
    %add3A_3 = arith.constant 78 : i32
    %add3A_4 = arith.addi %add3A_3, %select_n3A : i32
    %scan3A = arith.constant 0 : i32
    %scan3A_5 = arith.constant 0 : i32
    %scan3A_6 = arith.constant 624 : i32
    %scan3A_7 = arith.addi %scan3A_5, %scan3A_6 : i32
    %scan3A_8 = arith.constant 8 : i32
    %scan3A_9 = scf.for %scan3A_111 = %scan3A_5 to %scan3A_7 step %scan3A_8 iter_args(%scan3A_112 = %scan3A) -> (i32)  : i32 {
      %broadcast_in_dim3A_113 = arith.constant 0.000000e+00 : f32
      %broadcast_in_dim3A_114 = vector.broadcast %broadcast_in_dim3A_113 : f32 to vector<16xf32>
      %swap3A_115 = arith.index_cast %scan3A_111 : i32 to index
      %swap3A_116 = arith.constant 0 : index
      %swap3A_117 = tpu.vector_load %arg9[%swap3A_115, %swap3A_116] {strides = array<i32>} : memref<625x32xf32, #tpu.memory_space<vmem>>, vector<16xf32>,
      tpu.vector_store %arg9[%swap3A_115, %swap3A_116], %broadcast_in_dim3A_114 {strides = array<i32>} : memref<625x32xf32, #tpu.memory_space<vmem>>, vector<16xf32>,
      %broadcast_in_dim3A_118 = arith.constant 0.000000e+00 : f32
      %broadcast_in_dim3A_119 = vector.broadcast %broadcast_in_dim3A_118 : f32 to vector<16xf32>
      %swap3A_120 = arith.index_cast %scan3A_111 : i32 to index
      %swap3A_121 = arith.constant 16 : index
      %swap3A_122 = tpu.vector_load %arg9[%swap3A_120, %swap3A_121] {strides = array<i32>} : memref<625x32xf32, #tpu.memory_space<vmem>>, vector<16xf32>,
      tpu.vector_store %arg9[%swap3A_120, %swap3A_121], %broadcast_in_dim3A_119 {strides = array<i32>} : memref<625x32xf32, #tpu.memory_space<vmem>>, vector<16xf32>,
      %scan3A_123 = arith.constant 0 : i32
      %scan3A_124 = arith.constant 1 : i32
      %scan3A_125 = arith.addi %scan3A_111, %scan3A_124 : i32
      %broadcast_in_dim3A_126 = arith.constant 0.000000e+00 : f32
      %broadcast_in_dim3A_127 = vector.broadcast %broadcast_in_dim3A_126 : f32 to vector<16xf32>
      %swap3A_128 = arith.index_cast %scan3A_125 : i32 to index
      %swap3A_129 = arith.constant 0 : index
      %swap3A_130 = tpu.vector_load %arg9[%swap3A_128, %swap3A_129] {strides = array<i32>} : memref<625x32xf32, #tpu.memory_space<vmem>>, vector<16xf32>,
      tpu.vector_store %arg9[%swap3A_128, %swap3A_129], %broadcast_in_dim3A_127 {strides = array<i32>} : memref<625x32xf32, #tpu.memory_space<vmem>>, vector<16xf32>,
      %broadcast_in_dim3A_131 = arith.constant 0.000000e+00 : f32
      %broadcast_in_dim3A_132 = vector.broadcast %broadcast_in_dim3A_131 : f32 to vector<16xf32>
      %swap3A_133 = arith.index_cast %scan3A_125 : i32 to index
      %swap3A_134 = arith.constant 16 : index
      %swap3A_135 = tpu.vector_load %arg9[%swap3A_133, %swap3A_134] {strides = array<i32>} : memref<625x32xf32, #tpu.memory_space<vmem>>, vector<16xf32>,
      tpu.vector_store %arg9[%swap3A_133, %swap3A_134], %broadcast_in_dim3A_132 {strides = array<i32>} : memref<625x32xf32, #tpu.memory_space<vmem>>, vector<16xf32>,
      %scan3A_136 = arith.constant 0 : i32
      %scan3A_137 = arith.constant 2 : i32
      %scan3A_138 = arith.addi %scan3A_111, %scan3A_137 : i32
      %broadcast_in_dim3A_139 = arith.constant 0.000000e+00 : f32
      %broadcast_in_dim3A_140 = vector.broadcast %broadcast_in_dim3A_139 : f32 to vector<16xf32>
      %swap3A_141 = arith.index_cast %scan3A_138 : i32 to index
      %swap3A_142 = arith.constant 0 : index
      %swap3A_143 = tpu.vector_load %arg9[%swap3A_141, %swap3A_142] {strides = array<i32>} : memref<625x32xf32, #tpu.memory_space<vmem>>, vector<16xf32>,
      tpu.vector_store %arg9[%swap3A_141, %swap3A_142], %broadcast_in_dim3A_140 {strides = array<i32>} : memref<625x32xf32, #tpu.memory_space<vmem>>, vector<16xf32>,
      %broadcast_in_dim3A_144 = arith.constant 0.000000e+00 : f32
      %broadcast_in_dim3A_145 = vector.broadcast %broadcast_in_dim3A_144 : f32 to vector<16xf32>
      %swap3A_146 = arith.index_cast %scan3A_138 : i32 to index
      %swap3A_147 = arith.constant 16 : index
      %swap3A_148 = tpu.vector_load %arg9[%swap3A_146, %swap3A_147] {strides = array<i32>} : memref<625x32xf32, #tpu.memory_space<vmem>>, vector<16xf32>,
      tpu.vector_store %arg9[%swap3A_146, %swap3A_147], %broadcast_in_dim3A_145 {strides = array<i32>} : memref<625x32xf32, #tpu.memory_space<vmem>>, vector<16xf32>,
      %scan3A_149 = arith.constant 0 : i32
      %scan3A_150 = arith.constant 3 : i32
      %scan3A_151 = arith.addi %scan3A_111, %scan3A_150 : i32
      %broadcast_in_dim3A_152 = arith.constant 0.000000e+00 : f32
      %broadcast_in_dim3A_153 = vector.broadcast %broadcast_in_dim3A_152 : f32 to vector<16xf32>
      %swap3A_154 = arith.index_cast %scan3A_151 : i32 to index
      %swap3A_155 = arith.constant 0 : index
      %swap3A_156 = tpu.vector_load %arg9[%swap3A_154, %swap3A_155] {strides = array<i32>} : memref<625x32xf32, #tpu.memory_space<vmem>>, vector<16xf32>,
      tpu.vector_store %arg9[%swap3A_154, %swap3A_155], %broadcast_in_dim3A_153 {strides = array<i32>} : memref<625x32xf32, #tpu.memory_space<vmem>>, vector<16xf32>,
      %broadcast_in_dim3A_157 = arith.constant 0.000000e+00 : f32
      %broadcast_in_dim3A_158 = vector.broadcast %broadcast_in_dim3A_157 : f32 to vector<16xf32>
      %swap3A_159 = arith.index_cast %scan3A_151 : i32 to index
      %swap3A_160 = arith.constant 16 : index
      %swap3A_161 = tpu.vector_load %arg9[%swap3A_159, %swap3A_160] {strides = array<i32>} : memref<625x32xf32, #tpu.memory_space<vmem>>, vector<16xf32>,
      tpu.vector_store %arg9[%swap3A_159, %swap3A_160], %broadcast_in_dim3A_158 {strides = array<i32>} : memref<625x32xf32, #tpu.memory_space<vmem>>, vector<16xf32>,
      %scan3A_162 = arith.constant 0 : i32
      %scan3A_163 = arith.constant 4 : i32
      %scan3A_164 = arith.addi %scan3A_111, %scan3A_163 : i32
      %broadcast_in_dim3A_165 = arith.constant 0.000000e+00 : f32
      %broadcast_in_dim3A_166 = vector.broadcast %broadcast_in_dim3A_165 : f32 to vector<16xf32>
      %swap3A_167 = arith.index_cast %scan3A_164 : i32 to index
      %swap3A_168 = arith.constant 0 : index
      %swap3A_169 = tpu.vector_load %arg9[%swap3A_167, %swap3A_168] {strides = array<i32>} : memref<625x32xf32, #tpu.memory_space<vmem>>, vector<16xf32>,
      tpu.vector_store %arg9[%swap3A_167, %swap3A_168], %broadcast_in_dim3A_166 {strides = array<i32>} : memref<625x32xf32, #tpu.memory_space<vmem>>, vector<16xf32>,
      %broadcast_in_dim3A_170 = arith.constant 0.000000e+00 : f32
      %broadcast_in_dim3A_171 = vector.broadcast %broadcast_in_dim3A_170 : f32 to vector<16xf32>
      %swap3A_172 = arith.index_cast %scan3A_164 : i32 to index
      %swap3A_173 = arith.constant 16 : index
      %swap3A_174 = tpu.vector_load %arg9[%swap3A_172, %swap3A_173] {strides = array<i32>} : memref<625x32xf32, #tpu.memory_space<vmem>>, vector<16xf32>,
      tpu.vector_store %arg9[%swap3A_172, %swap3A_173], %broadcast_in_dim3A_171 {strides = array<i32>} : memref<625x32xf32, #tpu.memory_space<vmem>>, vector<16xf32>,
      %scan3A_175 = arith.constant 0 : i32
      %scan3A_176 = arith.constant 5 : i32
      %scan3A_177 = arith.addi %scan3A_111, %scan3A_176 : i32
      %broadcast_in_dim3A_178 = arith.constant 0.000000e+00 : f32
      %broadcast_in_dim3A_179 = vector.broadcast %broadcast_in_dim3A_178 : f32 to vector<16xf32>
      %swap3A_180 = arith.index_cast %scan3A_177 : i32 to index
      %swap3A_181 = arith.constant 0 : index
      %swap3A_182 = tpu.vector_load %arg9[%swap3A_180, %swap3A_181] {strides = array<i32>} : memref<625x32xf32, #tpu.memory_space<vmem>>, vector<16xf32>,
      tpu.vector_store %arg9[%swap3A_180, %swap3A_181], %broadcast_in_dim3A_179 {strides = array<i32>} : memref<625x32xf32, #tpu.memory_space<vmem>>, vector<16xf32>,
      %broadcast_in_dim3A_183 = arith.constant 0.000000e+00 : f32
      %broadcast_in_dim3A_184 = vector.broadcast %broadcast_in_dim3A_183 : f32 to vector<16xf32>
      %swap3A_185 = arith.index_cast %scan3A_177 : i32 to index
      %swap3A_186 = arith.constant 16 : index
      %swap3A_187 = tpu.vector_load %arg9[%swap3A_185, %swap3A_186] {strides = array<i32>} : memref<625x32xf32, #tpu.memory_space<vmem>>, vector<16xf32>,
      tpu.vector_store %arg9[%swap3A_185, %swap3A_186], %broadcast_in_dim3A_184 {strides = array<i32>} : memref<625x32xf32, #tpu.memory_space<vmem>>, vector<16xf32>,
      %scan3A_188 = arith.constant 0 : i32
      %scan3A_189 = arith.constant 6 : i32
      %scan3A_190 = arith.addi %scan3A_111, %scan3A_189 : i32
      %broadcast_in_dim3A_191 = arith.constant 0.000000e+00 : f32
      %broadcast_in_dim3A_192 = vector.broadcast %broadcast_in_dim3A_191 : f32 to vector<16xf32>
      %swap3A_193 = arith.index_cast %scan3A_190 : i32 to index
      %swap3A_194 = arith.constant 0 : index
      %swap3A_195 = tpu.vector_load %arg9[%swap3A_193, %swap3A_194] {strides = array<i32>} : memref<625x32xf32, #tpu.memory_space<vmem>>, vector<16xf32>,
      tpu.vector_store %arg9[%swap3A_193, %swap3A_194], %broadcast_in_dim3A_192 {strides = array<i32>} : memref<625x32xf32, #tpu.memory_space<vmem>>, vector<16xf32>,
      %broadcast_in_dim3A_196 = arith.constant 0.000000e+00 : f32
      %broadcast_in_dim3A_197 = vector.broadcast %broadcast_in_dim3A_196 : f32 to vector<16xf32>
      %swap3A_198 = arith.index_cast %scan3A_190 : i32 to index
      %swap3A_199 = arith.constant 16 : index
      %swap3A_200 = tpu.vector_load %arg9[%swap3A_198, %swap3A_199] {strides = array<i32>} : memref<625x32xf32, #tpu.memory_space<vmem>>, vector<16xf32>,
      tpu.vector_store %arg9[%swap3A_198, %swap3A_199], %broadcast_in_dim3A_197 {strides = array<i32>} : memref<625x32xf32, #tpu.memory_space<vmem>>, vector<16xf32>,
      %scan3A_201 = arith.constant 0 : i32
      %scan3A_202 = arith.constant 7 : i32
      %scan3A_203 = arith.addi %scan3A_111, %scan3A_202 : i32
      %broadcast_in_dim3A_204 = arith.constant 0.000000e+00 : f32
      %broadcast_in_dim3A_205 = vector.broadcast %broadcast_in_dim3A_204 : f32 to vector<16xf32>
      %swap3A_206 = arith.index_cast %scan3A_203 : i32 to index
      %swap3A_207 = arith.constant 0 : index
      %swap3A_208 = tpu.vector_load %arg9[%swap3A_206, %swap3A_207] {strides = array<i32>} : memref<625x32xf32, #tpu.memory_space<vmem>>, vector<16xf32>,
      tpu.vector_store %arg9[%swap3A_206, %swap3A_207], %broadcast_in_dim3A_205 {strides = array<i32>} : memref<625x32xf32, #tpu.memory_space<vmem>>, vector<16xf32>,
      %broadcast_in_dim3A_209 = arith.constant 0.000000e+00 : f32
      %broadcast_in_dim3A_210 = vector.broadcast %broadcast_in_dim3A_209 : f32 to vector<16xf32>
      %swap3A_211 = arith.index_cast %scan3A_203 : i32 to index
      %swap3A_212 = arith.constant 16 : index
      %swap3A_213 = tpu.vector_load %arg9[%swap3A_211, %swap3A_212] {strides = array<i32>} : memref<625x32xf32, #tpu.memory_space<vmem>>, vector<16xf32>,
      tpu.vector_store %arg9[%swap3A_211, %swap3A_212], %broadcast_in_dim3A_210 {strides = array<i32>} : memref<625x32xf32, #tpu.memory_space<vmem>>, vector<16xf32>,
      %scan3A_214 = arith.constant 0 : i32
      scf.yield %scan3A_214 : i32
    }
    %scan3A_10 = arith.constant 624 : i32
    %scan3A_11 = arith.addi %scan3A_5, %scan3A_10 : i32
    %broadcast_in_dim3A = arith.constant 0.000000e+00 : f32
    %broadcast_in_dim3A_12 = vector.broadcast %broadcast_in_dim3A : f32 to vector<16xf32>
    %swap3A = arith.index_cast %scan3A_11 : i32 to index
    %swap3A_13 = arith.constant 0 : index
    %swap3A_14 = tpu.vector_load %arg9[%swap3A, %swap3A_13] {strides = array<i32>} : memref<625x32xf32, #tpu.memory_space<vmem>>, vector<16xf32>,
    tpu.vector_store %arg9[%swap3A, %swap3A_13], %broadcast_in_dim3A_12 {strides = array<i32>} : memref<625x32xf32, #tpu.memory_space<vmem>>, vector<16xf32>,
    %broadcast_in_dim3A_15 = arith.constant 0.000000e+00 : f32
    %broadcast_in_dim3A_16 = vector.broadcast %broadcast_in_dim3A_15 : f32 to vector<16xf32>
    %swap3A_17 = arith.index_cast %scan3A_11 : i32 to index
    %swap3A_18 = arith.constant 16 : index
    %swap3A_19 = tpu.vector_load %arg9[%swap3A_17, %swap3A_18] {strides = array<i32>} : memref<625x32xf32, #tpu.memory_space<vmem>>, vector<16xf32>,
    tpu.vector_store %arg9[%swap3A_17, %swap3A_18], %broadcast_in_dim3A_16 {strides = array<i32>} : memref<625x32xf32, #tpu.memory_space<vmem>>, vector<16xf32>,
    %scan3A_20 = arith.constant 0 : i32
    %scan3A_21 = arith.constant 625 : i32
    %mul3A_22 = arith.constant 625 : i32
    %mul3A_23 = arith.muli %arg1, %mul3A_22 : i32
    "tpu.region"() ({
      %run_scoped3A = tpu.sem_alloc : memref<!tpu.dma_semaphore, #tpu.memory_space<semaphore_mem>>
      %dma_start3A_111 = arith.constant 0 : i32
      %dma_start3A_112 = tpu.memref_slice %arg10[%mul3A_23, %dma_start3A_111] : memref<10000x32xf32, #tpu.memory_space<vmem_shared>> -> memref<625x32xf32, #tpu.memory_space<vmem_shared>>
      %dma_start3A_113 = arith.constant 0 : i32
      %dma_start3A_114 = tpu.memref_slice %arg10[%mul3A_23, %dma_start3A_113] : memref<10000x32xf32, #tpu.memory_space<vmem_shared>> -> memref<625x32xf32, #tpu.memory_space<vmem_shared>>
      tpu.enqueue_dma source(%arg9 : memref<625x32xf32, #tpu.memory_space<vmem>>) target(%dma_start3A_114 : memref<625x32xf32, #tpu.memory_space<vmem_shared>>) target_semaphore(%run_scoped3A : memref<!tpu.dma_semaphore, #tpu.memory_space<semaphore_mem>>)
      %dma_wait3A = arith.constant 0 : i32
      %dma_wait3A_115 = tpu.memref_slice %arg10[%mul3A_23, %dma_wait3A] : memref<10000x32xf32, #tpu.memory_space<vmem_shared>> -> memref<625x32xf32, #tpu.memory_space<vmem_shared>>
      %dma_wait3A_116 = arith.constant 0 : i32
      %dma_wait3A_117 = tpu.memref_slice %arg10[%mul3A_23, %dma_wait3A_116] : memref<10000x32xf32, #tpu.memory_space<vmem_shared>> -> memref<625x32xf32, #tpu.memory_space<vmem_shared>>
      tpu.wait_dma2 semaphore(%run_scoped3A : memref<!tpu.dma_semaphore, #tpu.memory_space<semaphore_mem>>) src(%arg9 : memref<625x32xf32, #tpu.memory_space<vmem>>) dst(%dma_wait3A_117 : memref<625x32xf32, #tpu.memory_space<vmem_shared>>)
      tpu.yield
    }) : () -> ()
    %mul3A_24 = arith.constant 78 : i32
    %mul3A_25 = arith.muli %mul3A_24, %add3A : i32
    "tpu.region"() ({
      %run_scoped3A = tpu.sem_alloc : memref<!tpu.dma_semaphore, #tpu.memory_space<semaphore_mem>>
      %dma_start3A_111 = arith.constant 0 : i32
      %dma_start3A_112 = arith.constant 0 : i32
      %dma_start3A_113 = tpu.memref_slice %arg6[%dma_start3A_111, %dma_start3A_112] : memref<79x128xi32, #tpu.memory_space<vmem>> -> memref<78x128xi32, #tpu.memory_space<vmem>>
      %dma_start3A_114 = arith.constant 0 : i32
      %dma_start3A_115 = tpu.memref_slice %arg2[%mul3A_25, %dma_start3A_114] : memref<2500x128xi32, #tpu.memory_space<hbm>> -> memref<78x128xi32, #tpu.memory_space<hbm>>
      %dma_start3A_116 = arith.constant 0 : i32
      %dma_start3A_117 = arith.constant 0 : i32
      %dma_start3A_118 = tpu.memref_slice %arg6[%dma_start3A_116, %dma_start3A_117] : memref<79x128xi32, #tpu.memory_space<vmem>> -> memref<78x128xi32, #tpu.memory_space<vmem>>
      %dma_start3A_119 = arith.constant 0 : i32
      %dma_start3A_120 = tpu.memref_slice %arg2[%mul3A_25, %dma_start3A_119] : memref<2500x128xi32, #tpu.memory_space<hbm>> -> memref<78x128xi32, #tpu.memory_space<hbm>>
      tpu.enqueue_dma source(%dma_start3A_120 : memref<78x128xi32, #tpu.memory_space<hbm>>) target(%dma_start3A_118 : memref<78x128xi32, #tpu.memory_space<vmem>>) target_semaphore(%run_scoped3A : memref<!tpu.dma_semaphore, #tpu.memory_space<semaphore_mem>>)
      %dma_wait3A = arith.constant 0 : i32
      %dma_wait3A_121 = arith.constant 0 : i32
      %dma_wait3A_122 = tpu.memref_slice %arg6[%dma_wait3A, %dma_wait3A_121] : memref<79x128xi32, #tpu.memory_space<vmem>> -> memref<78x128xi32, #tpu.memory_space<vmem>>
      %dma_wait3A_123 = arith.constant 0 : i32
      %dma_wait3A_124 = tpu.memref_slice %arg2[%mul3A_25, %dma_wait3A_123] : memref<2500x128xi32, #tpu.memory_space<hbm>> -> memref<78x128xi32, #tpu.memory_space<hbm>>
      %dma_wait3A_125 = arith.constant 0 : i32
      %dma_wait3A_126 = arith.constant 0 : i32
      %dma_wait3A_127 = tpu.memref_slice %arg6[%dma_wait3A_125, %dma_wait3A_126] : memref<79x128xi32, #tpu.memory_space<vmem>> -> memref<78x128xi32, #tpu.memory_space<vmem>>
      %dma_wait3A_128 = arith.constant 0 : i32
      %dma_wait3A_129 = tpu.memref_slice %arg2[%mul3A_25, %dma_wait3A_128] : memref<2500x128xi32, #tpu.memory_space<hbm>> -> memref<78x128xi32, #tpu.memory_space<hbm>>
      tpu.wait_dma2 semaphore(%run_scoped3A : memref<!tpu.dma_semaphore, #tpu.memory_space<semaphore_mem>>) src(%dma_wait3A_129 : memref<78x128xi32, #tpu.memory_space<hbm>>) dst(%dma_wait3A_127 : memref<78x128xi32, #tpu.memory_space<vmem>>)
      tpu.yield
    }) : () -> ()
    %lt3A_26 = arith.constant 4 : i32
    %lt3A_27 = arith.cmpi slt, %add3A, %lt3A_26 : i32
    %convert_element_type3A = arith.extui %lt3A_27 : i1 to i32
    %cond3A = arith.constant 0 : i32
    %cond3A_28 = arith.cmpi ne, %convert_element_type3A, %cond3A : i32
    scf.if %cond3A_28 {
      %add3A_111 = arith.constant 2496 : i32
      %add3A_112 = arith.addi %add3A_111, %add3A : i32
      "tpu.region"() ({
        %run_scoped3A = tpu.sem_alloc : memref<!tpu.dma_semaphore, #tpu.memory_space<semaphore_mem>>
        %dma_start3A_113 = arith.constant 78 : i32
        %dma_start3A_114 = arith.constant 0 : i32
        %dma_start3A_115 = tpu.memref_slice %arg6[%dma_start3A_113, %dma_start3A_114] : memref<79x128xi32, #tpu.memory_space<vmem>> -> memref<1x128xi32, #tpu.memory_space<vmem>>
        %dma_start3A_116 = arith.constant 0 : i32
        %dma_start3A_117 = tpu.memref_slice %arg2[%add3A_112, %dma_start3A_116] : memref<2500x128xi32, #tpu.memory_space<hbm>> -> memref<1x128xi32, #tpu.memory_space<hbm>>
        %dma_start3A_118 = arith.constant 78 : i32
        %dma_start3A_119 = arith.constant 0 : i32
        %dma_start3A_120 = tpu.memref_slice %arg6[%dma_start3A_118, %dma_start3A_119] : memref<79x128xi32, #tpu.memory_space<vmem>> -> memref<1x128xi32, #tpu.memory_space<vmem>>
        %dma_start3A_121 = arith.constant 0 : i32
        %dma_start3A_122 = tpu.memref_slice %arg2[%add3A_112, %dma_start3A_121] : memref<2500x128xi32, #tpu.memory_space<hbm>> -> memref<1x128xi32, #tpu.memory_space<hbm>>
        tpu.enqueue_dma source(%dma_start3A_122 : memref<1x128xi32, #tpu.memory_space<hbm>>) target(%dma_start3A_120 : memref<1x128xi32, #tpu.memory_space<vmem>>) target_semaphore(%run_scoped3A : memref<!tpu.dma_semaphore, #tpu.memory_space<semaphore_mem>>)
        %dma_wait3A = arith.constant 78 : i32
        %dma_wait3A_123 = arith.constant 0 : i32
        %dma_wait3A_124 = tpu.memref_slice %arg6[%dma_wait3A, %dma_wait3A_123] : memref<79x128xi32, #tpu.memory_space<vmem>> -> memref<1x128xi32, #tpu.memory_space<vmem>>
        %dma_wait3A_125 = arith.constant 0 : i32
        %dma_wait3A_126 = tpu.memref_slice %arg2[%add3A_112, %dma_wait3A_125] : memref<2500x128xi32, #tpu.memory_space<hbm>> -> memref<1x128xi32, #tpu.memory_space<hbm>>
        %dma_wait3A_127 = arith.constant 78 : i32
        %dma_wait3A_128 = arith.constant 0 : i32
        %dma_wait3A_129 = tpu.memref_slice %arg6[%dma_wait3A_127, %dma_wait3A_128] : memref<79x128xi32, #tpu.memory_space<vmem>> -> memref<1x128xi32, #tpu.memory_space<vmem>>
        %dma_wait3A_130 = arith.constant 0 : i32
        %dma_wait3A_131 = tpu.memref_slice %arg2[%add3A_112, %dma_wait3A_130] : memref<2500x128xi32, #tpu.memory_space<hbm>> -> memref<1x128xi32, #tpu.memory_space<hbm>>
        tpu.wait_dma2 semaphore(%run_scoped3A : memref<!tpu.dma_semaphore, #tpu.memory_space<semaphore_mem>>) src(%dma_wait3A_131 : memref<1x128xi32, #tpu.memory_space<hbm>>) dst(%dma_wait3A_129 : memref<1x128xi32, #tpu.memory_space<vmem>>)
        tpu.yield
      }) : () -> ()
    } else {
    }
    %mul3A_29 = arith.constant 78 : i32
    %mul3A_30 = arith.muli %mul3A_29, %add3A : i32
    "tpu.region"() ({
      %run_scoped3A = tpu.sem_alloc : memref<!tpu.dma_semaphore, #tpu.memory_space<semaphore_mem>>
      %dma_start3A_111 = arith.constant 0 : i32
      %dma_start3A_112 = arith.constant 0 : i32
      %dma_start3A_113 = tpu.memref_slice %arg7[%dma_start3A_111, %dma_start3A_112] : memref<79x128xi32, #tpu.memory_space<vmem>> -> memref<78x128xi32, #tpu.memory_space<vmem>>
      %dma_start3A_114 = arith.constant 0 : i32
      %dma_start3A_115 = tpu.memref_slice %arg3[%mul3A_30, %dma_start3A_114] : memref<2500x128xi32, #tpu.memory_space<hbm>> -> memref<78x128xi32, #tpu.memory_space<hbm>>
      %dma_start3A_116 = arith.constant 0 : i32
      %dma_start3A_117 = arith.constant 0 : i32
      %dma_start3A_118 = tpu.memref_slice %arg7[%dma_start3A_116, %dma_start3A_117] : memref<79x128xi32, #tpu.memory_space<vmem>> -> memref<78x128xi32, #tpu.memory_space<vmem>>
      %dma_start3A_119 = arith.constant 0 : i32
      %dma_start3A_120 = tpu.memref_slice %arg3[%mul3A_30, %dma_start3A_119] : memref<2500x128xi32, #tpu.memory_space<hbm>> -> memref<78x128xi32, #tpu.memory_space<hbm>>
      tpu.enqueue_dma source(%dma_start3A_120 : memref<78x128xi32, #tpu.memory_space<hbm>>) target(%dma_start3A_118 : memref<78x128xi32, #tpu.memory_space<vmem>>) target_semaphore(%run_scoped3A : memref<!tpu.dma_semaphore, #tpu.memory_space<semaphore_mem>>)
      %dma_wait3A = arith.constant 0 : i32
      %dma_wait3A_121 = arith.constant 0 : i32
      %dma_wait3A_122 = tpu.memref_slice %arg7[%dma_wait3A, %dma_wait3A_121] : memref<79x128xi32, #tpu.memory_space<vmem>> -> memref<78x128xi32, #tpu.memory_space<vmem>>
      %dma_wait3A_123 = arith.constant 0 : i32
      %dma_wait3A_124 = tpu.memref_slice %arg3[%mul3A_30, %dma_wait3A_123] : memref<2500x128xi32, #tpu.memory_space<hbm>> -> memref<78x128xi32, #tpu.memory_space<hbm>>
      %dma_wait3A_125 = arith.constant 0 : i32
      %dma_wait3A_126 = arith.constant 0 : i32
      %dma_wait3A_127 = tpu.memref_slice %arg7[%dma_wait3A_125, %dma_wait3A_126] : memref<79x128xi32, #tpu.memory_space<vmem>> -> memref<78x128xi32, #tpu.memory_space<vmem>>
      %dma_wait3A_128 = arith.constant 0 : i32
      %dma_wait3A_129 = tpu.memref_slice %arg3[%mul3A_30, %dma_wait3A_128] : memref<2500x128xi32, #tpu.memory_space<hbm>> -> memref<78x128xi32, #tpu.memory_space<hbm>>
      tpu.wait_dma2 semaphore(%run_scoped3A : memref<!tpu.dma_semaphore, #tpu.memory_space<semaphore_mem>>) src(%dma_wait3A_129 : memref<78x128xi32, #tpu.memory_space<hbm>>) dst(%dma_wait3A_127 : memref<78x128xi32, #tpu.memory_space<vmem>>)
      tpu.yield
    }) : () -> ()
    %lt3A_31 = arith.constant 4 : i32
    %lt3A_32 = arith.cmpi slt, %add3A, %lt3A_31 : i32
    %convert_element_type3A_33 = arith.extui %lt3A_32 : i1 to i32
    %cond3A_34 = arith.constant 0 : i32
    %cond3A_35 = arith.cmpi ne, %convert_element_type3A_33, %cond3A_34 : i32
    scf.if %cond3A_35 {
      %add3A_111 = arith.constant 2496 : i32
      %add3A_112 = arith.addi %add3A_111, %add3A : i32
      "tpu.region"() ({
        %run_scoped3A = tpu.sem_alloc : memref<!tpu.dma_semaphore, #tpu.memory_space<semaphore_mem>>
        %dma_start3A_113 = arith.constant 78 : i32
        %dma_start3A_114 = arith.constant 0 : i32
        %dma_start3A_115 = tpu.memref_slice %arg7[%dma_start3A_113, %dma_start3A_114] : memref<79x128xi32, #tpu.memory_space<vmem>> -> memref<1x128xi32, #tpu.memory_space<vmem>>
        %dma_start3A_116 = arith.constant 0 : i32
        %dma_start3A_117 = tpu.memref_slice %arg3[%add3A_112, %dma_start3A_116] : memref<2500x128xi32, #tpu.memory_space<hbm>> -> memref<1x128xi32, #tpu.memory_space<hbm>>
        %dma_start3A_118 = arith.constant 78 : i32
        %dma_start3A_119 = arith.constant 0 : i32
        %dma_start3A_120 = tpu.memref_slice %arg7[%dma_start3A_118, %dma_start3A_119] : memref<79x128xi32, #tpu.memory_space<vmem>> -> memref<1x128xi32, #tpu.memory_space<vmem>>
        %dma_start3A_121 = arith.constant 0 : i32
        %dma_start3A_122 = tpu.memref_slice %arg3[%add3A_112, %dma_start3A_121] : memref<2500x128xi32, #tpu.memory_space<hbm>> -> memref<1x128xi32, #tpu.memory_space<hbm>>
        tpu.enqueue_dma source(%dma_start3A_122 : memref<1x128xi32, #tpu.memory_space<hbm>>) target(%dma_start3A_120 : memref<1x128xi32, #tpu.memory_space<vmem>>) target_semaphore(%run_scoped3A : memref<!tpu.dma_semaphore, #tpu.memory_space<semaphore_mem>>)
        %dma_wait3A = arith.constant 78 : i32
        %dma_wait3A_123 = arith.constant 0 : i32
        %dma_wait3A_124 = tpu.memref_slice %arg7[%dma_wait3A, %dma_wait3A_123] : memref<79x128xi32, #tpu.memory_space<vmem>> -> memref<1x128xi32, #tpu.memory_space<vmem>>
        %dma_wait3A_125 = arith.constant 0 : i32
        %dma_wait3A_126 = tpu.memref_slice %arg3[%add3A_112, %dma_wait3A_125] : memref<2500x128xi32, #tpu.memory_space<hbm>> -> memref<1x128xi32, #tpu.memory_space<hbm>>
        %dma_wait3A_127 = arith.constant 78 : i32
        %dma_wait3A_128 = arith.constant 0 : i32
        %dma_wait3A_129 = tpu.memref_slice %arg7[%dma_wait3A_127, %dma_wait3A_128] : memref<79x128xi32, #tpu.memory_space<vmem>> -> memref<1x128xi32, #tpu.memory_space<vmem>>
        %dma_wait3A_130 = arith.constant 0 : i32
        %dma_wait3A_131 = tpu.memref_slice %arg3[%add3A_112, %dma_wait3A_130] : memref<2500x128xi32, #tpu.memory_space<hbm>> -> memref<1x128xi32, #tpu.memory_space<hbm>>
        tpu.wait_dma2 semaphore(%run_scoped3A : memref<!tpu.dma_semaphore, #tpu.memory_space<semaphore_mem>>) src(%dma_wait3A_131 : memref<1x128xi32, #tpu.memory_space<hbm>>) dst(%dma_wait3A_129 : memref<1x128xi32, #tpu.memory_space<vmem>>)
        tpu.yield
      }) : () -> ()
    } else {
    }
    %barrier3A = arith.constant 0 : index
    tpu.barrier barrier_id(%barrier3A)
    %dma_start3A = arith.constant 0 : i32
    %dma_start3A_36 = arith.constant 0 : i32
    %dma_start3A_37 = arith.constant 0 : i32
    %dma_start3A_38 = arith.constant 0 : i32
    %dma_start3A_39 = tpu.memref_slice %arg8[%dma_start3A_36, %dma_start3A_37, %dma_start3A_38] : memref<6x128x32xf32, #tpu.memory_space<vmem>> -> memref<1x128x32xf32, #tpu.memory_space<vmem>>
    %dma_start3A_40 = tpu.memref_squeeze %dma_start3A_39 : memref<1x128x32xf32, #tpu.memory_space<vmem>> -> memref<128x32xf32, #tpu.memory_space<vmem>>
    %dma_start3A_41 = arith.constant 0 : i32
    %dma_start3A_42 = tpu.memref_slice %arg6[%dma_start3A, %dma_start3A_41] : memref<79x128xi32, #tpu.memory_space<vmem>> -> memref<1x128xi32, #tpu.memory_space<vmem>>
    %dma_start3A_43 = tpu.memref_squeeze %dma_start3A_42 : memref<1x128xi32, #tpu.memory_space<vmem>> -> memref<128xi32, #tpu.memory_space<vmem>>
    %dma_start3A_44 = arith.constant 0 : i32
    %dma_start3A_45 = arith.constant 0 : i32
    %dma_start3A_46 = tpu.memref_slice %arg4[%dma_start3A_44, %dma_start3A_45] : memref<10000x32xf32, #tpu.memory_space<hbm>> -> memref<10000x32xf32, #tpu.memory_space<hbm>>
    tpu.enqueue_indirect_dma source(%dma_start3A_46 : memref<10000x32xf32, #tpu.memory_space<hbm>>) target(%dma_start3A_40 : memref<128x32xf32, #tpu.memory_space<vmem>>) offsets(%dma_start3A_43 : memref<128xi32, #tpu.memory_space<vmem>>) semaphore(%arg11 : memref<!tpu.dma_semaphore, #tpu.memory_space<semaphore_mem>>)
    %dma_start3A_47 = arith.constant 1 : i32
    %dma_start3A_48 = arith.constant 1 : i32
    %dma_start3A_49 = arith.constant 0 : i32
    %dma_start3A_50 = arith.constant 0 : i32
    %dma_start3A_51 = tpu.memref_slice %arg8[%dma_start3A_48, %dma_start3A_49, %dma_start3A_50] : memref<6x128x32xf32, #tpu.memory_space<vmem>> -> memref<1x128x32xf32, #tpu.memory_space<vmem>>
    %dma_start3A_52 = tpu.memref_squeeze %dma_start3A_51 : memref<1x128x32xf32, #tpu.memory_space<vmem>> -> memref<128x32xf32, #tpu.memory_space<vmem>>
    %dma_start3A_53 = arith.constant 0 : i32
    %dma_start3A_54 = tpu.memref_slice %arg6[%dma_start3A_47, %dma_start3A_53] : memref<79x128xi32, #tpu.memory_space<vmem>> -> memref<1x128xi32, #tpu.memory_space<vmem>>
    %dma_start3A_55 = tpu.memref_squeeze %dma_start3A_54 : memref<1x128xi32, #tpu.memory_space<vmem>> -> memref<128xi32, #tpu.memory_space<vmem>>
    %dma_start3A_56 = arith.constant 0 : i32
    %dma_start3A_57 = arith.constant 0 : i32
    %dma_start3A_58 = tpu.memref_slice %arg4[%dma_start3A_56, %dma_start3A_57] : memref<10000x32xf32, #tpu.memory_space<hbm>> -> memref<10000x32xf32, #tpu.memory_space<hbm>>
    tpu.enqueue_indirect_dma source(%dma_start3A_58 : memref<10000x32xf32, #tpu.memory_space<hbm>>) target(%dma_start3A_52 : memref<128x32xf32, #tpu.memory_space<vmem>>) offsets(%dma_start3A_55 : memref<128xi32, #tpu.memory_space<vmem>>) semaphore(%arg11 : memref<!tpu.dma_semaphore, #tpu.memory_space<semaphore_mem>>)
    %dma_start3A_59 = arith.constant 2 : i32
    %dma_start3A_60 = arith.constant 2 : i32
    %dma_start3A_61 = arith.constant 0 : i32
    %dma_start3A_62 = arith.constant 0 : i32
    %dma_start3A_63 = tpu.memref_slice %arg8[%dma_start3A_60, %dma_start3A_61, %dma_start3A_62] : memref<6x128x32xf32, #tpu.memory_space<vmem>> -> memref<1x128x32xf32, #tpu.memory_space<vmem>>
    %dma_start3A_64 = tpu.memref_squeeze %dma_start3A_63 : memref<1x128x32xf32, #tpu.memory_space<vmem>> -> memref<128x32xf32, #tpu.memory_space<vmem>>
    %dma_start3A_65 = arith.constant 0 : i32
    %dma_start3A_66 = tpu.memref_slice %arg6[%dma_start3A_59, %dma_start3A_65] : memref<79x128xi32, #tpu.memory_space<vmem>> -> memref<1x128xi32, #tpu.memory_space<vmem>>
    %dma_start3A_67 = tpu.memref_squeeze %dma_start3A_66 : memref<1x128xi32, #tpu.memory_space<vmem>> -> memref<128xi32, #tpu.memory_space<vmem>>
    %dma_start3A_68 = arith.constant 0 : i32
    %dma_start3A_69 = arith.constant 0 : i32
    %dma_start3A_70 = tpu.memref_slice %arg4[%dma_start3A_68, %dma_start3A_69] : memref<10000x32xf32, #tpu.memory_space<hbm>> -> memref<10000x32xf32, #tpu.memory_space<hbm>>
    tpu.enqueue_indirect_dma source(%dma_start3A_70 : memref<10000x32xf32, #tpu.memory_space<hbm>>) target(%dma_start3A_64 : memref<128x32xf32, #tpu.memory_space<vmem>>) offsets(%dma_start3A_67 : memref<128xi32, #tpu.memory_space<vmem>>) semaphore(%arg11 : memref<!tpu.dma_semaphore, #tpu.memory_space<semaphore_mem>>)
    %dma_start3A_71 = arith.constant 3 : i32
    %dma_start3A_72 = arith.constant 3 : i32
    %dma_start3A_73 = arith.constant 0 : i32
    %dma_start3A_74 = arith.constant 0 : i32
    %dma_start3A_75 = tpu.memref_slice %arg8[%dma_start3A_72, %dma_start3A_73, %dma_start3A_74] : memref<6x128x32xf32, #tpu.memory_space<vmem>> -> memref<1x128x32xf32, #tpu.memory_space<vmem>>
    %dma_start3A_76 = tpu.memref_squeeze %dma_start3A_75 : memref<1x128x32xf32, #tpu.memory_space<vmem>> -> memref<128x32xf32, #tpu.memory_space<vmem>>
    %dma_start3A_77 = arith.constant 0 : i32
    %dma_start3A_78 = tpu.memref_slice %arg6[%dma_start3A_71, %dma_start3A_77] : memref<79x128xi32, #tpu.memory_space<vmem>> -> memref<1x128xi32, #tpu.memory_space<vmem>>
    %dma_start3A_79 = tpu.memref_squeeze %dma_start3A_78 : memref<1x128xi32, #tpu.memory_space<vmem>> -> memref<128xi32, #tpu.memory_space<vmem>>
    %dma_start3A_80 = arith.constant 0 : i32
    %dma_start3A_81 = arith.constant 0 : i32
    %dma_start3A_82 = tpu.memref_slice %arg4[%dma_start3A_80, %dma_start3A_81] : memref<10000x32xf32, #tpu.memory_space<hbm>> -> memref<10000x32xf32, #tpu.memory_space<hbm>>
    tpu.enqueue_indirect_dma source(%dma_start3A_82 : memref<10000x32xf32, #tpu.memory_space<hbm>>) target(%dma_start3A_76 : memref<128x32xf32, #tpu.memory_space<vmem>>) offsets(%dma_start3A_79 : memref<128xi32, #tpu.memory_space<vmem>>) semaphore(%arg11 : memref<!tpu.dma_semaphore, #tpu.memory_space<semaphore_mem>>)
    %while3A = arith.constant 0 : i32
    %while3A_83 = arith.constant 0 : i32
    %while3A_84 = arith.subi %add3A_4, %while3A : i32
    %while3A_85 = arith.addi %while3A, %while3A_84 : i32
    %while3A_86 = arith.constant 1 : i32
    %while3A_87 = arith.divsi %while3A_84, %while3A_86 : i32
    %while3A_88 = arith.muli %while3A_87, %while3A_86 : i32
    %while3A_89 = arith.addi %while3A, %while3A_88 : i32
    %while3A_90 = arith.constant 1 : i32
    %while3A_91 = scf.for %while3A_111 = %while3A to %while3A_89 step %while3A_90 iter_args(%while3A_112 = %while3A_83) -> (i32)  : i32 {
      %rem3A = arith.constant 6 : i32
      %rem3A_113 = arith.remsi %while3A_111, %rem3A : i32
      %dma_wait3A = arith.constant 0 : i32
      %dma_wait3A_114 = arith.constant 0 : i32
      %dma_wait3A_115 = tpu.memref_slice %arg8[%rem3A_113, %dma_wait3A, %dma_wait3A_114] : memref<6x128x32xf32, #tpu.memory_space<vmem>> -> memref<1x128x32xf32, #tpu.memory_space<vmem>>
      %dma_wait3A_116 = tpu.memref_squeeze %dma_wait3A_115 : memref<1x128x32xf32, #tpu.memory_space<vmem>> -> memref<128x32xf32, #tpu.memory_space<vmem>>
      %dma_wait3A_117 = arith.constant 0 : i32
      %dma_wait3A_118 = tpu.memref_slice %arg6[%while3A_111, %dma_wait3A_117] : memref<79x128xi32, #tpu.memory_space<vmem>> -> memref<1x128xi32, #tpu.memory_space<vmem>>
      %dma_wait3A_119 = tpu.memref_squeeze %dma_wait3A_118 : memref<1x128xi32, #tpu.memory_space<vmem>> -> memref<128xi32, #tpu.memory_space<vmem>>
      %dma_wait3A_120 = arith.constant 0 : i32
      %dma_wait3A_121 = arith.constant 0 : i32
      %dma_wait3A_122 = tpu.memref_slice %arg4[%dma_wait3A_120, %dma_wait3A_121] : memref<10000x32xf32, #tpu.memory_space<hbm>> -> memref<10000x32xf32, #tpu.memory_space<hbm>>
      tpu.wait_indirect_dma semaphore(%arg11 : memref<!tpu.dma_semaphore, #tpu.memory_space<semaphore_mem>>) src(%dma_wait3A_122 : memref<10000x32xf32, #tpu.memory_space<hbm>>) dst(%dma_wait3A_116 : memref<128x32xf32, #tpu.memory_space<vmem>>)
      %dma_start3A_123 = arith.constant 0 : i32
      %dma_start3A_124 = arith.constant 0 : i32
      %dma_start3A_125 = tpu.memref_slice %arg8[%rem3A_113, %dma_start3A_123, %dma_start3A_124] : memref<6x128x32xf32, #tpu.memory_space<vmem>> -> memref<1x128x32xf32, #tpu.memory_space<vmem>>
      %dma_start3A_126 = tpu.memref_squeeze %dma_start3A_125 : memref<1x128x32xf32, #tpu.memory_space<vmem>> -> memref<128x32xf32, #tpu.memory_space<vmem>>
      %dma_start3A_127 = arith.constant 0 : i32
      %dma_start3A_128 = tpu.memref_slice %arg7[%while3A_111, %dma_start3A_127] : memref<79x128xi32, #tpu.memory_space<vmem>> -> memref<1x128xi32, #tpu.memory_space<vmem>>
      %dma_start3A_129 = tpu.memref_squeeze %dma_start3A_128 : memref<1x128xi32, #tpu.memory_space<vmem>> -> memref<128xi32, #tpu.memory_space<vmem>>
      %dma_start3A_130 = arith.constant 0 : i32
      %dma_start3A_131 = arith.constant 0 : i32
      %dma_start3A_132 = tpu.memref_slice %arg10[%dma_start3A_130, %dma_start3A_131] : memref<10000x32xf32, #tpu.memory_space<vmem_shared>> -> memref<10000x32xf32, #tpu.memory_space<vmem_shared>>
      tpu.enqueue_indirect_dma source(%dma_start3A_126 : memref<128x32xf32, #tpu.memory_space<vmem>>) target(%dma_start3A_132 : memref<10000x32xf32, #tpu.memory_space<vmem_shared>>) offsets(%dma_start3A_129 : memref<128xi32, #tpu.memory_space<vmem>>) semaphore(%arg12 : memref<!tpu.dma_semaphore, #tpu.memory_space<semaphore_mem>>) {add = true}
      %sub3A_133 = arith.constant 2 : i32
      %sub3A_134 = arith.subi %while3A_111, %sub3A_133 : i32
      %ge3A_135 = arith.constant 0 : i32
      %ge3A_136 = arith.cmpi sge, %sub3A_134, %ge3A_135 : i32
      %convert_element_type3A_137 = arith.extui %ge3A_136 : i1 to i32
      %cond3A_138 = arith.constant 0 : i32
      %cond3A_139 = arith.cmpi ne, %convert_element_type3A_137, %cond3A_138 : i32
      scf.if %cond3A_139 {
        %rem3A_147 = arith.constant 6 : i32
        %rem3A_148 = arith.remsi %sub3A_134, %rem3A_147 : i32
        %dma_wait3A_149 = arith.constant 0 : i32
        %dma_wait3A_150 = arith.constant 0 : i32
        %dma_wait3A_151 = tpu.memref_slice %arg8[%rem3A_148, %dma_wait3A_149, %dma_wait3A_150] : memref<6x128x32xf32, #tpu.memory_space<vmem>> -> memref<1x128x32xf32, #tpu.memory_space<vmem>>
        %dma_wait3A_152 = tpu.memref_squeeze %dma_wait3A_151 : memref<1x128x32xf32, #tpu.memory_space<vmem>> -> memref<128x32xf32, #tpu.memory_space<vmem>>
        %dma_wait3A_153 = arith.constant 0 : i32
        %dma_wait3A_154 = tpu.memref_slice %arg7[%sub3A_134, %dma_wait3A_153] : memref<79x128xi32, #tpu.memory_space<vmem>> -> memref<1x128xi32, #tpu.memory_space<vmem>>
        %dma_wait3A_155 = tpu.memref_squeeze %dma_wait3A_154 : memref<1x128xi32, #tpu.memory_space<vmem>> -> memref<128xi32, #tpu.memory_space<vmem>>
        %dma_wait3A_156 = arith.constant 0 : i32
        %dma_wait3A_157 = arith.constant 0 : i32
        %dma_wait3A_158 = tpu.memref_slice %arg10[%dma_wait3A_156, %dma_wait3A_157] : memref<10000x32xf32, #tpu.memory_space<vmem_shared>> -> memref<10000x32xf32, #tpu.memory_space<vmem_shared>>
        tpu.wait_indirect_dma semaphore(%arg12 : memref<!tpu.dma_semaphore, #tpu.memory_space<semaphore_mem>>) src(%dma_wait3A_152 : memref<128x32xf32, #tpu.memory_space<vmem>>) dst(%dma_wait3A_158 : memref<10000x32xf32, #tpu.memory_space<vmem_shared>>)
      } else {
      }
      %add3A_140 = arith.constant 4 : i32
      %add3A_141 = arith.addi %while3A_111, %add3A_140 : i32
      %lt3A_142 = arith.cmpi slt, %add3A_141, %add3A_4 : i32
      %convert_element_type3A_143 = arith.extui %lt3A_142 : i1 to i32
      %cond3A_144 = arith.constant 0 : i32
      %cond3A_145 = arith.cmpi ne, %convert_element_type3A_143, %cond3A_144 : i32
      scf.if %cond3A_145 {
        %rem3A_147 = arith.constant 6 : i32
        %rem3A_148 = arith.remsi %add3A_141, %rem3A_147 : i32
        %dma_start3A_149 = arith.constant 0 : i32
        %dma_start3A_150 = arith.constant 0 : i32
        %dma_start3A_151 = tpu.memref_slice %arg8[%rem3A_148, %dma_start3A_149, %dma_start3A_150] : memref<6x128x32xf32, #tpu.memory_space<vmem>> -> memref<1x128x32xf32, #tpu.memory_space<vmem>>
        %dma_start3A_152 = tpu.memref_squeeze %dma_start3A_151 : memref<1x128x32xf32, #tpu.memory_space<vmem>> -> memref<128x32xf32, #tpu.memory_space<vmem>>
        %dma_start3A_153 = arith.constant 0 : i32
        %dma_start3A_154 = tpu.memref_slice %arg6[%add3A_141, %dma_start3A_153] : memref<79x128xi32, #tpu.memory_space<vmem>> -> memref<1x128xi32, #tpu.memory_space<vmem>>
        %dma_start3A_155 = tpu.memref_squeeze %dma_start3A_154 : memref<1x128xi32, #tpu.memory_space<vmem>> -> memref<128xi32, #tpu.memory_space<vmem>>
        %dma_start3A_156 = arith.constant 0 : i32
        %dma_start3A_157 = arith.constant 0 : i32
        %dma_start3A_158 = tpu.memref_slice %arg4[%dma_start3A_156, %dma_start3A_157] : memref<10000x32xf32, #tpu.memory_space<hbm>> -> memref<10000x32xf32, #tpu.memory_space<hbm>>
        tpu.enqueue_indirect_dma source(%dma_start3A_158 : memref<10000x32xf32, #tpu.memory_space<hbm>>) target(%dma_start3A_152 : memref<128x32xf32, #tpu.memory_space<vmem>>) offsets(%dma_start3A_155 : memref<128xi32, #tpu.memory_space<vmem>>) semaphore(%arg11 : memref<!tpu.dma_semaphore, #tpu.memory_space<semaphore_mem>>)
      } else {
      }
      %while3A_146 = arith.constant 0 : i32
      scf.yield %while3A_146 : i32
    }
    %while3A_92 = arith.constant 1 : i32
    %while3A_93 = scf.for %while3A_111 = %while3A_89 to %while3A_85 step %while3A_92 iter_args(%while3A_112 = %while3A_91) -> (i32)  : i32 {
      %rem3A = arith.constant 6 : i32
      %rem3A_113 = arith.remsi %while3A_111, %rem3A : i32
      %dma_wait3A = arith.constant 0 : i32
      %dma_wait3A_114 = arith.constant 0 : i32
      %dma_wait3A_115 = tpu.memref_slice %arg8[%rem3A_113, %dma_wait3A, %dma_wait3A_114] : memref<6x128x32xf32, #tpu.memory_space<vmem>> -> memref<1x128x32xf32, #tpu.memory_space<vmem>>
      %dma_wait3A_116 = tpu.memref_squeeze %dma_wait3A_115 : memref<1x128x32xf32, #tpu.memory_space<vmem>> -> memref<128x32xf32, #tpu.memory_space<vmem>>
      %dma_wait3A_117 = arith.constant 0 : i32
      %dma_wait3A_118 = tpu.memref_slice %arg6[%while3A_111, %dma_wait3A_117] : memref<79x128xi32, #tpu.memory_space<vmem>> -> memref<1x128xi32, #tpu.memory_space<vmem>>
      %dma_wait3A_119 = tpu.memref_squeeze %dma_wait3A_118 : memref<1x128xi32, #tpu.memory_space<vmem>> -> memref<128xi32, #tpu.memory_space<vmem>>
      %dma_wait3A_120 = arith.constant 0 : i32
      %dma_wait3A_121 = arith.constant 0 : i32
      %dma_wait3A_122 = tpu.memref_slice %arg4[%dma_wait3A_120, %dma_wait3A_121] : memref<10000x32xf32, #tpu.memory_space<hbm>> -> memref<10000x32xf32, #tpu.memory_space<hbm>>
      tpu.wait_indirect_dma semaphore(%arg11 : memref<!tpu.dma_semaphore, #tpu.memory_space<semaphore_mem>>) src(%dma_wait3A_122 : memref<10000x32xf32, #tpu.memory_space<hbm>>) dst(%dma_wait3A_116 : memref<128x32xf32, #tpu.memory_space<vmem>>)
      %dma_start3A_123 = arith.constant 0 : i32
      %dma_start3A_124 = arith.constant 0 : i32
      %dma_start3A_125 = tpu.memref_slice %arg8[%rem3A_113, %dma_start3A_123, %dma_start3A_124] : memref<6x128x32xf32, #tpu.memory_space<vmem>> -> memref<1x128x32xf32, #tpu.memory_space<vmem>>
      %dma_start3A_126 = tpu.memref_squeeze %dma_start3A_125 : memref<1x128x32xf32, #tpu.memory_space<vmem>> -> memref<128x32xf32, #tpu.memory_space<vmem>>
      %dma_start3A_127 = arith.constant 0 : i32
      %dma_start3A_128 = tpu.memref_slice %arg7[%while3A_111, %dma_start3A_127] : memref<79x128xi32, #tpu.memory_space<vmem>> -> memref<1x128xi32, #tpu.memory_space<vmem>>
      %dma_start3A_129 = tpu.memref_squeeze %dma_start3A_128 : memref<1x128xi32, #tpu.memory_space<vmem>> -> memref<128xi32, #tpu.memory_space<vmem>>
      %dma_start3A_130 = arith.constant 0 : i32
      %dma_start3A_131 = arith.constant 0 : i32
      %dma_start3A_132 = tpu.memref_slice %arg10[%dma_start3A_130, %dma_start3A_131] : memref<10000x32xf32, #tpu.memory_space<vmem_shared>> -> memref<10000x32xf32, #tpu.memory_space<vmem_shared>>
      tpu.enqueue_indirect_dma source(%dma_start3A_126 : memref<128x32xf32, #tpu.memory_space<vmem>>) target(%dma_start3A_132 : memref<10000x32xf32, #tpu.memory_space<vmem_shared>>) offsets(%dma_start3A_129 : memref<128xi32, #tpu.memory_space<vmem>>) semaphore(%arg12 : memref<!tpu.dma_semaphore, #tpu.memory_space<semaphore_mem>>) {add = true}
      %sub3A_133 = arith.constant 2 : i32
      %sub3A_134 = arith.subi %while3A_111, %sub3A_133 : i32
      %ge3A_135 = arith.constant 0 : i32
      %ge3A_136 = arith.cmpi sge, %sub3A_134, %ge3A_135 : i32
      %convert_element_type3A_137 = arith.extui %ge3A_136 : i1 to i32
      %cond3A_138 = arith.constant 0 : i32
      %cond3A_139 = arith.cmpi ne, %convert_element_type3A_137, %cond3A_138 : i32
      scf.if %cond3A_139 {
        %rem3A_147 = arith.constant 6 : i32
        %rem3A_148 = arith.remsi %sub3A_134, %rem3A_147 : i32
        %dma_wait3A_149 = arith.constant 0 : i32
        %dma_wait3A_150 = arith.constant 0 : i32
        %dma_wait3A_151 = tpu.memref_slice %arg8[%rem3A_148, %dma_wait3A_149, %dma_wait3A_150] : memref<6x128x32xf32, #tpu.memory_space<vmem>> -> memref<1x128x32xf32, #tpu.memory_space<vmem>>
        %dma_wait3A_152 = tpu.memref_squeeze %dma_wait3A_151 : memref<1x128x32xf32, #tpu.memory_space<vmem>> -> memref<128x32xf32, #tpu.memory_space<vmem>>
        %dma_wait3A_153 = arith.constant 0 : i32
        %dma_wait3A_154 = tpu.memref_slice %arg7[%sub3A_134, %dma_wait3A_153] : memref<79x128xi32, #tpu.memory_space<vmem>> -> memref<1x128xi32, #tpu.memory_space<vmem>>
        %dma_wait3A_155 = tpu.memref_squeeze %dma_wait3A_154 : memref<1x128xi32, #tpu.memory_space<vmem>> -> memref<128xi32, #tpu.memory_space<vmem>>
        %dma_wait3A_156 = arith.constant 0 : i32
        %dma_wait3A_157 = arith.constant 0 : i32
        %dma_wait3A_158 = tpu.memref_slice %arg10[%dma_wait3A_156, %dma_wait3A_157] : memref<10000x32xf32, #tpu.memory_space<vmem_shared>> -> memref<10000x32xf32, #tpu.memory_space<vmem_shared>>
        tpu.wait_indirect_dma semaphore(%arg12 : memref<!tpu.dma_semaphore, #tpu.memory_space<semaphore_mem>>) src(%dma_wait3A_152 : memref<128x32xf32, #tpu.memory_space<vmem>>) dst(%dma_wait3A_158 : memref<10000x32xf32, #tpu.memory_space<vmem_shared>>)
      } else {
      }
      %add3A_140 = arith.constant 4 : i32
      %add3A_141 = arith.addi %while3A_111, %add3A_140 : i32
      %lt3A_142 = arith.cmpi slt, %add3A_141, %add3A_4 : i32
      %convert_element_type3A_143 = arith.extui %lt3A_142 : i1 to i32
      %cond3A_144 = arith.constant 0 : i32
      %cond3A_145 = arith.cmpi ne, %convert_element_type3A_143, %cond3A_144 : i32
      scf.if %cond3A_145 {
        %rem3A_147 = arith.constant 6 : i32
        %rem3A_148 = arith.remsi %add3A_141, %rem3A_147 : i32
        %dma_start3A_149 = arith.constant 0 : i32
        %dma_start3A_150 = arith.constant 0 : i32
        %dma_start3A_151 = tpu.memref_slice %arg8[%rem3A_148, %dma_start3A_149, %dma_start3A_150] : memref<6x128x32xf32, #tpu.memory_space<vmem>> -> memref<1x128x32xf32, #tpu.memory_space<vmem>>
        %dma_start3A_152 = tpu.memref_squeeze %dma_start3A_151 : memref<1x128x32xf32, #tpu.memory_space<vmem>> -> memref<128x32xf32, #tpu.memory_space<vmem>>
        %dma_start3A_153 = arith.constant 0 : i32
        %dma_start3A_154 = tpu.memref_slice %arg6[%add3A_141, %dma_start3A_153] : memref<79x128xi32, #tpu.memory_space<vmem>> -> memref<1x128xi32, #tpu.memory_space<vmem>>
        %dma_start3A_155 = tpu.memref_squeeze %dma_start3A_154 : memref<1x128xi32, #tpu.memory_space<vmem>> -> memref<128xi32, #tpu.memory_space<vmem>>
        %dma_start3A_156 = arith.constant 0 : i32
        %dma_start3A_157 = arith.constant 0 : i32
        %dma_start3A_158 = tpu.memref_slice %arg4[%dma_start3A_156, %dma_start3A_157] : memref<10000x32xf32, #tpu.memory_space<hbm>> -> memref<10000x32xf32, #tpu.memory_space<hbm>>
        tpu.enqueue_indirect_dma source(%dma_start3A_158 : memref<10000x32xf32, #tpu.memory_space<hbm>>) target(%dma_start3A_152 : memref<128x32xf32, #tpu.memory_space<vmem>>) offsets(%dma_start3A_155 : memref<128xi32, #tpu.memory_space<vmem>>) semaphore(%arg11 : memref<!tpu.dma_semaphore, #tpu.memory_space<semaphore_mem>>)
      } else {
      }
      %while3A_146 = arith.constant 0 : i32
      scf.yield %while3A_146 : i32
    }
    %sub3A = arith.constant 2 : i32
    %sub3A_94 = arith.subi %add3A_4, %sub3A : i32
    %ge3A = arith.constant 0 : i32
    %ge3A_95 = arith.cmpi sge, %sub3A_94, %ge3A : i32
    %convert_element_type3A_96 = arith.extui %ge3A_95 : i1 to i32
    %cond3A_97 = arith.constant 0 : i32
    %cond3A_98 = arith.cmpi ne, %convert_element_type3A_96, %cond3A_97 : i32
    scf.if %cond3A_98 {
      %rem3A = arith.constant 6 : i32
      %rem3A_111 = arith.remsi %sub3A_94, %rem3A : i32
      %dma_wait3A = arith.constant 0 : i32
      %dma_wait3A_112 = arith.constant 0 : i32
      %dma_wait3A_113 = tpu.memref_slice %arg8[%rem3A_111, %dma_wait3A, %dma_wait3A_112] : memref<6x128x32xf32, #tpu.memory_space<vmem>> -> memref<1x128x32xf32, #tpu.memory_space<vmem>>
      %dma_wait3A_114 = tpu.memref_squeeze %dma_wait3A_113 : memref<1x128x32xf32, #tpu.memory_space<vmem>> -> memref<128x32xf32, #tpu.memory_space<vmem>>
      %dma_wait3A_115 = arith.constant 0 : i32
      %dma_wait3A_116 = tpu.memref_slice %arg7[%sub3A_94, %dma_wait3A_115] : memref<79x128xi32, #tpu.memory_space<vmem>> -> memref<1x128xi32, #tpu.memory_space<vmem>>
      %dma_wait3A_117 = tpu.memref_squeeze %dma_wait3A_116 : memref<1x128xi32, #tpu.memory_space<vmem>> -> memref<128xi32, #tpu.memory_space<vmem>>
      %dma_wait3A_118 = arith.constant 0 : i32
      %dma_wait3A_119 = arith.constant 0 : i32
      %dma_wait3A_120 = tpu.memref_slice %arg10[%dma_wait3A_118, %dma_wait3A_119] : memref<10000x32xf32, #tpu.memory_space<vmem_shared>> -> memref<10000x32xf32, #tpu.memory_space<vmem_shared>>
      tpu.wait_indirect_dma semaphore(%arg12 : memref<!tpu.dma_semaphore, #tpu.memory_space<semaphore_mem>>) src(%dma_wait3A_114 : memref<128x32xf32, #tpu.memory_space<vmem>>) dst(%dma_wait3A_120 : memref<10000x32xf32, #tpu.memory_space<vmem_shared>>)
    } else {
    }
    %sub3A_99 = arith.constant 1 : i32
    %sub3A_100 = arith.subi %add3A_4, %sub3A_99 : i32
    %ge3A_101 = arith.constant 0 : i32
    %ge3A_102 = arith.cmpi sge, %sub3A_100, %ge3A_101 : i32
    %convert_element_type3A_103 = arith.extui %ge3A_102 : i1 to i32
    %cond3A_104 = arith.constant 0 : i32
    %cond3A_105 = arith.cmpi ne, %convert_element_type3A_103, %cond3A_104 : i32
    scf.if %cond3A_105 {
      %rem3A = arith.constant 6 : i32
      %rem3A_111 = arith.remsi %sub3A_100, %rem3A : i32
      %dma_wait3A = arith.constant 0 : i32
      %dma_wait3A_112 = arith.constant 0 : i32
      %dma_wait3A_113 = tpu.memref_slice %arg8[%rem3A_111, %dma_wait3A, %dma_wait3A_112] : memref<6x128x32xf32, #tpu.memory_space<vmem>> -> memref<1x128x32xf32, #tpu.memory_space<vmem>>
      %dma_wait3A_114 = tpu.memref_squeeze %dma_wait3A_113 : memref<1x128x32xf32, #tpu.memory_space<vmem>> -> memref<128x32xf32, #tpu.memory_space<vmem>>
      %dma_wait3A_115 = arith.constant 0 : i32
      %dma_wait3A_116 = tpu.memref_slice %arg7[%sub3A_100, %dma_wait3A_115] : memref<79x128xi32, #tpu.memory_space<vmem>> -> memref<1x128xi32, #tpu.memory_space<vmem>>
      %dma_wait3A_117 = tpu.memref_squeeze %dma_wait3A_116 : memref<1x128xi32, #tpu.memory_space<vmem>> -> memref<128xi32, #tpu.memory_space<vmem>>
      %dma_wait3A_118 = arith.constant 0 : i32
      %dma_wait3A_119 = arith.constant 0 : i32
      %dma_wait3A_120 = tpu.memref_slice %arg10[%dma_wait3A_118, %dma_wait3A_119] : memref<10000x32xf32, #tpu.memory_space<vmem_shared>> -> memref<10000x32xf32, #tpu.memory_space<vmem_shared>>
      tpu.wait_indirect_dma semaphore(%arg12 : memref<!tpu.dma_semaphore, #tpu.memory_space<semaphore_mem>>) src(%dma_wait3A_114 : memref<128x32xf32, #tpu.memory_space<vmem>>) dst(%dma_wait3A_120 : memref<10000x32xf32, #tpu.memory_space<vmem_shared>>)
    } else {
    }
    %barrier3A_106 = arith.constant 0 : index
    tpu.barrier barrier_id(%barrier3A_106)
    %mul3A_107 = arith.constant 625 : i32
    %mul3A_108 = arith.muli %arg1, %mul3A_107 : i32
    %mul3A_109 = arith.constant 625 : i32
    %mul3A_110 = arith.muli %arg1, %mul3A_109 : i32
    "tpu.region"() ({
      %run_scoped3A = tpu.sem_alloc : memref<!tpu.dma_semaphore, #tpu.memory_space<semaphore_mem>>
      %dma_start3A_111 = arith.constant 0 : i32
      %dma_start3A_112 = tpu.memref_slice %arg5[%arg0, %mul3A_110, %dma_start3A_111] : memref<2x10000x32xf32, #tpu.memory_space<hbm>> -> memref<1x625x32xf32, #tpu.memory_space<hbm>>
      %dma_start3A_113 = tpu.memref_squeeze %dma_start3A_112 : memref<1x625x32xf32, #tpu.memory_space<hbm>> -> memref<625x32xf32, #tpu.memory_space<hbm>>
      %dma_start3A_114 = arith.constant 0 : i32
      %dma_start3A_115 = tpu.memref_slice %arg10[%mul3A_108, %dma_start3A_114] : memref<10000x32xf32, #tpu.memory_space<vmem_shared>> -> memref<625x32xf32, #tpu.memory_space<vmem_shared>>
      tpu.enqueue_dma source(%dma_start3A_115 : memref<625x32xf32, #tpu.memory_space<vmem_shared>>) target(%dma_start3A_113 : memref<625x32xf32, #tpu.memory_space<hbm>>) target_semaphore(%run_scoped3A : memref<!tpu.dma_semaphore, #tpu.memory_space<semaphore_mem>>)
      %dma_wait3A = arith.constant 0 : i32
      %dma_wait3A_116 = tpu.memref_slice %arg5[%arg0, %mul3A_110, %dma_wait3A] : memref<2x10000x32xf32, #tpu.memory_space<hbm>> -> memref<1x625x32xf32, #tpu.memory_space<hbm>>
      %dma_wait3A_117 = tpu.memref_squeeze %dma_wait3A_116 : memref<1x625x32xf32, #tpu.memory_space<hbm>> -> memref<625x32xf32, #tpu.memory_space<hbm>>
      %dma_wait3A_118 = arith.constant 0 : i32
      %dma_wait3A_119 = tpu.memref_slice %arg10[%mul3A_108, %dma_wait3A_118] : memref<10000x32xf32, #tpu.memory_space<vmem_shared>> -> memref<625x32xf32, #tpu.memory_space<vmem_shared>>
      tpu.wait_dma2 semaphore(%run_scoped3A : memref<!tpu.dma_semaphore, #tpu.memory_space<semaphore_mem>>) src(%dma_wait3A_119 : memref<625x32xf32, #tpu.memory_space<vmem_shared>>) dst(%dma_wait3A_117 : memref<625x32xf32, #tpu.memory_space<hbm>>)
      tpu.yield
    }) : () -> ()
    return
  }
}

#map = affine_map<(d0, d1) -> (0, 0)>
#map1 = affine_map<(d0, d1) -> (0)>
module attributes {stable_mosaic.version = 14 : i64} {
  func.func @_sc_degree(%arg0: i32, %arg1: i32, %arg2: memref<2500x128xi32, #tpu.memory_space<hbm>>, %arg3: memref<20480xf32, #tpu.memory_space<hbm>>, %arg4: memref<79x128xi32, #tpu.memory_space<vmem>>, %arg5: memref<640x16xf32, #tpu.memory_space<vmem>>, %arg6: memref<5x128xi32, #tpu.memory_space<vmem>>, %arg7: memref<40x16xf32, #tpu.memory_space<vmem>>, %arg8: memref<640xf32, #tpu.memory_space<vmem>>, %arg9: memref<640x16xf32, #tpu.memory_space<vmem_shared>>) attributes {dimension_semantics = [#tpu.dimension_semantics<core_parallel>, #tpu.dimension_semantics<subcore_parallel>], iteration_bounds = array<i64: 2, 16>, scalar_prefetch = 0 : i64, scratch_operands = 6 : i64, tpu.core_type = #tpu.core_type<sc_vector_subcore>, window_params = [{transform_indices = #map}, {transform_indices = #map1}]} {
    %mul3A = arith.constant 2 : i32
    %mul3A_0 = arith.muli %arg1, %mul3A : i32
    %add3A = arith.addi %mul3A_0, %arg0 : i32
    %mul3A_1 = arith.constant 78 : i32
    %mul3A_2 = arith.muli %mul3A_1, %add3A : i32
    "tpu.region"() ({
      %run_scoped3A_480 = tpu.sem_alloc : memref<!tpu.dma_semaphore, #tpu.memory_space<semaphore_mem>>
      %dma_start3A = arith.constant 0 : i32
      %dma_start3A_481 = arith.constant 0 : i32
      %dma_start3A_482 = tpu.memref_slice %arg4[%dma_start3A, %dma_start3A_481] : memref<79x128xi32, #tpu.memory_space<vmem>> -> memref<78x128xi32, #tpu.memory_space<vmem>>
      %dma_start3A_483 = arith.constant 0 : i32
      %dma_start3A_484 = tpu.memref_slice %arg2[%mul3A_2, %dma_start3A_483] : memref<2500x128xi32, #tpu.memory_space<hbm>> -> memref<78x128xi32, #tpu.memory_space<hbm>>
      %dma_start3A_485 = arith.constant 0 : i32
      %dma_start3A_486 = arith.constant 0 : i32
      %dma_start3A_487 = tpu.memref_slice %arg4[%dma_start3A_485, %dma_start3A_486] : memref<79x128xi32, #tpu.memory_space<vmem>> -> memref<78x128xi32, #tpu.memory_space<vmem>>
      %dma_start3A_488 = arith.constant 0 : i32
      %dma_start3A_489 = tpu.memref_slice %arg2[%mul3A_2, %dma_start3A_488] : memref<2500x128xi32, #tpu.memory_space<hbm>> -> memref<78x128xi32, #tpu.memory_space<hbm>>
      tpu.enqueue_dma source(%dma_start3A_489 : memref<78x128xi32, #tpu.memory_space<hbm>>) target(%dma_start3A_487 : memref<78x128xi32, #tpu.memory_space<vmem>>) target_semaphore(%run_scoped3A_480 : memref<!tpu.dma_semaphore, #tpu.memory_space<semaphore_mem>>)
      %dma_wait3A = arith.constant 0 : i32
      %dma_wait3A_490 = arith.constant 0 : i32
      %dma_wait3A_491 = tpu.memref_slice %arg4[%dma_wait3A, %dma_wait3A_490] : memref<79x128xi32, #tpu.memory_space<vmem>> -> memref<78x128xi32, #tpu.memory_space<vmem>>
      %dma_wait3A_492 = arith.constant 0 : i32
      %dma_wait3A_493 = tpu.memref_slice %arg2[%mul3A_2, %dma_wait3A_492] : memref<2500x128xi32, #tpu.memory_space<hbm>> -> memref<78x128xi32, #tpu.memory_space<hbm>>
      %dma_wait3A_494 = arith.constant 0 : i32
      %dma_wait3A_495 = arith.constant 0 : i32
      %dma_wait3A_496 = tpu.memref_slice %arg4[%dma_wait3A_494, %dma_wait3A_495] : memref<79x128xi32, #tpu.memory_space<vmem>> -> memref<78x128xi32, #tpu.memory_space<vmem>>
      %dma_wait3A_497 = arith.constant 0 : i32
      %dma_wait3A_498 = tpu.memref_slice %arg2[%mul3A_2, %dma_wait3A_497] : memref<2500x128xi32, #tpu.memory_space<hbm>> -> memref<78x128xi32, #tpu.memory_space<hbm>>
      tpu.wait_dma2 semaphore(%run_scoped3A_480 : memref<!tpu.dma_semaphore, #tpu.memory_space<semaphore_mem>>) src(%dma_wait3A_498 : memref<78x128xi32, #tpu.memory_space<hbm>>) dst(%dma_wait3A_496 : memref<78x128xi32, #tpu.memory_space<vmem>>)
      tpu.yield
    }) : () -> ()
    %lt3A = arith.constant 4 : i32
    %lt3A_3 = arith.cmpi slt, %add3A, %lt3A : i32
    %convert_element_type3A = arith.extui %lt3A_3 : i1 to i32
    %cond3A = arith.constant 0 : i32
    %cond3A_4 = arith.cmpi ne, %convert_element_type3A, %cond3A : i32
    scf.if %cond3A_4 {
      %add3A_480 = arith.constant 2496 : i32
      %add3A_481 = arith.addi %add3A_480, %add3A : i32
      "tpu.region"() ({
        %run_scoped3A_482 = tpu.sem_alloc : memref<!tpu.dma_semaphore, #tpu.memory_space<semaphore_mem>>
        %dma_start3A = arith.constant 78 : i32
        %dma_start3A_483 = arith.constant 0 : i32
        %dma_start3A_484 = tpu.memref_slice %arg4[%dma_start3A, %dma_start3A_483] : memref<79x128xi32, #tpu.memory_space<vmem>> -> memref<1x128xi32, #tpu.memory_space<vmem>>
        %dma_start3A_485 = arith.constant 0 : i32
        %dma_start3A_486 = tpu.memref_slice %arg2[%add3A_481, %dma_start3A_485] : memref<2500x128xi32, #tpu.memory_space<hbm>> -> memref<1x128xi32, #tpu.memory_space<hbm>>
        %dma_start3A_487 = arith.constant 78 : i32
        %dma_start3A_488 = arith.constant 0 : i32
        %dma_start3A_489 = tpu.memref_slice %arg4[%dma_start3A_487, %dma_start3A_488] : memref<79x128xi32, #tpu.memory_space<vmem>> -> memref<1x128xi32, #tpu.memory_space<vmem>>
        %dma_start3A_490 = arith.constant 0 : i32
        %dma_start3A_491 = tpu.memref_slice %arg2[%add3A_481, %dma_start3A_490] : memref<2500x128xi32, #tpu.memory_space<hbm>> -> memref<1x128xi32, #tpu.memory_space<hbm>>
        tpu.enqueue_dma source(%dma_start3A_491 : memref<1x128xi32, #tpu.memory_space<hbm>>) target(%dma_start3A_489 : memref<1x128xi32, #tpu.memory_space<vmem>>) target_semaphore(%run_scoped3A_482 : memref<!tpu.dma_semaphore, #tpu.memory_space<semaphore_mem>>)
        %dma_wait3A = arith.constant 78 : i32
        %dma_wait3A_492 = arith.constant 0 : i32
        %dma_wait3A_493 = tpu.memref_slice %arg4[%dma_wait3A, %dma_wait3A_492] : memref<79x128xi32, #tpu.memory_space<vmem>> -> memref<1x128xi32, #tpu.memory_space<vmem>>
        %dma_wait3A_494 = arith.constant 0 : i32
        %dma_wait3A_495 = tpu.memref_slice %arg2[%add3A_481, %dma_wait3A_494] : memref<2500x128xi32, #tpu.memory_space<hbm>> -> memref<1x128xi32, #tpu.memory_space<hbm>>
        %dma_wait3A_496 = arith.constant 78 : i32
        %dma_wait3A_497 = arith.constant 0 : i32
        %dma_wait3A_498 = tpu.memref_slice %arg4[%dma_wait3A_496, %dma_wait3A_497] : memref<79x128xi32, #tpu.memory_space<vmem>> -> memref<1x128xi32, #tpu.memory_space<vmem>>
        %dma_wait3A_499 = arith.constant 0 : i32
        %dma_wait3A_500 = tpu.memref_slice %arg2[%add3A_481, %dma_wait3A_499] : memref<2500x128xi32, #tpu.memory_space<hbm>> -> memref<1x128xi32, #tpu.memory_space<hbm>>
        tpu.wait_dma2 semaphore(%run_scoped3A_482 : memref<!tpu.dma_semaphore, #tpu.memory_space<semaphore_mem>>) src(%dma_wait3A_500 : memref<1x128xi32, #tpu.memory_space<hbm>>) dst(%dma_wait3A_498 : memref<1x128xi32, #tpu.memory_space<vmem>>)
        tpu.yield
      }) : () -> ()
    } else {
    }
    %scan3A = arith.constant 0 : i32
    %scan3A_5 = arith.constant 0 : i32
    %scan3A_6 = arith.constant 640 : i32
    %scan3A_7 = arith.addi %scan3A_5, %scan3A_6 : i32
    %scan3A_8 = arith.constant 8 : i32
    %scan3A_9 = scf.for %scan3A_480 = %scan3A_5 to %scan3A_7 step %scan3A_8 iter_args(%scan3A_481 = %scan3A) -> (i32)  : i32 {
      %broadcast_in_dim3A_482 = arith.constant 0.000000e+00 : f32
      %broadcast_in_dim3A_483 = vector.broadcast %broadcast_in_dim3A_482 : f32 to vector<16xf32>
      %swap3A_484 = arith.index_cast %scan3A_480 : i32 to index
      %swap3A_485 = arith.constant 0 : index
      %swap3A_486 = tpu.vector_load %arg5[%swap3A_484, %swap3A_485] {strides = array<i32>} : memref<640x16xf32, #tpu.memory_space<vmem>>, vector<16xf32>,
      tpu.vector_store %arg5[%swap3A_484, %swap3A_485], %broadcast_in_dim3A_483 {strides = array<i32>} : memref<640x16xf32, #tpu.memory_space<vmem>>, vector<16xf32>,
      %scan3A_487 = arith.constant 0 : i32
      %scan3A_488 = arith.constant 1 : i32
      %scan3A_489 = arith.addi %scan3A_480, %scan3A_488 : i32
      %broadcast_in_dim3A_490 = arith.constant 0.000000e+00 : f32
      %broadcast_in_dim3A_491 = vector.broadcast %broadcast_in_dim3A_490 : f32 to vector<16xf32>
      %swap3A_492 = arith.index_cast %scan3A_489 : i32 to index
      %swap3A_493 = arith.constant 0 : index
      %swap3A_494 = tpu.vector_load %arg5[%swap3A_492, %swap3A_493] {strides = array<i32>} : memref<640x16xf32, #tpu.memory_space<vmem>>, vector<16xf32>,
      tpu.vector_store %arg5[%swap3A_492, %swap3A_493], %broadcast_in_dim3A_491 {strides = array<i32>} : memref<640x16xf32, #tpu.memory_space<vmem>>, vector<16xf32>,
      %scan3A_495 = arith.constant 0 : i32
      %scan3A_496 = arith.constant 2 : i32
      %scan3A_497 = arith.addi %scan3A_480, %scan3A_496 : i32
      %broadcast_in_dim3A_498 = arith.constant 0.000000e+00 : f32
      %broadcast_in_dim3A_499 = vector.broadcast %broadcast_in_dim3A_498 : f32 to vector<16xf32>
      %swap3A_500 = arith.index_cast %scan3A_497 : i32 to index
      %swap3A_501 = arith.constant 0 : index
      %swap3A_502 = tpu.vector_load %arg5[%swap3A_500, %swap3A_501] {strides = array<i32>} : memref<640x16xf32, #tpu.memory_space<vmem>>, vector<16xf32>,
      tpu.vector_store %arg5[%swap3A_500, %swap3A_501], %broadcast_in_dim3A_499 {strides = array<i32>} : memref<640x16xf32, #tpu.memory_space<vmem>>, vector<16xf32>,
      %scan3A_503 = arith.constant 0 : i32
      %scan3A_504 = arith.constant 3 : i32
      %scan3A_505 = arith.addi %scan3A_480, %scan3A_504 : i32
      %broadcast_in_dim3A_506 = arith.constant 0.000000e+00 : f32
      %broadcast_in_dim3A_507 = vector.broadcast %broadcast_in_dim3A_506 : f32 to vector<16xf32>
      %swap3A_508 = arith.index_cast %scan3A_505 : i32 to index
      %swap3A_509 = arith.constant 0 : index
      %swap3A_510 = tpu.vector_load %arg5[%swap3A_508, %swap3A_509] {strides = array<i32>} : memref<640x16xf32, #tpu.memory_space<vmem>>, vector<16xf32>,
      tpu.vector_store %arg5[%swap3A_508, %swap3A_509], %broadcast_in_dim3A_507 {strides = array<i32>} : memref<640x16xf32, #tpu.memory_space<vmem>>, vector<16xf32>,
      %scan3A_511 = arith.constant 0 : i32
      %scan3A_512 = arith.constant 4 : i32
      %scan3A_513 = arith.addi %scan3A_480, %scan3A_512 : i32
      %broadcast_in_dim3A_514 = arith.constant 0.000000e+00 : f32
      %broadcast_in_dim3A_515 = vector.broadcast %broadcast_in_dim3A_514 : f32 to vector<16xf32>
      %swap3A_516 = arith.index_cast %scan3A_513 : i32 to index
      %swap3A_517 = arith.constant 0 : index
      %swap3A_518 = tpu.vector_load %arg5[%swap3A_516, %swap3A_517] {strides = array<i32>} : memref<640x16xf32, #tpu.memory_space<vmem>>, vector<16xf32>,
      tpu.vector_store %arg5[%swap3A_516, %swap3A_517], %broadcast_in_dim3A_515 {strides = array<i32>} : memref<640x16xf32, #tpu.memory_space<vmem>>, vector<16xf32>,
      %scan3A_519 = arith.constant 0 : i32
      %scan3A_520 = arith.constant 5 : i32
      %scan3A_521 = arith.addi %scan3A_480, %scan3A_520 : i32
      %broadcast_in_dim3A_522 = arith.constant 0.000000e+00 : f32
      %broadcast_in_dim3A_523 = vector.broadcast %broadcast_in_dim3A_522 : f32 to vector<16xf32>
      %swap3A_524 = arith.index_cast %scan3A_521 : i32 to index
      %swap3A_525 = arith.constant 0 : index
      %swap3A_526 = tpu.vector_load %arg5[%swap3A_524, %swap3A_525] {strides = array<i32>} : memref<640x16xf32, #tpu.memory_space<vmem>>, vector<16xf32>,
      tpu.vector_store %arg5[%swap3A_524, %swap3A_525], %broadcast_in_dim3A_523 {strides = array<i32>} : memref<640x16xf32, #tpu.memory_space<vmem>>, vector<16xf32>,
      %scan3A_527 = arith.constant 0 : i32
      %scan3A_528 = arith.constant 6 : i32
      %scan3A_529 = arith.addi %scan3A_480, %scan3A_528 : i32
      %broadcast_in_dim3A_530 = arith.constant 0.000000e+00 : f32
      %broadcast_in_dim3A_531 = vector.broadcast %broadcast_in_dim3A_530 : f32 to vector<16xf32>
      %swap3A_532 = arith.index_cast %scan3A_529 : i32 to index
      %swap3A_533 = arith.constant 0 : index
      %swap3A_534 = tpu.vector_load %arg5[%swap3A_532, %swap3A_533] {strides = array<i32>} : memref<640x16xf32, #tpu.memory_space<vmem>>, vector<16xf32>,
      tpu.vector_store %arg5[%swap3A_532, %swap3A_533], %broadcast_in_dim3A_531 {strides = array<i32>} : memref<640x16xf32, #tpu.memory_space<vmem>>, vector<16xf32>,
      %scan3A_535 = arith.constant 0 : i32
      %scan3A_536 = arith.constant 7 : i32
      %scan3A_537 = arith.addi %scan3A_480, %scan3A_536 : i32
      %broadcast_in_dim3A_538 = arith.constant 0.000000e+00 : f32
      %broadcast_in_dim3A_539 = vector.broadcast %broadcast_in_dim3A_538 : f32 to vector<16xf32>
      %swap3A_540 = arith.index_cast %scan3A_537 : i32 to index
      %swap3A_541 = arith.constant 0 : index
      %swap3A_542 = tpu.vector_load %arg5[%swap3A_540, %swap3A_541] {strides = array<i32>} : memref<640x16xf32, #tpu.memory_space<vmem>>, vector<16xf32>,
      tpu.vector_store %arg5[%swap3A_540, %swap3A_541], %broadcast_in_dim3A_539 {strides = array<i32>} : memref<640x16xf32, #tpu.memory_space<vmem>>, vector<16xf32>,
      %scan3A_543 = arith.constant 0 : i32
      scf.yield %scan3A_543 : i32
    }
    %scan3A_10 = arith.constant 640 : i32
    %scan3A_11 = arith.constant 0 : i32
    %scan3A_12 = arith.constant 0 : i32
    %scan3A_13 = arith.constant 40 : i32
    %scan3A_14 = arith.addi %scan3A_12, %scan3A_13 : i32
    %scan3A_15 = arith.constant 8 : i32
    %scan3A_16 = scf.for %scan3A_480 = %scan3A_12 to %scan3A_14 step %scan3A_15 iter_args(%scan3A_481 = %scan3A_11) -> (i32)  : i32 {
      %broadcast_in_dim3A_482 = arith.constant 0.000000e+00 : f32
      %broadcast_in_dim3A_483 = vector.broadcast %broadcast_in_dim3A_482 : f32 to vector<16xf32>
      %swap3A_484 = arith.index_cast %scan3A_480 : i32 to index
      %swap3A_485 = arith.constant 0 : index
      %swap3A_486 = tpu.vector_load %arg7[%swap3A_484, %swap3A_485] {strides = array<i32>} : memref<40x16xf32, #tpu.memory_space<vmem>>, vector<16xf32>,
      tpu.vector_store %arg7[%swap3A_484, %swap3A_485], %broadcast_in_dim3A_483 {strides = array<i32>} : memref<40x16xf32, #tpu.memory_space<vmem>>, vector<16xf32>,
      %scan3A_487 = arith.constant 0 : i32
      %scan3A_488 = arith.constant 1 : i32
      %scan3A_489 = arith.addi %scan3A_480, %scan3A_488 : i32
      %broadcast_in_dim3A_490 = arith.constant 0.000000e+00 : f32
      %broadcast_in_dim3A_491 = vector.broadcast %broadcast_in_dim3A_490 : f32 to vector<16xf32>
      %swap3A_492 = arith.index_cast %scan3A_489 : i32 to index
      %swap3A_493 = arith.constant 0 : index
      %swap3A_494 = tpu.vector_load %arg7[%swap3A_492, %swap3A_493] {strides = array<i32>} : memref<40x16xf32, #tpu.memory_space<vmem>>, vector<16xf32>,
      tpu.vector_store %arg7[%swap3A_492, %swap3A_493], %broadcast_in_dim3A_491 {strides = array<i32>} : memref<40x16xf32, #tpu.memory_space<vmem>>, vector<16xf32>,
      %scan3A_495 = arith.constant 0 : i32
      %scan3A_496 = arith.constant 2 : i32
      %scan3A_497 = arith.addi %scan3A_480, %scan3A_496 : i32
      %broadcast_in_dim3A_498 = arith.constant 0.000000e+00 : f32
      %broadcast_in_dim3A_499 = vector.broadcast %broadcast_in_dim3A_498 : f32 to vector<16xf32>
      %swap3A_500 = arith.index_cast %scan3A_497 : i32 to index
      %swap3A_501 = arith.constant 0 : index
      %swap3A_502 = tpu.vector_load %arg7[%swap3A_500, %swap3A_501] {strides = array<i32>} : memref<40x16xf32, #tpu.memory_space<vmem>>, vector<16xf32>,
      tpu.vector_store %arg7[%swap3A_500, %swap3A_501], %broadcast_in_dim3A_499 {strides = array<i32>} : memref<40x16xf32, #tpu.memory_space<vmem>>, vector<16xf32>,
      %scan3A_503 = arith.constant 0 : i32
      %scan3A_504 = arith.constant 3 : i32
      %scan3A_505 = arith.addi %scan3A_480, %scan3A_504 : i32
      %broadcast_in_dim3A_506 = arith.constant 0.000000e+00 : f32
      %broadcast_in_dim3A_507 = vector.broadcast %broadcast_in_dim3A_506 : f32 to vector<16xf32>
      %swap3A_508 = arith.index_cast %scan3A_505 : i32 to index
      %swap3A_509 = arith.constant 0 : index
      %swap3A_510 = tpu.vector_load %arg7[%swap3A_508, %swap3A_509] {strides = array<i32>} : memref<40x16xf32, #tpu.memory_space<vmem>>, vector<16xf32>,
      tpu.vector_store %arg7[%swap3A_508, %swap3A_509], %broadcast_in_dim3A_507 {strides = array<i32>} : memref<40x16xf32, #tpu.memory_space<vmem>>, vector<16xf32>,
      %scan3A_511 = arith.constant 0 : i32
      %scan3A_512 = arith.constant 4 : i32
      %scan3A_513 = arith.addi %scan3A_480, %scan3A_512 : i32
      %broadcast_in_dim3A_514 = arith.constant 0.000000e+00 : f32
      %broadcast_in_dim3A_515 = vector.broadcast %broadcast_in_dim3A_514 : f32 to vector<16xf32>
      %swap3A_516 = arith.index_cast %scan3A_513 : i32 to index
      %swap3A_517 = arith.constant 0 : index
      %swap3A_518 = tpu.vector_load %arg7[%swap3A_516, %swap3A_517] {strides = array<i32>} : memref<40x16xf32, #tpu.memory_space<vmem>>, vector<16xf32>,
      tpu.vector_store %arg7[%swap3A_516, %swap3A_517], %broadcast_in_dim3A_515 {strides = array<i32>} : memref<40x16xf32, #tpu.memory_space<vmem>>, vector<16xf32>,
      %scan3A_519 = arith.constant 0 : i32
      %scan3A_520 = arith.constant 5 : i32
      %scan3A_521 = arith.addi %scan3A_480, %scan3A_520 : i32
      %broadcast_in_dim3A_522 = arith.constant 0.000000e+00 : f32
      %broadcast_in_dim3A_523 = vector.broadcast %broadcast_in_dim3A_522 : f32 to vector<16xf32>
      %swap3A_524 = arith.index_cast %scan3A_521 : i32 to index
      %swap3A_525 = arith.constant 0 : index
      %swap3A_526 = tpu.vector_load %arg7[%swap3A_524, %swap3A_525] {strides = array<i32>} : memref<40x16xf32, #tpu.memory_space<vmem>>, vector<16xf32>,
      tpu.vector_store %arg7[%swap3A_524, %swap3A_525], %broadcast_in_dim3A_523 {strides = array<i32>} : memref<40x16xf32, #tpu.memory_space<vmem>>, vector<16xf32>,
      %scan3A_527 = arith.constant 0 : i32
      %scan3A_528 = arith.constant 6 : i32
      %scan3A_529 = arith.addi %scan3A_480, %scan3A_528 : i32
      %broadcast_in_dim3A_530 = arith.constant 0.000000e+00 : f32
      %broadcast_in_dim3A_531 = vector.broadcast %broadcast_in_dim3A_530 : f32 to vector<16xf32>
      %swap3A_532 = arith.index_cast %scan3A_529 : i32 to index
      %swap3A_533 = arith.constant 0 : index
      %swap3A_534 = tpu.vector_load %arg7[%swap3A_532, %swap3A_533] {strides = array<i32>} : memref<40x16xf32, #tpu.memory_space<vmem>>, vector<16xf32>,
      tpu.vector_store %arg7[%swap3A_532, %swap3A_533], %broadcast_in_dim3A_531 {strides = array<i32>} : memref<40x16xf32, #tpu.memory_space<vmem>>, vector<16xf32>,
      %scan3A_535 = arith.constant 0 : i32
      %scan3A_536 = arith.constant 7 : i32
      %scan3A_537 = arith.addi %scan3A_480, %scan3A_536 : i32
      %broadcast_in_dim3A_538 = arith.constant 0.000000e+00 : f32
      %broadcast_in_dim3A_539 = vector.broadcast %broadcast_in_dim3A_538 : f32 to vector<16xf32>
      %swap3A_540 = arith.index_cast %scan3A_537 : i32 to index
      %swap3A_541 = arith.constant 0 : index
      %swap3A_542 = tpu.vector_load %arg7[%swap3A_540, %swap3A_541] {strides = array<i32>} : memref<40x16xf32, #tpu.memory_space<vmem>>, vector<16xf32>,
      tpu.vector_store %arg7[%swap3A_540, %swap3A_541], %broadcast_in_dim3A_539 {strides = array<i32>} : memref<40x16xf32, #tpu.memory_space<vmem>>, vector<16xf32>,
      %scan3A_543 = arith.constant 0 : i32
      scf.yield %scan3A_543 : i32
    }
    %scan3A_17 = arith.constant 40 : i32
    %mul3A_18 = arith.constant 40 : i32
    %mul3A_19 = arith.muli %arg1, %mul3A_18 : i32
    "tpu.region"() ({
      %run_scoped3A_480 = tpu.sem_alloc : memref<!tpu.dma_semaphore, #tpu.memory_space<semaphore_mem>>
      %dma_start3A = arith.constant 0 : i32
      %dma_start3A_481 = tpu.memref_slice %arg9[%mul3A_19, %dma_start3A] : memref<640x16xf32, #tpu.memory_space<vmem_shared>> -> memref<40x16xf32, #tpu.memory_space<vmem_shared>>
      %dma_start3A_482 = arith.constant 0 : i32
      %dma_start3A_483 = tpu.memref_slice %arg9[%mul3A_19, %dma_start3A_482] : memref<640x16xf32, #tpu.memory_space<vmem_shared>> -> memref<40x16xf32, #tpu.memory_space<vmem_shared>>
      tpu.enqueue_dma source(%arg7 : memref<40x16xf32, #tpu.memory_space<vmem>>) target(%dma_start3A_483 : memref<40x16xf32, #tpu.memory_space<vmem_shared>>) target_semaphore(%run_scoped3A_480 : memref<!tpu.dma_semaphore, #tpu.memory_space<semaphore_mem>>)
      %dma_wait3A = arith.constant 0 : i32
      %dma_wait3A_484 = tpu.memref_slice %arg9[%mul3A_19, %dma_wait3A] : memref<640x16xf32, #tpu.memory_space<vmem_shared>> -> memref<40x16xf32, #tpu.memory_space<vmem_shared>>
      %dma_wait3A_485 = arith.constant 0 : i32
      %dma_wait3A_486 = tpu.memref_slice %arg9[%mul3A_19, %dma_wait3A_485] : memref<640x16xf32, #tpu.memory_space<vmem_shared>> -> memref<40x16xf32, #tpu.memory_space<vmem_shared>>
      tpu.wait_dma2 semaphore(%run_scoped3A_480 : memref<!tpu.dma_semaphore, #tpu.memory_space<semaphore_mem>>) src(%arg7 : memref<40x16xf32, #tpu.memory_space<vmem>>) dst(%dma_wait3A_486 : memref<40x16xf32, #tpu.memory_space<vmem_shared>>)
      tpu.yield
    }) : () -> ()
    %barrier3A = arith.constant 0 : index
    tpu.barrier barrier_id(%barrier3A)
    %broadcast_in_dim3A = arith.constant 1.000000e+00 : f32
    %broadcast_in_dim3A_20 = vector.broadcast %broadcast_in_dim3A : f32 to vector<16xf32>
    %scan3A_21 = arith.constant 0 : i32
    %scan3A_22 = arith.constant 0 : i32
    %scan3A_23 = arith.constant 76 : i32
    %scan3A_24 = arith.addi %scan3A_22, %scan3A_23 : i32
    %scan3A_25 = arith.constant 4 : i32
    %scan3A_26 = scf.for %scan3A_480 = %scan3A_22 to %scan3A_24 step %scan3A_25 iter_args(%scan3A_481 = %scan3A_21) -> (i32)  : i32 {
      %get3A_482 = arith.index_cast %scan3A_480 : i32 to index
      %get3A_483 = arith.constant 0 : index
      %get3A_484 = tpu.vector_load %arg4[%get3A_482, %get3A_483] {strides = array<i32>} : memref<79x128xi32, #tpu.memory_space<vmem>>, vector<16xi32>,
      %shift_right_arithmetic3A_485 = arith.constant 4 : i32
      %shift_right_arithmetic3A_486 = vector.broadcast %shift_right_arithmetic3A_485 : i32 to vector<16xi32>
      %shift_right_arithmetic3A_487 = arith.shrsi %get3A_484, %shift_right_arithmetic3A_486 : vector<16xi32>
      %and3A_488 = arith.constant 15 : i32
      %and3A_489 = vector.broadcast %and3A_488 : i32 to vector<16xi32>
      %and3A_490 = arith.andi %get3A_484, %and3A_489 : vector<16xi32>
      tpu.vector_store_idx %arg5[%shift_right_arithmetic3A_487, %and3A_490], %broadcast_in_dim3A_20 {add = true} : memref<640x16xf32, #tpu.memory_space<vmem>>[vector<16xi32>, vector<16xi32>], vector<16xf32>,
      %get3A_491 = arith.index_cast %scan3A_480 : i32 to index
      %get3A_492 = arith.constant 16 : index
      %get3A_493 = tpu.vector_load %arg4[%get3A_491, %get3A_492] {strides = array<i32>} : memref<79x128xi32, #tpu.memory_space<vmem>>, vector<16xi32>,
      %shift_right_arithmetic3A_494 = arith.constant 4 : i32
      %shift_right_arithmetic3A_495 = vector.broadcast %shift_right_arithmetic3A_494 : i32 to vector<16xi32>
      %shift_right_arithmetic3A_496 = arith.shrsi %get3A_493, %shift_right_arithmetic3A_495 : vector<16xi32>
      %and3A_497 = arith.constant 15 : i32
      %and3A_498 = vector.broadcast %and3A_497 : i32 to vector<16xi32>
      %and3A_499 = arith.andi %get3A_493, %and3A_498 : vector<16xi32>
      tpu.vector_store_idx %arg5[%shift_right_arithmetic3A_496, %and3A_499], %broadcast_in_dim3A_20 {add = true} : memref<640x16xf32, #tpu.memory_space<vmem>>[vector<16xi32>, vector<16xi32>], vector<16xf32>,
      %get3A_500 = arith.index_cast %scan3A_480 : i32 to index
      %get3A_501 = arith.constant 32 : index
      %get3A_502 = tpu.vector_load %arg4[%get3A_500, %get3A_501] {strides = array<i32>} : memref<79x128xi32, #tpu.memory_space<vmem>>, vector<16xi32>,
      %shift_right_arithmetic3A_503 = arith.constant 4 : i32
      %shift_right_arithmetic3A_504 = vector.broadcast %shift_right_arithmetic3A_503 : i32 to vector<16xi32>
      %shift_right_arithmetic3A_505 = arith.shrsi %get3A_502, %shift_right_arithmetic3A_504 : vector<16xi32>
      %and3A_506 = arith.constant 15 : i32
      %and3A_507 = vector.broadcast %and3A_506 : i32 to vector<16xi32>
      %and3A_508 = arith.andi %get3A_502, %and3A_507 : vector<16xi32>
      tpu.vector_store_idx %arg5[%shift_right_arithmetic3A_505, %and3A_508], %broadcast_in_dim3A_20 {add = true} : memref<640x16xf32, #tpu.memory_space<vmem>>[vector<16xi32>, vector<16xi32>], vector<16xf32>,
      %get3A_509 = arith.index_cast %scan3A_480 : i32 to index
      %get3A_510 = arith.constant 48 : index
      %get3A_511 = tpu.vector_load %arg4[%get3A_509, %get3A_510] {strides = array<i32>} : memref<79x128xi32, #tpu.memory_space<vmem>>, vector<16xi32>,
      %shift_right_arithmetic3A_512 = arith.constant 4 : i32
      %shift_right_arithmetic3A_513 = vector.broadcast %shift_right_arithmetic3A_512 : i32 to vector<16xi32>
      %shift_right_arithmetic3A_514 = arith.shrsi %get3A_511, %shift_right_arithmetic3A_513 : vector<16xi32>
      %and3A_515 = arith.constant 15 : i32
      %and3A_516 = vector.broadcast %and3A_515 : i32 to vector<16xi32>
      %and3A_517 = arith.andi %get3A_511, %and3A_516 : vector<16xi32>
      tpu.vector_store_idx %arg5[%shift_right_arithmetic3A_514, %and3A_517], %broadcast_in_dim3A_20 {add = true} : memref<640x16xf32, #tpu.memory_space<vmem>>[vector<16xi32>, vector<16xi32>], vector<16xf32>,
      %get3A_518 = arith.index_cast %scan3A_480 : i32 to index
      %get3A_519 = arith.constant 64 : index
      %get3A_520 = tpu.vector_load %arg4[%get3A_518, %get3A_519] {strides = array<i32>} : memref<79x128xi32, #tpu.memory_space<vmem>>, vector<16xi32>,
      %shift_right_arithmetic3A_521 = arith.constant 4 : i32
      %shift_right_arithmetic3A_522 = vector.broadcast %shift_right_arithmetic3A_521 : i32 to vector<16xi32>
      %shift_right_arithmetic3A_523 = arith.shrsi %get3A_520, %shift_right_arithmetic3A_522 : vector<16xi32>
      %and3A_524 = arith.constant 15 : i32
      %and3A_525 = vector.broadcast %and3A_524 : i32 to vector<16xi32>
      %and3A_526 = arith.andi %get3A_520, %and3A_525 : vector<16xi32>
      tpu.vector_store_idx %arg5[%shift_right_arithmetic3A_523, %and3A_526], %broadcast_in_dim3A_20 {add = true} : memref<640x16xf32, #tpu.memory_space<vmem>>[vector<16xi32>, vector<16xi32>], vector<16xf32>,
      %get3A_527 = arith.index_cast %scan3A_480 : i32 to index
      %get3A_528 = arith.constant 80 : index
      %get3A_529 = tpu.vector_load %arg4[%get3A_527, %get3A_528] {strides = array<i32>} : memref<79x128xi32, #tpu.memory_space<vmem>>, vector<16xi32>,
      %shift_right_arithmetic3A_530 = arith.constant 4 : i32
      %shift_right_arithmetic3A_531 = vector.broadcast %shift_right_arithmetic3A_530 : i32 to vector<16xi32>
      %shift_right_arithmetic3A_532 = arith.shrsi %get3A_529, %shift_right_arithmetic3A_531 : vector<16xi32>
      %and3A_533 = arith.constant 15 : i32
      %and3A_534 = vector.broadcast %and3A_533 : i32 to vector<16xi32>
      %and3A_535 = arith.andi %get3A_529, %and3A_534 : vector<16xi32>
      tpu.vector_store_idx %arg5[%shift_right_arithmetic3A_532, %and3A_535], %broadcast_in_dim3A_20 {add = true} : memref<640x16xf32, #tpu.memory_space<vmem>>[vector<16xi32>, vector<16xi32>], vector<16xf32>,
      %get3A_536 = arith.index_cast %scan3A_480 : i32 to index
      %get3A_537 = arith.constant 96 : index
      %get3A_538 = tpu.vector_load %arg4[%get3A_536, %get3A_537] {strides = array<i32>} : memref<79x128xi32, #tpu.memory_space<vmem>>, vector<16xi32>,
      %shift_right_arithmetic3A_539 = arith.constant 4 : i32
      %shift_right_arithmetic3A_540 = vector.broadcast %shift_right_arithmetic3A_539 : i32 to vector<16xi32>
      %shift_right_arithmetic3A_541 = arith.shrsi %get3A_538, %shift_right_arithmetic3A_540 : vector<16xi32>
      %and3A_542 = arith.constant 15 : i32
      %and3A_543 = vector.broadcast %and3A_542 : i32 to vector<16xi32>
      %and3A_544 = arith.andi %get3A_538, %and3A_543 : vector<16xi32>
      tpu.vector_store_idx %arg5[%shift_right_arithmetic3A_541, %and3A_544], %broadcast_in_dim3A_20 {add = true} : memref<640x16xf32, #tpu.memory_space<vmem>>[vector<16xi32>, vector<16xi32>], vector<16xf32>,
      %get3A_545 = arith.index_cast %scan3A_480 : i32 to index
      %get3A_546 = arith.constant 112 : index
      %get3A_547 = tpu.vector_load %arg4[%get3A_545, %get3A_546] {strides = array<i32>} : memref<79x128xi32, #tpu.memory_space<vmem>>, vector<16xi32>,
      %shift_right_arithmetic3A_548 = arith.constant 4 : i32
      %shift_right_arithmetic3A_549 = vector.broadcast %shift_right_arithmetic3A_548 : i32 to vector<16xi32>
      %shift_right_arithmetic3A_550 = arith.shrsi %get3A_547, %shift_right_arithmetic3A_549 : vector<16xi32>
      %and3A_551 = arith.constant 15 : i32
      %and3A_552 = vector.broadcast %and3A_551 : i32 to vector<16xi32>
      %and3A_553 = arith.andi %get3A_547, %and3A_552 : vector<16xi32>
      tpu.vector_store_idx %arg5[%shift_right_arithmetic3A_550, %and3A_553], %broadcast_in_dim3A_20 {add = true} : memref<640x16xf32, #tpu.memory_space<vmem>>[vector<16xi32>, vector<16xi32>], vector<16xf32>,
      %scan3A_554 = arith.constant 0 : i32
      %scan3A_555 = arith.constant 1 : i32
      %scan3A_556 = arith.addi %scan3A_480, %scan3A_555 : i32
      %get3A_557 = arith.index_cast %scan3A_556 : i32 to index
      %get3A_558 = arith.constant 0 : index
      %get3A_559 = tpu.vector_load %arg4[%get3A_557, %get3A_558] {strides = array<i32>} : memref<79x128xi32, #tpu.memory_space<vmem>>, vector<16xi32>,
      %shift_right_arithmetic3A_560 = arith.constant 4 : i32
      %shift_right_arithmetic3A_561 = vector.broadcast %shift_right_arithmetic3A_560 : i32 to vector<16xi32>
      %shift_right_arithmetic3A_562 = arith.shrsi %get3A_559, %shift_right_arithmetic3A_561 : vector<16xi32>
      %and3A_563 = arith.constant 15 : i32
      %and3A_564 = vector.broadcast %and3A_563 : i32 to vector<16xi32>
      %and3A_565 = arith.andi %get3A_559, %and3A_564 : vector<16xi32>
      tpu.vector_store_idx %arg5[%shift_right_arithmetic3A_562, %and3A_565], %broadcast_in_dim3A_20 {add = true} : memref<640x16xf32, #tpu.memory_space<vmem>>[vector<16xi32>, vector<16xi32>], vector<16xf32>,
      %get3A_566 = arith.index_cast %scan3A_556 : i32 to index
      %get3A_567 = arith.constant 16 : index
      %get3A_568 = tpu.vector_load %arg4[%get3A_566, %get3A_567] {strides = array<i32>} : memref<79x128xi32, #tpu.memory_space<vmem>>, vector<16xi32>,
      %shift_right_arithmetic3A_569 = arith.constant 4 : i32
      %shift_right_arithmetic3A_570 = vector.broadcast %shift_right_arithmetic3A_569 : i32 to vector<16xi32>
      %shift_right_arithmetic3A_571 = arith.shrsi %get3A_568, %shift_right_arithmetic3A_570 : vector<16xi32>
      %and3A_572 = arith.constant 15 : i32
      %and3A_573 = vector.broadcast %and3A_572 : i32 to vector<16xi32>
      %and3A_574 = arith.andi %get3A_568, %and3A_573 : vector<16xi32>
      tpu.vector_store_idx %arg5[%shift_right_arithmetic3A_571, %and3A_574], %broadcast_in_dim3A_20 {add = true} : memref<640x16xf32, #tpu.memory_space<vmem>>[vector<16xi32>, vector<16xi32>], vector<16xf32>,
      %get3A_575 = arith.index_cast %scan3A_556 : i32 to index
      %get3A_576 = arith.constant 32 : index
      %get3A_577 = tpu.vector_load %arg4[%get3A_575, %get3A_576] {strides = array<i32>} : memref<79x128xi32, #tpu.memory_space<vmem>>, vector<16xi32>,
      %shift_right_arithmetic3A_578 = arith.constant 4 : i32
      %shift_right_arithmetic3A_579 = vector.broadcast %shift_right_arithmetic3A_578 : i32 to vector<16xi32>
      %shift_right_arithmetic3A_580 = arith.shrsi %get3A_577, %shift_right_arithmetic3A_579 : vector<16xi32>
      %and3A_581 = arith.constant 15 : i32
      %and3A_582 = vector.broadcast %and3A_581 : i32 to vector<16xi32>
      %and3A_583 = arith.andi %get3A_577, %and3A_582 : vector<16xi32>
      tpu.vector_store_idx %arg5[%shift_right_arithmetic3A_580, %and3A_583], %broadcast_in_dim3A_20 {add = true} : memref<640x16xf32, #tpu.memory_space<vmem>>[vector<16xi32>, vector<16xi32>], vector<16xf32>,
      %get3A_584 = arith.index_cast %scan3A_556 : i32 to index
      %get3A_585 = arith.constant 48 : index
      %get3A_586 = tpu.vector_load %arg4[%get3A_584, %get3A_585] {strides = array<i32>} : memref<79x128xi32, #tpu.memory_space<vmem>>, vector<16xi32>,
      %shift_right_arithmetic3A_587 = arith.constant 4 : i32
      %shift_right_arithmetic3A_588 = vector.broadcast %shift_right_arithmetic3A_587 : i32 to vector<16xi32>
      %shift_right_arithmetic3A_589 = arith.shrsi %get3A_586, %shift_right_arithmetic3A_588 : vector<16xi32>
      %and3A_590 = arith.constant 15 : i32
      %and3A_591 = vector.broadcast %and3A_590 : i32 to vector<16xi32>
      %and3A_592 = arith.andi %get3A_586, %and3A_591 : vector<16xi32>
      tpu.vector_store_idx %arg5[%shift_right_arithmetic3A_589, %and3A_592], %broadcast_in_dim3A_20 {add = true} : memref<640x16xf32, #tpu.memory_space<vmem>>[vector<16xi32>, vector<16xi32>], vector<16xf32>,
      %get3A_593 = arith.index_cast %scan3A_556 : i32 to index
      %get3A_594 = arith.constant 64 : index
      %get3A_595 = tpu.vector_load %arg4[%get3A_593, %get3A_594] {strides = array<i32>} : memref<79x128xi32, #tpu.memory_space<vmem>>, vector<16xi32>,
      %shift_right_arithmetic3A_596 = arith.constant 4 : i32
      %shift_right_arithmetic3A_597 = vector.broadcast %shift_right_arithmetic3A_596 : i32 to vector<16xi32>
      %shift_right_arithmetic3A_598 = arith.shrsi %get3A_595, %shift_right_arithmetic3A_597 : vector<16xi32>
      %and3A_599 = arith.constant 15 : i32
      %and3A_600 = vector.broadcast %and3A_599 : i32 to vector<16xi32>
      %and3A_601 = arith.andi %get3A_595, %and3A_600 : vector<16xi32>
      tpu.vector_store_idx %arg5[%shift_right_arithmetic3A_598, %and3A_601], %broadcast_in_dim3A_20 {add = true} : memref<640x16xf32, #tpu.memory_space<vmem>>[vector<16xi32>, vector<16xi32>], vector<16xf32>,
      %get3A_602 = arith.index_cast %scan3A_556 : i32 to index
      %get3A_603 = arith.constant 80 : index
      %get3A_604 = tpu.vector_load %arg4[%get3A_602, %get3A_603] {strides = array<i32>} : memref<79x128xi32, #tpu.memory_space<vmem>>, vector<16xi32>,
      %shift_right_arithmetic3A_605 = arith.constant 4 : i32
      %shift_right_arithmetic3A_606 = vector.broadcast %shift_right_arithmetic3A_605 : i32 to vector<16xi32>
      %shift_right_arithmetic3A_607 = arith.shrsi %get3A_604, %shift_right_arithmetic3A_606 : vector<16xi32>
      %and3A_608 = arith.constant 15 : i32
      %and3A_609 = vector.broadcast %and3A_608 : i32 to vector<16xi32>
      %and3A_610 = arith.andi %get3A_604, %and3A_609 : vector<16xi32>
      tpu.vector_store_idx %arg5[%shift_right_arithmetic3A_607, %and3A_610], %broadcast_in_dim3A_20 {add = true} : memref<640x16xf32, #tpu.memory_space<vmem>>[vector<16xi32>, vector<16xi32>], vector<16xf32>,
      %get3A_611 = arith.index_cast %scan3A_556 : i32 to index
      %get3A_612 = arith.constant 96 : index
      %get3A_613 = tpu.vector_load %arg4[%get3A_611, %get3A_612] {strides = array<i32>} : memref<79x128xi32, #tpu.memory_space<vmem>>, vector<16xi32>,
      %shift_right_arithmetic3A_614 = arith.constant 4 : i32
      %shift_right_arithmetic3A_615 = vector.broadcast %shift_right_arithmetic3A_614 : i32 to vector<16xi32>
      %shift_right_arithmetic3A_616 = arith.shrsi %get3A_613, %shift_right_arithmetic3A_615 : vector<16xi32>
      %and3A_617 = arith.constant 15 : i32
      %and3A_618 = vector.broadcast %and3A_617 : i32 to vector<16xi32>
      %and3A_619 = arith.andi %get3A_613, %and3A_618 : vector<16xi32>
      tpu.vector_store_idx %arg5[%shift_right_arithmetic3A_616, %and3A_619], %broadcast_in_dim3A_20 {add = true} : memref<640x16xf32, #tpu.memory_space<vmem>>[vector<16xi32>, vector<16xi32>], vector<16xf32>,
      %get3A_620 = arith.index_cast %scan3A_556 : i32 to index
      %get3A_621 = arith.constant 112 : index
      %get3A_622 = tpu.vector_load %arg4[%get3A_620, %get3A_621] {strides = array<i32>} : memref<79x128xi32, #tpu.memory_space<vmem>>, vector<16xi32>,
      %shift_right_arithmetic3A_623 = arith.constant 4 : i32
      %shift_right_arithmetic3A_624 = vector.broadcast %shift_right_arithmetic3A_623 : i32 to vector<16xi32>
      %shift_right_arithmetic3A_625 = arith.shrsi %get3A_622, %shift_right_arithmetic3A_624 : vector<16xi32>
      %and3A_626 = arith.constant 15 : i32
      %and3A_627 = vector.broadcast %and3A_626 : i32 to vector<16xi32>
      %and3A_628 = arith.andi %get3A_622, %and3A_627 : vector<16xi32>
      tpu.vector_store_idx %arg5[%shift_right_arithmetic3A_625, %and3A_628], %broadcast_in_dim3A_20 {add = true} : memref<640x16xf32, #tpu.memory_space<vmem>>[vector<16xi32>, vector<16xi32>], vector<16xf32>,
      %scan3A_629 = arith.constant 0 : i32
      %scan3A_630 = arith.constant 2 : i32
      %scan3A_631 = arith.addi %scan3A_480, %scan3A_630 : i32
      %get3A_632 = arith.index_cast %scan3A_631 : i32 to index
      %get3A_633 = arith.constant 0 : index
      %get3A_634 = tpu.vector_load %arg4[%get3A_632, %get3A_633] {strides = array<i32>} : memref<79x128xi32, #tpu.memory_space<vmem>>, vector<16xi32>,
      %shift_right_arithmetic3A_635 = arith.constant 4 : i32
      %shift_right_arithmetic3A_636 = vector.broadcast %shift_right_arithmetic3A_635 : i32 to vector<16xi32>
      %shift_right_arithmetic3A_637 = arith.shrsi %get3A_634, %shift_right_arithmetic3A_636 : vector<16xi32>
      %and3A_638 = arith.constant 15 : i32
      %and3A_639 = vector.broadcast %and3A_638 : i32 to vector<16xi32>
      %and3A_640 = arith.andi %get3A_634, %and3A_639 : vector<16xi32>
      tpu.vector_store_idx %arg5[%shift_right_arithmetic3A_637, %and3A_640], %broadcast_in_dim3A_20 {add = true} : memref<640x16xf32, #tpu.memory_space<vmem>>[vector<16xi32>, vector<16xi32>], vector<16xf32>,
      %get3A_641 = arith.index_cast %scan3A_631 : i32 to index
      %get3A_642 = arith.constant 16 : index
      %get3A_643 = tpu.vector_load %arg4[%get3A_641, %get3A_642] {strides = array<i32>} : memref<79x128xi32, #tpu.memory_space<vmem>>, vector<16xi32>,
      %shift_right_arithmetic3A_644 = arith.constant 4 : i32
      %shift_right_arithmetic3A_645 = vector.broadcast %shift_right_arithmetic3A_644 : i32 to vector<16xi32>
      %shift_right_arithmetic3A_646 = arith.shrsi %get3A_643, %shift_right_arithmetic3A_645 : vector<16xi32>
      %and3A_647 = arith.constant 15 : i32
      %and3A_648 = vector.broadcast %and3A_647 : i32 to vector<16xi32>
      %and3A_649 = arith.andi %get3A_643, %and3A_648 : vector<16xi32>
      tpu.vector_store_idx %arg5[%shift_right_arithmetic3A_646, %and3A_649], %broadcast_in_dim3A_20 {add = true} : memref<640x16xf32, #tpu.memory_space<vmem>>[vector<16xi32>, vector<16xi32>], vector<16xf32>,
      %get3A_650 = arith.index_cast %scan3A_631 : i32 to index
      %get3A_651 = arith.constant 32 : index
      %get3A_652 = tpu.vector_load %arg4[%get3A_650, %get3A_651] {strides = array<i32>} : memref<79x128xi32, #tpu.memory_space<vmem>>, vector<16xi32>,
      %shift_right_arithmetic3A_653 = arith.constant 4 : i32
      %shift_right_arithmetic3A_654 = vector.broadcast %shift_right_arithmetic3A_653 : i32 to vector<16xi32>
      %shift_right_arithmetic3A_655 = arith.shrsi %get3A_652, %shift_right_arithmetic3A_654 : vector<16xi32>
      %and3A_656 = arith.constant 15 : i32
      %and3A_657 = vector.broadcast %and3A_656 : i32 to vector<16xi32>
      %and3A_658 = arith.andi %get3A_652, %and3A_657 : vector<16xi32>
      tpu.vector_store_idx %arg5[%shift_right_arithmetic3A_655, %and3A_658], %broadcast_in_dim3A_20 {add = true} : memref<640x16xf32, #tpu.memory_space<vmem>>[vector<16xi32>, vector<16xi32>], vector<16xf32>,
      %get3A_659 = arith.index_cast %scan3A_631 : i32 to index
      %get3A_660 = arith.constant 48 : index
      %get3A_661 = tpu.vector_load %arg4[%get3A_659, %get3A_660] {strides = array<i32>} : memref<79x128xi32, #tpu.memory_space<vmem>>, vector<16xi32>,
      %shift_right_arithmetic3A_662 = arith.constant 4 : i32
      %shift_right_arithmetic3A_663 = vector.broadcast %shift_right_arithmetic3A_662 : i32 to vector<16xi32>
      %shift_right_arithmetic3A_664 = arith.shrsi %get3A_661, %shift_right_arithmetic3A_663 : vector<16xi32>
      %and3A_665 = arith.constant 15 : i32
      %and3A_666 = vector.broadcast %and3A_665 : i32 to vector<16xi32>
      %and3A_667 = arith.andi %get3A_661, %and3A_666 : vector<16xi32>
      tpu.vector_store_idx %arg5[%shift_right_arithmetic3A_664, %and3A_667], %broadcast_in_dim3A_20 {add = true} : memref<640x16xf32, #tpu.memory_space<vmem>>[vector<16xi32>, vector<16xi32>], vector<16xf32>,
      %get3A_668 = arith.index_cast %scan3A_631 : i32 to index
      %get3A_669 = arith.constant 64 : index
      %get3A_670 = tpu.vector_load %arg4[%get3A_668, %get3A_669] {strides = array<i32>} : memref<79x128xi32, #tpu.memory_space<vmem>>, vector<16xi32>,
      %shift_right_arithmetic3A_671 = arith.constant 4 : i32
      %shift_right_arithmetic3A_672 = vector.broadcast %shift_right_arithmetic3A_671 : i32 to vector<16xi32>
      %shift_right_arithmetic3A_673 = arith.shrsi %get3A_670, %shift_right_arithmetic3A_672 : vector<16xi32>
      %and3A_674 = arith.constant 15 : i32
      %and3A_675 = vector.broadcast %and3A_674 : i32 to vector<16xi32>
      %and3A_676 = arith.andi %get3A_670, %and3A_675 : vector<16xi32>
      tpu.vector_store_idx %arg5[%shift_right_arithmetic3A_673, %and3A_676], %broadcast_in_dim3A_20 {add = true} : memref<640x16xf32, #tpu.memory_space<vmem>>[vector<16xi32>, vector<16xi32>], vector<16xf32>,
      %get3A_677 = arith.index_cast %scan3A_631 : i32 to index
      %get3A_678 = arith.constant 80 : index
      %get3A_679 = tpu.vector_load %arg4[%get3A_677, %get3A_678] {strides = array<i32>} : memref<79x128xi32, #tpu.memory_space<vmem>>, vector<16xi32>,
      %shift_right_arithmetic3A_680 = arith.constant 4 : i32
      %shift_right_arithmetic3A_681 = vector.broadcast %shift_right_arithmetic3A_680 : i32 to vector<16xi32>
      %shift_right_arithmetic3A_682 = arith.shrsi %get3A_679, %shift_right_arithmetic3A_681 : vector<16xi32>
      %and3A_683 = arith.constant 15 : i32
      %and3A_684 = vector.broadcast %and3A_683 : i32 to vector<16xi32>
      %and3A_685 = arith.andi %get3A_679, %and3A_684 : vector<16xi32>
      tpu.vector_store_idx %arg5[%shift_right_arithmetic3A_682, %and3A_685], %broadcast_in_dim3A_20 {add = true} : memref<640x16xf32, #tpu.memory_space<vmem>>[vector<16xi32>, vector<16xi32>], vector<16xf32>,
      %get3A_686 = arith.index_cast %scan3A_631 : i32 to index
      %get3A_687 = arith.constant 96 : index
      %get3A_688 = tpu.vector_load %arg4[%get3A_686, %get3A_687] {strides = array<i32>} : memref<79x128xi32, #tpu.memory_space<vmem>>, vector<16xi32>,
      %shift_right_arithmetic3A_689 = arith.constant 4 : i32
      %shift_right_arithmetic3A_690 = vector.broadcast %shift_right_arithmetic3A_689 : i32 to vector<16xi32>
      %shift_right_arithmetic3A_691 = arith.shrsi %get3A_688, %shift_right_arithmetic3A_690 : vector<16xi32>
      %and3A_692 = arith.constant 15 : i32
      %and3A_693 = vector.broadcast %and3A_692 : i32 to vector<16xi32>
      %and3A_694 = arith.andi %get3A_688, %and3A_693 : vector<16xi32>
      tpu.vector_store_idx %arg5[%shift_right_arithmetic3A_691, %and3A_694], %broadcast_in_dim3A_20 {add = true} : memref<640x16xf32, #tpu.memory_space<vmem>>[vector<16xi32>, vector<16xi32>], vector<16xf32>,
      %get3A_695 = arith.index_cast %scan3A_631 : i32 to index
      %get3A_696 = arith.constant 112 : index
      %get3A_697 = tpu.vector_load %arg4[%get3A_695, %get3A_696] {strides = array<i32>} : memref<79x128xi32, #tpu.memory_space<vmem>>, vector<16xi32>,
      %shift_right_arithmetic3A_698 = arith.constant 4 : i32
      %shift_right_arithmetic3A_699 = vector.broadcast %shift_right_arithmetic3A_698 : i32 to vector<16xi32>
      %shift_right_arithmetic3A_700 = arith.shrsi %get3A_697, %shift_right_arithmetic3A_699 : vector<16xi32>
      %and3A_701 = arith.constant 15 : i32
      %and3A_702 = vector.broadcast %and3A_701 : i32 to vector<16xi32>
      %and3A_703 = arith.andi %get3A_697, %and3A_702 : vector<16xi32>
      tpu.vector_store_idx %arg5[%shift_right_arithmetic3A_700, %and3A_703], %broadcast_in_dim3A_20 {add = true} : memref<640x16xf32, #tpu.memory_space<vmem>>[vector<16xi32>, vector<16xi32>], vector<16xf32>,
      %scan3A_704 = arith.constant 0 : i32
      %scan3A_705 = arith.constant 3 : i32
      %scan3A_706 = arith.addi %scan3A_480, %scan3A_705 : i32
      %get3A_707 = arith.index_cast %scan3A_706 : i32 to index
      %get3A_708 = arith.constant 0 : index
      %get3A_709 = tpu.vector_load %arg4[%get3A_707, %get3A_708] {strides = array<i32>} : memref<79x128xi32, #tpu.memory_space<vmem>>, vector<16xi32>,
      %shift_right_arithmetic3A_710 = arith.constant 4 : i32
      %shift_right_arithmetic3A_711 = vector.broadcast %shift_right_arithmetic3A_710 : i32 to vector<16xi32>
      %shift_right_arithmetic3A_712 = arith.shrsi %get3A_709, %shift_right_arithmetic3A_711 : vector<16xi32>
      %and3A_713 = arith.constant 15 : i32
      %and3A_714 = vector.broadcast %and3A_713 : i32 to vector<16xi32>
      %and3A_715 = arith.andi %get3A_709, %and3A_714 : vector<16xi32>
      tpu.vector_store_idx %arg5[%shift_right_arithmetic3A_712, %and3A_715], %broadcast_in_dim3A_20 {add = true} : memref<640x16xf32, #tpu.memory_space<vmem>>[vector<16xi32>, vector<16xi32>], vector<16xf32>,
      %get3A_716 = arith.index_cast %scan3A_706 : i32 to index
      %get3A_717 = arith.constant 16 : index
      %get3A_718 = tpu.vector_load %arg4[%get3A_716, %get3A_717] {strides = array<i32>} : memref<79x128xi32, #tpu.memory_space<vmem>>, vector<16xi32>,
      %shift_right_arithmetic3A_719 = arith.constant 4 : i32
      %shift_right_arithmetic3A_720 = vector.broadcast %shift_right_arithmetic3A_719 : i32 to vector<16xi32>
      %shift_right_arithmetic3A_721 = arith.shrsi %get3A_718, %shift_right_arithmetic3A_720 : vector<16xi32>
      %and3A_722 = arith.constant 15 : i32
      %and3A_723 = vector.broadcast %and3A_722 : i32 to vector<16xi32>
      %and3A_724 = arith.andi %get3A_718, %and3A_723 : vector<16xi32>
      tpu.vector_store_idx %arg5[%shift_right_arithmetic3A_721, %and3A_724], %broadcast_in_dim3A_20 {add = true} : memref<640x16xf32, #tpu.memory_space<vmem>>[vector<16xi32>, vector<16xi32>], vector<16xf32>,
      %get3A_725 = arith.index_cast %scan3A_706 : i32 to index
      %get3A_726 = arith.constant 32 : index
      %get3A_727 = tpu.vector_load %arg4[%get3A_725, %get3A_726] {strides = array<i32>} : memref<79x128xi32, #tpu.memory_space<vmem>>, vector<16xi32>,
      %shift_right_arithmetic3A_728 = arith.constant 4 : i32
      %shift_right_arithmetic3A_729 = vector.broadcast %shift_right_arithmetic3A_728 : i32 to vector<16xi32>
      %shift_right_arithmetic3A_730 = arith.shrsi %get3A_727, %shift_right_arithmetic3A_729 : vector<16xi32>
      %and3A_731 = arith.constant 15 : i32
      %and3A_732 = vector.broadcast %and3A_731 : i32 to vector<16xi32>
      %and3A_733 = arith.andi %get3A_727, %and3A_732 : vector<16xi32>
      tpu.vector_store_idx %arg5[%shift_right_arithmetic3A_730, %and3A_733], %broadcast_in_dim3A_20 {add = true} : memref<640x16xf32, #tpu.memory_space<vmem>>[vector<16xi32>, vector<16xi32>], vector<16xf32>,
      %get3A_734 = arith.index_cast %scan3A_706 : i32 to index
      %get3A_735 = arith.constant 48 : index
      %get3A_736 = tpu.vector_load %arg4[%get3A_734, %get3A_735] {strides = array<i32>} : memref<79x128xi32, #tpu.memory_space<vmem>>, vector<16xi32>,
      %shift_right_arithmetic3A_737 = arith.constant 4 : i32
      %shift_right_arithmetic3A_738 = vector.broadcast %shift_right_arithmetic3A_737 : i32 to vector<16xi32>
      %shift_right_arithmetic3A_739 = arith.shrsi %get3A_736, %shift_right_arithmetic3A_738 : vector<16xi32>
      %and3A_740 = arith.constant 15 : i32
      %and3A_741 = vector.broadcast %and3A_740 : i32 to vector<16xi32>
      %and3A_742 = arith.andi %get3A_736, %and3A_741 : vector<16xi32>
      tpu.vector_store_idx %arg5[%shift_right_arithmetic3A_739, %and3A_742], %broadcast_in_dim3A_20 {add = true} : memref<640x16xf32, #tpu.memory_space<vmem>>[vector<16xi32>, vector<16xi32>], vector<16xf32>,
      %get3A_743 = arith.index_cast %scan3A_706 : i32 to index
      %get3A_744 = arith.constant 64 : index
      %get3A_745 = tpu.vector_load %arg4[%get3A_743, %get3A_744] {strides = array<i32>} : memref<79x128xi32, #tpu.memory_space<vmem>>, vector<16xi32>,
      %shift_right_arithmetic3A_746 = arith.constant 4 : i32
      %shift_right_arithmetic3A_747 = vector.broadcast %shift_right_arithmetic3A_746 : i32 to vector<16xi32>
      %shift_right_arithmetic3A_748 = arith.shrsi %get3A_745, %shift_right_arithmetic3A_747 : vector<16xi32>
      %and3A_749 = arith.constant 15 : i32
      %and3A_750 = vector.broadcast %and3A_749 : i32 to vector<16xi32>
      %and3A_751 = arith.andi %get3A_745, %and3A_750 : vector<16xi32>
      tpu.vector_store_idx %arg5[%shift_right_arithmetic3A_748, %and3A_751], %broadcast_in_dim3A_20 {add = true} : memref<640x16xf32, #tpu.memory_space<vmem>>[vector<16xi32>, vector<16xi32>], vector<16xf32>,
      %get3A_752 = arith.index_cast %scan3A_706 : i32 to index
      %get3A_753 = arith.constant 80 : index
      %get3A_754 = tpu.vector_load %arg4[%get3A_752, %get3A_753] {strides = array<i32>} : memref<79x128xi32, #tpu.memory_space<vmem>>, vector<16xi32>,
      %shift_right_arithmetic3A_755 = arith.constant 4 : i32
      %shift_right_arithmetic3A_756 = vector.broadcast %shift_right_arithmetic3A_755 : i32 to vector<16xi32>
      %shift_right_arithmetic3A_757 = arith.shrsi %get3A_754, %shift_right_arithmetic3A_756 : vector<16xi32>
      %and3A_758 = arith.constant 15 : i32
      %and3A_759 = vector.broadcast %and3A_758 : i32 to vector<16xi32>
      %and3A_760 = arith.andi %get3A_754, %and3A_759 : vector<16xi32>
      tpu.vector_store_idx %arg5[%shift_right_arithmetic3A_757, %and3A_760], %broadcast_in_dim3A_20 {add = true} : memref<640x16xf32, #tpu.memory_space<vmem>>[vector<16xi32>, vector<16xi32>], vector<16xf32>,
      %get3A_761 = arith.index_cast %scan3A_706 : i32 to index
      %get3A_762 = arith.constant 96 : index
      %get3A_763 = tpu.vector_load %arg4[%get3A_761, %get3A_762] {strides = array<i32>} : memref<79x128xi32, #tpu.memory_space<vmem>>, vector<16xi32>,
      %shift_right_arithmetic3A_764 = arith.constant 4 : i32
      %shift_right_arithmetic3A_765 = vector.broadcast %shift_right_arithmetic3A_764 : i32 to vector<16xi32>
      %shift_right_arithmetic3A_766 = arith.shrsi %get3A_763, %shift_right_arithmetic3A_765 : vector<16xi32>
      %and3A_767 = arith.constant 15 : i32
      %and3A_768 = vector.broadcast %and3A_767 : i32 to vector<16xi32>
      %and3A_769 = arith.andi %get3A_763, %and3A_768 : vector<16xi32>
      tpu.vector_store_idx %arg5[%shift_right_arithmetic3A_766, %and3A_769], %broadcast_in_dim3A_20 {add = true} : memref<640x16xf32, #tpu.memory_space<vmem>>[vector<16xi32>, vector<16xi32>], vector<16xf32>,
      %get3A_770 = arith.index_cast %scan3A_706 : i32 to index
      %get3A_771 = arith.constant 112 : index
      %get3A_772 = tpu.vector_load %arg4[%get3A_770, %get3A_771] {strides = array<i32>} : memref<79x128xi32, #tpu.memory_space<vmem>>, vector<16xi32>,
      %shift_right_arithmetic3A_773 = arith.constant 4 : i32
      %shift_right_arithmetic3A_774 = vector.broadcast %shift_right_arithmetic3A_773 : i32 to vector<16xi32>
      %shift_right_arithmetic3A_775 = arith.shrsi %get3A_772, %shift_right_arithmetic3A_774 : vector<16xi32>
      %and3A_776 = arith.constant 15 : i32
      %and3A_777 = vector.broadcast %and3A_776 : i32 to vector<16xi32>
      %and3A_778 = arith.andi %get3A_772, %and3A_777 : vector<16xi32>
      tpu.vector_store_idx %arg5[%shift_right_arithmetic3A_775, %and3A_778], %broadcast_in_dim3A_20 {add = true} : memref<640x16xf32, #tpu.memory_space<vmem>>[vector<16xi32>, vector<16xi32>], vector<16xf32>,
      %scan3A_779 = arith.constant 0 : i32
      scf.yield %scan3A_779 : i32
    }
    %scan3A_27 = arith.constant 76 : i32
    %scan3A_28 = arith.addi %scan3A_22, %scan3A_27 : i32
    %get3A = arith.index_cast %scan3A_28 : i32 to index
    %get3A_29 = arith.constant 0 : index
    %get3A_30 = tpu.vector_load %arg4[%get3A, %get3A_29] {strides = array<i32>} : memref<79x128xi32, #tpu.memory_space<vmem>>, vector<16xi32>,
    %shift_right_arithmetic3A = arith.constant 4 : i32
    %shift_right_arithmetic3A_31 = vector.broadcast %shift_right_arithmetic3A : i32 to vector<16xi32>
    %shift_right_arithmetic3A_32 = arith.shrsi %get3A_30, %shift_right_arithmetic3A_31 : vector<16xi32>
    %and3A = arith.constant 15 : i32
    %and3A_33 = vector.broadcast %and3A : i32 to vector<16xi32>
    %and3A_34 = arith.andi %get3A_30, %and3A_33 : vector<16xi32>
    tpu.vector_store_idx %arg5[%shift_right_arithmetic3A_32, %and3A_34], %broadcast_in_dim3A_20 {add = true} : memref<640x16xf32, #tpu.memory_space<vmem>>[vector<16xi32>, vector<16xi32>], vector<16xf32>,
    %get3A_35 = arith.index_cast %scan3A_28 : i32 to index
    %get3A_36 = arith.constant 16 : index
    %get3A_37 = tpu.vector_load %arg4[%get3A_35, %get3A_36] {strides = array<i32>} : memref<79x128xi32, #tpu.memory_space<vmem>>, vector<16xi32>,
    %shift_right_arithmetic3A_38 = arith.constant 4 : i32
    %shift_right_arithmetic3A_39 = vector.broadcast %shift_right_arithmetic3A_38 : i32 to vector<16xi32>
    %shift_right_arithmetic3A_40 = arith.shrsi %get3A_37, %shift_right_arithmetic3A_39 : vector<16xi32>
    %and3A_41 = arith.constant 15 : i32
    %and3A_42 = vector.broadcast %and3A_41 : i32 to vector<16xi32>
    %and3A_43 = arith.andi %get3A_37, %and3A_42 : vector<16xi32>
    tpu.vector_store_idx %arg5[%shift_right_arithmetic3A_40, %and3A_43], %broadcast_in_dim3A_20 {add = true} : memref<640x16xf32, #tpu.memory_space<vmem>>[vector<16xi32>, vector<16xi32>], vector<16xf32>,
    %get3A_44 = arith.index_cast %scan3A_28 : i32 to index
    %get3A_45 = arith.constant 32 : index
    %get3A_46 = tpu.vector_load %arg4[%get3A_44, %get3A_45] {strides = array<i32>} : memref<79x128xi32, #tpu.memory_space<vmem>>, vector<16xi32>,
    %shift_right_arithmetic3A_47 = arith.constant 4 : i32
    %shift_right_arithmetic3A_48 = vector.broadcast %shift_right_arithmetic3A_47 : i32 to vector<16xi32>
    %shift_right_arithmetic3A_49 = arith.shrsi %get3A_46, %shift_right_arithmetic3A_48 : vector<16xi32>
    %and3A_50 = arith.constant 15 : i32
    %and3A_51 = vector.broadcast %and3A_50 : i32 to vector<16xi32>
    %and3A_52 = arith.andi %get3A_46, %and3A_51 : vector<16xi32>
    tpu.vector_store_idx %arg5[%shift_right_arithmetic3A_49, %and3A_52], %broadcast_in_dim3A_20 {add = true} : memref<640x16xf32, #tpu.memory_space<vmem>>[vector<16xi32>, vector<16xi32>], vector<16xf32>,
    %get3A_53 = arith.index_cast %scan3A_28 : i32 to index
    %get3A_54 = arith.constant 48 : index
    %get3A_55 = tpu.vector_load %arg4[%get3A_53, %get3A_54] {strides = array<i32>} : memref<79x128xi32, #tpu.memory_space<vmem>>, vector<16xi32>,
    %shift_right_arithmetic3A_56 = arith.constant 4 : i32
    %shift_right_arithmetic3A_57 = vector.broadcast %shift_right_arithmetic3A_56 : i32 to vector<16xi32>
    %shift_right_arithmetic3A_58 = arith.shrsi %get3A_55, %shift_right_arithmetic3A_57 : vector<16xi32>
    %and3A_59 = arith.constant 15 : i32
    %and3A_60 = vector.broadcast %and3A_59 : i32 to vector<16xi32>
    %and3A_61 = arith.andi %get3A_55, %and3A_60 : vector<16xi32>
    tpu.vector_store_idx %arg5[%shift_right_arithmetic3A_58, %and3A_61], %broadcast_in_dim3A_20 {add = true} : memref<640x16xf32, #tpu.memory_space<vmem>>[vector<16xi32>, vector<16xi32>], vector<16xf32>,
    %get3A_62 = arith.index_cast %scan3A_28 : i32 to index
    %get3A_63 = arith.constant 64 : index
    %get3A_64 = tpu.vector_load %arg4[%get3A_62, %get3A_63] {strides = array<i32>} : memref<79x128xi32, #tpu.memory_space<vmem>>, vector<16xi32>,
    %shift_right_arithmetic3A_65 = arith.constant 4 : i32
    %shift_right_arithmetic3A_66 = vector.broadcast %shift_right_arithmetic3A_65 : i32 to vector<16xi32>
    %shift_right_arithmetic3A_67 = arith.shrsi %get3A_64, %shift_right_arithmetic3A_66 : vector<16xi32>
    %and3A_68 = arith.constant 15 : i32
    %and3A_69 = vector.broadcast %and3A_68 : i32 to vector<16xi32>
    %and3A_70 = arith.andi %get3A_64, %and3A_69 : vector<16xi32>
    tpu.vector_store_idx %arg5[%shift_right_arithmetic3A_67, %and3A_70], %broadcast_in_dim3A_20 {add = true} : memref<640x16xf32, #tpu.memory_space<vmem>>[vector<16xi32>, vector<16xi32>], vector<16xf32>,
    %get3A_71 = arith.index_cast %scan3A_28 : i32 to index
    %get3A_72 = arith.constant 80 : index
    %get3A_73 = tpu.vector_load %arg4[%get3A_71, %get3A_72] {strides = array<i32>} : memref<79x128xi32, #tpu.memory_space<vmem>>, vector<16xi32>,
    %shift_right_arithmetic3A_74 = arith.constant 4 : i32
    %shift_right_arithmetic3A_75 = vector.broadcast %shift_right_arithmetic3A_74 : i32 to vector<16xi32>
    %shift_right_arithmetic3A_76 = arith.shrsi %get3A_73, %shift_right_arithmetic3A_75 : vector<16xi32>
    %and3A_77 = arith.constant 15 : i32
    %and3A_78 = vector.broadcast %and3A_77 : i32 to vector<16xi32>
    %and3A_79 = arith.andi %get3A_73, %and3A_78 : vector<16xi32>
    tpu.vector_store_idx %arg5[%shift_right_arithmetic3A_76, %and3A_79], %broadcast_in_dim3A_20 {add = true} : memref<640x16xf32, #tpu.memory_space<vmem>>[vector<16xi32>, vector<16xi32>], vector<16xf32>,
    %get3A_80 = arith.index_cast %scan3A_28 : i32 to index
    %get3A_81 = arith.constant 96 : index
    %get3A_82 = tpu.vector_load %arg4[%get3A_80, %get3A_81] {strides = array<i32>} : memref<79x128xi32, #tpu.memory_space<vmem>>, vector<16xi32>,
    %shift_right_arithmetic3A_83 = arith.constant 4 : i32
    %shift_right_arithmetic3A_84 = vector.broadcast %shift_right_arithmetic3A_83 : i32 to vector<16xi32>
    %shift_right_arithmetic3A_85 = arith.shrsi %get3A_82, %shift_right_arithmetic3A_84 : vector<16xi32>
    %and3A_86 = arith.constant 15 : i32
    %and3A_87 = vector.broadcast %and3A_86 : i32 to vector<16xi32>
    %and3A_88 = arith.andi %get3A_82, %and3A_87 : vector<16xi32>
    tpu.vector_store_idx %arg5[%shift_right_arithmetic3A_85, %and3A_88], %broadcast_in_dim3A_20 {add = true} : memref<640x16xf32, #tpu.memory_space<vmem>>[vector<16xi32>, vector<16xi32>], vector<16xf32>,
    %get3A_89 = arith.index_cast %scan3A_28 : i32 to index
    %get3A_90 = arith.constant 112 : index
    %get3A_91 = tpu.vector_load %arg4[%get3A_89, %get3A_90] {strides = array<i32>} : memref<79x128xi32, #tpu.memory_space<vmem>>, vector<16xi32>,
    %shift_right_arithmetic3A_92 = arith.constant 4 : i32
    %shift_right_arithmetic3A_93 = vector.broadcast %shift_right_arithmetic3A_92 : i32 to vector<16xi32>
    %shift_right_arithmetic3A_94 = arith.shrsi %get3A_91, %shift_right_arithmetic3A_93 : vector<16xi32>
    %and3A_95 = arith.constant 15 : i32
    %and3A_96 = vector.broadcast %and3A_95 : i32 to vector<16xi32>
    %and3A_97 = arith.andi %get3A_91, %and3A_96 : vector<16xi32>
    tpu.vector_store_idx %arg5[%shift_right_arithmetic3A_94, %and3A_97], %broadcast_in_dim3A_20 {add = true} : memref<640x16xf32, #tpu.memory_space<vmem>>[vector<16xi32>, vector<16xi32>], vector<16xf32>,
    %scan3A_98 = arith.constant 0 : i32
    %scan3A_99 = arith.constant 77 : i32
    %scan3A_100 = arith.addi %scan3A_22, %scan3A_99 : i32
    %get3A_101 = arith.index_cast %scan3A_100 : i32 to index
    %get3A_102 = arith.constant 0 : index
    %get3A_103 = tpu.vector_load %arg4[%get3A_101, %get3A_102] {strides = array<i32>} : memref<79x128xi32, #tpu.memory_space<vmem>>, vector<16xi32>,
    %shift_right_arithmetic3A_104 = arith.constant 4 : i32
    %shift_right_arithmetic3A_105 = vector.broadcast %shift_right_arithmetic3A_104 : i32 to vector<16xi32>
    %shift_right_arithmetic3A_106 = arith.shrsi %get3A_103, %shift_right_arithmetic3A_105 : vector<16xi32>
    %and3A_107 = arith.constant 15 : i32
    %and3A_108 = vector.broadcast %and3A_107 : i32 to vector<16xi32>
    %and3A_109 = arith.andi %get3A_103, %and3A_108 : vector<16xi32>
    tpu.vector_store_idx %arg5[%shift_right_arithmetic3A_106, %and3A_109], %broadcast_in_dim3A_20 {add = true} : memref<640x16xf32, #tpu.memory_space<vmem>>[vector<16xi32>, vector<16xi32>], vector<16xf32>,
    %get3A_110 = arith.index_cast %scan3A_100 : i32 to index
    %get3A_111 = arith.constant 16 : index
    %get3A_112 = tpu.vector_load %arg4[%get3A_110, %get3A_111] {strides = array<i32>} : memref<79x128xi32, #tpu.memory_space<vmem>>, vector<16xi32>,
    %shift_right_arithmetic3A_113 = arith.constant 4 : i32
    %shift_right_arithmetic3A_114 = vector.broadcast %shift_right_arithmetic3A_113 : i32 to vector<16xi32>
    %shift_right_arithmetic3A_115 = arith.shrsi %get3A_112, %shift_right_arithmetic3A_114 : vector<16xi32>
    %and3A_116 = arith.constant 15 : i32
    %and3A_117 = vector.broadcast %and3A_116 : i32 to vector<16xi32>
    %and3A_118 = arith.andi %get3A_112, %and3A_117 : vector<16xi32>
    tpu.vector_store_idx %arg5[%shift_right_arithmetic3A_115, %and3A_118], %broadcast_in_dim3A_20 {add = true} : memref<640x16xf32, #tpu.memory_space<vmem>>[vector<16xi32>, vector<16xi32>], vector<16xf32>,
    %get3A_119 = arith.index_cast %scan3A_100 : i32 to index
    %get3A_120 = arith.constant 32 : index
    %get3A_121 = tpu.vector_load %arg4[%get3A_119, %get3A_120] {strides = array<i32>} : memref<79x128xi32, #tpu.memory_space<vmem>>, vector<16xi32>,
    %shift_right_arithmetic3A_122 = arith.constant 4 : i32
    %shift_right_arithmetic3A_123 = vector.broadcast %shift_right_arithmetic3A_122 : i32 to vector<16xi32>
    %shift_right_arithmetic3A_124 = arith.shrsi %get3A_121, %shift_right_arithmetic3A_123 : vector<16xi32>
    %and3A_125 = arith.constant 15 : i32
    %and3A_126 = vector.broadcast %and3A_125 : i32 to vector<16xi32>
    %and3A_127 = arith.andi %get3A_121, %and3A_126 : vector<16xi32>
    tpu.vector_store_idx %arg5[%shift_right_arithmetic3A_124, %and3A_127], %broadcast_in_dim3A_20 {add = true} : memref<640x16xf32, #tpu.memory_space<vmem>>[vector<16xi32>, vector<16xi32>], vector<16xf32>,
    %get3A_128 = arith.index_cast %scan3A_100 : i32 to index
    %get3A_129 = arith.constant 48 : index
    %get3A_130 = tpu.vector_load %arg4[%get3A_128, %get3A_129] {strides = array<i32>} : memref<79x128xi32, #tpu.memory_space<vmem>>, vector<16xi32>,
    %shift_right_arithmetic3A_131 = arith.constant 4 : i32
    %shift_right_arithmetic3A_132 = vector.broadcast %shift_right_arithmetic3A_131 : i32 to vector<16xi32>
    %shift_right_arithmetic3A_133 = arith.shrsi %get3A_130, %shift_right_arithmetic3A_132 : vector<16xi32>
    %and3A_134 = arith.constant 15 : i32
    %and3A_135 = vector.broadcast %and3A_134 : i32 to vector<16xi32>
    %and3A_136 = arith.andi %get3A_130, %and3A_135 : vector<16xi32>
    tpu.vector_store_idx %arg5[%shift_right_arithmetic3A_133, %and3A_136], %broadcast_in_dim3A_20 {add = true} : memref<640x16xf32, #tpu.memory_space<vmem>>[vector<16xi32>, vector<16xi32>], vector<16xf32>,
    %get3A_137 = arith.index_cast %scan3A_100 : i32 to index
    %get3A_138 = arith.constant 64 : index
    %get3A_139 = tpu.vector_load %arg4[%get3A_137, %get3A_138] {strides = array<i32>} : memref<79x128xi32, #tpu.memory_space<vmem>>, vector<16xi32>,
    %shift_right_arithmetic3A_140 = arith.constant 4 : i32
    %shift_right_arithmetic3A_141 = vector.broadcast %shift_right_arithmetic3A_140 : i32 to vector<16xi32>
    %shift_right_arithmetic3A_142 = arith.shrsi %get3A_139, %shift_right_arithmetic3A_141 : vector<16xi32>
    %and3A_143 = arith.constant 15 : i32
    %and3A_144 = vector.broadcast %and3A_143 : i32 to vector<16xi32>
    %and3A_145 = arith.andi %get3A_139, %and3A_144 : vector<16xi32>
    tpu.vector_store_idx %arg5[%shift_right_arithmetic3A_142, %and3A_145], %broadcast_in_dim3A_20 {add = true} : memref<640x16xf32, #tpu.memory_space<vmem>>[vector<16xi32>, vector<16xi32>], vector<16xf32>,
    %get3A_146 = arith.index_cast %scan3A_100 : i32 to index
    %get3A_147 = arith.constant 80 : index
    %get3A_148 = tpu.vector_load %arg4[%get3A_146, %get3A_147] {strides = array<i32>} : memref<79x128xi32, #tpu.memory_space<vmem>>, vector<16xi32>,
    %shift_right_arithmetic3A_149 = arith.constant 4 : i32
    %shift_right_arithmetic3A_150 = vector.broadcast %shift_right_arithmetic3A_149 : i32 to vector<16xi32>
    %shift_right_arithmetic3A_151 = arith.shrsi %get3A_148, %shift_right_arithmetic3A_150 : vector<16xi32>
    %and3A_152 = arith.constant 15 : i32
    %and3A_153 = vector.broadcast %and3A_152 : i32 to vector<16xi32>
    %and3A_154 = arith.andi %get3A_148, %and3A_153 : vector<16xi32>
    tpu.vector_store_idx %arg5[%shift_right_arithmetic3A_151, %and3A_154], %broadcast_in_dim3A_20 {add = true} : memref<640x16xf32, #tpu.memory_space<vmem>>[vector<16xi32>, vector<16xi32>], vector<16xf32>,
    %get3A_155 = arith.index_cast %scan3A_100 : i32 to index
    %get3A_156 = arith.constant 96 : index
    %get3A_157 = tpu.vector_load %arg4[%get3A_155, %get3A_156] {strides = array<i32>} : memref<79x128xi32, #tpu.memory_space<vmem>>, vector<16xi32>,
    %shift_right_arithmetic3A_158 = arith.constant 4 : i32
    %shift_right_arithmetic3A_159 = vector.broadcast %shift_right_arithmetic3A_158 : i32 to vector<16xi32>
    %shift_right_arithmetic3A_160 = arith.shrsi %get3A_157, %shift_right_arithmetic3A_159 : vector<16xi32>
    %and3A_161 = arith.constant 15 : i32
    %and3A_162 = vector.broadcast %and3A_161 : i32 to vector<16xi32>
    %and3A_163 = arith.andi %get3A_157, %and3A_162 : vector<16xi32>
    tpu.vector_store_idx %arg5[%shift_right_arithmetic3A_160, %and3A_163], %broadcast_in_dim3A_20 {add = true} : memref<640x16xf32, #tpu.memory_space<vmem>>[vector<16xi32>, vector<16xi32>], vector<16xf32>,
    %get3A_164 = arith.index_cast %scan3A_100 : i32 to index
    %get3A_165 = arith.constant 112 : index
    %get3A_166 = tpu.vector_load %arg4[%get3A_164, %get3A_165] {strides = array<i32>} : memref<79x128xi32, #tpu.memory_space<vmem>>, vector<16xi32>,
    %shift_right_arithmetic3A_167 = arith.constant 4 : i32
    %shift_right_arithmetic3A_168 = vector.broadcast %shift_right_arithmetic3A_167 : i32 to vector<16xi32>
    %shift_right_arithmetic3A_169 = arith.shrsi %get3A_166, %shift_right_arithmetic3A_168 : vector<16xi32>
    %and3A_170 = arith.constant 15 : i32
    %and3A_171 = vector.broadcast %and3A_170 : i32 to vector<16xi32>
    %and3A_172 = arith.andi %get3A_166, %and3A_171 : vector<16xi32>
    tpu.vector_store_idx %arg5[%shift_right_arithmetic3A_169, %and3A_172], %broadcast_in_dim3A_20 {add = true} : memref<640x16xf32, #tpu.memory_space<vmem>>[vector<16xi32>, vector<16xi32>], vector<16xf32>,
    %scan3A_173 = arith.constant 0 : i32
    %scan3A_174 = arith.constant 78 : i32
    %lt3A_175 = arith.constant 4 : i32
    %lt3A_176 = arith.cmpi slt, %add3A, %lt3A_175 : i32
    %convert_element_type3A_177 = arith.extui %lt3A_176 : i1 to i32
    %cond3A_178 = arith.constant 0 : i32
    %cond3A_179 = arith.cmpi ne, %convert_element_type3A_177, %cond3A_178 : i32
    scf.if %cond3A_179 {
      %get3A_480 = arith.constant 78 : i32
      %get3A_481 = arith.index_cast %get3A_480 : i32 to index
      %get3A_482 = arith.constant 0 : index
      %get3A_483 = tpu.vector_load %arg4[%get3A_481, %get3A_482] {strides = array<i32>} : memref<79x128xi32, #tpu.memory_space<vmem>>, vector<16xi32>,
      %shift_right_arithmetic3A_484 = arith.constant 4 : i32
      %shift_right_arithmetic3A_485 = vector.broadcast %shift_right_arithmetic3A_484 : i32 to vector<16xi32>
      %shift_right_arithmetic3A_486 = arith.shrsi %get3A_483, %shift_right_arithmetic3A_485 : vector<16xi32>
      %and3A_487 = arith.constant 15 : i32
      %and3A_488 = vector.broadcast %and3A_487 : i32 to vector<16xi32>
      %and3A_489 = arith.andi %get3A_483, %and3A_488 : vector<16xi32>
      tpu.vector_store_idx %arg5[%shift_right_arithmetic3A_486, %and3A_489], %broadcast_in_dim3A_20 {add = true} : memref<640x16xf32, #tpu.memory_space<vmem>>[vector<16xi32>, vector<16xi32>], vector<16xf32>,
      %get3A_490 = arith.constant 78 : i32
      %get3A_491 = arith.index_cast %get3A_490 : i32 to index
      %get3A_492 = arith.constant 16 : index
      %get3A_493 = tpu.vector_load %arg4[%get3A_491, %get3A_492] {strides = array<i32>} : memref<79x128xi32, #tpu.memory_space<vmem>>, vector<16xi32>,
      %shift_right_arithmetic3A_494 = arith.constant 4 : i32
      %shift_right_arithmetic3A_495 = vector.broadcast %shift_right_arithmetic3A_494 : i32 to vector<16xi32>
      %shift_right_arithmetic3A_496 = arith.shrsi %get3A_493, %shift_right_arithmetic3A_495 : vector<16xi32>
      %and3A_497 = arith.constant 15 : i32
      %and3A_498 = vector.broadcast %and3A_497 : i32 to vector<16xi32>
      %and3A_499 = arith.andi %get3A_493, %and3A_498 : vector<16xi32>
      tpu.vector_store_idx %arg5[%shift_right_arithmetic3A_496, %and3A_499], %broadcast_in_dim3A_20 {add = true} : memref<640x16xf32, #tpu.memory_space<vmem>>[vector<16xi32>, vector<16xi32>], vector<16xf32>,
      %get3A_500 = arith.constant 78 : i32
      %get3A_501 = arith.index_cast %get3A_500 : i32 to index
      %get3A_502 = arith.constant 32 : index
      %get3A_503 = tpu.vector_load %arg4[%get3A_501, %get3A_502] {strides = array<i32>} : memref<79x128xi32, #tpu.memory_space<vmem>>, vector<16xi32>,
      %shift_right_arithmetic3A_504 = arith.constant 4 : i32
      %shift_right_arithmetic3A_505 = vector.broadcast %shift_right_arithmetic3A_504 : i32 to vector<16xi32>
      %shift_right_arithmetic3A_506 = arith.shrsi %get3A_503, %shift_right_arithmetic3A_505 : vector<16xi32>
      %and3A_507 = arith.constant 15 : i32
      %and3A_508 = vector.broadcast %and3A_507 : i32 to vector<16xi32>
      %and3A_509 = arith.andi %get3A_503, %and3A_508 : vector<16xi32>
      tpu.vector_store_idx %arg5[%shift_right_arithmetic3A_506, %and3A_509], %broadcast_in_dim3A_20 {add = true} : memref<640x16xf32, #tpu.memory_space<vmem>>[vector<16xi32>, vector<16xi32>], vector<16xf32>,
      %get3A_510 = arith.constant 78 : i32
      %get3A_511 = arith.index_cast %get3A_510 : i32 to index
      %get3A_512 = arith.constant 48 : index
      %get3A_513 = tpu.vector_load %arg4[%get3A_511, %get3A_512] {strides = array<i32>} : memref<79x128xi32, #tpu.memory_space<vmem>>, vector<16xi32>,
      %shift_right_arithmetic3A_514 = arith.constant 4 : i32
      %shift_right_arithmetic3A_515 = vector.broadcast %shift_right_arithmetic3A_514 : i32 to vector<16xi32>
      %shift_right_arithmetic3A_516 = arith.shrsi %get3A_513, %shift_right_arithmetic3A_515 : vector<16xi32>
      %and3A_517 = arith.constant 15 : i32
      %and3A_518 = vector.broadcast %and3A_517 : i32 to vector<16xi32>
      %and3A_519 = arith.andi %get3A_513, %and3A_518 : vector<16xi32>
      tpu.vector_store_idx %arg5[%shift_right_arithmetic3A_516, %and3A_519], %broadcast_in_dim3A_20 {add = true} : memref<640x16xf32, #tpu.memory_space<vmem>>[vector<16xi32>, vector<16xi32>], vector<16xf32>,
      %get3A_520 = arith.constant 78 : i32
      %get3A_521 = arith.index_cast %get3A_520 : i32 to index
      %get3A_522 = arith.constant 64 : index
      %get3A_523 = tpu.vector_load %arg4[%get3A_521, %get3A_522] {strides = array<i32>} : memref<79x128xi32, #tpu.memory_space<vmem>>, vector<16xi32>,
      %shift_right_arithmetic3A_524 = arith.constant 4 : i32
      %shift_right_arithmetic3A_525 = vector.broadcast %shift_right_arithmetic3A_524 : i32 to vector<16xi32>
      %shift_right_arithmetic3A_526 = arith.shrsi %get3A_523, %shift_right_arithmetic3A_525 : vector<16xi32>
      %and3A_527 = arith.constant 15 : i32
      %and3A_528 = vector.broadcast %and3A_527 : i32 to vector<16xi32>
      %and3A_529 = arith.andi %get3A_523, %and3A_528 : vector<16xi32>
      tpu.vector_store_idx %arg5[%shift_right_arithmetic3A_526, %and3A_529], %broadcast_in_dim3A_20 {add = true} : memref<640x16xf32, #tpu.memory_space<vmem>>[vector<16xi32>, vector<16xi32>], vector<16xf32>,
      %get3A_530 = arith.constant 78 : i32
      %get3A_531 = arith.index_cast %get3A_530 : i32 to index
      %get3A_532 = arith.constant 80 : index
      %get3A_533 = tpu.vector_load %arg4[%get3A_531, %get3A_532] {strides = array<i32>} : memref<79x128xi32, #tpu.memory_space<vmem>>, vector<16xi32>,
      %shift_right_arithmetic3A_534 = arith.constant 4 : i32
      %shift_right_arithmetic3A_535 = vector.broadcast %shift_right_arithmetic3A_534 : i32 to vector<16xi32>
      %shift_right_arithmetic3A_536 = arith.shrsi %get3A_533, %shift_right_arithmetic3A_535 : vector<16xi32>
      %and3A_537 = arith.constant 15 : i32
      %and3A_538 = vector.broadcast %and3A_537 : i32 to vector<16xi32>
      %and3A_539 = arith.andi %get3A_533, %and3A_538 : vector<16xi32>
      tpu.vector_store_idx %arg5[%shift_right_arithmetic3A_536, %and3A_539], %broadcast_in_dim3A_20 {add = true} : memref<640x16xf32, #tpu.memory_space<vmem>>[vector<16xi32>, vector<16xi32>], vector<16xf32>,
      %get3A_540 = arith.constant 78 : i32
      %get3A_541 = arith.index_cast %get3A_540 : i32 to index
      %get3A_542 = arith.constant 96 : index
      %get3A_543 = tpu.vector_load %arg4[%get3A_541, %get3A_542] {strides = array<i32>} : memref<79x128xi32, #tpu.memory_space<vmem>>, vector<16xi32>,
      %shift_right_arithmetic3A_544 = arith.constant 4 : i32
      %shift_right_arithmetic3A_545 = vector.broadcast %shift_right_arithmetic3A_544 : i32 to vector<16xi32>
      %shift_right_arithmetic3A_546 = arith.shrsi %get3A_543, %shift_right_arithmetic3A_545 : vector<16xi32>
      %and3A_547 = arith.constant 15 : i32
      %and3A_548 = vector.broadcast %and3A_547 : i32 to vector<16xi32>
      %and3A_549 = arith.andi %get3A_543, %and3A_548 : vector<16xi32>
      tpu.vector_store_idx %arg5[%shift_right_arithmetic3A_546, %and3A_549], %broadcast_in_dim3A_20 {add = true} : memref<640x16xf32, #tpu.memory_space<vmem>>[vector<16xi32>, vector<16xi32>], vector<16xf32>,
      %get3A_550 = arith.constant 78 : i32
      %get3A_551 = arith.index_cast %get3A_550 : i32 to index
      %get3A_552 = arith.constant 112 : index
      %get3A_553 = tpu.vector_load %arg4[%get3A_551, %get3A_552] {strides = array<i32>} : memref<79x128xi32, #tpu.memory_space<vmem>>, vector<16xi32>,
      %shift_right_arithmetic3A_554 = arith.constant 4 : i32
      %shift_right_arithmetic3A_555 = vector.broadcast %shift_right_arithmetic3A_554 : i32 to vector<16xi32>
      %shift_right_arithmetic3A_556 = arith.shrsi %get3A_553, %shift_right_arithmetic3A_555 : vector<16xi32>
      %and3A_557 = arith.constant 15 : i32
      %and3A_558 = vector.broadcast %and3A_557 : i32 to vector<16xi32>
      %and3A_559 = arith.andi %get3A_553, %and3A_558 : vector<16xi32>
      tpu.vector_store_idx %arg5[%shift_right_arithmetic3A_556, %and3A_559], %broadcast_in_dim3A_20 {add = true} : memref<640x16xf32, #tpu.memory_space<vmem>>[vector<16xi32>, vector<16xi32>], vector<16xf32>,
    } else {
    }
    %iota3A = tpu.iota {dimensions = array<i32: 0>} : vector<16xi32>
    %add3A_180 = arith.constant 0 : i32
    %add3A_181 = vector.broadcast %add3A_180 : i32 to vector<16xi32>
    %add3A_182 = arith.addi %iota3A, %add3A_181 : vector<16xi32>
    %swap3A = arith.constant 0 : i32
    %swap3A_183 = arith.index_cast %swap3A : i32 to index
    %swap3A_184 = arith.constant 0 : index
    %swap3A_185 = tpu.vector_load %arg6[%swap3A_183, %swap3A_184] {strides = array<i32>} : memref<5x128xi32, #tpu.memory_space<vmem>>, vector<16xi32>,
    tpu.vector_store %arg6[%swap3A_183, %swap3A_184], %add3A_182 {strides = array<i32>} : memref<5x128xi32, #tpu.memory_space<vmem>>, vector<16xi32>,
    %add3A_186 = arith.constant 16 : i32
    %add3A_187 = vector.broadcast %add3A_186 : i32 to vector<16xi32>
    %add3A_188 = arith.addi %iota3A, %add3A_187 : vector<16xi32>
    %swap3A_189 = arith.constant 0 : i32
    %swap3A_190 = arith.index_cast %swap3A_189 : i32 to index
    %swap3A_191 = arith.constant 16 : index
    %swap3A_192 = tpu.vector_load %arg6[%swap3A_190, %swap3A_191] {strides = array<i32>} : memref<5x128xi32, #tpu.memory_space<vmem>>, vector<16xi32>,
    tpu.vector_store %arg6[%swap3A_190, %swap3A_191], %add3A_188 {strides = array<i32>} : memref<5x128xi32, #tpu.memory_space<vmem>>, vector<16xi32>,
    %add3A_193 = arith.constant 32 : i32
    %add3A_194 = vector.broadcast %add3A_193 : i32 to vector<16xi32>
    %add3A_195 = arith.addi %iota3A, %add3A_194 : vector<16xi32>
    %swap3A_196 = arith.constant 0 : i32
    %swap3A_197 = arith.index_cast %swap3A_196 : i32 to index
    %swap3A_198 = arith.constant 32 : index
    %swap3A_199 = tpu.vector_load %arg6[%swap3A_197, %swap3A_198] {strides = array<i32>} : memref<5x128xi32, #tpu.memory_space<vmem>>, vector<16xi32>,
    tpu.vector_store %arg6[%swap3A_197, %swap3A_198], %add3A_195 {strides = array<i32>} : memref<5x128xi32, #tpu.memory_space<vmem>>, vector<16xi32>,
    %add3A_200 = arith.constant 48 : i32
    %add3A_201 = vector.broadcast %add3A_200 : i32 to vector<16xi32>
    %add3A_202 = arith.addi %iota3A, %add3A_201 : vector<16xi32>
    %swap3A_203 = arith.constant 0 : i32
    %swap3A_204 = arith.index_cast %swap3A_203 : i32 to index
    %swap3A_205 = arith.constant 48 : index
    %swap3A_206 = tpu.vector_load %arg6[%swap3A_204, %swap3A_205] {strides = array<i32>} : memref<5x128xi32, #tpu.memory_space<vmem>>, vector<16xi32>,
    tpu.vector_store %arg6[%swap3A_204, %swap3A_205], %add3A_202 {strides = array<i32>} : memref<5x128xi32, #tpu.memory_space<vmem>>, vector<16xi32>,
    %add3A_207 = arith.constant 64 : i32
    %add3A_208 = vector.broadcast %add3A_207 : i32 to vector<16xi32>
    %add3A_209 = arith.addi %iota3A, %add3A_208 : vector<16xi32>
    %swap3A_210 = arith.constant 0 : i32
    %swap3A_211 = arith.index_cast %swap3A_210 : i32 to index
    %swap3A_212 = arith.constant 64 : index
    %swap3A_213 = tpu.vector_load %arg6[%swap3A_211, %swap3A_212] {strides = array<i32>} : memref<5x128xi32, #tpu.memory_space<vmem>>, vector<16xi32>,
    tpu.vector_store %arg6[%swap3A_211, %swap3A_212], %add3A_209 {strides = array<i32>} : memref<5x128xi32, #tpu.memory_space<vmem>>, vector<16xi32>,
    %add3A_214 = arith.constant 80 : i32
    %add3A_215 = vector.broadcast %add3A_214 : i32 to vector<16xi32>
    %add3A_216 = arith.addi %iota3A, %add3A_215 : vector<16xi32>
    %swap3A_217 = arith.constant 0 : i32
    %swap3A_218 = arith.index_cast %swap3A_217 : i32 to index
    %swap3A_219 = arith.constant 80 : index
    %swap3A_220 = tpu.vector_load %arg6[%swap3A_218, %swap3A_219] {strides = array<i32>} : memref<5x128xi32, #tpu.memory_space<vmem>>, vector<16xi32>,
    tpu.vector_store %arg6[%swap3A_218, %swap3A_219], %add3A_216 {strides = array<i32>} : memref<5x128xi32, #tpu.memory_space<vmem>>, vector<16xi32>,
    %add3A_221 = arith.constant 96 : i32
    %add3A_222 = vector.broadcast %add3A_221 : i32 to vector<16xi32>
    %add3A_223 = arith.addi %iota3A, %add3A_222 : vector<16xi32>
    %swap3A_224 = arith.constant 0 : i32
    %swap3A_225 = arith.index_cast %swap3A_224 : i32 to index
    %swap3A_226 = arith.constant 96 : index
    %swap3A_227 = tpu.vector_load %arg6[%swap3A_225, %swap3A_226] {strides = array<i32>} : memref<5x128xi32, #tpu.memory_space<vmem>>, vector<16xi32>,
    tpu.vector_store %arg6[%swap3A_225, %swap3A_226], %add3A_223 {strides = array<i32>} : memref<5x128xi32, #tpu.memory_space<vmem>>, vector<16xi32>,
    %add3A_228 = arith.constant 112 : i32
    %add3A_229 = vector.broadcast %add3A_228 : i32 to vector<16xi32>
    %add3A_230 = arith.addi %iota3A, %add3A_229 : vector<16xi32>
    %swap3A_231 = arith.constant 0 : i32
    %swap3A_232 = arith.index_cast %swap3A_231 : i32 to index
    %swap3A_233 = arith.constant 112 : index
    %swap3A_234 = tpu.vector_load %arg6[%swap3A_232, %swap3A_233] {strides = array<i32>} : memref<5x128xi32, #tpu.memory_space<vmem>>, vector<16xi32>,
    tpu.vector_store %arg6[%swap3A_232, %swap3A_233], %add3A_230 {strides = array<i32>} : memref<5x128xi32, #tpu.memory_space<vmem>>, vector<16xi32>,
    %add3A_235 = arith.constant 128 : i32
    %add3A_236 = vector.broadcast %add3A_235 : i32 to vector<16xi32>
    %add3A_237 = arith.addi %iota3A, %add3A_236 : vector<16xi32>
    %swap3A_238 = arith.constant 1 : i32
    %swap3A_239 = arith.index_cast %swap3A_238 : i32 to index
    %swap3A_240 = arith.constant 0 : index
    %swap3A_241 = tpu.vector_load %arg6[%swap3A_239, %swap3A_240] {strides = array<i32>} : memref<5x128xi32, #tpu.memory_space<vmem>>, vector<16xi32>,
    tpu.vector_store %arg6[%swap3A_239, %swap3A_240], %add3A_237 {strides = array<i32>} : memref<5x128xi32, #tpu.memory_space<vmem>>, vector<16xi32>,
    %add3A_242 = arith.constant 144 : i32
    %add3A_243 = vector.broadcast %add3A_242 : i32 to vector<16xi32>
    %add3A_244 = arith.addi %iota3A, %add3A_243 : vector<16xi32>
    %swap3A_245 = arith.constant 1 : i32
    %swap3A_246 = arith.index_cast %swap3A_245 : i32 to index
    %swap3A_247 = arith.constant 16 : index
    %swap3A_248 = tpu.vector_load %arg6[%swap3A_246, %swap3A_247] {strides = array<i32>} : memref<5x128xi32, #tpu.memory_space<vmem>>, vector<16xi32>,
    tpu.vector_store %arg6[%swap3A_246, %swap3A_247], %add3A_244 {strides = array<i32>} : memref<5x128xi32, #tpu.memory_space<vmem>>, vector<16xi32>,
    %add3A_249 = arith.constant 160 : i32
    %add3A_250 = vector.broadcast %add3A_249 : i32 to vector<16xi32>
    %add3A_251 = arith.addi %iota3A, %add3A_250 : vector<16xi32>
    %swap3A_252 = arith.constant 1 : i32
    %swap3A_253 = arith.index_cast %swap3A_252 : i32 to index
    %swap3A_254 = arith.constant 32 : index
    %swap3A_255 = tpu.vector_load %arg6[%swap3A_253, %swap3A_254] {strides = array<i32>} : memref<5x128xi32, #tpu.memory_space<vmem>>, vector<16xi32>,
    tpu.vector_store %arg6[%swap3A_253, %swap3A_254], %add3A_251 {strides = array<i32>} : memref<5x128xi32, #tpu.memory_space<vmem>>, vector<16xi32>,
    %add3A_256 = arith.constant 176 : i32
    %add3A_257 = vector.broadcast %add3A_256 : i32 to vector<16xi32>
    %add3A_258 = arith.addi %iota3A, %add3A_257 : vector<16xi32>
    %swap3A_259 = arith.constant 1 : i32
    %swap3A_260 = arith.index_cast %swap3A_259 : i32 to index
    %swap3A_261 = arith.constant 48 : index
    %swap3A_262 = tpu.vector_load %arg6[%swap3A_260, %swap3A_261] {strides = array<i32>} : memref<5x128xi32, #tpu.memory_space<vmem>>, vector<16xi32>,
    tpu.vector_store %arg6[%swap3A_260, %swap3A_261], %add3A_258 {strides = array<i32>} : memref<5x128xi32, #tpu.memory_space<vmem>>, vector<16xi32>,
    %add3A_263 = arith.constant 192 : i32
    %add3A_264 = vector.broadcast %add3A_263 : i32 to vector<16xi32>
    %add3A_265 = arith.addi %iota3A, %add3A_264 : vector<16xi32>
    %swap3A_266 = arith.constant 1 : i32
    %swap3A_267 = arith.index_cast %swap3A_266 : i32 to index
    %swap3A_268 = arith.constant 64 : index
    %swap3A_269 = tpu.vector_load %arg6[%swap3A_267, %swap3A_268] {strides = array<i32>} : memref<5x128xi32, #tpu.memory_space<vmem>>, vector<16xi32>,
    tpu.vector_store %arg6[%swap3A_267, %swap3A_268], %add3A_265 {strides = array<i32>} : memref<5x128xi32, #tpu.memory_space<vmem>>, vector<16xi32>,
    %add3A_270 = arith.constant 208 : i32
    %add3A_271 = vector.broadcast %add3A_270 : i32 to vector<16xi32>
    %add3A_272 = arith.addi %iota3A, %add3A_271 : vector<16xi32>
    %swap3A_273 = arith.constant 1 : i32
    %swap3A_274 = arith.index_cast %swap3A_273 : i32 to index
    %swap3A_275 = arith.constant 80 : index
    %swap3A_276 = tpu.vector_load %arg6[%swap3A_274, %swap3A_275] {strides = array<i32>} : memref<5x128xi32, #tpu.memory_space<vmem>>, vector<16xi32>,
    tpu.vector_store %arg6[%swap3A_274, %swap3A_275], %add3A_272 {strides = array<i32>} : memref<5x128xi32, #tpu.memory_space<vmem>>, vector<16xi32>,
    %add3A_277 = arith.constant 224 : i32
    %add3A_278 = vector.broadcast %add3A_277 : i32 to vector<16xi32>
    %add3A_279 = arith.addi %iota3A, %add3A_278 : vector<16xi32>
    %swap3A_280 = arith.constant 1 : i32
    %swap3A_281 = arith.index_cast %swap3A_280 : i32 to index
    %swap3A_282 = arith.constant 96 : index
    %swap3A_283 = tpu.vector_load %arg6[%swap3A_281, %swap3A_282] {strides = array<i32>} : memref<5x128xi32, #tpu.memory_space<vmem>>, vector<16xi32>,
    tpu.vector_store %arg6[%swap3A_281, %swap3A_282], %add3A_279 {strides = array<i32>} : memref<5x128xi32, #tpu.memory_space<vmem>>, vector<16xi32>,
    %add3A_284 = arith.constant 240 : i32
    %add3A_285 = vector.broadcast %add3A_284 : i32 to vector<16xi32>
    %add3A_286 = arith.addi %iota3A, %add3A_285 : vector<16xi32>
    %swap3A_287 = arith.constant 1 : i32
    %swap3A_288 = arith.index_cast %swap3A_287 : i32 to index
    %swap3A_289 = arith.constant 112 : index
    %swap3A_290 = tpu.vector_load %arg6[%swap3A_288, %swap3A_289] {strides = array<i32>} : memref<5x128xi32, #tpu.memory_space<vmem>>, vector<16xi32>,
    tpu.vector_store %arg6[%swap3A_288, %swap3A_289], %add3A_286 {strides = array<i32>} : memref<5x128xi32, #tpu.memory_space<vmem>>, vector<16xi32>,
    %add3A_291 = arith.constant 256 : i32
    %add3A_292 = vector.broadcast %add3A_291 : i32 to vector<16xi32>
    %add3A_293 = arith.addi %iota3A, %add3A_292 : vector<16xi32>
    %swap3A_294 = arith.constant 2 : i32
    %swap3A_295 = arith.index_cast %swap3A_294 : i32 to index
    %swap3A_296 = arith.constant 0 : index
    %swap3A_297 = tpu.vector_load %arg6[%swap3A_295, %swap3A_296] {strides = array<i32>} : memref<5x128xi32, #tpu.memory_space<vmem>>, vector<16xi32>,
    tpu.vector_store %arg6[%swap3A_295, %swap3A_296], %add3A_293 {strides = array<i32>} : memref<5x128xi32, #tpu.memory_space<vmem>>, vector<16xi32>,
    %add3A_298 = arith.constant 272 : i32
    %add3A_299 = vector.broadcast %add3A_298 : i32 to vector<16xi32>
    %add3A_300 = arith.addi %iota3A, %add3A_299 : vector<16xi32>
    %swap3A_301 = arith.constant 2 : i32
    %swap3A_302 = arith.index_cast %swap3A_301 : i32 to index
    %swap3A_303 = arith.constant 16 : index
    %swap3A_304 = tpu.vector_load %arg6[%swap3A_302, %swap3A_303] {strides = array<i32>} : memref<5x128xi32, #tpu.memory_space<vmem>>, vector<16xi32>,
    tpu.vector_store %arg6[%swap3A_302, %swap3A_303], %add3A_300 {strides = array<i32>} : memref<5x128xi32, #tpu.memory_space<vmem>>, vector<16xi32>,
    %add3A_305 = arith.constant 288 : i32
    %add3A_306 = vector.broadcast %add3A_305 : i32 to vector<16xi32>
    %add3A_307 = arith.addi %iota3A, %add3A_306 : vector<16xi32>
    %swap3A_308 = arith.constant 2 : i32
    %swap3A_309 = arith.index_cast %swap3A_308 : i32 to index
    %swap3A_310 = arith.constant 32 : index
    %swap3A_311 = tpu.vector_load %arg6[%swap3A_309, %swap3A_310] {strides = array<i32>} : memref<5x128xi32, #tpu.memory_space<vmem>>, vector<16xi32>,
    tpu.vector_store %arg6[%swap3A_309, %swap3A_310], %add3A_307 {strides = array<i32>} : memref<5x128xi32, #tpu.memory_space<vmem>>, vector<16xi32>,
    %add3A_312 = arith.constant 304 : i32
    %add3A_313 = vector.broadcast %add3A_312 : i32 to vector<16xi32>
    %add3A_314 = arith.addi %iota3A, %add3A_313 : vector<16xi32>
    %swap3A_315 = arith.constant 2 : i32
    %swap3A_316 = arith.index_cast %swap3A_315 : i32 to index
    %swap3A_317 = arith.constant 48 : index
    %swap3A_318 = tpu.vector_load %arg6[%swap3A_316, %swap3A_317] {strides = array<i32>} : memref<5x128xi32, #tpu.memory_space<vmem>>, vector<16xi32>,
    tpu.vector_store %arg6[%swap3A_316, %swap3A_317], %add3A_314 {strides = array<i32>} : memref<5x128xi32, #tpu.memory_space<vmem>>, vector<16xi32>,
    %add3A_319 = arith.constant 320 : i32
    %add3A_320 = vector.broadcast %add3A_319 : i32 to vector<16xi32>
    %add3A_321 = arith.addi %iota3A, %add3A_320 : vector<16xi32>
    %swap3A_322 = arith.constant 2 : i32
    %swap3A_323 = arith.index_cast %swap3A_322 : i32 to index
    %swap3A_324 = arith.constant 64 : index
    %swap3A_325 = tpu.vector_load %arg6[%swap3A_323, %swap3A_324] {strides = array<i32>} : memref<5x128xi32, #tpu.memory_space<vmem>>, vector<16xi32>,
    tpu.vector_store %arg6[%swap3A_323, %swap3A_324], %add3A_321 {strides = array<i32>} : memref<5x128xi32, #tpu.memory_space<vmem>>, vector<16xi32>,
    %add3A_326 = arith.constant 336 : i32
    %add3A_327 = vector.broadcast %add3A_326 : i32 to vector<16xi32>
    %add3A_328 = arith.addi %iota3A, %add3A_327 : vector<16xi32>
    %swap3A_329 = arith.constant 2 : i32
    %swap3A_330 = arith.index_cast %swap3A_329 : i32 to index
    %swap3A_331 = arith.constant 80 : index
    %swap3A_332 = tpu.vector_load %arg6[%swap3A_330, %swap3A_331] {strides = array<i32>} : memref<5x128xi32, #tpu.memory_space<vmem>>, vector<16xi32>,
    tpu.vector_store %arg6[%swap3A_330, %swap3A_331], %add3A_328 {strides = array<i32>} : memref<5x128xi32, #tpu.memory_space<vmem>>, vector<16xi32>,
    %add3A_333 = arith.constant 352 : i32
    %add3A_334 = vector.broadcast %add3A_333 : i32 to vector<16xi32>
    %add3A_335 = arith.addi %iota3A, %add3A_334 : vector<16xi32>
    %swap3A_336 = arith.constant 2 : i32
    %swap3A_337 = arith.index_cast %swap3A_336 : i32 to index
    %swap3A_338 = arith.constant 96 : index
    %swap3A_339 = tpu.vector_load %arg6[%swap3A_337, %swap3A_338] {strides = array<i32>} : memref<5x128xi32, #tpu.memory_space<vmem>>, vector<16xi32>,
    tpu.vector_store %arg6[%swap3A_337, %swap3A_338], %add3A_335 {strides = array<i32>} : memref<5x128xi32, #tpu.memory_space<vmem>>, vector<16xi32>,
    %add3A_340 = arith.constant 368 : i32
    %add3A_341 = vector.broadcast %add3A_340 : i32 to vector<16xi32>
    %add3A_342 = arith.addi %iota3A, %add3A_341 : vector<16xi32>
    %swap3A_343 = arith.constant 2 : i32
    %swap3A_344 = arith.index_cast %swap3A_343 : i32 to index
    %swap3A_345 = arith.constant 112 : index
    %swap3A_346 = tpu.vector_load %arg6[%swap3A_344, %swap3A_345] {strides = array<i32>} : memref<5x128xi32, #tpu.memory_space<vmem>>, vector<16xi32>,
    tpu.vector_store %arg6[%swap3A_344, %swap3A_345], %add3A_342 {strides = array<i32>} : memref<5x128xi32, #tpu.memory_space<vmem>>, vector<16xi32>,
    %add3A_347 = arith.constant 384 : i32
    %add3A_348 = vector.broadcast %add3A_347 : i32 to vector<16xi32>
    %add3A_349 = arith.addi %iota3A, %add3A_348 : vector<16xi32>
    %swap3A_350 = arith.constant 3 : i32
    %swap3A_351 = arith.index_cast %swap3A_350 : i32 to index
    %swap3A_352 = arith.constant 0 : index
    %swap3A_353 = tpu.vector_load %arg6[%swap3A_351, %swap3A_352] {strides = array<i32>} : memref<5x128xi32, #tpu.memory_space<vmem>>, vector<16xi32>,
    tpu.vector_store %arg6[%swap3A_351, %swap3A_352], %add3A_349 {strides = array<i32>} : memref<5x128xi32, #tpu.memory_space<vmem>>, vector<16xi32>,
    %add3A_354 = arith.constant 400 : i32
    %add3A_355 = vector.broadcast %add3A_354 : i32 to vector<16xi32>
    %add3A_356 = arith.addi %iota3A, %add3A_355 : vector<16xi32>
    %swap3A_357 = arith.constant 3 : i32
    %swap3A_358 = arith.index_cast %swap3A_357 : i32 to index
    %swap3A_359 = arith.constant 16 : index
    %swap3A_360 = tpu.vector_load %arg6[%swap3A_358, %swap3A_359] {strides = array<i32>} : memref<5x128xi32, #tpu.memory_space<vmem>>, vector<16xi32>,
    tpu.vector_store %arg6[%swap3A_358, %swap3A_359], %add3A_356 {strides = array<i32>} : memref<5x128xi32, #tpu.memory_space<vmem>>, vector<16xi32>,
    %add3A_361 = arith.constant 416 : i32
    %add3A_362 = vector.broadcast %add3A_361 : i32 to vector<16xi32>
    %add3A_363 = arith.addi %iota3A, %add3A_362 : vector<16xi32>
    %swap3A_364 = arith.constant 3 : i32
    %swap3A_365 = arith.index_cast %swap3A_364 : i32 to index
    %swap3A_366 = arith.constant 32 : index
    %swap3A_367 = tpu.vector_load %arg6[%swap3A_365, %swap3A_366] {strides = array<i32>} : memref<5x128xi32, #tpu.memory_space<vmem>>, vector<16xi32>,
    tpu.vector_store %arg6[%swap3A_365, %swap3A_366], %add3A_363 {strides = array<i32>} : memref<5x128xi32, #tpu.memory_space<vmem>>, vector<16xi32>,
    %add3A_368 = arith.constant 432 : i32
    %add3A_369 = vector.broadcast %add3A_368 : i32 to vector<16xi32>
    %add3A_370 = arith.addi %iota3A, %add3A_369 : vector<16xi32>
    %swap3A_371 = arith.constant 3 : i32
    %swap3A_372 = arith.index_cast %swap3A_371 : i32 to index
    %swap3A_373 = arith.constant 48 : index
    %swap3A_374 = tpu.vector_load %arg6[%swap3A_372, %swap3A_373] {strides = array<i32>} : memref<5x128xi32, #tpu.memory_space<vmem>>, vector<16xi32>,
    tpu.vector_store %arg6[%swap3A_372, %swap3A_373], %add3A_370 {strides = array<i32>} : memref<5x128xi32, #tpu.memory_space<vmem>>, vector<16xi32>,
    %add3A_375 = arith.constant 448 : i32
    %add3A_376 = vector.broadcast %add3A_375 : i32 to vector<16xi32>
    %add3A_377 = arith.addi %iota3A, %add3A_376 : vector<16xi32>
    %swap3A_378 = arith.constant 3 : i32
    %swap3A_379 = arith.index_cast %swap3A_378 : i32 to index
    %swap3A_380 = arith.constant 64 : index
    %swap3A_381 = tpu.vector_load %arg6[%swap3A_379, %swap3A_380] {strides = array<i32>} : memref<5x128xi32, #tpu.memory_space<vmem>>, vector<16xi32>,
    tpu.vector_store %arg6[%swap3A_379, %swap3A_380], %add3A_377 {strides = array<i32>} : memref<5x128xi32, #tpu.memory_space<vmem>>, vector<16xi32>,
    %add3A_382 = arith.constant 464 : i32
    %add3A_383 = vector.broadcast %add3A_382 : i32 to vector<16xi32>
    %add3A_384 = arith.addi %iota3A, %add3A_383 : vector<16xi32>
    %swap3A_385 = arith.constant 3 : i32
    %swap3A_386 = arith.index_cast %swap3A_385 : i32 to index
    %swap3A_387 = arith.constant 80 : index
    %swap3A_388 = tpu.vector_load %arg6[%swap3A_386, %swap3A_387] {strides = array<i32>} : memref<5x128xi32, #tpu.memory_space<vmem>>, vector<16xi32>,
    tpu.vector_store %arg6[%swap3A_386, %swap3A_387], %add3A_384 {strides = array<i32>} : memref<5x128xi32, #tpu.memory_space<vmem>>, vector<16xi32>,
    %add3A_389 = arith.constant 480 : i32
    %add3A_390 = vector.broadcast %add3A_389 : i32 to vector<16xi32>
    %add3A_391 = arith.addi %iota3A, %add3A_390 : vector<16xi32>
    %swap3A_392 = arith.constant 3 : i32
    %swap3A_393 = arith.index_cast %swap3A_392 : i32 to index
    %swap3A_394 = arith.constant 96 : index
    %swap3A_395 = tpu.vector_load %arg6[%swap3A_393, %swap3A_394] {strides = array<i32>} : memref<5x128xi32, #tpu.memory_space<vmem>>, vector<16xi32>,
    tpu.vector_store %arg6[%swap3A_393, %swap3A_394], %add3A_391 {strides = array<i32>} : memref<5x128xi32, #tpu.memory_space<vmem>>, vector<16xi32>,
    %add3A_396 = arith.constant 496 : i32
    %add3A_397 = vector.broadcast %add3A_396 : i32 to vector<16xi32>
    %add3A_398 = arith.addi %iota3A, %add3A_397 : vector<16xi32>
    %swap3A_399 = arith.constant 3 : i32
    %swap3A_400 = arith.index_cast %swap3A_399 : i32 to index
    %swap3A_401 = arith.constant 112 : index
    %swap3A_402 = tpu.vector_load %arg6[%swap3A_400, %swap3A_401] {strides = array<i32>} : memref<5x128xi32, #tpu.memory_space<vmem>>, vector<16xi32>,
    tpu.vector_store %arg6[%swap3A_400, %swap3A_401], %add3A_398 {strides = array<i32>} : memref<5x128xi32, #tpu.memory_space<vmem>>, vector<16xi32>,
    %add3A_403 = arith.constant 512 : i32
    %add3A_404 = vector.broadcast %add3A_403 : i32 to vector<16xi32>
    %add3A_405 = arith.addi %iota3A, %add3A_404 : vector<16xi32>
    %swap3A_406 = arith.constant 4 : i32
    %swap3A_407 = arith.index_cast %swap3A_406 : i32 to index
    %swap3A_408 = arith.constant 0 : index
    %swap3A_409 = tpu.vector_load %arg6[%swap3A_407, %swap3A_408] {strides = array<i32>} : memref<5x128xi32, #tpu.memory_space<vmem>>, vector<16xi32>,
    tpu.vector_store %arg6[%swap3A_407, %swap3A_408], %add3A_405 {strides = array<i32>} : memref<5x128xi32, #tpu.memory_space<vmem>>, vector<16xi32>,
    %add3A_410 = arith.constant 528 : i32
    %add3A_411 = vector.broadcast %add3A_410 : i32 to vector<16xi32>
    %add3A_412 = arith.addi %iota3A, %add3A_411 : vector<16xi32>
    %swap3A_413 = arith.constant 4 : i32
    %swap3A_414 = arith.index_cast %swap3A_413 : i32 to index
    %swap3A_415 = arith.constant 16 : index
    %swap3A_416 = tpu.vector_load %arg6[%swap3A_414, %swap3A_415] {strides = array<i32>} : memref<5x128xi32, #tpu.memory_space<vmem>>, vector<16xi32>,
    tpu.vector_store %arg6[%swap3A_414, %swap3A_415], %add3A_412 {strides = array<i32>} : memref<5x128xi32, #tpu.memory_space<vmem>>, vector<16xi32>,
    %add3A_417 = arith.constant 544 : i32
    %add3A_418 = vector.broadcast %add3A_417 : i32 to vector<16xi32>
    %add3A_419 = arith.addi %iota3A, %add3A_418 : vector<16xi32>
    %swap3A_420 = arith.constant 4 : i32
    %swap3A_421 = arith.index_cast %swap3A_420 : i32 to index
    %swap3A_422 = arith.constant 32 : index
    %swap3A_423 = tpu.vector_load %arg6[%swap3A_421, %swap3A_422] {strides = array<i32>} : memref<5x128xi32, #tpu.memory_space<vmem>>, vector<16xi32>,
    tpu.vector_store %arg6[%swap3A_421, %swap3A_422], %add3A_419 {strides = array<i32>} : memref<5x128xi32, #tpu.memory_space<vmem>>, vector<16xi32>,
    %add3A_424 = arith.constant 560 : i32
    %add3A_425 = vector.broadcast %add3A_424 : i32 to vector<16xi32>
    %add3A_426 = arith.addi %iota3A, %add3A_425 : vector<16xi32>
    %swap3A_427 = arith.constant 4 : i32
    %swap3A_428 = arith.index_cast %swap3A_427 : i32 to index
    %swap3A_429 = arith.constant 48 : index
    %swap3A_430 = tpu.vector_load %arg6[%swap3A_428, %swap3A_429] {strides = array<i32>} : memref<5x128xi32, #tpu.memory_space<vmem>>, vector<16xi32>,
    tpu.vector_store %arg6[%swap3A_428, %swap3A_429], %add3A_426 {strides = array<i32>} : memref<5x128xi32, #tpu.memory_space<vmem>>, vector<16xi32>,
    %add3A_431 = arith.constant 576 : i32
    %add3A_432 = vector.broadcast %add3A_431 : i32 to vector<16xi32>
    %add3A_433 = arith.addi %iota3A, %add3A_432 : vector<16xi32>
    %swap3A_434 = arith.constant 4 : i32
    %swap3A_435 = arith.index_cast %swap3A_434 : i32 to index
    %swap3A_436 = arith.constant 64 : index
    %swap3A_437 = tpu.vector_load %arg6[%swap3A_435, %swap3A_436] {strides = array<i32>} : memref<5x128xi32, #tpu.memory_space<vmem>>, vector<16xi32>,
    tpu.vector_store %arg6[%swap3A_435, %swap3A_436], %add3A_433 {strides = array<i32>} : memref<5x128xi32, #tpu.memory_space<vmem>>, vector<16xi32>,
    %add3A_438 = arith.constant 592 : i32
    %add3A_439 = vector.broadcast %add3A_438 : i32 to vector<16xi32>
    %add3A_440 = arith.addi %iota3A, %add3A_439 : vector<16xi32>
    %swap3A_441 = arith.constant 4 : i32
    %swap3A_442 = arith.index_cast %swap3A_441 : i32 to index
    %swap3A_443 = arith.constant 80 : index
    %swap3A_444 = tpu.vector_load %arg6[%swap3A_442, %swap3A_443] {strides = array<i32>} : memref<5x128xi32, #tpu.memory_space<vmem>>, vector<16xi32>,
    tpu.vector_store %arg6[%swap3A_442, %swap3A_443], %add3A_440 {strides = array<i32>} : memref<5x128xi32, #tpu.memory_space<vmem>>, vector<16xi32>,
    %add3A_445 = arith.constant 608 : i32
    %add3A_446 = vector.broadcast %add3A_445 : i32 to vector<16xi32>
    %add3A_447 = arith.addi %iota3A, %add3A_446 : vector<16xi32>
    %swap3A_448 = arith.constant 4 : i32
    %swap3A_449 = arith.index_cast %swap3A_448 : i32 to index
    %swap3A_450 = arith.constant 96 : index
    %swap3A_451 = tpu.vector_load %arg6[%swap3A_449, %swap3A_450] {strides = array<i32>} : memref<5x128xi32, #tpu.memory_space<vmem>>, vector<16xi32>,
    tpu.vector_store %arg6[%swap3A_449, %swap3A_450], %add3A_447 {strides = array<i32>} : memref<5x128xi32, #tpu.memory_space<vmem>>, vector<16xi32>,
    %add3A_452 = arith.constant 624 : i32
    %add3A_453 = vector.broadcast %add3A_452 : i32 to vector<16xi32>
    %add3A_454 = arith.addi %iota3A, %add3A_453 : vector<16xi32>
    %swap3A_455 = arith.constant 4 : i32
    %swap3A_456 = arith.index_cast %swap3A_455 : i32 to index
    %swap3A_457 = arith.constant 112 : index
    %swap3A_458 = tpu.vector_load %arg6[%swap3A_456, %swap3A_457] {strides = array<i32>} : memref<5x128xi32, #tpu.memory_space<vmem>>, vector<16xi32>,
    tpu.vector_store %arg6[%swap3A_456, %swap3A_457], %add3A_454 {strides = array<i32>} : memref<5x128xi32, #tpu.memory_space<vmem>>, vector<16xi32>,
    %run_scoped3A = arith.constant 0 : i32
    "tpu.region"() ({
      %run_scoped3A_480 = tpu.sem_alloc : memref<!tpu.dma_semaphore, #tpu.memory_space<semaphore_mem>>
      %dma_start3A = arith.constant 0 : i32
      %dma_start3A_481 = arith.constant 0 : i32
      %dma_start3A_482 = tpu.memref_slice %arg5[%dma_start3A, %dma_start3A_481] : memref<640x16xf32, #tpu.memory_space<vmem>> -> memref<128x16xf32, #tpu.memory_space<vmem>>
      %dma_start3A_483 = arith.constant 0 : i32
      %dma_start3A_484 = tpu.memref_slice %arg6[%run_scoped3A, %dma_start3A_483] : memref<5x128xi32, #tpu.memory_space<vmem>> -> memref<1x128xi32, #tpu.memory_space<vmem>>
      %dma_start3A_485 = tpu.memref_squeeze %dma_start3A_484 : memref<1x128xi32, #tpu.memory_space<vmem>> -> memref<128xi32, #tpu.memory_space<vmem>>
      %dma_start3A_486 = arith.constant 0 : i32
      %dma_start3A_487 = arith.constant 0 : i32
      %dma_start3A_488 = tpu.memref_slice %arg9[%dma_start3A_486, %dma_start3A_487] : memref<640x16xf32, #tpu.memory_space<vmem_shared>> -> memref<640x16xf32, #tpu.memory_space<vmem_shared>>
      tpu.enqueue_indirect_dma source(%dma_start3A_482 : memref<128x16xf32, #tpu.memory_space<vmem>>) target(%dma_start3A_488 : memref<640x16xf32, #tpu.memory_space<vmem_shared>>) offsets(%dma_start3A_485 : memref<128xi32, #tpu.memory_space<vmem>>) semaphore(%run_scoped3A_480 : memref<!tpu.dma_semaphore, #tpu.memory_space<semaphore_mem>>) {add = true}
      %dma_wait3A = arith.constant 0 : i32
      %dma_wait3A_489 = arith.constant 0 : i32
      %dma_wait3A_490 = tpu.memref_slice %arg5[%dma_wait3A, %dma_wait3A_489] : memref<640x16xf32, #tpu.memory_space<vmem>> -> memref<128x16xf32, #tpu.memory_space<vmem>>
      %dma_wait3A_491 = arith.constant 0 : i32
      %dma_wait3A_492 = tpu.memref_slice %arg6[%run_scoped3A, %dma_wait3A_491] : memref<5x128xi32, #tpu.memory_space<vmem>> -> memref<1x128xi32, #tpu.memory_space<vmem>>
      %dma_wait3A_493 = tpu.memref_squeeze %dma_wait3A_492 : memref<1x128xi32, #tpu.memory_space<vmem>> -> memref<128xi32, #tpu.memory_space<vmem>>
      %dma_wait3A_494 = arith.constant 0 : i32
      %dma_wait3A_495 = arith.constant 0 : i32
      %dma_wait3A_496 = tpu.memref_slice %arg9[%dma_wait3A_494, %dma_wait3A_495] : memref<640x16xf32, #tpu.memory_space<vmem_shared>> -> memref<640x16xf32, #tpu.memory_space<vmem_shared>>
      tpu.wait_indirect_dma semaphore(%run_scoped3A_480 : memref<!tpu.dma_semaphore, #tpu.memory_space<semaphore_mem>>) src(%dma_wait3A_490 : memref<128x16xf32, #tpu.memory_space<vmem>>) dst(%dma_wait3A_496 : memref<640x16xf32, #tpu.memory_space<vmem_shared>>)
      tpu.yield
    }) : () -> ()
    %run_scoped3A_459 = arith.constant 1 : i32
    "tpu.region"() ({
      %run_scoped3A_480 = tpu.sem_alloc : memref<!tpu.dma_semaphore, #tpu.memory_space<semaphore_mem>>
      %dma_start3A = arith.constant 128 : i32
      %dma_start3A_481 = arith.constant 0 : i32
      %dma_start3A_482 = tpu.memref_slice %arg5[%dma_start3A, %dma_start3A_481] : memref<640x16xf32, #tpu.memory_space<vmem>> -> memref<128x16xf32, #tpu.memory_space<vmem>>
      %dma_start3A_483 = arith.constant 0 : i32
      %dma_start3A_484 = tpu.memref_slice %arg6[%run_scoped3A_459, %dma_start3A_483] : memref<5x128xi32, #tpu.memory_space<vmem>> -> memref<1x128xi32, #tpu.memory_space<vmem>>
      %dma_start3A_485 = tpu.memref_squeeze %dma_start3A_484 : memref<1x128xi32, #tpu.memory_space<vmem>> -> memref<128xi32, #tpu.memory_space<vmem>>
      %dma_start3A_486 = arith.constant 0 : i32
      %dma_start3A_487 = arith.constant 0 : i32
      %dma_start3A_488 = tpu.memref_slice %arg9[%dma_start3A_486, %dma_start3A_487] : memref<640x16xf32, #tpu.memory_space<vmem_shared>> -> memref<640x16xf32, #tpu.memory_space<vmem_shared>>
      tpu.enqueue_indirect_dma source(%dma_start3A_482 : memref<128x16xf32, #tpu.memory_space<vmem>>) target(%dma_start3A_488 : memref<640x16xf32, #tpu.memory_space<vmem_shared>>) offsets(%dma_start3A_485 : memref<128xi32, #tpu.memory_space<vmem>>) semaphore(%run_scoped3A_480 : memref<!tpu.dma_semaphore, #tpu.memory_space<semaphore_mem>>) {add = true}
      %dma_wait3A = arith.constant 128 : i32
      %dma_wait3A_489 = arith.constant 0 : i32
      %dma_wait3A_490 = tpu.memref_slice %arg5[%dma_wait3A, %dma_wait3A_489] : memref<640x16xf32, #tpu.memory_space<vmem>> -> memref<128x16xf32, #tpu.memory_space<vmem>>
      %dma_wait3A_491 = arith.constant 0 : i32
      %dma_wait3A_492 = tpu.memref_slice %arg6[%run_scoped3A_459, %dma_wait3A_491] : memref<5x128xi32, #tpu.memory_space<vmem>> -> memref<1x128xi32, #tpu.memory_space<vmem>>
      %dma_wait3A_493 = tpu.memref_squeeze %dma_wait3A_492 : memref<1x128xi32, #tpu.memory_space<vmem>> -> memref<128xi32, #tpu.memory_space<vmem>>
      %dma_wait3A_494 = arith.constant 0 : i32
      %dma_wait3A_495 = arith.constant 0 : i32
      %dma_wait3A_496 = tpu.memref_slice %arg9[%dma_wait3A_494, %dma_wait3A_495] : memref<640x16xf32, #tpu.memory_space<vmem_shared>> -> memref<640x16xf32, #tpu.memory_space<vmem_shared>>
      tpu.wait_indirect_dma semaphore(%run_scoped3A_480 : memref<!tpu.dma_semaphore, #tpu.memory_space<semaphore_mem>>) src(%dma_wait3A_490 : memref<128x16xf32, #tpu.memory_space<vmem>>) dst(%dma_wait3A_496 : memref<640x16xf32, #tpu.memory_space<vmem_shared>>)
      tpu.yield
    }) : () -> ()
    %run_scoped3A_460 = arith.constant 2 : i32
    "tpu.region"() ({
      %run_scoped3A_480 = tpu.sem_alloc : memref<!tpu.dma_semaphore, #tpu.memory_space<semaphore_mem>>
      %dma_start3A = arith.constant 256 : i32
      %dma_start3A_481 = arith.constant 0 : i32
      %dma_start3A_482 = tpu.memref_slice %arg5[%dma_start3A, %dma_start3A_481] : memref<640x16xf32, #tpu.memory_space<vmem>> -> memref<128x16xf32, #tpu.memory_space<vmem>>
      %dma_start3A_483 = arith.constant 0 : i32
      %dma_start3A_484 = tpu.memref_slice %arg6[%run_scoped3A_460, %dma_start3A_483] : memref<5x128xi32, #tpu.memory_space<vmem>> -> memref<1x128xi32, #tpu.memory_space<vmem>>
      %dma_start3A_485 = tpu.memref_squeeze %dma_start3A_484 : memref<1x128xi32, #tpu.memory_space<vmem>> -> memref<128xi32, #tpu.memory_space<vmem>>
      %dma_start3A_486 = arith.constant 0 : i32
      %dma_start3A_487 = arith.constant 0 : i32
      %dma_start3A_488 = tpu.memref_slice %arg9[%dma_start3A_486, %dma_start3A_487] : memref<640x16xf32, #tpu.memory_space<vmem_shared>> -> memref<640x16xf32, #tpu.memory_space<vmem_shared>>
      tpu.enqueue_indirect_dma source(%dma_start3A_482 : memref<128x16xf32, #tpu.memory_space<vmem>>) target(%dma_start3A_488 : memref<640x16xf32, #tpu.memory_space<vmem_shared>>) offsets(%dma_start3A_485 : memref<128xi32, #tpu.memory_space<vmem>>) semaphore(%run_scoped3A_480 : memref<!tpu.dma_semaphore, #tpu.memory_space<semaphore_mem>>) {add = true}
      %dma_wait3A = arith.constant 256 : i32
      %dma_wait3A_489 = arith.constant 0 : i32
      %dma_wait3A_490 = tpu.memref_slice %arg5[%dma_wait3A, %dma_wait3A_489] : memref<640x16xf32, #tpu.memory_space<vmem>> -> memref<128x16xf32, #tpu.memory_space<vmem>>
      %dma_wait3A_491 = arith.constant 0 : i32
      %dma_wait3A_492 = tpu.memref_slice %arg6[%run_scoped3A_460, %dma_wait3A_491] : memref<5x128xi32, #tpu.memory_space<vmem>> -> memref<1x128xi32, #tpu.memory_space<vmem>>
      %dma_wait3A_493 = tpu.memref_squeeze %dma_wait3A_492 : memref<1x128xi32, #tpu.memory_space<vmem>> -> memref<128xi32, #tpu.memory_space<vmem>>
      %dma_wait3A_494 = arith.constant 0 : i32
      %dma_wait3A_495 = arith.constant 0 : i32
      %dma_wait3A_496 = tpu.memref_slice %arg9[%dma_wait3A_494, %dma_wait3A_495] : memref<640x16xf32, #tpu.memory_space<vmem_shared>> -> memref<640x16xf32, #tpu.memory_space<vmem_shared>>
      tpu.wait_indirect_dma semaphore(%run_scoped3A_480 : memref<!tpu.dma_semaphore, #tpu.memory_space<semaphore_mem>>) src(%dma_wait3A_490 : memref<128x16xf32, #tpu.memory_space<vmem>>) dst(%dma_wait3A_496 : memref<640x16xf32, #tpu.memory_space<vmem_shared>>)
      tpu.yield
    }) : () -> ()
    %run_scoped3A_461 = arith.constant 3 : i32
    "tpu.region"() ({
      %run_scoped3A_480 = tpu.sem_alloc : memref<!tpu.dma_semaphore, #tpu.memory_space<semaphore_mem>>
      %dma_start3A = arith.constant 384 : i32
      %dma_start3A_481 = arith.constant 0 : i32
      %dma_start3A_482 = tpu.memref_slice %arg5[%dma_start3A, %dma_start3A_481] : memref<640x16xf32, #tpu.memory_space<vmem>> -> memref<128x16xf32, #tpu.memory_space<vmem>>
      %dma_start3A_483 = arith.constant 0 : i32
      %dma_start3A_484 = tpu.memref_slice %arg6[%run_scoped3A_461, %dma_start3A_483] : memref<5x128xi32, #tpu.memory_space<vmem>> -> memref<1x128xi32, #tpu.memory_space<vmem>>
      %dma_start3A_485 = tpu.memref_squeeze %dma_start3A_484 : memref<1x128xi32, #tpu.memory_space<vmem>> -> memref<128xi32, #tpu.memory_space<vmem>>
      %dma_start3A_486 = arith.constant 0 : i32
      %dma_start3A_487 = arith.constant 0 : i32
      %dma_start3A_488 = tpu.memref_slice %arg9[%dma_start3A_486, %dma_start3A_487] : memref<640x16xf32, #tpu.memory_space<vmem_shared>> -> memref<640x16xf32, #tpu.memory_space<vmem_shared>>
      tpu.enqueue_indirect_dma source(%dma_start3A_482 : memref<128x16xf32, #tpu.memory_space<vmem>>) target(%dma_start3A_488 : memref<640x16xf32, #tpu.memory_space<vmem_shared>>) offsets(%dma_start3A_485 : memref<128xi32, #tpu.memory_space<vmem>>) semaphore(%run_scoped3A_480 : memref<!tpu.dma_semaphore, #tpu.memory_space<semaphore_mem>>) {add = true}
      %dma_wait3A = arith.constant 384 : i32
      %dma_wait3A_489 = arith.constant 0 : i32
      %dma_wait3A_490 = tpu.memref_slice %arg5[%dma_wait3A, %dma_wait3A_489] : memref<640x16xf32, #tpu.memory_space<vmem>> -> memref<128x16xf32, #tpu.memory_space<vmem>>
      %dma_wait3A_491 = arith.constant 0 : i32
      %dma_wait3A_492 = tpu.memref_slice %arg6[%run_scoped3A_461, %dma_wait3A_491] : memref<5x128xi32, #tpu.memory_space<vmem>> -> memref<1x128xi32, #tpu.memory_space<vmem>>
      %dma_wait3A_493 = tpu.memref_squeeze %dma_wait3A_492 : memref<1x128xi32, #tpu.memory_space<vmem>> -> memref<128xi32, #tpu.memory_space<vmem>>
      %dma_wait3A_494 = arith.constant 0 : i32
      %dma_wait3A_495 = arith.constant 0 : i32
      %dma_wait3A_496 = tpu.memref_slice %arg9[%dma_wait3A_494, %dma_wait3A_495] : memref<640x16xf32, #tpu.memory_space<vmem_shared>> -> memref<640x16xf32, #tpu.memory_space<vmem_shared>>
      tpu.wait_indirect_dma semaphore(%run_scoped3A_480 : memref<!tpu.dma_semaphore, #tpu.memory_space<semaphore_mem>>) src(%dma_wait3A_490 : memref<128x16xf32, #tpu.memory_space<vmem>>) dst(%dma_wait3A_496 : memref<640x16xf32, #tpu.memory_space<vmem_shared>>)
      tpu.yield
    }) : () -> ()
    %run_scoped3A_462 = arith.constant 4 : i32
    "tpu.region"() ({
      %run_scoped3A_480 = tpu.sem_alloc : memref<!tpu.dma_semaphore, #tpu.memory_space<semaphore_mem>>
      %dma_start3A = arith.constant 512 : i32
      %dma_start3A_481 = arith.constant 0 : i32
      %dma_start3A_482 = tpu.memref_slice %arg5[%dma_start3A, %dma_start3A_481] : memref<640x16xf32, #tpu.memory_space<vmem>> -> memref<128x16xf32, #tpu.memory_space<vmem>>
      %dma_start3A_483 = arith.constant 0 : i32
      %dma_start3A_484 = tpu.memref_slice %arg6[%run_scoped3A_462, %dma_start3A_483] : memref<5x128xi32, #tpu.memory_space<vmem>> -> memref<1x128xi32, #tpu.memory_space<vmem>>
      %dma_start3A_485 = tpu.memref_squeeze %dma_start3A_484 : memref<1x128xi32, #tpu.memory_space<vmem>> -> memref<128xi32, #tpu.memory_space<vmem>>
      %dma_start3A_486 = arith.constant 0 : i32
      %dma_start3A_487 = arith.constant 0 : i32
      %dma_start3A_488 = tpu.memref_slice %arg9[%dma_start3A_486, %dma_start3A_487] : memref<640x16xf32, #tpu.memory_space<vmem_shared>> -> memref<640x16xf32, #tpu.memory_space<vmem_shared>>
      tpu.enqueue_indirect_dma source(%dma_start3A_482 : memref<128x16xf32, #tpu.memory_space<vmem>>) target(%dma_start3A_488 : memref<640x16xf32, #tpu.memory_space<vmem_shared>>) offsets(%dma_start3A_485 : memref<128xi32, #tpu.memory_space<vmem>>) semaphore(%run_scoped3A_480 : memref<!tpu.dma_semaphore, #tpu.memory_space<semaphore_mem>>) {add = true}
      %dma_wait3A = arith.constant 512 : i32
      %dma_wait3A_489 = arith.constant 0 : i32
      %dma_wait3A_490 = tpu.memref_slice %arg5[%dma_wait3A, %dma_wait3A_489] : memref<640x16xf32, #tpu.memory_space<vmem>> -> memref<128x16xf32, #tpu.memory_space<vmem>>
      %dma_wait3A_491 = arith.constant 0 : i32
      %dma_wait3A_492 = tpu.memref_slice %arg6[%run_scoped3A_462, %dma_wait3A_491] : memref<5x128xi32, #tpu.memory_space<vmem>> -> memref<1x128xi32, #tpu.memory_space<vmem>>
      %dma_wait3A_493 = tpu.memref_squeeze %dma_wait3A_492 : memref<1x128xi32, #tpu.memory_space<vmem>> -> memref<128xi32, #tpu.memory_space<vmem>>
      %dma_wait3A_494 = arith.constant 0 : i32
      %dma_wait3A_495 = arith.constant 0 : i32
      %dma_wait3A_496 = tpu.memref_slice %arg9[%dma_wait3A_494, %dma_wait3A_495] : memref<640x16xf32, #tpu.memory_space<vmem_shared>> -> memref<640x16xf32, #tpu.memory_space<vmem_shared>>
      tpu.wait_indirect_dma semaphore(%run_scoped3A_480 : memref<!tpu.dma_semaphore, #tpu.memory_space<semaphore_mem>>) src(%dma_wait3A_490 : memref<128x16xf32, #tpu.memory_space<vmem>>) dst(%dma_wait3A_496 : memref<640x16xf32, #tpu.memory_space<vmem_shared>>)
      tpu.yield
    }) : () -> ()
    %barrier3A_463 = arith.constant 0 : index
    tpu.barrier barrier_id(%barrier3A_463)
    %mul3A_464 = arith.constant 40 : i32
    %mul3A_465 = arith.muli %arg1, %mul3A_464 : i32
    "tpu.region"() ({
      %run_scoped3A_480 = tpu.sem_alloc : memref<!tpu.dma_semaphore, #tpu.memory_space<semaphore_mem>>
      %dma_start3A = arith.constant 0 : i32
      %dma_start3A_481 = tpu.memref_slice %arg9[%mul3A_465, %dma_start3A] : memref<640x16xf32, #tpu.memory_space<vmem_shared>> -> memref<40x16xf32, #tpu.memory_space<vmem_shared>>
      %dma_start3A_482 = arith.constant 0 : i32
      %dma_start3A_483 = tpu.memref_slice %arg9[%mul3A_465, %dma_start3A_482] : memref<640x16xf32, #tpu.memory_space<vmem_shared>> -> memref<40x16xf32, #tpu.memory_space<vmem_shared>>
      tpu.enqueue_dma source(%dma_start3A_483 : memref<40x16xf32, #tpu.memory_space<vmem_shared>>) target(%arg7 : memref<40x16xf32, #tpu.memory_space<vmem>>) target_semaphore(%run_scoped3A_480 : memref<!tpu.dma_semaphore, #tpu.memory_space<semaphore_mem>>)
      %dma_wait3A = arith.constant 0 : i32
      %dma_wait3A_484 = tpu.memref_slice %arg9[%mul3A_465, %dma_wait3A] : memref<640x16xf32, #tpu.memory_space<vmem_shared>> -> memref<40x16xf32, #tpu.memory_space<vmem_shared>>
      %dma_wait3A_485 = arith.constant 0 : i32
      %dma_wait3A_486 = tpu.memref_slice %arg9[%mul3A_465, %dma_wait3A_485] : memref<640x16xf32, #tpu.memory_space<vmem_shared>> -> memref<40x16xf32, #tpu.memory_space<vmem_shared>>
      tpu.wait_dma2 semaphore(%run_scoped3A_480 : memref<!tpu.dma_semaphore, #tpu.memory_space<semaphore_mem>>) src(%dma_wait3A_486 : memref<40x16xf32, #tpu.memory_space<vmem_shared>>) dst(%arg7 : memref<40x16xf32, #tpu.memory_space<vmem>>)
      tpu.yield
    }) : () -> ()
    %scan3A_466 = arith.constant 0 : i32
    %scan3A_467 = arith.constant 0 : i32
    %scan3A_468 = arith.constant 40 : i32
    %scan3A_469 = arith.addi %scan3A_467, %scan3A_468 : i32
    %scan3A_470 = arith.constant 8 : i32
    %scan3A_471 = scf.for %scan3A_480 = %scan3A_467 to %scan3A_469 step %scan3A_470 iter_args(%scan3A_481 = %scan3A_466) -> (i32)  : i32 {
      %get3A_482 = arith.index_cast %scan3A_480 : i32 to index
      %get3A_483 = arith.constant 0 : index
      %get3A_484 = tpu.vector_load %arg7[%get3A_482, %get3A_483] {strides = array<i32>} : memref<40x16xf32, #tpu.memory_space<vmem>>, vector<16xf32>,
      %mul3A_485 = arith.constant 16 : i32
      %mul3A_486 = arith.muli %scan3A_480, %mul3A_485 : i32
      %swap3A_487 = arith.index_cast %mul3A_486 : i32 to index
      %swap3A_488 = tpu.vector_load %arg8[%swap3A_487] {strides = array<i32>} : memref<640xf32, #tpu.memory_space<vmem>>, vector<16xf32>,
      tpu.vector_store %arg8[%swap3A_487], %get3A_484 {strides = array<i32>} : memref<640xf32, #tpu.memory_space<vmem>>, vector<16xf32>,
      %scan3A_489 = arith.constant 0 : i32
      %scan3A_490 = arith.constant 1 : i32
      %scan3A_491 = arith.addi %scan3A_480, %scan3A_490 : i32
      %get3A_492 = arith.index_cast %scan3A_491 : i32 to index
      %get3A_493 = arith.constant 0 : index
      %get3A_494 = tpu.vector_load %arg7[%get3A_492, %get3A_493] {strides = array<i32>} : memref<40x16xf32, #tpu.memory_space<vmem>>, vector<16xf32>,
      %mul3A_495 = arith.constant 16 : i32
      %mul3A_496 = arith.muli %scan3A_491, %mul3A_495 : i32
      %swap3A_497 = arith.index_cast %mul3A_496 : i32 to index
      %swap3A_498 = tpu.vector_load %arg8[%swap3A_497] {strides = array<i32>} : memref<640xf32, #tpu.memory_space<vmem>>, vector<16xf32>,
      tpu.vector_store %arg8[%swap3A_497], %get3A_494 {strides = array<i32>} : memref<640xf32, #tpu.memory_space<vmem>>, vector<16xf32>,
      %scan3A_499 = arith.constant 0 : i32
      %scan3A_500 = arith.constant 2 : i32
      %scan3A_501 = arith.addi %scan3A_480, %scan3A_500 : i32
      %get3A_502 = arith.index_cast %scan3A_501 : i32 to index
      %get3A_503 = arith.constant 0 : index
      %get3A_504 = tpu.vector_load %arg7[%get3A_502, %get3A_503] {strides = array<i32>} : memref<40x16xf32, #tpu.memory_space<vmem>>, vector<16xf32>,
      %mul3A_505 = arith.constant 16 : i32
      %mul3A_506 = arith.muli %scan3A_501, %mul3A_505 : i32
      %swap3A_507 = arith.index_cast %mul3A_506 : i32 to index
      %swap3A_508 = tpu.vector_load %arg8[%swap3A_507] {strides = array<i32>} : memref<640xf32, #tpu.memory_space<vmem>>, vector<16xf32>,
      tpu.vector_store %arg8[%swap3A_507], %get3A_504 {strides = array<i32>} : memref<640xf32, #tpu.memory_space<vmem>>, vector<16xf32>,
      %scan3A_509 = arith.constant 0 : i32
      %scan3A_510 = arith.constant 3 : i32
      %scan3A_511 = arith.addi %scan3A_480, %scan3A_510 : i32
      %get3A_512 = arith.index_cast %scan3A_511 : i32 to index
      %get3A_513 = arith.constant 0 : index
      %get3A_514 = tpu.vector_load %arg7[%get3A_512, %get3A_513] {strides = array<i32>} : memref<40x16xf32, #tpu.memory_space<vmem>>, vector<16xf32>,
      %mul3A_515 = arith.constant 16 : i32
      %mul3A_516 = arith.muli %scan3A_511, %mul3A_515 : i32
      %swap3A_517 = arith.index_cast %mul3A_516 : i32 to index
      %swap3A_518 = tpu.vector_load %arg8[%swap3A_517] {strides = array<i32>} : memref<640xf32, #tpu.memory_space<vmem>>, vector<16xf32>,
      tpu.vector_store %arg8[%swap3A_517], %get3A_514 {strides = array<i32>} : memref<640xf32, #tpu.memory_space<vmem>>, vector<16xf32>,
      %scan3A_519 = arith.constant 0 : i32
      %scan3A_520 = arith.constant 4 : i32
      %scan3A_521 = arith.addi %scan3A_480, %scan3A_520 : i32
      %get3A_522 = arith.index_cast %scan3A_521 : i32 to index
      %get3A_523 = arith.constant 0 : index
      %get3A_524 = tpu.vector_load %arg7[%get3A_522, %get3A_523] {strides = array<i32>} : memref<40x16xf32, #tpu.memory_space<vmem>>, vector<16xf32>,
      %mul3A_525 = arith.constant 16 : i32
      %mul3A_526 = arith.muli %scan3A_521, %mul3A_525 : i32
      %swap3A_527 = arith.index_cast %mul3A_526 : i32 to index
      %swap3A_528 = tpu.vector_load %arg8[%swap3A_527] {strides = array<i32>} : memref<640xf32, #tpu.memory_space<vmem>>, vector<16xf32>,
      tpu.vector_store %arg8[%swap3A_527], %get3A_524 {strides = array<i32>} : memref<640xf32, #tpu.memory_space<vmem>>, vector<16xf32>,
      %scan3A_529 = arith.constant 0 : i32
      %scan3A_530 = arith.constant 5 : i32
      %scan3A_531 = arith.addi %scan3A_480, %scan3A_530 : i32
      %get3A_532 = arith.index_cast %scan3A_531 : i32 to index
      %get3A_533 = arith.constant 0 : index
      %get3A_534 = tpu.vector_load %arg7[%get3A_532, %get3A_533] {strides = array<i32>} : memref<40x16xf32, #tpu.memory_space<vmem>>, vector<16xf32>,
      %mul3A_535 = arith.constant 16 : i32
      %mul3A_536 = arith.muli %scan3A_531, %mul3A_535 : i32
      %swap3A_537 = arith.index_cast %mul3A_536 : i32 to index
      %swap3A_538 = tpu.vector_load %arg8[%swap3A_537] {strides = array<i32>} : memref<640xf32, #tpu.memory_space<vmem>>, vector<16xf32>,
      tpu.vector_store %arg8[%swap3A_537], %get3A_534 {strides = array<i32>} : memref<640xf32, #tpu.memory_space<vmem>>, vector<16xf32>,
      %scan3A_539 = arith.constant 0 : i32
      %scan3A_540 = arith.constant 6 : i32
      %scan3A_541 = arith.addi %scan3A_480, %scan3A_540 : i32
      %get3A_542 = arith.index_cast %scan3A_541 : i32 to index
      %get3A_543 = arith.constant 0 : index
      %get3A_544 = tpu.vector_load %arg7[%get3A_542, %get3A_543] {strides = array<i32>} : memref<40x16xf32, #tpu.memory_space<vmem>>, vector<16xf32>,
      %mul3A_545 = arith.constant 16 : i32
      %mul3A_546 = arith.muli %scan3A_541, %mul3A_545 : i32
      %swap3A_547 = arith.index_cast %mul3A_546 : i32 to index
      %swap3A_548 = tpu.vector_load %arg8[%swap3A_547] {strides = array<i32>} : memref<640xf32, #tpu.memory_space<vmem>>, vector<16xf32>,
      tpu.vector_store %arg8[%swap3A_547], %get3A_544 {strides = array<i32>} : memref<640xf32, #tpu.memory_space<vmem>>, vector<16xf32>,
      %scan3A_549 = arith.constant 0 : i32
      %scan3A_550 = arith.constant 7 : i32
      %scan3A_551 = arith.addi %scan3A_480, %scan3A_550 : i32
      %get3A_552 = arith.index_cast %scan3A_551 : i32 to index
      %get3A_553 = arith.constant 0 : index
      %get3A_554 = tpu.vector_load %arg7[%get3A_552, %get3A_553] {strides = array<i32>} : memref<40x16xf32, #tpu.memory_space<vmem>>, vector<16xf32>,
      %mul3A_555 = arith.constant 16 : i32
      %mul3A_556 = arith.muli %scan3A_551, %mul3A_555 : i32
      %swap3A_557 = arith.index_cast %mul3A_556 : i32 to index
      %swap3A_558 = tpu.vector_load %arg8[%swap3A_557] {strides = array<i32>} : memref<640xf32, #tpu.memory_space<vmem>>, vector<16xf32>,
      tpu.vector_store %arg8[%swap3A_557], %get3A_554 {strides = array<i32>} : memref<640xf32, #tpu.memory_space<vmem>>, vector<16xf32>,
      %scan3A_559 = arith.constant 0 : i32
      scf.yield %scan3A_559 : i32
    }
    %scan3A_472 = arith.constant 40 : i32
    %mul3A_473 = arith.constant 10240 : i32
    %mul3A_474 = arith.muli %arg0, %mul3A_473 : i32
    %mul3A_475 = arith.constant 40 : i32
    %mul3A_476 = arith.muli %arg1, %mul3A_475 : i32
    %mul3A_477 = arith.constant 16 : i32
    %mul3A_478 = arith.muli %mul3A_476, %mul3A_477 : i32
    %add3A_479 = arith.addi %mul3A_474, %mul3A_478 : i32
    "tpu.region"() ({
      %run_scoped3A_480 = tpu.sem_alloc : memref<!tpu.dma_semaphore, #tpu.memory_space<semaphore_mem>>
      %dma_start3A = tpu.memref_slice %arg3[%add3A_479] : memref<20480xf32, #tpu.memory_space<hbm>> -> memref<640xf32, #tpu.memory_space<hbm>>
      %dma_start3A_481 = tpu.memref_slice %arg3[%add3A_479] : memref<20480xf32, #tpu.memory_space<hbm>> -> memref<640xf32, #tpu.memory_space<hbm>>
      tpu.enqueue_dma source(%arg8 : memref<640xf32, #tpu.memory_space<vmem>>) target(%dma_start3A_481 : memref<640xf32, #tpu.memory_space<hbm>>) target_semaphore(%run_scoped3A_480 : memref<!tpu.dma_semaphore, #tpu.memory_space<semaphore_mem>>)
      %dma_wait3A = tpu.memref_slice %arg3[%add3A_479] : memref<20480xf32, #tpu.memory_space<hbm>> -> memref<640xf32, #tpu.memory_space<hbm>>
      %dma_wait3A_482 = tpu.memref_slice %arg3[%add3A_479] : memref<20480xf32, #tpu.memory_space<hbm>> -> memref<640xf32, #tpu.memory_space<hbm>>
      tpu.wait_dma2 semaphore(%run_scoped3A_480 : memref<!tpu.dma_semaphore, #tpu.memory_space<semaphore_mem>>) src(%arg8 : memref<640xf32, #tpu.memory_space<vmem>>) dst(%dma_wait3A_482 : memref<640xf32, #tpu.memory_space<hbm>>)
      tpu.yield
    }) : () -> ()
    return
  }
}

#map = affine_map<(d0, d1) -> (0, 0)>
#map1 = affine_map<(d0, d1) -> (0)>
module attributes {stable_mosaic.version = 14 : i64} {
  func.func @_sc_agg2(%arg0: i32, %arg1: i32, %arg2: memref<2500x128xi32, #tpu.memory_space<hbm>>, %arg3: memref<2500x128xi32, #tpu.memory_space<hbm>>, %arg4: memref<10000xf32, #tpu.memory_space<hbm>>, %arg5: memref<20480xf32, #tpu.memory_space<hbm>>, %arg6: memref<79x128xi32, #tpu.memory_space<vmem>>, %arg7: memref<79x128xi32, #tpu.memory_space<vmem>>, %arg8: memref<10000xf32, #tpu.memory_space<vmem>>, %arg9: memref<640x16xf32, #tpu.memory_space<vmem>>, %arg10: memref<5x128xi32, #tpu.memory_space<vmem>>, %arg11: memref<40x16xf32, #tpu.memory_space<vmem>>, %arg12: memref<640xf32, #tpu.memory_space<vmem>>, %arg13: memref<640x16xf32, #tpu.memory_space<vmem_shared>>) attributes {dimension_semantics = [#tpu.dimension_semantics<core_parallel>, #tpu.dimension_semantics<subcore_parallel>], iteration_bounds = array<i64: 2, 16>, scalar_prefetch = 0 : i64, scratch_operands = 8 : i64, tpu.core_type = #tpu.core_type<sc_vector_subcore>, window_params = [{transform_indices = #map}, {transform_indices = #map}, {transform_indices = #map1}, {transform_indices = #map1}]} {
    %mul3A = arith.constant 2 : i32
    %mul3A_0 = arith.muli %arg1, %mul3A : i32
    %add3A = arith.addi %mul3A_0, %arg0 : i32
    %mul3A_1 = arith.constant 78 : i32
    %mul3A_2 = arith.muli %mul3A_1, %add3A : i32
    "tpu.region"() ({
      %run_scoped3A_549 = tpu.sem_alloc : memref<!tpu.dma_semaphore, #tpu.memory_space<semaphore_mem>>
      %dma_start3A = arith.constant 0 : i32
      %dma_start3A_550 = arith.constant 0 : i32
      %dma_start3A_551 = tpu.memref_slice %arg6[%dma_start3A, %dma_start3A_550] : memref<79x128xi32, #tpu.memory_space<vmem>> -> memref<78x128xi32, #tpu.memory_space<vmem>>
      %dma_start3A_552 = arith.constant 0 : i32
      %dma_start3A_553 = tpu.memref_slice %arg2[%mul3A_2, %dma_start3A_552] : memref<2500x128xi32, #tpu.memory_space<hbm>> -> memref<78x128xi32, #tpu.memory_space<hbm>>
      %dma_start3A_554 = arith.constant 0 : i32
      %dma_start3A_555 = arith.constant 0 : i32
      %dma_start3A_556 = tpu.memref_slice %arg6[%dma_start3A_554, %dma_start3A_555] : memref<79x128xi32, #tpu.memory_space<vmem>> -> memref<78x128xi32, #tpu.memory_space<vmem>>
      %dma_start3A_557 = arith.constant 0 : i32
      %dma_start3A_558 = tpu.memref_slice %arg2[%mul3A_2, %dma_start3A_557] : memref<2500x128xi32, #tpu.memory_space<hbm>> -> memref<78x128xi32, #tpu.memory_space<hbm>>
      tpu.enqueue_dma source(%dma_start3A_558 : memref<78x128xi32, #tpu.memory_space<hbm>>) target(%dma_start3A_556 : memref<78x128xi32, #tpu.memory_space<vmem>>) target_semaphore(%run_scoped3A_549 : memref<!tpu.dma_semaphore, #tpu.memory_space<semaphore_mem>>)
      %dma_wait3A = arith.constant 0 : i32
      %dma_wait3A_559 = arith.constant 0 : i32
      %dma_wait3A_560 = tpu.memref_slice %arg6[%dma_wait3A, %dma_wait3A_559] : memref<79x128xi32, #tpu.memory_space<vmem>> -> memref<78x128xi32, #tpu.memory_space<vmem>>
      %dma_wait3A_561 = arith.constant 0 : i32
      %dma_wait3A_562 = tpu.memref_slice %arg2[%mul3A_2, %dma_wait3A_561] : memref<2500x128xi32, #tpu.memory_space<hbm>> -> memref<78x128xi32, #tpu.memory_space<hbm>>
      %dma_wait3A_563 = arith.constant 0 : i32
      %dma_wait3A_564 = arith.constant 0 : i32
      %dma_wait3A_565 = tpu.memref_slice %arg6[%dma_wait3A_563, %dma_wait3A_564] : memref<79x128xi32, #tpu.memory_space<vmem>> -> memref<78x128xi32, #tpu.memory_space<vmem>>
      %dma_wait3A_566 = arith.constant 0 : i32
      %dma_wait3A_567 = tpu.memref_slice %arg2[%mul3A_2, %dma_wait3A_566] : memref<2500x128xi32, #tpu.memory_space<hbm>> -> memref<78x128xi32, #tpu.memory_space<hbm>>
      tpu.wait_dma2 semaphore(%run_scoped3A_549 : memref<!tpu.dma_semaphore, #tpu.memory_space<semaphore_mem>>) src(%dma_wait3A_567 : memref<78x128xi32, #tpu.memory_space<hbm>>) dst(%dma_wait3A_565 : memref<78x128xi32, #tpu.memory_space<vmem>>)
      tpu.yield
    }) : () -> ()
    %lt3A = arith.constant 4 : i32
    %lt3A_3 = arith.cmpi slt, %add3A, %lt3A : i32
    %convert_element_type3A = arith.extui %lt3A_3 : i1 to i32
    %cond3A = arith.constant 0 : i32
    %cond3A_4 = arith.cmpi ne, %convert_element_type3A, %cond3A : i32
    scf.if %cond3A_4 {
      %add3A_549 = arith.constant 2496 : i32
      %add3A_550 = arith.addi %add3A_549, %add3A : i32
      "tpu.region"() ({
        %run_scoped3A_551 = tpu.sem_alloc : memref<!tpu.dma_semaphore, #tpu.memory_space<semaphore_mem>>
        %dma_start3A = arith.constant 78 : i32
        %dma_start3A_552 = arith.constant 0 : i32
        %dma_start3A_553 = tpu.memref_slice %arg6[%dma_start3A, %dma_start3A_552] : memref<79x128xi32, #tpu.memory_space<vmem>> -> memref<1x128xi32, #tpu.memory_space<vmem>>
        %dma_start3A_554 = arith.constant 0 : i32
        %dma_start3A_555 = tpu.memref_slice %arg2[%add3A_550, %dma_start3A_554] : memref<2500x128xi32, #tpu.memory_space<hbm>> -> memref<1x128xi32, #tpu.memory_space<hbm>>
        %dma_start3A_556 = arith.constant 78 : i32
        %dma_start3A_557 = arith.constant 0 : i32
        %dma_start3A_558 = tpu.memref_slice %arg6[%dma_start3A_556, %dma_start3A_557] : memref<79x128xi32, #tpu.memory_space<vmem>> -> memref<1x128xi32, #tpu.memory_space<vmem>>
        %dma_start3A_559 = arith.constant 0 : i32
        %dma_start3A_560 = tpu.memref_slice %arg2[%add3A_550, %dma_start3A_559] : memref<2500x128xi32, #tpu.memory_space<hbm>> -> memref<1x128xi32, #tpu.memory_space<hbm>>
        tpu.enqueue_dma source(%dma_start3A_560 : memref<1x128xi32, #tpu.memory_space<hbm>>) target(%dma_start3A_558 : memref<1x128xi32, #tpu.memory_space<vmem>>) target_semaphore(%run_scoped3A_551 : memref<!tpu.dma_semaphore, #tpu.memory_space<semaphore_mem>>)
        %dma_wait3A = arith.constant 78 : i32
        %dma_wait3A_561 = arith.constant 0 : i32
        %dma_wait3A_562 = tpu.memref_slice %arg6[%dma_wait3A, %dma_wait3A_561] : memref<79x128xi32, #tpu.memory_space<vmem>> -> memref<1x128xi32, #tpu.memory_space<vmem>>
        %dma_wait3A_563 = arith.constant 0 : i32
        %dma_wait3A_564 = tpu.memref_slice %arg2[%add3A_550, %dma_wait3A_563] : memref<2500x128xi32, #tpu.memory_space<hbm>> -> memref<1x128xi32, #tpu.memory_space<hbm>>
        %dma_wait3A_565 = arith.constant 78 : i32
        %dma_wait3A_566 = arith.constant 0 : i32
        %dma_wait3A_567 = tpu.memref_slice %arg6[%dma_wait3A_565, %dma_wait3A_566] : memref<79x128xi32, #tpu.memory_space<vmem>> -> memref<1x128xi32, #tpu.memory_space<vmem>>
        %dma_wait3A_568 = arith.constant 0 : i32
        %dma_wait3A_569 = tpu.memref_slice %arg2[%add3A_550, %dma_wait3A_568] : memref<2500x128xi32, #tpu.memory_space<hbm>> -> memref<1x128xi32, #tpu.memory_space<hbm>>
        tpu.wait_dma2 semaphore(%run_scoped3A_551 : memref<!tpu.dma_semaphore, #tpu.memory_space<semaphore_mem>>) src(%dma_wait3A_569 : memref<1x128xi32, #tpu.memory_space<hbm>>) dst(%dma_wait3A_567 : memref<1x128xi32, #tpu.memory_space<vmem>>)
        tpu.yield
      }) : () -> ()
    } else {
    }
    %mul3A_5 = arith.constant 78 : i32
    %mul3A_6 = arith.muli %mul3A_5, %add3A : i32
    "tpu.region"() ({
      %run_scoped3A_549 = tpu.sem_alloc : memref<!tpu.dma_semaphore, #tpu.memory_space<semaphore_mem>>
      %dma_start3A = arith.constant 0 : i32
      %dma_start3A_550 = arith.constant 0 : i32
      %dma_start3A_551 = tpu.memref_slice %arg7[%dma_start3A, %dma_start3A_550] : memref<79x128xi32, #tpu.memory_space<vmem>> -> memref<78x128xi32, #tpu.memory_space<vmem>>
      %dma_start3A_552 = arith.constant 0 : i32
      %dma_start3A_553 = tpu.memref_slice %arg3[%mul3A_6, %dma_start3A_552] : memref<2500x128xi32, #tpu.memory_space<hbm>> -> memref<78x128xi32, #tpu.memory_space<hbm>>
      %dma_start3A_554 = arith.constant 0 : i32
      %dma_start3A_555 = arith.constant 0 : i32
      %dma_start3A_556 = tpu.memref_slice %arg7[%dma_start3A_554, %dma_start3A_555] : memref<79x128xi32, #tpu.memory_space<vmem>> -> memref<78x128xi32, #tpu.memory_space<vmem>>
      %dma_start3A_557 = arith.constant 0 : i32
      %dma_start3A_558 = tpu.memref_slice %arg3[%mul3A_6, %dma_start3A_557] : memref<2500x128xi32, #tpu.memory_space<hbm>> -> memref<78x128xi32, #tpu.memory_space<hbm>>
      tpu.enqueue_dma source(%dma_start3A_558 : memref<78x128xi32, #tpu.memory_space<hbm>>) target(%dma_start3A_556 : memref<78x128xi32, #tpu.memory_space<vmem>>) target_semaphore(%run_scoped3A_549 : memref<!tpu.dma_semaphore, #tpu.memory_space<semaphore_mem>>)
      %dma_wait3A = arith.constant 0 : i32
      %dma_wait3A_559 = arith.constant 0 : i32
      %dma_wait3A_560 = tpu.memref_slice %arg7[%dma_wait3A, %dma_wait3A_559] : memref<79x128xi32, #tpu.memory_space<vmem>> -> memref<78x128xi32, #tpu.memory_space<vmem>>
      %dma_wait3A_561 = arith.constant 0 : i32
      %dma_wait3A_562 = tpu.memref_slice %arg3[%mul3A_6, %dma_wait3A_561] : memref<2500x128xi32, #tpu.memory_space<hbm>> -> memref<78x128xi32, #tpu.memory_space<hbm>>
      %dma_wait3A_563 = arith.constant 0 : i32
      %dma_wait3A_564 = arith.constant 0 : i32
      %dma_wait3A_565 = tpu.memref_slice %arg7[%dma_wait3A_563, %dma_wait3A_564] : memref<79x128xi32, #tpu.memory_space<vmem>> -> memref<78x128xi32, #tpu.memory_space<vmem>>
      %dma_wait3A_566 = arith.constant 0 : i32
      %dma_wait3A_567 = tpu.memref_slice %arg3[%mul3A_6, %dma_wait3A_566] : memref<2500x128xi32, #tpu.memory_space<hbm>> -> memref<78x128xi32, #tpu.memory_space<hbm>>
      tpu.wait_dma2 semaphore(%run_scoped3A_549 : memref<!tpu.dma_semaphore, #tpu.memory_space<semaphore_mem>>) src(%dma_wait3A_567 : memref<78x128xi32, #tpu.memory_space<hbm>>) dst(%dma_wait3A_565 : memref<78x128xi32, #tpu.memory_space<vmem>>)
      tpu.yield
    }) : () -> ()
    %lt3A_7 = arith.constant 4 : i32
    %lt3A_8 = arith.cmpi slt, %add3A, %lt3A_7 : i32
    %convert_element_type3A_9 = arith.extui %lt3A_8 : i1 to i32
    %cond3A_10 = arith.constant 0 : i32
    %cond3A_11 = arith.cmpi ne, %convert_element_type3A_9, %cond3A_10 : i32
    scf.if %cond3A_11 {
      %add3A_549 = arith.constant 2496 : i32
      %add3A_550 = arith.addi %add3A_549, %add3A : i32
      "tpu.region"() ({
        %run_scoped3A_551 = tpu.sem_alloc : memref<!tpu.dma_semaphore, #tpu.memory_space<semaphore_mem>>
        %dma_start3A = arith.constant 78 : i32
        %dma_start3A_552 = arith.constant 0 : i32
        %dma_start3A_553 = tpu.memref_slice %arg7[%dma_start3A, %dma_start3A_552] : memref<79x128xi32, #tpu.memory_space<vmem>> -> memref<1x128xi32, #tpu.memory_space<vmem>>
        %dma_start3A_554 = arith.constant 0 : i32
        %dma_start3A_555 = tpu.memref_slice %arg3[%add3A_550, %dma_start3A_554] : memref<2500x128xi32, #tpu.memory_space<hbm>> -> memref<1x128xi32, #tpu.memory_space<hbm>>
        %dma_start3A_556 = arith.constant 78 : i32
        %dma_start3A_557 = arith.constant 0 : i32
        %dma_start3A_558 = tpu.memref_slice %arg7[%dma_start3A_556, %dma_start3A_557] : memref<79x128xi32, #tpu.memory_space<vmem>> -> memref<1x128xi32, #tpu.memory_space<vmem>>
        %dma_start3A_559 = arith.constant 0 : i32
        %dma_start3A_560 = tpu.memref_slice %arg3[%add3A_550, %dma_start3A_559] : memref<2500x128xi32, #tpu.memory_space<hbm>> -> memref<1x128xi32, #tpu.memory_space<hbm>>
        tpu.enqueue_dma source(%dma_start3A_560 : memref<1x128xi32, #tpu.memory_space<hbm>>) target(%dma_start3A_558 : memref<1x128xi32, #tpu.memory_space<vmem>>) target_semaphore(%run_scoped3A_551 : memref<!tpu.dma_semaphore, #tpu.memory_space<semaphore_mem>>)
        %dma_wait3A = arith.constant 78 : i32
        %dma_wait3A_561 = arith.constant 0 : i32
        %dma_wait3A_562 = tpu.memref_slice %arg7[%dma_wait3A, %dma_wait3A_561] : memref<79x128xi32, #tpu.memory_space<vmem>> -> memref<1x128xi32, #tpu.memory_space<vmem>>
        %dma_wait3A_563 = arith.constant 0 : i32
        %dma_wait3A_564 = tpu.memref_slice %arg3[%add3A_550, %dma_wait3A_563] : memref<2500x128xi32, #tpu.memory_space<hbm>> -> memref<1x128xi32, #tpu.memory_space<hbm>>
        %dma_wait3A_565 = arith.constant 78 : i32
        %dma_wait3A_566 = arith.constant 0 : i32
        %dma_wait3A_567 = tpu.memref_slice %arg7[%dma_wait3A_565, %dma_wait3A_566] : memref<79x128xi32, #tpu.memory_space<vmem>> -> memref<1x128xi32, #tpu.memory_space<vmem>>
        %dma_wait3A_568 = arith.constant 0 : i32
        %dma_wait3A_569 = tpu.memref_slice %arg3[%add3A_550, %dma_wait3A_568] : memref<2500x128xi32, #tpu.memory_space<hbm>> -> memref<1x128xi32, #tpu.memory_space<hbm>>
        tpu.wait_dma2 semaphore(%run_scoped3A_551 : memref<!tpu.dma_semaphore, #tpu.memory_space<semaphore_mem>>) src(%dma_wait3A_569 : memref<1x128xi32, #tpu.memory_space<hbm>>) dst(%dma_wait3A_567 : memref<1x128xi32, #tpu.memory_space<vmem>>)
        tpu.yield
      }) : () -> ()
    } else {
    }
    "tpu.region"() ({
      %run_scoped3A_549 = tpu.sem_alloc : memref<!tpu.dma_semaphore, #tpu.memory_space<semaphore_mem>>
      tpu.enqueue_dma source(%arg4 : memref<10000xf32, #tpu.memory_space<hbm>>) target(%arg8 : memref<10000xf32, #tpu.memory_space<vmem>>) target_semaphore(%run_scoped3A_549 : memref<!tpu.dma_semaphore, #tpu.memory_space<semaphore_mem>>)
      tpu.wait_dma2 semaphore(%run_scoped3A_549 : memref<!tpu.dma_semaphore, #tpu.memory_space<semaphore_mem>>) src(%arg4 : memref<10000xf32, #tpu.memory_space<hbm>>) dst(%arg8 : memref<10000xf32, #tpu.memory_space<vmem>>)
      tpu.yield
    }) : () -> ()
    %scan3A = arith.constant 0 : i32
    %scan3A_12 = arith.constant 0 : i32
    %scan3A_13 = arith.constant 640 : i32
    %scan3A_14 = arith.addi %scan3A_12, %scan3A_13 : i32
    %scan3A_15 = arith.constant 8 : i32
    %scan3A_16 = scf.for %scan3A_549 = %scan3A_12 to %scan3A_14 step %scan3A_15 iter_args(%scan3A_550 = %scan3A) -> (i32)  : i32 {
      %broadcast_in_dim3A = arith.constant 0.000000e+00 : f32
      %broadcast_in_dim3A_551 = vector.broadcast %broadcast_in_dim3A : f32 to vector<16xf32>
      %swap3A_552 = arith.index_cast %scan3A_549 : i32 to index
      %swap3A_553 = arith.constant 0 : index
      %swap3A_554 = tpu.vector_load %arg9[%swap3A_552, %swap3A_553] {strides = array<i32>} : memref<640x16xf32, #tpu.memory_space<vmem>>, vector<16xf32>,
      tpu.vector_store %arg9[%swap3A_552, %swap3A_553], %broadcast_in_dim3A_551 {strides = array<i32>} : memref<640x16xf32, #tpu.memory_space<vmem>>, vector<16xf32>,
      %scan3A_555 = arith.constant 0 : i32
      %scan3A_556 = arith.constant 1 : i32
      %scan3A_557 = arith.addi %scan3A_549, %scan3A_556 : i32
      %broadcast_in_dim3A_558 = arith.constant 0.000000e+00 : f32
      %broadcast_in_dim3A_559 = vector.broadcast %broadcast_in_dim3A_558 : f32 to vector<16xf32>
      %swap3A_560 = arith.index_cast %scan3A_557 : i32 to index
      %swap3A_561 = arith.constant 0 : index
      %swap3A_562 = tpu.vector_load %arg9[%swap3A_560, %swap3A_561] {strides = array<i32>} : memref<640x16xf32, #tpu.memory_space<vmem>>, vector<16xf32>,
      tpu.vector_store %arg9[%swap3A_560, %swap3A_561], %broadcast_in_dim3A_559 {strides = array<i32>} : memref<640x16xf32, #tpu.memory_space<vmem>>, vector<16xf32>,
      %scan3A_563 = arith.constant 0 : i32
      %scan3A_564 = arith.constant 2 : i32
      %scan3A_565 = arith.addi %scan3A_549, %scan3A_564 : i32
      %broadcast_in_dim3A_566 = arith.constant 0.000000e+00 : f32
      %broadcast_in_dim3A_567 = vector.broadcast %broadcast_in_dim3A_566 : f32 to vector<16xf32>
      %swap3A_568 = arith.index_cast %scan3A_565 : i32 to index
      %swap3A_569 = arith.constant 0 : index
      %swap3A_570 = tpu.vector_load %arg9[%swap3A_568, %swap3A_569] {strides = array<i32>} : memref<640x16xf32, #tpu.memory_space<vmem>>, vector<16xf32>,
      tpu.vector_store %arg9[%swap3A_568, %swap3A_569], %broadcast_in_dim3A_567 {strides = array<i32>} : memref<640x16xf32, #tpu.memory_space<vmem>>, vector<16xf32>,
      %scan3A_571 = arith.constant 0 : i32
      %scan3A_572 = arith.constant 3 : i32
      %scan3A_573 = arith.addi %scan3A_549, %scan3A_572 : i32
      %broadcast_in_dim3A_574 = arith.constant 0.000000e+00 : f32
      %broadcast_in_dim3A_575 = vector.broadcast %broadcast_in_dim3A_574 : f32 to vector<16xf32>
      %swap3A_576 = arith.index_cast %scan3A_573 : i32 to index
      %swap3A_577 = arith.constant 0 : index
      %swap3A_578 = tpu.vector_load %arg9[%swap3A_576, %swap3A_577] {strides = array<i32>} : memref<640x16xf32, #tpu.memory_space<vmem>>, vector<16xf32>,
      tpu.vector_store %arg9[%swap3A_576, %swap3A_577], %broadcast_in_dim3A_575 {strides = array<i32>} : memref<640x16xf32, #tpu.memory_space<vmem>>, vector<16xf32>,
      %scan3A_579 = arith.constant 0 : i32
      %scan3A_580 = arith.constant 4 : i32
      %scan3A_581 = arith.addi %scan3A_549, %scan3A_580 : i32
      %broadcast_in_dim3A_582 = arith.constant 0.000000e+00 : f32
      %broadcast_in_dim3A_583 = vector.broadcast %broadcast_in_dim3A_582 : f32 to vector<16xf32>
      %swap3A_584 = arith.index_cast %scan3A_581 : i32 to index
      %swap3A_585 = arith.constant 0 : index
      %swap3A_586 = tpu.vector_load %arg9[%swap3A_584, %swap3A_585] {strides = array<i32>} : memref<640x16xf32, #tpu.memory_space<vmem>>, vector<16xf32>,
      tpu.vector_store %arg9[%swap3A_584, %swap3A_585], %broadcast_in_dim3A_583 {strides = array<i32>} : memref<640x16xf32, #tpu.memory_space<vmem>>, vector<16xf32>,
      %scan3A_587 = arith.constant 0 : i32
      %scan3A_588 = arith.constant 5 : i32
      %scan3A_589 = arith.addi %scan3A_549, %scan3A_588 : i32
      %broadcast_in_dim3A_590 = arith.constant 0.000000e+00 : f32
      %broadcast_in_dim3A_591 = vector.broadcast %broadcast_in_dim3A_590 : f32 to vector<16xf32>
      %swap3A_592 = arith.index_cast %scan3A_589 : i32 to index
      %swap3A_593 = arith.constant 0 : index
      %swap3A_594 = tpu.vector_load %arg9[%swap3A_592, %swap3A_593] {strides = array<i32>} : memref<640x16xf32, #tpu.memory_space<vmem>>, vector<16xf32>,
      tpu.vector_store %arg9[%swap3A_592, %swap3A_593], %broadcast_in_dim3A_591 {strides = array<i32>} : memref<640x16xf32, #tpu.memory_space<vmem>>, vector<16xf32>,
      %scan3A_595 = arith.constant 0 : i32
      %scan3A_596 = arith.constant 6 : i32
      %scan3A_597 = arith.addi %scan3A_549, %scan3A_596 : i32
      %broadcast_in_dim3A_598 = arith.constant 0.000000e+00 : f32
      %broadcast_in_dim3A_599 = vector.broadcast %broadcast_in_dim3A_598 : f32 to vector<16xf32>
      %swap3A_600 = arith.index_cast %scan3A_597 : i32 to index
      %swap3A_601 = arith.constant 0 : index
      %swap3A_602 = tpu.vector_load %arg9[%swap3A_600, %swap3A_601] {strides = array<i32>} : memref<640x16xf32, #tpu.memory_space<vmem>>, vector<16xf32>,
      tpu.vector_store %arg9[%swap3A_600, %swap3A_601], %broadcast_in_dim3A_599 {strides = array<i32>} : memref<640x16xf32, #tpu.memory_space<vmem>>, vector<16xf32>,
      %scan3A_603 = arith.constant 0 : i32
      %scan3A_604 = arith.constant 7 : i32
      %scan3A_605 = arith.addi %scan3A_549, %scan3A_604 : i32
      %broadcast_in_dim3A_606 = arith.constant 0.000000e+00 : f32
      %broadcast_in_dim3A_607 = vector.broadcast %broadcast_in_dim3A_606 : f32 to vector<16xf32>
      %swap3A_608 = arith.index_cast %scan3A_605 : i32 to index
      %swap3A_609 = arith.constant 0 : index
      %swap3A_610 = tpu.vector_load %arg9[%swap3A_608, %swap3A_609] {strides = array<i32>} : memref<640x16xf32, #tpu.memory_space<vmem>>, vector<16xf32>,
      tpu.vector_store %arg9[%swap3A_608, %swap3A_609], %broadcast_in_dim3A_607 {strides = array<i32>} : memref<640x16xf32, #tpu.memory_space<vmem>>, vector<16xf32>,
      %scan3A_611 = arith.constant 0 : i32
      scf.yield %scan3A_611 : i32
    }
    %scan3A_17 = arith.constant 640 : i32
    %scan3A_18 = arith.constant 0 : i32
    %scan3A_19 = arith.constant 0 : i32
    %scan3A_20 = arith.constant 40 : i32
    %scan3A_21 = arith.addi %scan3A_19, %scan3A_20 : i32
    %scan3A_22 = arith.constant 8 : i32
    %scan3A_23 = scf.for %scan3A_549 = %scan3A_19 to %scan3A_21 step %scan3A_22 iter_args(%scan3A_550 = %scan3A_18) -> (i32)  : i32 {
      %broadcast_in_dim3A = arith.constant 0.000000e+00 : f32
      %broadcast_in_dim3A_551 = vector.broadcast %broadcast_in_dim3A : f32 to vector<16xf32>
      %swap3A_552 = arith.index_cast %scan3A_549 : i32 to index
      %swap3A_553 = arith.constant 0 : index
      %swap3A_554 = tpu.vector_load %arg11[%swap3A_552, %swap3A_553] {strides = array<i32>} : memref<40x16xf32, #tpu.memory_space<vmem>>, vector<16xf32>,
      tpu.vector_store %arg11[%swap3A_552, %swap3A_553], %broadcast_in_dim3A_551 {strides = array<i32>} : memref<40x16xf32, #tpu.memory_space<vmem>>, vector<16xf32>,
      %scan3A_555 = arith.constant 0 : i32
      %scan3A_556 = arith.constant 1 : i32
      %scan3A_557 = arith.addi %scan3A_549, %scan3A_556 : i32
      %broadcast_in_dim3A_558 = arith.constant 0.000000e+00 : f32
      %broadcast_in_dim3A_559 = vector.broadcast %broadcast_in_dim3A_558 : f32 to vector<16xf32>
      %swap3A_560 = arith.index_cast %scan3A_557 : i32 to index
      %swap3A_561 = arith.constant 0 : index
      %swap3A_562 = tpu.vector_load %arg11[%swap3A_560, %swap3A_561] {strides = array<i32>} : memref<40x16xf32, #tpu.memory_space<vmem>>, vector<16xf32>,
      tpu.vector_store %arg11[%swap3A_560, %swap3A_561], %broadcast_in_dim3A_559 {strides = array<i32>} : memref<40x16xf32, #tpu.memory_space<vmem>>, vector<16xf32>,
      %scan3A_563 = arith.constant 0 : i32
      %scan3A_564 = arith.constant 2 : i32
      %scan3A_565 = arith.addi %scan3A_549, %scan3A_564 : i32
      %broadcast_in_dim3A_566 = arith.constant 0.000000e+00 : f32
      %broadcast_in_dim3A_567 = vector.broadcast %broadcast_in_dim3A_566 : f32 to vector<16xf32>
      %swap3A_568 = arith.index_cast %scan3A_565 : i32 to index
      %swap3A_569 = arith.constant 0 : index
      %swap3A_570 = tpu.vector_load %arg11[%swap3A_568, %swap3A_569] {strides = array<i32>} : memref<40x16xf32, #tpu.memory_space<vmem>>, vector<16xf32>,
      tpu.vector_store %arg11[%swap3A_568, %swap3A_569], %broadcast_in_dim3A_567 {strides = array<i32>} : memref<40x16xf32, #tpu.memory_space<vmem>>, vector<16xf32>,
      %scan3A_571 = arith.constant 0 : i32
      %scan3A_572 = arith.constant 3 : i32
      %scan3A_573 = arith.addi %scan3A_549, %scan3A_572 : i32
      %broadcast_in_dim3A_574 = arith.constant 0.000000e+00 : f32
      %broadcast_in_dim3A_575 = vector.broadcast %broadcast_in_dim3A_574 : f32 to vector<16xf32>
      %swap3A_576 = arith.index_cast %scan3A_573 : i32 to index
      %swap3A_577 = arith.constant 0 : index
      %swap3A_578 = tpu.vector_load %arg11[%swap3A_576, %swap3A_577] {strides = array<i32>} : memref<40x16xf32, #tpu.memory_space<vmem>>, vector<16xf32>,
      tpu.vector_store %arg11[%swap3A_576, %swap3A_577], %broadcast_in_dim3A_575 {strides = array<i32>} : memref<40x16xf32, #tpu.memory_space<vmem>>, vector<16xf32>,
      %scan3A_579 = arith.constant 0 : i32
      %scan3A_580 = arith.constant 4 : i32
      %scan3A_581 = arith.addi %scan3A_549, %scan3A_580 : i32
      %broadcast_in_dim3A_582 = arith.constant 0.000000e+00 : f32
      %broadcast_in_dim3A_583 = vector.broadcast %broadcast_in_dim3A_582 : f32 to vector<16xf32>
      %swap3A_584 = arith.index_cast %scan3A_581 : i32 to index
      %swap3A_585 = arith.constant 0 : index
      %swap3A_586 = tpu.vector_load %arg11[%swap3A_584, %swap3A_585] {strides = array<i32>} : memref<40x16xf32, #tpu.memory_space<vmem>>, vector<16xf32>,
      tpu.vector_store %arg11[%swap3A_584, %swap3A_585], %broadcast_in_dim3A_583 {strides = array<i32>} : memref<40x16xf32, #tpu.memory_space<vmem>>, vector<16xf32>,
      %scan3A_587 = arith.constant 0 : i32
      %scan3A_588 = arith.constant 5 : i32
      %scan3A_589 = arith.addi %scan3A_549, %scan3A_588 : i32
      %broadcast_in_dim3A_590 = arith.constant 0.000000e+00 : f32
      %broadcast_in_dim3A_591 = vector.broadcast %broadcast_in_dim3A_590 : f32 to vector<16xf32>
      %swap3A_592 = arith.index_cast %scan3A_589 : i32 to index
      %swap3A_593 = arith.constant 0 : index
      %swap3A_594 = tpu.vector_load %arg11[%swap3A_592, %swap3A_593] {strides = array<i32>} : memref<40x16xf32, #tpu.memory_space<vmem>>, vector<16xf32>,
      tpu.vector_store %arg11[%swap3A_592, %swap3A_593], %broadcast_in_dim3A_591 {strides = array<i32>} : memref<40x16xf32, #tpu.memory_space<vmem>>, vector<16xf32>,
      %scan3A_595 = arith.constant 0 : i32
      %scan3A_596 = arith.constant 6 : i32
      %scan3A_597 = arith.addi %scan3A_549, %scan3A_596 : i32
      %broadcast_in_dim3A_598 = arith.constant 0.000000e+00 : f32
      %broadcast_in_dim3A_599 = vector.broadcast %broadcast_in_dim3A_598 : f32 to vector<16xf32>
      %swap3A_600 = arith.index_cast %scan3A_597 : i32 to index
      %swap3A_601 = arith.constant 0 : index
      %swap3A_602 = tpu.vector_load %arg11[%swap3A_600, %swap3A_601] {strides = array<i32>} : memref<40x16xf32, #tpu.memory_space<vmem>>, vector<16xf32>,
      tpu.vector_store %arg11[%swap3A_600, %swap3A_601], %broadcast_in_dim3A_599 {strides = array<i32>} : memref<40x16xf32, #tpu.memory_space<vmem>>, vector<16xf32>,
      %scan3A_603 = arith.constant 0 : i32
      %scan3A_604 = arith.constant 7 : i32
      %scan3A_605 = arith.addi %scan3A_549, %scan3A_604 : i32
      %broadcast_in_dim3A_606 = arith.constant 0.000000e+00 : f32
      %broadcast_in_dim3A_607 = vector.broadcast %broadcast_in_dim3A_606 : f32 to vector<16xf32>
      %swap3A_608 = arith.index_cast %scan3A_605 : i32 to index
      %swap3A_609 = arith.constant 0 : index
      %swap3A_610 = tpu.vector_load %arg11[%swap3A_608, %swap3A_609] {strides = array<i32>} : memref<40x16xf32, #tpu.memory_space<vmem>>, vector<16xf32>,
      tpu.vector_store %arg11[%swap3A_608, %swap3A_609], %broadcast_in_dim3A_607 {strides = array<i32>} : memref<40x16xf32, #tpu.memory_space<vmem>>, vector<16xf32>,
      %scan3A_611 = arith.constant 0 : i32
      scf.yield %scan3A_611 : i32
    }
    %scan3A_24 = arith.constant 40 : i32
    %mul3A_25 = arith.constant 40 : i32
    %mul3A_26 = arith.muli %arg1, %mul3A_25 : i32
    "tpu.region"() ({
      %run_scoped3A_549 = tpu.sem_alloc : memref<!tpu.dma_semaphore, #tpu.memory_space<semaphore_mem>>
      %dma_start3A = arith.constant 0 : i32
      %dma_start3A_550 = tpu.memref_slice %arg13[%mul3A_26, %dma_start3A] : memref<640x16xf32, #tpu.memory_space<vmem_shared>> -> memref<40x16xf32, #tpu.memory_space<vmem_shared>>
      %dma_start3A_551 = arith.constant 0 : i32
      %dma_start3A_552 = tpu.memref_slice %arg13[%mul3A_26, %dma_start3A_551] : memref<640x16xf32, #tpu.memory_space<vmem_shared>> -> memref<40x16xf32, #tpu.memory_space<vmem_shared>>
      tpu.enqueue_dma source(%arg11 : memref<40x16xf32, #tpu.memory_space<vmem>>) target(%dma_start3A_552 : memref<40x16xf32, #tpu.memory_space<vmem_shared>>) target_semaphore(%run_scoped3A_549 : memref<!tpu.dma_semaphore, #tpu.memory_space<semaphore_mem>>)
      %dma_wait3A = arith.constant 0 : i32
      %dma_wait3A_553 = tpu.memref_slice %arg13[%mul3A_26, %dma_wait3A] : memref<640x16xf32, #tpu.memory_space<vmem_shared>> -> memref<40x16xf32, #tpu.memory_space<vmem_shared>>
      %dma_wait3A_554 = arith.constant 0 : i32
      %dma_wait3A_555 = tpu.memref_slice %arg13[%mul3A_26, %dma_wait3A_554] : memref<640x16xf32, #tpu.memory_space<vmem_shared>> -> memref<40x16xf32, #tpu.memory_space<vmem_shared>>
      tpu.wait_dma2 semaphore(%run_scoped3A_549 : memref<!tpu.dma_semaphore, #tpu.memory_space<semaphore_mem>>) src(%arg11 : memref<40x16xf32, #tpu.memory_space<vmem>>) dst(%dma_wait3A_555 : memref<40x16xf32, #tpu.memory_space<vmem_shared>>)
      tpu.yield
    }) : () -> ()
    %barrier3A = arith.constant 0 : index
    tpu.barrier barrier_id(%barrier3A)
    %scan3A_27 = arith.constant 0 : i32
    %scan3A_28 = arith.constant 0 : i32
    %scan3A_29 = arith.constant 76 : i32
    %scan3A_30 = arith.addi %scan3A_28, %scan3A_29 : i32
    %scan3A_31 = arith.constant 4 : i32
    %scan3A_32 = scf.for %scan3A_549 = %scan3A_28 to %scan3A_30 step %scan3A_31 iter_args(%scan3A_550 = %scan3A_27) -> (i32)  : i32 {
      %get3A_551 = arith.index_cast %scan3A_549 : i32 to index
      %get3A_552 = arith.constant 0 : index
      %get3A_553 = tpu.vector_load %arg6[%get3A_551, %get3A_552] {strides = array<i32>} : memref<79x128xi32, #tpu.memory_space<vmem>>, vector<16xi32>,
      %get3A_554 = arith.index_cast %scan3A_549 : i32 to index
      %get3A_555 = arith.constant 0 : index
      %get3A_556 = tpu.vector_load %arg7[%get3A_554, %get3A_555] {strides = array<i32>} : memref<79x128xi32, #tpu.memory_space<vmem>>, vector<16xi32>,
      %gather3A_557 = tpu.vector_load_idx %arg8[%get3A_553] : memref<10000xf32, #tpu.memory_space<vmem>>[vector<16xi32>], vector<16xf32>,
      %shift_right_arithmetic3A_558 = arith.constant 4 : i32
      %shift_right_arithmetic3A_559 = vector.broadcast %shift_right_arithmetic3A_558 : i32 to vector<16xi32>
      %shift_right_arithmetic3A_560 = arith.shrsi %get3A_556, %shift_right_arithmetic3A_559 : vector<16xi32>
      %and3A_561 = arith.constant 15 : i32
      %and3A_562 = vector.broadcast %and3A_561 : i32 to vector<16xi32>
      %and3A_563 = arith.andi %get3A_556, %and3A_562 : vector<16xi32>
      tpu.vector_store_idx %arg9[%shift_right_arithmetic3A_560, %and3A_563], %gather3A_557 {add = true} : memref<640x16xf32, #tpu.memory_space<vmem>>[vector<16xi32>, vector<16xi32>], vector<16xf32>,
      %get3A_564 = arith.index_cast %scan3A_549 : i32 to index
      %get3A_565 = arith.constant 16 : index
      %get3A_566 = tpu.vector_load %arg6[%get3A_564, %get3A_565] {strides = array<i32>} : memref<79x128xi32, #tpu.memory_space<vmem>>, vector<16xi32>,
      %get3A_567 = arith.index_cast %scan3A_549 : i32 to index
      %get3A_568 = arith.constant 16 : index
      %get3A_569 = tpu.vector_load %arg7[%get3A_567, %get3A_568] {strides = array<i32>} : memref<79x128xi32, #tpu.memory_space<vmem>>, vector<16xi32>,
      %gather3A_570 = tpu.vector_load_idx %arg8[%get3A_566] : memref<10000xf32, #tpu.memory_space<vmem>>[vector<16xi32>], vector<16xf32>,
      %shift_right_arithmetic3A_571 = arith.constant 4 : i32
      %shift_right_arithmetic3A_572 = vector.broadcast %shift_right_arithmetic3A_571 : i32 to vector<16xi32>
      %shift_right_arithmetic3A_573 = arith.shrsi %get3A_569, %shift_right_arithmetic3A_572 : vector<16xi32>
      %and3A_574 = arith.constant 15 : i32
      %and3A_575 = vector.broadcast %and3A_574 : i32 to vector<16xi32>
      %and3A_576 = arith.andi %get3A_569, %and3A_575 : vector<16xi32>
      tpu.vector_store_idx %arg9[%shift_right_arithmetic3A_573, %and3A_576], %gather3A_570 {add = true} : memref<640x16xf32, #tpu.memory_space<vmem>>[vector<16xi32>, vector<16xi32>], vector<16xf32>,
      %get3A_577 = arith.index_cast %scan3A_549 : i32 to index
      %get3A_578 = arith.constant 32 : index
      %get3A_579 = tpu.vector_load %arg6[%get3A_577, %get3A_578] {strides = array<i32>} : memref<79x128xi32, #tpu.memory_space<vmem>>, vector<16xi32>,
      %get3A_580 = arith.index_cast %scan3A_549 : i32 to index
      %get3A_581 = arith.constant 32 : index
      %get3A_582 = tpu.vector_load %arg7[%get3A_580, %get3A_581] {strides = array<i32>} : memref<79x128xi32, #tpu.memory_space<vmem>>, vector<16xi32>,
      %gather3A_583 = tpu.vector_load_idx %arg8[%get3A_579] : memref<10000xf32, #tpu.memory_space<vmem>>[vector<16xi32>], vector<16xf32>,
      %shift_right_arithmetic3A_584 = arith.constant 4 : i32
      %shift_right_arithmetic3A_585 = vector.broadcast %shift_right_arithmetic3A_584 : i32 to vector<16xi32>
      %shift_right_arithmetic3A_586 = arith.shrsi %get3A_582, %shift_right_arithmetic3A_585 : vector<16xi32>
      %and3A_587 = arith.constant 15 : i32
      %and3A_588 = vector.broadcast %and3A_587 : i32 to vector<16xi32>
      %and3A_589 = arith.andi %get3A_582, %and3A_588 : vector<16xi32>
      tpu.vector_store_idx %arg9[%shift_right_arithmetic3A_586, %and3A_589], %gather3A_583 {add = true} : memref<640x16xf32, #tpu.memory_space<vmem>>[vector<16xi32>, vector<16xi32>], vector<16xf32>,
      %get3A_590 = arith.index_cast %scan3A_549 : i32 to index
      %get3A_591 = arith.constant 48 : index
      %get3A_592 = tpu.vector_load %arg6[%get3A_590, %get3A_591] {strides = array<i32>} : memref<79x128xi32, #tpu.memory_space<vmem>>, vector<16xi32>,
      %get3A_593 = arith.index_cast %scan3A_549 : i32 to index
      %get3A_594 = arith.constant 48 : index
      %get3A_595 = tpu.vector_load %arg7[%get3A_593, %get3A_594] {strides = array<i32>} : memref<79x128xi32, #tpu.memory_space<vmem>>, vector<16xi32>,
      %gather3A_596 = tpu.vector_load_idx %arg8[%get3A_592] : memref<10000xf32, #tpu.memory_space<vmem>>[vector<16xi32>], vector<16xf32>,
      %shift_right_arithmetic3A_597 = arith.constant 4 : i32
      %shift_right_arithmetic3A_598 = vector.broadcast %shift_right_arithmetic3A_597 : i32 to vector<16xi32>
      %shift_right_arithmetic3A_599 = arith.shrsi %get3A_595, %shift_right_arithmetic3A_598 : vector<16xi32>
      %and3A_600 = arith.constant 15 : i32
      %and3A_601 = vector.broadcast %and3A_600 : i32 to vector<16xi32>
      %and3A_602 = arith.andi %get3A_595, %and3A_601 : vector<16xi32>
      tpu.vector_store_idx %arg9[%shift_right_arithmetic3A_599, %and3A_602], %gather3A_596 {add = true} : memref<640x16xf32, #tpu.memory_space<vmem>>[vector<16xi32>, vector<16xi32>], vector<16xf32>,
      %get3A_603 = arith.index_cast %scan3A_549 : i32 to index
      %get3A_604 = arith.constant 64 : index
      %get3A_605 = tpu.vector_load %arg6[%get3A_603, %get3A_604] {strides = array<i32>} : memref<79x128xi32, #tpu.memory_space<vmem>>, vector<16xi32>,
      %get3A_606 = arith.index_cast %scan3A_549 : i32 to index
      %get3A_607 = arith.constant 64 : index
      %get3A_608 = tpu.vector_load %arg7[%get3A_606, %get3A_607] {strides = array<i32>} : memref<79x128xi32, #tpu.memory_space<vmem>>, vector<16xi32>,
      %gather3A_609 = tpu.vector_load_idx %arg8[%get3A_605] : memref<10000xf32, #tpu.memory_space<vmem>>[vector<16xi32>], vector<16xf32>,
      %shift_right_arithmetic3A_610 = arith.constant 4 : i32
      %shift_right_arithmetic3A_611 = vector.broadcast %shift_right_arithmetic3A_610 : i32 to vector<16xi32>
      %shift_right_arithmetic3A_612 = arith.shrsi %get3A_608, %shift_right_arithmetic3A_611 : vector<16xi32>
      %and3A_613 = arith.constant 15 : i32
      %and3A_614 = vector.broadcast %and3A_613 : i32 to vector<16xi32>
      %and3A_615 = arith.andi %get3A_608, %and3A_614 : vector<16xi32>
      tpu.vector_store_idx %arg9[%shift_right_arithmetic3A_612, %and3A_615], %gather3A_609 {add = true} : memref<640x16xf32, #tpu.memory_space<vmem>>[vector<16xi32>, vector<16xi32>], vector<16xf32>,
      %get3A_616 = arith.index_cast %scan3A_549 : i32 to index
      %get3A_617 = arith.constant 80 : index
      %get3A_618 = tpu.vector_load %arg6[%get3A_616, %get3A_617] {strides = array<i32>} : memref<79x128xi32, #tpu.memory_space<vmem>>, vector<16xi32>,
      %get3A_619 = arith.index_cast %scan3A_549 : i32 to index
      %get3A_620 = arith.constant 80 : index
      %get3A_621 = tpu.vector_load %arg7[%get3A_619, %get3A_620] {strides = array<i32>} : memref<79x128xi32, #tpu.memory_space<vmem>>, vector<16xi32>,
      %gather3A_622 = tpu.vector_load_idx %arg8[%get3A_618] : memref<10000xf32, #tpu.memory_space<vmem>>[vector<16xi32>], vector<16xf32>,
      %shift_right_arithmetic3A_623 = arith.constant 4 : i32
      %shift_right_arithmetic3A_624 = vector.broadcast %shift_right_arithmetic3A_623 : i32 to vector<16xi32>
      %shift_right_arithmetic3A_625 = arith.shrsi %get3A_621, %shift_right_arithmetic3A_624 : vector<16xi32>
      %and3A_626 = arith.constant 15 : i32
      %and3A_627 = vector.broadcast %and3A_626 : i32 to vector<16xi32>
      %and3A_628 = arith.andi %get3A_621, %and3A_627 : vector<16xi32>
      tpu.vector_store_idx %arg9[%shift_right_arithmetic3A_625, %and3A_628], %gather3A_622 {add = true} : memref<640x16xf32, #tpu.memory_space<vmem>>[vector<16xi32>, vector<16xi32>], vector<16xf32>,
      %get3A_629 = arith.index_cast %scan3A_549 : i32 to index
      %get3A_630 = arith.constant 96 : index
      %get3A_631 = tpu.vector_load %arg6[%get3A_629, %get3A_630] {strides = array<i32>} : memref<79x128xi32, #tpu.memory_space<vmem>>, vector<16xi32>,
      %get3A_632 = arith.index_cast %scan3A_549 : i32 to index
      %get3A_633 = arith.constant 96 : index
      %get3A_634 = tpu.vector_load %arg7[%get3A_632, %get3A_633] {strides = array<i32>} : memref<79x128xi32, #tpu.memory_space<vmem>>, vector<16xi32>,
      %gather3A_635 = tpu.vector_load_idx %arg8[%get3A_631] : memref<10000xf32, #tpu.memory_space<vmem>>[vector<16xi32>], vector<16xf32>,
      %shift_right_arithmetic3A_636 = arith.constant 4 : i32
      %shift_right_arithmetic3A_637 = vector.broadcast %shift_right_arithmetic3A_636 : i32 to vector<16xi32>
      %shift_right_arithmetic3A_638 = arith.shrsi %get3A_634, %shift_right_arithmetic3A_637 : vector<16xi32>
      %and3A_639 = arith.constant 15 : i32
      %and3A_640 = vector.broadcast %and3A_639 : i32 to vector<16xi32>
      %and3A_641 = arith.andi %get3A_634, %and3A_640 : vector<16xi32>
      tpu.vector_store_idx %arg9[%shift_right_arithmetic3A_638, %and3A_641], %gather3A_635 {add = true} : memref<640x16xf32, #tpu.memory_space<vmem>>[vector<16xi32>, vector<16xi32>], vector<16xf32>,
      %get3A_642 = arith.index_cast %scan3A_549 : i32 to index
      %get3A_643 = arith.constant 112 : index
      %get3A_644 = tpu.vector_load %arg6[%get3A_642, %get3A_643] {strides = array<i32>} : memref<79x128xi32, #tpu.memory_space<vmem>>, vector<16xi32>,
      %get3A_645 = arith.index_cast %scan3A_549 : i32 to index
      %get3A_646 = arith.constant 112 : index
      %get3A_647 = tpu.vector_load %arg7[%get3A_645, %get3A_646] {strides = array<i32>} : memref<79x128xi32, #tpu.memory_space<vmem>>, vector<16xi32>,
      %gather3A_648 = tpu.vector_load_idx %arg8[%get3A_644] : memref<10000xf32, #tpu.memory_space<vmem>>[vector<16xi32>], vector<16xf32>,
      %shift_right_arithmetic3A_649 = arith.constant 4 : i32
      %shift_right_arithmetic3A_650 = vector.broadcast %shift_right_arithmetic3A_649 : i32 to vector<16xi32>
      %shift_right_arithmetic3A_651 = arith.shrsi %get3A_647, %shift_right_arithmetic3A_650 : vector<16xi32>
      %and3A_652 = arith.constant 15 : i32
      %and3A_653 = vector.broadcast %and3A_652 : i32 to vector<16xi32>
      %and3A_654 = arith.andi %get3A_647, %and3A_653 : vector<16xi32>
      tpu.vector_store_idx %arg9[%shift_right_arithmetic3A_651, %and3A_654], %gather3A_648 {add = true} : memref<640x16xf32, #tpu.memory_space<vmem>>[vector<16xi32>, vector<16xi32>], vector<16xf32>,
      %scan3A_655 = arith.constant 0 : i32
      %scan3A_656 = arith.constant 1 : i32
      %scan3A_657 = arith.addi %scan3A_549, %scan3A_656 : i32
      %get3A_658 = arith.index_cast %scan3A_657 : i32 to index
      %get3A_659 = arith.constant 0 : index
      %get3A_660 = tpu.vector_load %arg6[%get3A_658, %get3A_659] {strides = array<i32>} : memref<79x128xi32, #tpu.memory_space<vmem>>, vector<16xi32>,
      %get3A_661 = arith.index_cast %scan3A_657 : i32 to index
      %get3A_662 = arith.constant 0 : index
      %get3A_663 = tpu.vector_load %arg7[%get3A_661, %get3A_662] {strides = array<i32>} : memref<79x128xi32, #tpu.memory_space<vmem>>, vector<16xi32>,
      %gather3A_664 = tpu.vector_load_idx %arg8[%get3A_660] : memref<10000xf32, #tpu.memory_space<vmem>>[vector<16xi32>], vector<16xf32>,
      %shift_right_arithmetic3A_665 = arith.constant 4 : i32
      %shift_right_arithmetic3A_666 = vector.broadcast %shift_right_arithmetic3A_665 : i32 to vector<16xi32>
      %shift_right_arithmetic3A_667 = arith.shrsi %get3A_663, %shift_right_arithmetic3A_666 : vector<16xi32>
      %and3A_668 = arith.constant 15 : i32
      %and3A_669 = vector.broadcast %and3A_668 : i32 to vector<16xi32>
      %and3A_670 = arith.andi %get3A_663, %and3A_669 : vector<16xi32>
      tpu.vector_store_idx %arg9[%shift_right_arithmetic3A_667, %and3A_670], %gather3A_664 {add = true} : memref<640x16xf32, #tpu.memory_space<vmem>>[vector<16xi32>, vector<16xi32>], vector<16xf32>,
      %get3A_671 = arith.index_cast %scan3A_657 : i32 to index
      %get3A_672 = arith.constant 16 : index
      %get3A_673 = tpu.vector_load %arg6[%get3A_671, %get3A_672] {strides = array<i32>} : memref<79x128xi32, #tpu.memory_space<vmem>>, vector<16xi32>,
      %get3A_674 = arith.index_cast %scan3A_657 : i32 to index
      %get3A_675 = arith.constant 16 : index
      %get3A_676 = tpu.vector_load %arg7[%get3A_674, %get3A_675] {strides = array<i32>} : memref<79x128xi32, #tpu.memory_space<vmem>>, vector<16xi32>,
      %gather3A_677 = tpu.vector_load_idx %arg8[%get3A_673] : memref<10000xf32, #tpu.memory_space<vmem>>[vector<16xi32>], vector<16xf32>,
      %shift_right_arithmetic3A_678 = arith.constant 4 : i32
      %shift_right_arithmetic3A_679 = vector.broadcast %shift_right_arithmetic3A_678 : i32 to vector<16xi32>
      %shift_right_arithmetic3A_680 = arith.shrsi %get3A_676, %shift_right_arithmetic3A_679 : vector<16xi32>
      %and3A_681 = arith.constant 15 : i32
      %and3A_682 = vector.broadcast %and3A_681 : i32 to vector<16xi32>
      %and3A_683 = arith.andi %get3A_676, %and3A_682 : vector<16xi32>
      tpu.vector_store_idx %arg9[%shift_right_arithmetic3A_680, %and3A_683], %gather3A_677 {add = true} : memref<640x16xf32, #tpu.memory_space<vmem>>[vector<16xi32>, vector<16xi32>], vector<16xf32>,
      %get3A_684 = arith.index_cast %scan3A_657 : i32 to index
      %get3A_685 = arith.constant 32 : index
      %get3A_686 = tpu.vector_load %arg6[%get3A_684, %get3A_685] {strides = array<i32>} : memref<79x128xi32, #tpu.memory_space<vmem>>, vector<16xi32>,
      %get3A_687 = arith.index_cast %scan3A_657 : i32 to index
      %get3A_688 = arith.constant 32 : index
      %get3A_689 = tpu.vector_load %arg7[%get3A_687, %get3A_688] {strides = array<i32>} : memref<79x128xi32, #tpu.memory_space<vmem>>, vector<16xi32>,
      %gather3A_690 = tpu.vector_load_idx %arg8[%get3A_686] : memref<10000xf32, #tpu.memory_space<vmem>>[vector<16xi32>], vector<16xf32>,
      %shift_right_arithmetic3A_691 = arith.constant 4 : i32
      %shift_right_arithmetic3A_692 = vector.broadcast %shift_right_arithmetic3A_691 : i32 to vector<16xi32>
      %shift_right_arithmetic3A_693 = arith.shrsi %get3A_689, %shift_right_arithmetic3A_692 : vector<16xi32>
      %and3A_694 = arith.constant 15 : i32
      %and3A_695 = vector.broadcast %and3A_694 : i32 to vector<16xi32>
      %and3A_696 = arith.andi %get3A_689, %and3A_695 : vector<16xi32>
      tpu.vector_store_idx %arg9[%shift_right_arithmetic3A_693, %and3A_696], %gather3A_690 {add = true} : memref<640x16xf32, #tpu.memory_space<vmem>>[vector<16xi32>, vector<16xi32>], vector<16xf32>,
      %get3A_697 = arith.index_cast %scan3A_657 : i32 to index
      %get3A_698 = arith.constant 48 : index
      %get3A_699 = tpu.vector_load %arg6[%get3A_697, %get3A_698] {strides = array<i32>} : memref<79x128xi32, #tpu.memory_space<vmem>>, vector<16xi32>,
      %get3A_700 = arith.index_cast %scan3A_657 : i32 to index
      %get3A_701 = arith.constant 48 : index
      %get3A_702 = tpu.vector_load %arg7[%get3A_700, %get3A_701] {strides = array<i32>} : memref<79x128xi32, #tpu.memory_space<vmem>>, vector<16xi32>,
      %gather3A_703 = tpu.vector_load_idx %arg8[%get3A_699] : memref<10000xf32, #tpu.memory_space<vmem>>[vector<16xi32>], vector<16xf32>,
      %shift_right_arithmetic3A_704 = arith.constant 4 : i32
      %shift_right_arithmetic3A_705 = vector.broadcast %shift_right_arithmetic3A_704 : i32 to vector<16xi32>
      %shift_right_arithmetic3A_706 = arith.shrsi %get3A_702, %shift_right_arithmetic3A_705 : vector<16xi32>
      %and3A_707 = arith.constant 15 : i32
      %and3A_708 = vector.broadcast %and3A_707 : i32 to vector<16xi32>
      %and3A_709 = arith.andi %get3A_702, %and3A_708 : vector<16xi32>
      tpu.vector_store_idx %arg9[%shift_right_arithmetic3A_706, %and3A_709], %gather3A_703 {add = true} : memref<640x16xf32, #tpu.memory_space<vmem>>[vector<16xi32>, vector<16xi32>], vector<16xf32>,
      %get3A_710 = arith.index_cast %scan3A_657 : i32 to index
      %get3A_711 = arith.constant 64 : index
      %get3A_712 = tpu.vector_load %arg6[%get3A_710, %get3A_711] {strides = array<i32>} : memref<79x128xi32, #tpu.memory_space<vmem>>, vector<16xi32>,
      %get3A_713 = arith.index_cast %scan3A_657 : i32 to index
      %get3A_714 = arith.constant 64 : index
      %get3A_715 = tpu.vector_load %arg7[%get3A_713, %get3A_714] {strides = array<i32>} : memref<79x128xi32, #tpu.memory_space<vmem>>, vector<16xi32>,
      %gather3A_716 = tpu.vector_load_idx %arg8[%get3A_712] : memref<10000xf32, #tpu.memory_space<vmem>>[vector<16xi32>], vector<16xf32>,
      %shift_right_arithmetic3A_717 = arith.constant 4 : i32
      %shift_right_arithmetic3A_718 = vector.broadcast %shift_right_arithmetic3A_717 : i32 to vector<16xi32>
      %shift_right_arithmetic3A_719 = arith.shrsi %get3A_715, %shift_right_arithmetic3A_718 : vector<16xi32>
      %and3A_720 = arith.constant 15 : i32
      %and3A_721 = vector.broadcast %and3A_720 : i32 to vector<16xi32>
      %and3A_722 = arith.andi %get3A_715, %and3A_721 : vector<16xi32>
      tpu.vector_store_idx %arg9[%shift_right_arithmetic3A_719, %and3A_722], %gather3A_716 {add = true} : memref<640x16xf32, #tpu.memory_space<vmem>>[vector<16xi32>, vector<16xi32>], vector<16xf32>,
      %get3A_723 = arith.index_cast %scan3A_657 : i32 to index
      %get3A_724 = arith.constant 80 : index
      %get3A_725 = tpu.vector_load %arg6[%get3A_723, %get3A_724] {strides = array<i32>} : memref<79x128xi32, #tpu.memory_space<vmem>>, vector<16xi32>,
      %get3A_726 = arith.index_cast %scan3A_657 : i32 to index
      %get3A_727 = arith.constant 80 : index
      %get3A_728 = tpu.vector_load %arg7[%get3A_726, %get3A_727] {strides = array<i32>} : memref<79x128xi32, #tpu.memory_space<vmem>>, vector<16xi32>,
      %gather3A_729 = tpu.vector_load_idx %arg8[%get3A_725] : memref<10000xf32, #tpu.memory_space<vmem>>[vector<16xi32>], vector<16xf32>,
      %shift_right_arithmetic3A_730 = arith.constant 4 : i32
      %shift_right_arithmetic3A_731 = vector.broadcast %shift_right_arithmetic3A_730 : i32 to vector<16xi32>
      %shift_right_arithmetic3A_732 = arith.shrsi %get3A_728, %shift_right_arithmetic3A_731 : vector<16xi32>
      %and3A_733 = arith.constant 15 : i32
      %and3A_734 = vector.broadcast %and3A_733 : i32 to vector<16xi32>
      %and3A_735 = arith.andi %get3A_728, %and3A_734 : vector<16xi32>
      tpu.vector_store_idx %arg9[%shift_right_arithmetic3A_732, %and3A_735], %gather3A_729 {add = true} : memref<640x16xf32, #tpu.memory_space<vmem>>[vector<16xi32>, vector<16xi32>], vector<16xf32>,
      %get3A_736 = arith.index_cast %scan3A_657 : i32 to index
      %get3A_737 = arith.constant 96 : index
      %get3A_738 = tpu.vector_load %arg6[%get3A_736, %get3A_737] {strides = array<i32>} : memref<79x128xi32, #tpu.memory_space<vmem>>, vector<16xi32>,
      %get3A_739 = arith.index_cast %scan3A_657 : i32 to index
      %get3A_740 = arith.constant 96 : index
      %get3A_741 = tpu.vector_load %arg7[%get3A_739, %get3A_740] {strides = array<i32>} : memref<79x128xi32, #tpu.memory_space<vmem>>, vector<16xi32>,
      %gather3A_742 = tpu.vector_load_idx %arg8[%get3A_738] : memref<10000xf32, #tpu.memory_space<vmem>>[vector<16xi32>], vector<16xf32>,
      %shift_right_arithmetic3A_743 = arith.constant 4 : i32
      %shift_right_arithmetic3A_744 = vector.broadcast %shift_right_arithmetic3A_743 : i32 to vector<16xi32>
      %shift_right_arithmetic3A_745 = arith.shrsi %get3A_741, %shift_right_arithmetic3A_744 : vector<16xi32>
      %and3A_746 = arith.constant 15 : i32
      %and3A_747 = vector.broadcast %and3A_746 : i32 to vector<16xi32>
      %and3A_748 = arith.andi %get3A_741, %and3A_747 : vector<16xi32>
      tpu.vector_store_idx %arg9[%shift_right_arithmetic3A_745, %and3A_748], %gather3A_742 {add = true} : memref<640x16xf32, #tpu.memory_space<vmem>>[vector<16xi32>, vector<16xi32>], vector<16xf32>,
      %get3A_749 = arith.index_cast %scan3A_657 : i32 to index
      %get3A_750 = arith.constant 112 : index
      %get3A_751 = tpu.vector_load %arg6[%get3A_749, %get3A_750] {strides = array<i32>} : memref<79x128xi32, #tpu.memory_space<vmem>>, vector<16xi32>,
      %get3A_752 = arith.index_cast %scan3A_657 : i32 to index
      %get3A_753 = arith.constant 112 : index
      %get3A_754 = tpu.vector_load %arg7[%get3A_752, %get3A_753] {strides = array<i32>} : memref<79x128xi32, #tpu.memory_space<vmem>>, vector<16xi32>,
      %gather3A_755 = tpu.vector_load_idx %arg8[%get3A_751] : memref<10000xf32, #tpu.memory_space<vmem>>[vector<16xi32>], vector<16xf32>,
      %shift_right_arithmetic3A_756 = arith.constant 4 : i32
      %shift_right_arithmetic3A_757 = vector.broadcast %shift_right_arithmetic3A_756 : i32 to vector<16xi32>
      %shift_right_arithmetic3A_758 = arith.shrsi %get3A_754, %shift_right_arithmetic3A_757 : vector<16xi32>
      %and3A_759 = arith.constant 15 : i32
      %and3A_760 = vector.broadcast %and3A_759 : i32 to vector<16xi32>
      %and3A_761 = arith.andi %get3A_754, %and3A_760 : vector<16xi32>
      tpu.vector_store_idx %arg9[%shift_right_arithmetic3A_758, %and3A_761], %gather3A_755 {add = true} : memref<640x16xf32, #tpu.memory_space<vmem>>[vector<16xi32>, vector<16xi32>], vector<16xf32>,
      %scan3A_762 = arith.constant 0 : i32
      %scan3A_763 = arith.constant 2 : i32
      %scan3A_764 = arith.addi %scan3A_549, %scan3A_763 : i32
      %get3A_765 = arith.index_cast %scan3A_764 : i32 to index
      %get3A_766 = arith.constant 0 : index
      %get3A_767 = tpu.vector_load %arg6[%get3A_765, %get3A_766] {strides = array<i32>} : memref<79x128xi32, #tpu.memory_space<vmem>>, vector<16xi32>,
      %get3A_768 = arith.index_cast %scan3A_764 : i32 to index
      %get3A_769 = arith.constant 0 : index
      %get3A_770 = tpu.vector_load %arg7[%get3A_768, %get3A_769] {strides = array<i32>} : memref<79x128xi32, #tpu.memory_space<vmem>>, vector<16xi32>,
      %gather3A_771 = tpu.vector_load_idx %arg8[%get3A_767] : memref<10000xf32, #tpu.memory_space<vmem>>[vector<16xi32>], vector<16xf32>,
      %shift_right_arithmetic3A_772 = arith.constant 4 : i32
      %shift_right_arithmetic3A_773 = vector.broadcast %shift_right_arithmetic3A_772 : i32 to vector<16xi32>
      %shift_right_arithmetic3A_774 = arith.shrsi %get3A_770, %shift_right_arithmetic3A_773 : vector<16xi32>
      %and3A_775 = arith.constant 15 : i32
      %and3A_776 = vector.broadcast %and3A_775 : i32 to vector<16xi32>
      %and3A_777 = arith.andi %get3A_770, %and3A_776 : vector<16xi32>
      tpu.vector_store_idx %arg9[%shift_right_arithmetic3A_774, %and3A_777], %gather3A_771 {add = true} : memref<640x16xf32, #tpu.memory_space<vmem>>[vector<16xi32>, vector<16xi32>], vector<16xf32>,
      %get3A_778 = arith.index_cast %scan3A_764 : i32 to index
      %get3A_779 = arith.constant 16 : index
      %get3A_780 = tpu.vector_load %arg6[%get3A_778, %get3A_779] {strides = array<i32>} : memref<79x128xi32, #tpu.memory_space<vmem>>, vector<16xi32>,
      %get3A_781 = arith.index_cast %scan3A_764 : i32 to index
      %get3A_782 = arith.constant 16 : index
      %get3A_783 = tpu.vector_load %arg7[%get3A_781, %get3A_782] {strides = array<i32>} : memref<79x128xi32, #tpu.memory_space<vmem>>, vector<16xi32>,
      %gather3A_784 = tpu.vector_load_idx %arg8[%get3A_780] : memref<10000xf32, #tpu.memory_space<vmem>>[vector<16xi32>], vector<16xf32>,
      %shift_right_arithmetic3A_785 = arith.constant 4 : i32
      %shift_right_arithmetic3A_786 = vector.broadcast %shift_right_arithmetic3A_785 : i32 to vector<16xi32>
      %shift_right_arithmetic3A_787 = arith.shrsi %get3A_783, %shift_right_arithmetic3A_786 : vector<16xi32>
      %and3A_788 = arith.constant 15 : i32
      %and3A_789 = vector.broadcast %and3A_788 : i32 to vector<16xi32>
      %and3A_790 = arith.andi %get3A_783, %and3A_789 : vector<16xi32>
      tpu.vector_store_idx %arg9[%shift_right_arithmetic3A_787, %and3A_790], %gather3A_784 {add = true} : memref<640x16xf32, #tpu.memory_space<vmem>>[vector<16xi32>, vector<16xi32>], vector<16xf32>,
      %get3A_791 = arith.index_cast %scan3A_764 : i32 to index
      %get3A_792 = arith.constant 32 : index
      %get3A_793 = tpu.vector_load %arg6[%get3A_791, %get3A_792] {strides = array<i32>} : memref<79x128xi32, #tpu.memory_space<vmem>>, vector<16xi32>,
      %get3A_794 = arith.index_cast %scan3A_764 : i32 to index
      %get3A_795 = arith.constant 32 : index
      %get3A_796 = tpu.vector_load %arg7[%get3A_794, %get3A_795] {strides = array<i32>} : memref<79x128xi32, #tpu.memory_space<vmem>>, vector<16xi32>,
      %gather3A_797 = tpu.vector_load_idx %arg8[%get3A_793] : memref<10000xf32, #tpu.memory_space<vmem>>[vector<16xi32>], vector<16xf32>,
      %shift_right_arithmetic3A_798 = arith.constant 4 : i32
      %shift_right_arithmetic3A_799 = vector.broadcast %shift_right_arithmetic3A_798 : i32 to vector<16xi32>
      %shift_right_arithmetic3A_800 = arith.shrsi %get3A_796, %shift_right_arithmetic3A_799 : vector<16xi32>
      %and3A_801 = arith.constant 15 : i32
      %and3A_802 = vector.broadcast %and3A_801 : i32 to vector<16xi32>
      %and3A_803 = arith.andi %get3A_796, %and3A_802 : vector<16xi32>
      tpu.vector_store_idx %arg9[%shift_right_arithmetic3A_800, %and3A_803], %gather3A_797 {add = true} : memref<640x16xf32, #tpu.memory_space<vmem>>[vector<16xi32>, vector<16xi32>], vector<16xf32>,
      %get3A_804 = arith.index_cast %scan3A_764 : i32 to index
      %get3A_805 = arith.constant 48 : index
      %get3A_806 = tpu.vector_load %arg6[%get3A_804, %get3A_805] {strides = array<i32>} : memref<79x128xi32, #tpu.memory_space<vmem>>, vector<16xi32>,
      %get3A_807 = arith.index_cast %scan3A_764 : i32 to index
      %get3A_808 = arith.constant 48 : index
      %get3A_809 = tpu.vector_load %arg7[%get3A_807, %get3A_808] {strides = array<i32>} : memref<79x128xi32, #tpu.memory_space<vmem>>, vector<16xi32>,
      %gather3A_810 = tpu.vector_load_idx %arg8[%get3A_806] : memref<10000xf32, #tpu.memory_space<vmem>>[vector<16xi32>], vector<16xf32>,
      %shift_right_arithmetic3A_811 = arith.constant 4 : i32
      %shift_right_arithmetic3A_812 = vector.broadcast %shift_right_arithmetic3A_811 : i32 to vector<16xi32>
      %shift_right_arithmetic3A_813 = arith.shrsi %get3A_809, %shift_right_arithmetic3A_812 : vector<16xi32>
      %and3A_814 = arith.constant 15 : i32
      %and3A_815 = vector.broadcast %and3A_814 : i32 to vector<16xi32>
      %and3A_816 = arith.andi %get3A_809, %and3A_815 : vector<16xi32>
      tpu.vector_store_idx %arg9[%shift_right_arithmetic3A_813, %and3A_816], %gather3A_810 {add = true} : memref<640x16xf32, #tpu.memory_space<vmem>>[vector<16xi32>, vector<16xi32>], vector<16xf32>,
      %get3A_817 = arith.index_cast %scan3A_764 : i32 to index
      %get3A_818 = arith.constant 64 : index
      %get3A_819 = tpu.vector_load %arg6[%get3A_817, %get3A_818] {strides = array<i32>} : memref<79x128xi32, #tpu.memory_space<vmem>>, vector<16xi32>,
      %get3A_820 = arith.index_cast %scan3A_764 : i32 to index
      %get3A_821 = arith.constant 64 : index
      %get3A_822 = tpu.vector_load %arg7[%get3A_820, %get3A_821] {strides = array<i32>} : memref<79x128xi32, #tpu.memory_space<vmem>>, vector<16xi32>,
      %gather3A_823 = tpu.vector_load_idx %arg8[%get3A_819] : memref<10000xf32, #tpu.memory_space<vmem>>[vector<16xi32>], vector<16xf32>,
      %shift_right_arithmetic3A_824 = arith.constant 4 : i32
      %shift_right_arithmetic3A_825 = vector.broadcast %shift_right_arithmetic3A_824 : i32 to vector<16xi32>
      %shift_right_arithmetic3A_826 = arith.shrsi %get3A_822, %shift_right_arithmetic3A_825 : vector<16xi32>
      %and3A_827 = arith.constant 15 : i32
      %and3A_828 = vector.broadcast %and3A_827 : i32 to vector<16xi32>
      %and3A_829 = arith.andi %get3A_822, %and3A_828 : vector<16xi32>
      tpu.vector_store_idx %arg9[%shift_right_arithmetic3A_826, %and3A_829], %gather3A_823 {add = true} : memref<640x16xf32, #tpu.memory_space<vmem>>[vector<16xi32>, vector<16xi32>], vector<16xf32>,
      %get3A_830 = arith.index_cast %scan3A_764 : i32 to index
      %get3A_831 = arith.constant 80 : index
      %get3A_832 = tpu.vector_load %arg6[%get3A_830, %get3A_831] {strides = array<i32>} : memref<79x128xi32, #tpu.memory_space<vmem>>, vector<16xi32>,
      %get3A_833 = arith.index_cast %scan3A_764 : i32 to index
      %get3A_834 = arith.constant 80 : index
      %get3A_835 = tpu.vector_load %arg7[%get3A_833, %get3A_834] {strides = array<i32>} : memref<79x128xi32, #tpu.memory_space<vmem>>, vector<16xi32>,
      %gather3A_836 = tpu.vector_load_idx %arg8[%get3A_832] : memref<10000xf32, #tpu.memory_space<vmem>>[vector<16xi32>], vector<16xf32>,
      %shift_right_arithmetic3A_837 = arith.constant 4 : i32
      %shift_right_arithmetic3A_838 = vector.broadcast %shift_right_arithmetic3A_837 : i32 to vector<16xi32>
      %shift_right_arithmetic3A_839 = arith.shrsi %get3A_835, %shift_right_arithmetic3A_838 : vector<16xi32>
      %and3A_840 = arith.constant 15 : i32
      %and3A_841 = vector.broadcast %and3A_840 : i32 to vector<16xi32>
      %and3A_842 = arith.andi %get3A_835, %and3A_841 : vector<16xi32>
      tpu.vector_store_idx %arg9[%shift_right_arithmetic3A_839, %and3A_842], %gather3A_836 {add = true} : memref<640x16xf32, #tpu.memory_space<vmem>>[vector<16xi32>, vector<16xi32>], vector<16xf32>,
      %get3A_843 = arith.index_cast %scan3A_764 : i32 to index
      %get3A_844 = arith.constant 96 : index
      %get3A_845 = tpu.vector_load %arg6[%get3A_843, %get3A_844] {strides = array<i32>} : memref<79x128xi32, #tpu.memory_space<vmem>>, vector<16xi32>,
      %get3A_846 = arith.index_cast %scan3A_764 : i32 to index
      %get3A_847 = arith.constant 96 : index
      %get3A_848 = tpu.vector_load %arg7[%get3A_846, %get3A_847] {strides = array<i32>} : memref<79x128xi32, #tpu.memory_space<vmem>>, vector<16xi32>,
      %gather3A_849 = tpu.vector_load_idx %arg8[%get3A_845] : memref<10000xf32, #tpu.memory_space<vmem>>[vector<16xi32>], vector<16xf32>,
      %shift_right_arithmetic3A_850 = arith.constant 4 : i32
      %shift_right_arithmetic3A_851 = vector.broadcast %shift_right_arithmetic3A_850 : i32 to vector<16xi32>
      %shift_right_arithmetic3A_852 = arith.shrsi %get3A_848, %shift_right_arithmetic3A_851 : vector<16xi32>
      %and3A_853 = arith.constant 15 : i32
      %and3A_854 = vector.broadcast %and3A_853 : i32 to vector<16xi32>
      %and3A_855 = arith.andi %get3A_848, %and3A_854 : vector<16xi32>
      tpu.vector_store_idx %arg9[%shift_right_arithmetic3A_852, %and3A_855], %gather3A_849 {add = true} : memref<640x16xf32, #tpu.memory_space<vmem>>[vector<16xi32>, vector<16xi32>], vector<16xf32>,
      %get3A_856 = arith.index_cast %scan3A_764 : i32 to index
      %get3A_857 = arith.constant 112 : index
      %get3A_858 = tpu.vector_load %arg6[%get3A_856, %get3A_857] {strides = array<i32>} : memref<79x128xi32, #tpu.memory_space<vmem>>, vector<16xi32>,
      %get3A_859 = arith.index_cast %scan3A_764 : i32 to index
      %get3A_860 = arith.constant 112 : index
      %get3A_861 = tpu.vector_load %arg7[%get3A_859, %get3A_860] {strides = array<i32>} : memref<79x128xi32, #tpu.memory_space<vmem>>, vector<16xi32>,
      %gather3A_862 = tpu.vector_load_idx %arg8[%get3A_858] : memref<10000xf32, #tpu.memory_space<vmem>>[vector<16xi32>], vector<16xf32>,
      %shift_right_arithmetic3A_863 = arith.constant 4 : i32
      %shift_right_arithmetic3A_864 = vector.broadcast %shift_right_arithmetic3A_863 : i32 to vector<16xi32>
      %shift_right_arithmetic3A_865 = arith.shrsi %get3A_861, %shift_right_arithmetic3A_864 : vector<16xi32>
      %and3A_866 = arith.constant 15 : i32
      %and3A_867 = vector.broadcast %and3A_866 : i32 to vector<16xi32>
      %and3A_868 = arith.andi %get3A_861, %and3A_867 : vector<16xi32>
      tpu.vector_store_idx %arg9[%shift_right_arithmetic3A_865, %and3A_868], %gather3A_862 {add = true} : memref<640x16xf32, #tpu.memory_space<vmem>>[vector<16xi32>, vector<16xi32>], vector<16xf32>,
      %scan3A_869 = arith.constant 0 : i32
      %scan3A_870 = arith.constant 3 : i32
      %scan3A_871 = arith.addi %scan3A_549, %scan3A_870 : i32
      %get3A_872 = arith.index_cast %scan3A_871 : i32 to index
      %get3A_873 = arith.constant 0 : index
      %get3A_874 = tpu.vector_load %arg6[%get3A_872, %get3A_873] {strides = array<i32>} : memref<79x128xi32, #tpu.memory_space<vmem>>, vector<16xi32>,
      %get3A_875 = arith.index_cast %scan3A_871 : i32 to index
      %get3A_876 = arith.constant 0 : index
      %get3A_877 = tpu.vector_load %arg7[%get3A_875, %get3A_876] {strides = array<i32>} : memref<79x128xi32, #tpu.memory_space<vmem>>, vector<16xi32>,
      %gather3A_878 = tpu.vector_load_idx %arg8[%get3A_874] : memref<10000xf32, #tpu.memory_space<vmem>>[vector<16xi32>], vector<16xf32>,
      %shift_right_arithmetic3A_879 = arith.constant 4 : i32
      %shift_right_arithmetic3A_880 = vector.broadcast %shift_right_arithmetic3A_879 : i32 to vector<16xi32>
      %shift_right_arithmetic3A_881 = arith.shrsi %get3A_877, %shift_right_arithmetic3A_880 : vector<16xi32>
      %and3A_882 = arith.constant 15 : i32
      %and3A_883 = vector.broadcast %and3A_882 : i32 to vector<16xi32>
      %and3A_884 = arith.andi %get3A_877, %and3A_883 : vector<16xi32>
      tpu.vector_store_idx %arg9[%shift_right_arithmetic3A_881, %and3A_884], %gather3A_878 {add = true} : memref<640x16xf32, #tpu.memory_space<vmem>>[vector<16xi32>, vector<16xi32>], vector<16xf32>,
      %get3A_885 = arith.index_cast %scan3A_871 : i32 to index
      %get3A_886 = arith.constant 16 : index
      %get3A_887 = tpu.vector_load %arg6[%get3A_885, %get3A_886] {strides = array<i32>} : memref<79x128xi32, #tpu.memory_space<vmem>>, vector<16xi32>,
      %get3A_888 = arith.index_cast %scan3A_871 : i32 to index
      %get3A_889 = arith.constant 16 : index
      %get3A_890 = tpu.vector_load %arg7[%get3A_888, %get3A_889] {strides = array<i32>} : memref<79x128xi32, #tpu.memory_space<vmem>>, vector<16xi32>,
      %gather3A_891 = tpu.vector_load_idx %arg8[%get3A_887] : memref<10000xf32, #tpu.memory_space<vmem>>[vector<16xi32>], vector<16xf32>,
      %shift_right_arithmetic3A_892 = arith.constant 4 : i32
      %shift_right_arithmetic3A_893 = vector.broadcast %shift_right_arithmetic3A_892 : i32 to vector<16xi32>
      %shift_right_arithmetic3A_894 = arith.shrsi %get3A_890, %shift_right_arithmetic3A_893 : vector<16xi32>
      %and3A_895 = arith.constant 15 : i32
      %and3A_896 = vector.broadcast %and3A_895 : i32 to vector<16xi32>
      %and3A_897 = arith.andi %get3A_890, %and3A_896 : vector<16xi32>
      tpu.vector_store_idx %arg9[%shift_right_arithmetic3A_894, %and3A_897], %gather3A_891 {add = true} : memref<640x16xf32, #tpu.memory_space<vmem>>[vector<16xi32>, vector<16xi32>], vector<16xf32>,
      %get3A_898 = arith.index_cast %scan3A_871 : i32 to index
      %get3A_899 = arith.constant 32 : index
      %get3A_900 = tpu.vector_load %arg6[%get3A_898, %get3A_899] {strides = array<i32>} : memref<79x128xi32, #tpu.memory_space<vmem>>, vector<16xi32>,
      %get3A_901 = arith.index_cast %scan3A_871 : i32 to index
      %get3A_902 = arith.constant 32 : index
      %get3A_903 = tpu.vector_load %arg7[%get3A_901, %get3A_902] {strides = array<i32>} : memref<79x128xi32, #tpu.memory_space<vmem>>, vector<16xi32>,
      %gather3A_904 = tpu.vector_load_idx %arg8[%get3A_900] : memref<10000xf32, #tpu.memory_space<vmem>>[vector<16xi32>], vector<16xf32>,
      %shift_right_arithmetic3A_905 = arith.constant 4 : i32
      %shift_right_arithmetic3A_906 = vector.broadcast %shift_right_arithmetic3A_905 : i32 to vector<16xi32>
      %shift_right_arithmetic3A_907 = arith.shrsi %get3A_903, %shift_right_arithmetic3A_906 : vector<16xi32>
      %and3A_908 = arith.constant 15 : i32
      %and3A_909 = vector.broadcast %and3A_908 : i32 to vector<16xi32>
      %and3A_910 = arith.andi %get3A_903, %and3A_909 : vector<16xi32>
      tpu.vector_store_idx %arg9[%shift_right_arithmetic3A_907, %and3A_910], %gather3A_904 {add = true} : memref<640x16xf32, #tpu.memory_space<vmem>>[vector<16xi32>, vector<16xi32>], vector<16xf32>,
      %get3A_911 = arith.index_cast %scan3A_871 : i32 to index
      %get3A_912 = arith.constant 48 : index
      %get3A_913 = tpu.vector_load %arg6[%get3A_911, %get3A_912] {strides = array<i32>} : memref<79x128xi32, #tpu.memory_space<vmem>>, vector<16xi32>,
      %get3A_914 = arith.index_cast %scan3A_871 : i32 to index
      %get3A_915 = arith.constant 48 : index
      %get3A_916 = tpu.vector_load %arg7[%get3A_914, %get3A_915] {strides = array<i32>} : memref<79x128xi32, #tpu.memory_space<vmem>>, vector<16xi32>,
      %gather3A_917 = tpu.vector_load_idx %arg8[%get3A_913] : memref<10000xf32, #tpu.memory_space<vmem>>[vector<16xi32>], vector<16xf32>,
      %shift_right_arithmetic3A_918 = arith.constant 4 : i32
      %shift_right_arithmetic3A_919 = vector.broadcast %shift_right_arithmetic3A_918 : i32 to vector<16xi32>
      %shift_right_arithmetic3A_920 = arith.shrsi %get3A_916, %shift_right_arithmetic3A_919 : vector<16xi32>
      %and3A_921 = arith.constant 15 : i32
      %and3A_922 = vector.broadcast %and3A_921 : i32 to vector<16xi32>
      %and3A_923 = arith.andi %get3A_916, %and3A_922 : vector<16xi32>
      tpu.vector_store_idx %arg9[%shift_right_arithmetic3A_920, %and3A_923], %gather3A_917 {add = true} : memref<640x16xf32, #tpu.memory_space<vmem>>[vector<16xi32>, vector<16xi32>], vector<16xf32>,
      %get3A_924 = arith.index_cast %scan3A_871 : i32 to index
      %get3A_925 = arith.constant 64 : index
      %get3A_926 = tpu.vector_load %arg6[%get3A_924, %get3A_925] {strides = array<i32>} : memref<79x128xi32, #tpu.memory_space<vmem>>, vector<16xi32>,
      %get3A_927 = arith.index_cast %scan3A_871 : i32 to index
      %get3A_928 = arith.constant 64 : index
      %get3A_929 = tpu.vector_load %arg7[%get3A_927, %get3A_928] {strides = array<i32>} : memref<79x128xi32, #tpu.memory_space<vmem>>, vector<16xi32>,
      %gather3A_930 = tpu.vector_load_idx %arg8[%get3A_926] : memref<10000xf32, #tpu.memory_space<vmem>>[vector<16xi32>], vector<16xf32>,
      %shift_right_arithmetic3A_931 = arith.constant 4 : i32
      %shift_right_arithmetic3A_932 = vector.broadcast %shift_right_arithmetic3A_931 : i32 to vector<16xi32>
      %shift_right_arithmetic3A_933 = arith.shrsi %get3A_929, %shift_right_arithmetic3A_932 : vector<16xi32>
      %and3A_934 = arith.constant 15 : i32
      %and3A_935 = vector.broadcast %and3A_934 : i32 to vector<16xi32>
      %and3A_936 = arith.andi %get3A_929, %and3A_935 : vector<16xi32>
      tpu.vector_store_idx %arg9[%shift_right_arithmetic3A_933, %and3A_936], %gather3A_930 {add = true} : memref<640x16xf32, #tpu.memory_space<vmem>>[vector<16xi32>, vector<16xi32>], vector<16xf32>,
      %get3A_937 = arith.index_cast %scan3A_871 : i32 to index
      %get3A_938 = arith.constant 80 : index
      %get3A_939 = tpu.vector_load %arg6[%get3A_937, %get3A_938] {strides = array<i32>} : memref<79x128xi32, #tpu.memory_space<vmem>>, vector<16xi32>,
      %get3A_940 = arith.index_cast %scan3A_871 : i32 to index
      %get3A_941 = arith.constant 80 : index
      %get3A_942 = tpu.vector_load %arg7[%get3A_940, %get3A_941] {strides = array<i32>} : memref<79x128xi32, #tpu.memory_space<vmem>>, vector<16xi32>,
      %gather3A_943 = tpu.vector_load_idx %arg8[%get3A_939] : memref<10000xf32, #tpu.memory_space<vmem>>[vector<16xi32>], vector<16xf32>,
      %shift_right_arithmetic3A_944 = arith.constant 4 : i32
      %shift_right_arithmetic3A_945 = vector.broadcast %shift_right_arithmetic3A_944 : i32 to vector<16xi32>
      %shift_right_arithmetic3A_946 = arith.shrsi %get3A_942, %shift_right_arithmetic3A_945 : vector<16xi32>
      %and3A_947 = arith.constant 15 : i32
      %and3A_948 = vector.broadcast %and3A_947 : i32 to vector<16xi32>
      %and3A_949 = arith.andi %get3A_942, %and3A_948 : vector<16xi32>
      tpu.vector_store_idx %arg9[%shift_right_arithmetic3A_946, %and3A_949], %gather3A_943 {add = true} : memref<640x16xf32, #tpu.memory_space<vmem>>[vector<16xi32>, vector<16xi32>], vector<16xf32>,
      %get3A_950 = arith.index_cast %scan3A_871 : i32 to index
      %get3A_951 = arith.constant 96 : index
      %get3A_952 = tpu.vector_load %arg6[%get3A_950, %get3A_951] {strides = array<i32>} : memref<79x128xi32, #tpu.memory_space<vmem>>, vector<16xi32>,
      %get3A_953 = arith.index_cast %scan3A_871 : i32 to index
      %get3A_954 = arith.constant 96 : index
      %get3A_955 = tpu.vector_load %arg7[%get3A_953, %get3A_954] {strides = array<i32>} : memref<79x128xi32, #tpu.memory_space<vmem>>, vector<16xi32>,
      %gather3A_956 = tpu.vector_load_idx %arg8[%get3A_952] : memref<10000xf32, #tpu.memory_space<vmem>>[vector<16xi32>], vector<16xf32>,
      %shift_right_arithmetic3A_957 = arith.constant 4 : i32
      %shift_right_arithmetic3A_958 = vector.broadcast %shift_right_arithmetic3A_957 : i32 to vector<16xi32>
      %shift_right_arithmetic3A_959 = arith.shrsi %get3A_955, %shift_right_arithmetic3A_958 : vector<16xi32>
      %and3A_960 = arith.constant 15 : i32
      %and3A_961 = vector.broadcast %and3A_960 : i32 to vector<16xi32>
      %and3A_962 = arith.andi %get3A_955, %and3A_961 : vector<16xi32>
      tpu.vector_store_idx %arg9[%shift_right_arithmetic3A_959, %and3A_962], %gather3A_956 {add = true} : memref<640x16xf32, #tpu.memory_space<vmem>>[vector<16xi32>, vector<16xi32>], vector<16xf32>,
      %get3A_963 = arith.index_cast %scan3A_871 : i32 to index
      %get3A_964 = arith.constant 112 : index
      %get3A_965 = tpu.vector_load %arg6[%get3A_963, %get3A_964] {strides = array<i32>} : memref<79x128xi32, #tpu.memory_space<vmem>>, vector<16xi32>,
      %get3A_966 = arith.index_cast %scan3A_871 : i32 to index
      %get3A_967 = arith.constant 112 : index
      %get3A_968 = tpu.vector_load %arg7[%get3A_966, %get3A_967] {strides = array<i32>} : memref<79x128xi32, #tpu.memory_space<vmem>>, vector<16xi32>,
      %gather3A_969 = tpu.vector_load_idx %arg8[%get3A_965] : memref<10000xf32, #tpu.memory_space<vmem>>[vector<16xi32>], vector<16xf32>,
      %shift_right_arithmetic3A_970 = arith.constant 4 : i32
      %shift_right_arithmetic3A_971 = vector.broadcast %shift_right_arithmetic3A_970 : i32 to vector<16xi32>
      %shift_right_arithmetic3A_972 = arith.shrsi %get3A_968, %shift_right_arithmetic3A_971 : vector<16xi32>
      %and3A_973 = arith.constant 15 : i32
      %and3A_974 = vector.broadcast %and3A_973 : i32 to vector<16xi32>
      %and3A_975 = arith.andi %get3A_968, %and3A_974 : vector<16xi32>
      tpu.vector_store_idx %arg9[%shift_right_arithmetic3A_972, %and3A_975], %gather3A_969 {add = true} : memref<640x16xf32, #tpu.memory_space<vmem>>[vector<16xi32>, vector<16xi32>], vector<16xf32>,
      %scan3A_976 = arith.constant 0 : i32
      scf.yield %scan3A_976 : i32
    }
    %scan3A_33 = arith.constant 76 : i32
    %scan3A_34 = arith.addi %scan3A_28, %scan3A_33 : i32
    %get3A = arith.index_cast %scan3A_34 : i32 to index
    %get3A_35 = arith.constant 0 : index
    %get3A_36 = tpu.vector_load %arg6[%get3A, %get3A_35] {strides = array<i32>} : memref<79x128xi32, #tpu.memory_space<vmem>>, vector<16xi32>,
    %get3A_37 = arith.index_cast %scan3A_34 : i32 to index
    %get3A_38 = arith.constant 0 : index
    %get3A_39 = tpu.vector_load %arg7[%get3A_37, %get3A_38] {strides = array<i32>} : memref<79x128xi32, #tpu.memory_space<vmem>>, vector<16xi32>,
    %gather3A = tpu.vector_load_idx %arg8[%get3A_36] : memref<10000xf32, #tpu.memory_space<vmem>>[vector<16xi32>], vector<16xf32>,
    %shift_right_arithmetic3A = arith.constant 4 : i32
    %shift_right_arithmetic3A_40 = vector.broadcast %shift_right_arithmetic3A : i32 to vector<16xi32>
    %shift_right_arithmetic3A_41 = arith.shrsi %get3A_39, %shift_right_arithmetic3A_40 : vector<16xi32>
    %and3A = arith.constant 15 : i32
    %and3A_42 = vector.broadcast %and3A : i32 to vector<16xi32>
    %and3A_43 = arith.andi %get3A_39, %and3A_42 : vector<16xi32>
    tpu.vector_store_idx %arg9[%shift_right_arithmetic3A_41, %and3A_43], %gather3A {add = true} : memref<640x16xf32, #tpu.memory_space<vmem>>[vector<16xi32>, vector<16xi32>], vector<16xf32>,
    %get3A_44 = arith.index_cast %scan3A_34 : i32 to index
    %get3A_45 = arith.constant 16 : index
    %get3A_46 = tpu.vector_load %arg6[%get3A_44, %get3A_45] {strides = array<i32>} : memref<79x128xi32, #tpu.memory_space<vmem>>, vector<16xi32>,
    %get3A_47 = arith.index_cast %scan3A_34 : i32 to index
    %get3A_48 = arith.constant 16 : index
    %get3A_49 = tpu.vector_load %arg7[%get3A_47, %get3A_48] {strides = array<i32>} : memref<79x128xi32, #tpu.memory_space<vmem>>, vector<16xi32>,
    %gather3A_50 = tpu.vector_load_idx %arg8[%get3A_46] : memref<10000xf32, #tpu.memory_space<vmem>>[vector<16xi32>], vector<16xf32>,
    %shift_right_arithmetic3A_51 = arith.constant 4 : i32
    %shift_right_arithmetic3A_52 = vector.broadcast %shift_right_arithmetic3A_51 : i32 to vector<16xi32>
    %shift_right_arithmetic3A_53 = arith.shrsi %get3A_49, %shift_right_arithmetic3A_52 : vector<16xi32>
    %and3A_54 = arith.constant 15 : i32
    %and3A_55 = vector.broadcast %and3A_54 : i32 to vector<16xi32>
    %and3A_56 = arith.andi %get3A_49, %and3A_55 : vector<16xi32>
    tpu.vector_store_idx %arg9[%shift_right_arithmetic3A_53, %and3A_56], %gather3A_50 {add = true} : memref<640x16xf32, #tpu.memory_space<vmem>>[vector<16xi32>, vector<16xi32>], vector<16xf32>,
    %get3A_57 = arith.index_cast %scan3A_34 : i32 to index
    %get3A_58 = arith.constant 32 : index
    %get3A_59 = tpu.vector_load %arg6[%get3A_57, %get3A_58] {strides = array<i32>} : memref<79x128xi32, #tpu.memory_space<vmem>>, vector<16xi32>,
    %get3A_60 = arith.index_cast %scan3A_34 : i32 to index
    %get3A_61 = arith.constant 32 : index
    %get3A_62 = tpu.vector_load %arg7[%get3A_60, %get3A_61] {strides = array<i32>} : memref<79x128xi32, #tpu.memory_space<vmem>>, vector<16xi32>,
    %gather3A_63 = tpu.vector_load_idx %arg8[%get3A_59] : memref<10000xf32, #tpu.memory_space<vmem>>[vector<16xi32>], vector<16xf32>,
    %shift_right_arithmetic3A_64 = arith.constant 4 : i32
    %shift_right_arithmetic3A_65 = vector.broadcast %shift_right_arithmetic3A_64 : i32 to vector<16xi32>
    %shift_right_arithmetic3A_66 = arith.shrsi %get3A_62, %shift_right_arithmetic3A_65 : vector<16xi32>
    %and3A_67 = arith.constant 15 : i32
    %and3A_68 = vector.broadcast %and3A_67 : i32 to vector<16xi32>
    %and3A_69 = arith.andi %get3A_62, %and3A_68 : vector<16xi32>
    tpu.vector_store_idx %arg9[%shift_right_arithmetic3A_66, %and3A_69], %gather3A_63 {add = true} : memref<640x16xf32, #tpu.memory_space<vmem>>[vector<16xi32>, vector<16xi32>], vector<16xf32>,
    %get3A_70 = arith.index_cast %scan3A_34 : i32 to index
    %get3A_71 = arith.constant 48 : index
    %get3A_72 = tpu.vector_load %arg6[%get3A_70, %get3A_71] {strides = array<i32>} : memref<79x128xi32, #tpu.memory_space<vmem>>, vector<16xi32>,
    %get3A_73 = arith.index_cast %scan3A_34 : i32 to index
    %get3A_74 = arith.constant 48 : index
    %get3A_75 = tpu.vector_load %arg7[%get3A_73, %get3A_74] {strides = array<i32>} : memref<79x128xi32, #tpu.memory_space<vmem>>, vector<16xi32>,
    %gather3A_76 = tpu.vector_load_idx %arg8[%get3A_72] : memref<10000xf32, #tpu.memory_space<vmem>>[vector<16xi32>], vector<16xf32>,
    %shift_right_arithmetic3A_77 = arith.constant 4 : i32
    %shift_right_arithmetic3A_78 = vector.broadcast %shift_right_arithmetic3A_77 : i32 to vector<16xi32>
    %shift_right_arithmetic3A_79 = arith.shrsi %get3A_75, %shift_right_arithmetic3A_78 : vector<16xi32>
    %and3A_80 = arith.constant 15 : i32
    %and3A_81 = vector.broadcast %and3A_80 : i32 to vector<16xi32>
    %and3A_82 = arith.andi %get3A_75, %and3A_81 : vector<16xi32>
    tpu.vector_store_idx %arg9[%shift_right_arithmetic3A_79, %and3A_82], %gather3A_76 {add = true} : memref<640x16xf32, #tpu.memory_space<vmem>>[vector<16xi32>, vector<16xi32>], vector<16xf32>,
    %get3A_83 = arith.index_cast %scan3A_34 : i32 to index
    %get3A_84 = arith.constant 64 : index
    %get3A_85 = tpu.vector_load %arg6[%get3A_83, %get3A_84] {strides = array<i32>} : memref<79x128xi32, #tpu.memory_space<vmem>>, vector<16xi32>,
    %get3A_86 = arith.index_cast %scan3A_34 : i32 to index
    %get3A_87 = arith.constant 64 : index
    %get3A_88 = tpu.vector_load %arg7[%get3A_86, %get3A_87] {strides = array<i32>} : memref<79x128xi32, #tpu.memory_space<vmem>>, vector<16xi32>,
    %gather3A_89 = tpu.vector_load_idx %arg8[%get3A_85] : memref<10000xf32, #tpu.memory_space<vmem>>[vector<16xi32>], vector<16xf32>,
    %shift_right_arithmetic3A_90 = arith.constant 4 : i32
    %shift_right_arithmetic3A_91 = vector.broadcast %shift_right_arithmetic3A_90 : i32 to vector<16xi32>
    %shift_right_arithmetic3A_92 = arith.shrsi %get3A_88, %shift_right_arithmetic3A_91 : vector<16xi32>
    %and3A_93 = arith.constant 15 : i32
    %and3A_94 = vector.broadcast %and3A_93 : i32 to vector<16xi32>
    %and3A_95 = arith.andi %get3A_88, %and3A_94 : vector<16xi32>
    tpu.vector_store_idx %arg9[%shift_right_arithmetic3A_92, %and3A_95], %gather3A_89 {add = true} : memref<640x16xf32, #tpu.memory_space<vmem>>[vector<16xi32>, vector<16xi32>], vector<16xf32>,
    %get3A_96 = arith.index_cast %scan3A_34 : i32 to index
    %get3A_97 = arith.constant 80 : index
    %get3A_98 = tpu.vector_load %arg6[%get3A_96, %get3A_97] {strides = array<i32>} : memref<79x128xi32, #tpu.memory_space<vmem>>, vector<16xi32>,
    %get3A_99 = arith.index_cast %scan3A_34 : i32 to index
    %get3A_100 = arith.constant 80 : index
    %get3A_101 = tpu.vector_load %arg7[%get3A_99, %get3A_100] {strides = array<i32>} : memref<79x128xi32, #tpu.memory_space<vmem>>, vector<16xi32>,
    %gather3A_102 = tpu.vector_load_idx %arg8[%get3A_98] : memref<10000xf32, #tpu.memory_space<vmem>>[vector<16xi32>], vector<16xf32>,
    %shift_right_arithmetic3A_103 = arith.constant 4 : i32
    %shift_right_arithmetic3A_104 = vector.broadcast %shift_right_arithmetic3A_103 : i32 to vector<16xi32>
    %shift_right_arithmetic3A_105 = arith.shrsi %get3A_101, %shift_right_arithmetic3A_104 : vector<16xi32>
    %and3A_106 = arith.constant 15 : i32
    %and3A_107 = vector.broadcast %and3A_106 : i32 to vector<16xi32>
    %and3A_108 = arith.andi %get3A_101, %and3A_107 : vector<16xi32>
    tpu.vector_store_idx %arg9[%shift_right_arithmetic3A_105, %and3A_108], %gather3A_102 {add = true} : memref<640x16xf32, #tpu.memory_space<vmem>>[vector<16xi32>, vector<16xi32>], vector<16xf32>,
    %get3A_109 = arith.index_cast %scan3A_34 : i32 to index
    %get3A_110 = arith.constant 96 : index
    %get3A_111 = tpu.vector_load %arg6[%get3A_109, %get3A_110] {strides = array<i32>} : memref<79x128xi32, #tpu.memory_space<vmem>>, vector<16xi32>,
    %get3A_112 = arith.index_cast %scan3A_34 : i32 to index
    %get3A_113 = arith.constant 96 : index
    %get3A_114 = tpu.vector_load %arg7[%get3A_112, %get3A_113] {strides = array<i32>} : memref<79x128xi32, #tpu.memory_space<vmem>>, vector<16xi32>,
    %gather3A_115 = tpu.vector_load_idx %arg8[%get3A_111] : memref<10000xf32, #tpu.memory_space<vmem>>[vector<16xi32>], vector<16xf32>,
    %shift_right_arithmetic3A_116 = arith.constant 4 : i32
    %shift_right_arithmetic3A_117 = vector.broadcast %shift_right_arithmetic3A_116 : i32 to vector<16xi32>
    %shift_right_arithmetic3A_118 = arith.shrsi %get3A_114, %shift_right_arithmetic3A_117 : vector<16xi32>
    %and3A_119 = arith.constant 15 : i32
    %and3A_120 = vector.broadcast %and3A_119 : i32 to vector<16xi32>
    %and3A_121 = arith.andi %get3A_114, %and3A_120 : vector<16xi32>
    tpu.vector_store_idx %arg9[%shift_right_arithmetic3A_118, %and3A_121], %gather3A_115 {add = true} : memref<640x16xf32, #tpu.memory_space<vmem>>[vector<16xi32>, vector<16xi32>], vector<16xf32>,
    %get3A_122 = arith.index_cast %scan3A_34 : i32 to index
    %get3A_123 = arith.constant 112 : index
    %get3A_124 = tpu.vector_load %arg6[%get3A_122, %get3A_123] {strides = array<i32>} : memref<79x128xi32, #tpu.memory_space<vmem>>, vector<16xi32>,
    %get3A_125 = arith.index_cast %scan3A_34 : i32 to index
    %get3A_126 = arith.constant 112 : index
    %get3A_127 = tpu.vector_load %arg7[%get3A_125, %get3A_126] {strides = array<i32>} : memref<79x128xi32, #tpu.memory_space<vmem>>, vector<16xi32>,
    %gather3A_128 = tpu.vector_load_idx %arg8[%get3A_124] : memref<10000xf32, #tpu.memory_space<vmem>>[vector<16xi32>], vector<16xf32>,
    %shift_right_arithmetic3A_129 = arith.constant 4 : i32
    %shift_right_arithmetic3A_130 = vector.broadcast %shift_right_arithmetic3A_129 : i32 to vector<16xi32>
    %shift_right_arithmetic3A_131 = arith.shrsi %get3A_127, %shift_right_arithmetic3A_130 : vector<16xi32>
    %and3A_132 = arith.constant 15 : i32
    %and3A_133 = vector.broadcast %and3A_132 : i32 to vector<16xi32>
    %and3A_134 = arith.andi %get3A_127, %and3A_133 : vector<16xi32>
    tpu.vector_store_idx %arg9[%shift_right_arithmetic3A_131, %and3A_134], %gather3A_128 {add = true} : memref<640x16xf32, #tpu.memory_space<vmem>>[vector<16xi32>, vector<16xi32>], vector<16xf32>,
    %scan3A_135 = arith.constant 0 : i32
    %scan3A_136 = arith.constant 77 : i32
    %scan3A_137 = arith.addi %scan3A_28, %scan3A_136 : i32
    %get3A_138 = arith.index_cast %scan3A_137 : i32 to index
    %get3A_139 = arith.constant 0 : index
    %get3A_140 = tpu.vector_load %arg6[%get3A_138, %get3A_139] {strides = array<i32>} : memref<79x128xi32, #tpu.memory_space<vmem>>, vector<16xi32>,
    %get3A_141 = arith.index_cast %scan3A_137 : i32 to index
    %get3A_142 = arith.constant 0 : index
    %get3A_143 = tpu.vector_load %arg7[%get3A_141, %get3A_142] {strides = array<i32>} : memref<79x128xi32, #tpu.memory_space<vmem>>, vector<16xi32>,
    %gather3A_144 = tpu.vector_load_idx %arg8[%get3A_140] : memref<10000xf32, #tpu.memory_space<vmem>>[vector<16xi32>], vector<16xf32>,
    %shift_right_arithmetic3A_145 = arith.constant 4 : i32
    %shift_right_arithmetic3A_146 = vector.broadcast %shift_right_arithmetic3A_145 : i32 to vector<16xi32>
    %shift_right_arithmetic3A_147 = arith.shrsi %get3A_143, %shift_right_arithmetic3A_146 : vector<16xi32>
    %and3A_148 = arith.constant 15 : i32
    %and3A_149 = vector.broadcast %and3A_148 : i32 to vector<16xi32>
    %and3A_150 = arith.andi %get3A_143, %and3A_149 : vector<16xi32>
    tpu.vector_store_idx %arg9[%shift_right_arithmetic3A_147, %and3A_150], %gather3A_144 {add = true} : memref<640x16xf32, #tpu.memory_space<vmem>>[vector<16xi32>, vector<16xi32>], vector<16xf32>,
    %get3A_151 = arith.index_cast %scan3A_137 : i32 to index
    %get3A_152 = arith.constant 16 : index
    %get3A_153 = tpu.vector_load %arg6[%get3A_151, %get3A_152] {strides = array<i32>} : memref<79x128xi32, #tpu.memory_space<vmem>>, vector<16xi32>,
    %get3A_154 = arith.index_cast %scan3A_137 : i32 to index
    %get3A_155 = arith.constant 16 : index
    %get3A_156 = tpu.vector_load %arg7[%get3A_154, %get3A_155] {strides = array<i32>} : memref<79x128xi32, #tpu.memory_space<vmem>>, vector<16xi32>,
    %gather3A_157 = tpu.vector_load_idx %arg8[%get3A_153] : memref<10000xf32, #tpu.memory_space<vmem>>[vector<16xi32>], vector<16xf32>,
    %shift_right_arithmetic3A_158 = arith.constant 4 : i32
    %shift_right_arithmetic3A_159 = vector.broadcast %shift_right_arithmetic3A_158 : i32 to vector<16xi32>
    %shift_right_arithmetic3A_160 = arith.shrsi %get3A_156, %shift_right_arithmetic3A_159 : vector<16xi32>
    %and3A_161 = arith.constant 15 : i32
    %and3A_162 = vector.broadcast %and3A_161 : i32 to vector<16xi32>
    %and3A_163 = arith.andi %get3A_156, %and3A_162 : vector<16xi32>
    tpu.vector_store_idx %arg9[%shift_right_arithmetic3A_160, %and3A_163], %gather3A_157 {add = true} : memref<640x16xf32, #tpu.memory_space<vmem>>[vector<16xi32>, vector<16xi32>], vector<16xf32>,
    %get3A_164 = arith.index_cast %scan3A_137 : i32 to index
    %get3A_165 = arith.constant 32 : index
    %get3A_166 = tpu.vector_load %arg6[%get3A_164, %get3A_165] {strides = array<i32>} : memref<79x128xi32, #tpu.memory_space<vmem>>, vector<16xi32>,
    %get3A_167 = arith.index_cast %scan3A_137 : i32 to index
    %get3A_168 = arith.constant 32 : index
    %get3A_169 = tpu.vector_load %arg7[%get3A_167, %get3A_168] {strides = array<i32>} : memref<79x128xi32, #tpu.memory_space<vmem>>, vector<16xi32>,
    %gather3A_170 = tpu.vector_load_idx %arg8[%get3A_166] : memref<10000xf32, #tpu.memory_space<vmem>>[vector<16xi32>], vector<16xf32>,
    %shift_right_arithmetic3A_171 = arith.constant 4 : i32
    %shift_right_arithmetic3A_172 = vector.broadcast %shift_right_arithmetic3A_171 : i32 to vector<16xi32>
    %shift_right_arithmetic3A_173 = arith.shrsi %get3A_169, %shift_right_arithmetic3A_172 : vector<16xi32>
    %and3A_174 = arith.constant 15 : i32
    %and3A_175 = vector.broadcast %and3A_174 : i32 to vector<16xi32>
    %and3A_176 = arith.andi %get3A_169, %and3A_175 : vector<16xi32>
    tpu.vector_store_idx %arg9[%shift_right_arithmetic3A_173, %and3A_176], %gather3A_170 {add = true} : memref<640x16xf32, #tpu.memory_space<vmem>>[vector<16xi32>, vector<16xi32>], vector<16xf32>,
    %get3A_177 = arith.index_cast %scan3A_137 : i32 to index
    %get3A_178 = arith.constant 48 : index
    %get3A_179 = tpu.vector_load %arg6[%get3A_177, %get3A_178] {strides = array<i32>} : memref<79x128xi32, #tpu.memory_space<vmem>>, vector<16xi32>,
    %get3A_180 = arith.index_cast %scan3A_137 : i32 to index
    %get3A_181 = arith.constant 48 : index
    %get3A_182 = tpu.vector_load %arg7[%get3A_180, %get3A_181] {strides = array<i32>} : memref<79x128xi32, #tpu.memory_space<vmem>>, vector<16xi32>,
    %gather3A_183 = tpu.vector_load_idx %arg8[%get3A_179] : memref<10000xf32, #tpu.memory_space<vmem>>[vector<16xi32>], vector<16xf32>,
    %shift_right_arithmetic3A_184 = arith.constant 4 : i32
    %shift_right_arithmetic3A_185 = vector.broadcast %shift_right_arithmetic3A_184 : i32 to vector<16xi32>
    %shift_right_arithmetic3A_186 = arith.shrsi %get3A_182, %shift_right_arithmetic3A_185 : vector<16xi32>
    %and3A_187 = arith.constant 15 : i32
    %and3A_188 = vector.broadcast %and3A_187 : i32 to vector<16xi32>
    %and3A_189 = arith.andi %get3A_182, %and3A_188 : vector<16xi32>
    tpu.vector_store_idx %arg9[%shift_right_arithmetic3A_186, %and3A_189], %gather3A_183 {add = true} : memref<640x16xf32, #tpu.memory_space<vmem>>[vector<16xi32>, vector<16xi32>], vector<16xf32>,
    %get3A_190 = arith.index_cast %scan3A_137 : i32 to index
    %get3A_191 = arith.constant 64 : index
    %get3A_192 = tpu.vector_load %arg6[%get3A_190, %get3A_191] {strides = array<i32>} : memref<79x128xi32, #tpu.memory_space<vmem>>, vector<16xi32>,
    %get3A_193 = arith.index_cast %scan3A_137 : i32 to index
    %get3A_194 = arith.constant 64 : index
    %get3A_195 = tpu.vector_load %arg7[%get3A_193, %get3A_194] {strides = array<i32>} : memref<79x128xi32, #tpu.memory_space<vmem>>, vector<16xi32>,
    %gather3A_196 = tpu.vector_load_idx %arg8[%get3A_192] : memref<10000xf32, #tpu.memory_space<vmem>>[vector<16xi32>], vector<16xf32>,
    %shift_right_arithmetic3A_197 = arith.constant 4 : i32
    %shift_right_arithmetic3A_198 = vector.broadcast %shift_right_arithmetic3A_197 : i32 to vector<16xi32>
    %shift_right_arithmetic3A_199 = arith.shrsi %get3A_195, %shift_right_arithmetic3A_198 : vector<16xi32>
    %and3A_200 = arith.constant 15 : i32
    %and3A_201 = vector.broadcast %and3A_200 : i32 to vector<16xi32>
    %and3A_202 = arith.andi %get3A_195, %and3A_201 : vector<16xi32>
    tpu.vector_store_idx %arg9[%shift_right_arithmetic3A_199, %and3A_202], %gather3A_196 {add = true} : memref<640x16xf32, #tpu.memory_space<vmem>>[vector<16xi32>, vector<16xi32>], vector<16xf32>,
    %get3A_203 = arith.index_cast %scan3A_137 : i32 to index
    %get3A_204 = arith.constant 80 : index
    %get3A_205 = tpu.vector_load %arg6[%get3A_203, %get3A_204] {strides = array<i32>} : memref<79x128xi32, #tpu.memory_space<vmem>>, vector<16xi32>,
    %get3A_206 = arith.index_cast %scan3A_137 : i32 to index
    %get3A_207 = arith.constant 80 : index
    %get3A_208 = tpu.vector_load %arg7[%get3A_206, %get3A_207] {strides = array<i32>} : memref<79x128xi32, #tpu.memory_space<vmem>>, vector<16xi32>,
    %gather3A_209 = tpu.vector_load_idx %arg8[%get3A_205] : memref<10000xf32, #tpu.memory_space<vmem>>[vector<16xi32>], vector<16xf32>,
    %shift_right_arithmetic3A_210 = arith.constant 4 : i32
    %shift_right_arithmetic3A_211 = vector.broadcast %shift_right_arithmetic3A_210 : i32 to vector<16xi32>
    %shift_right_arithmetic3A_212 = arith.shrsi %get3A_208, %shift_right_arithmetic3A_211 : vector<16xi32>
    %and3A_213 = arith.constant 15 : i32
    %and3A_214 = vector.broadcast %and3A_213 : i32 to vector<16xi32>
    %and3A_215 = arith.andi %get3A_208, %and3A_214 : vector<16xi32>
    tpu.vector_store_idx %arg9[%shift_right_arithmetic3A_212, %and3A_215], %gather3A_209 {add = true} : memref<640x16xf32, #tpu.memory_space<vmem>>[vector<16xi32>, vector<16xi32>], vector<16xf32>,
    %get3A_216 = arith.index_cast %scan3A_137 : i32 to index
    %get3A_217 = arith.constant 96 : index
    %get3A_218 = tpu.vector_load %arg6[%get3A_216, %get3A_217] {strides = array<i32>} : memref<79x128xi32, #tpu.memory_space<vmem>>, vector<16xi32>,
    %get3A_219 = arith.index_cast %scan3A_137 : i32 to index
    %get3A_220 = arith.constant 96 : index
    %get3A_221 = tpu.vector_load %arg7[%get3A_219, %get3A_220] {strides = array<i32>} : memref<79x128xi32, #tpu.memory_space<vmem>>, vector<16xi32>,
    %gather3A_222 = tpu.vector_load_idx %arg8[%get3A_218] : memref<10000xf32, #tpu.memory_space<vmem>>[vector<16xi32>], vector<16xf32>,
    %shift_right_arithmetic3A_223 = arith.constant 4 : i32
    %shift_right_arithmetic3A_224 = vector.broadcast %shift_right_arithmetic3A_223 : i32 to vector<16xi32>
    %shift_right_arithmetic3A_225 = arith.shrsi %get3A_221, %shift_right_arithmetic3A_224 : vector<16xi32>
    %and3A_226 = arith.constant 15 : i32
    %and3A_227 = vector.broadcast %and3A_226 : i32 to vector<16xi32>
    %and3A_228 = arith.andi %get3A_221, %and3A_227 : vector<16xi32>
    tpu.vector_store_idx %arg9[%shift_right_arithmetic3A_225, %and3A_228], %gather3A_222 {add = true} : memref<640x16xf32, #tpu.memory_space<vmem>>[vector<16xi32>, vector<16xi32>], vector<16xf32>,
    %get3A_229 = arith.index_cast %scan3A_137 : i32 to index
    %get3A_230 = arith.constant 112 : index
    %get3A_231 = tpu.vector_load %arg6[%get3A_229, %get3A_230] {strides = array<i32>} : memref<79x128xi32, #tpu.memory_space<vmem>>, vector<16xi32>,
    %get3A_232 = arith.index_cast %scan3A_137 : i32 to index
    %get3A_233 = arith.constant 112 : index
    %get3A_234 = tpu.vector_load %arg7[%get3A_232, %get3A_233] {strides = array<i32>} : memref<79x128xi32, #tpu.memory_space<vmem>>, vector<16xi32>,
    %gather3A_235 = tpu.vector_load_idx %arg8[%get3A_231] : memref<10000xf32, #tpu.memory_space<vmem>>[vector<16xi32>], vector<16xf32>,
    %shift_right_arithmetic3A_236 = arith.constant 4 : i32
    %shift_right_arithmetic3A_237 = vector.broadcast %shift_right_arithmetic3A_236 : i32 to vector<16xi32>
    %shift_right_arithmetic3A_238 = arith.shrsi %get3A_234, %shift_right_arithmetic3A_237 : vector<16xi32>
    %and3A_239 = arith.constant 15 : i32
    %and3A_240 = vector.broadcast %and3A_239 : i32 to vector<16xi32>
    %and3A_241 = arith.andi %get3A_234, %and3A_240 : vector<16xi32>
    tpu.vector_store_idx %arg9[%shift_right_arithmetic3A_238, %and3A_241], %gather3A_235 {add = true} : memref<640x16xf32, #tpu.memory_space<vmem>>[vector<16xi32>, vector<16xi32>], vector<16xf32>,
    %scan3A_242 = arith.constant 0 : i32
    %scan3A_243 = arith.constant 78 : i32
    %lt3A_244 = arith.constant 4 : i32
    %lt3A_245 = arith.cmpi slt, %add3A, %lt3A_244 : i32
    %convert_element_type3A_246 = arith.extui %lt3A_245 : i1 to i32
    %cond3A_247 = arith.constant 0 : i32
    %cond3A_248 = arith.cmpi ne, %convert_element_type3A_246, %cond3A_247 : i32
    scf.if %cond3A_248 {
      %get3A_549 = arith.constant 78 : i32
      %get3A_550 = arith.index_cast %get3A_549 : i32 to index
      %get3A_551 = arith.constant 0 : index
      %get3A_552 = tpu.vector_load %arg6[%get3A_550, %get3A_551] {strides = array<i32>} : memref<79x128xi32, #tpu.memory_space<vmem>>, vector<16xi32>,
      %get3A_553 = arith.constant 78 : i32
      %get3A_554 = arith.index_cast %get3A_553 : i32 to index
      %get3A_555 = arith.constant 0 : index
      %get3A_556 = tpu.vector_load %arg7[%get3A_554, %get3A_555] {strides = array<i32>} : memref<79x128xi32, #tpu.memory_space<vmem>>, vector<16xi32>,
      %gather3A_557 = tpu.vector_load_idx %arg8[%get3A_552] : memref<10000xf32, #tpu.memory_space<vmem>>[vector<16xi32>], vector<16xf32>,
      %shift_right_arithmetic3A_558 = arith.constant 4 : i32
      %shift_right_arithmetic3A_559 = vector.broadcast %shift_right_arithmetic3A_558 : i32 to vector<16xi32>
      %shift_right_arithmetic3A_560 = arith.shrsi %get3A_556, %shift_right_arithmetic3A_559 : vector<16xi32>
      %and3A_561 = arith.constant 15 : i32
      %and3A_562 = vector.broadcast %and3A_561 : i32 to vector<16xi32>
      %and3A_563 = arith.andi %get3A_556, %and3A_562 : vector<16xi32>
      tpu.vector_store_idx %arg9[%shift_right_arithmetic3A_560, %and3A_563], %gather3A_557 {add = true} : memref<640x16xf32, #tpu.memory_space<vmem>>[vector<16xi32>, vector<16xi32>], vector<16xf32>,
      %get3A_564 = arith.constant 78 : i32
      %get3A_565 = arith.index_cast %get3A_564 : i32 to index
      %get3A_566 = arith.constant 16 : index
      %get3A_567 = tpu.vector_load %arg6[%get3A_565, %get3A_566] {strides = array<i32>} : memref<79x128xi32, #tpu.memory_space<vmem>>, vector<16xi32>,
      %get3A_568 = arith.constant 78 : i32
      %get3A_569 = arith.index_cast %get3A_568 : i32 to index
      %get3A_570 = arith.constant 16 : index
      %get3A_571 = tpu.vector_load %arg7[%get3A_569, %get3A_570] {strides = array<i32>} : memref<79x128xi32, #tpu.memory_space<vmem>>, vector<16xi32>,
      %gather3A_572 = tpu.vector_load_idx %arg8[%get3A_567] : memref<10000xf32, #tpu.memory_space<vmem>>[vector<16xi32>], vector<16xf32>,
      %shift_right_arithmetic3A_573 = arith.constant 4 : i32
      %shift_right_arithmetic3A_574 = vector.broadcast %shift_right_arithmetic3A_573 : i32 to vector<16xi32>
      %shift_right_arithmetic3A_575 = arith.shrsi %get3A_571, %shift_right_arithmetic3A_574 : vector<16xi32>
      %and3A_576 = arith.constant 15 : i32
      %and3A_577 = vector.broadcast %and3A_576 : i32 to vector<16xi32>
      %and3A_578 = arith.andi %get3A_571, %and3A_577 : vector<16xi32>
      tpu.vector_store_idx %arg9[%shift_right_arithmetic3A_575, %and3A_578], %gather3A_572 {add = true} : memref<640x16xf32, #tpu.memory_space<vmem>>[vector<16xi32>, vector<16xi32>], vector<16xf32>,
      %get3A_579 = arith.constant 78 : i32
      %get3A_580 = arith.index_cast %get3A_579 : i32 to index
      %get3A_581 = arith.constant 32 : index
      %get3A_582 = tpu.vector_load %arg6[%get3A_580, %get3A_581] {strides = array<i32>} : memref<79x128xi32, #tpu.memory_space<vmem>>, vector<16xi32>,
      %get3A_583 = arith.constant 78 : i32
      %get3A_584 = arith.index_cast %get3A_583 : i32 to index
      %get3A_585 = arith.constant 32 : index
      %get3A_586 = tpu.vector_load %arg7[%get3A_584, %get3A_585] {strides = array<i32>} : memref<79x128xi32, #tpu.memory_space<vmem>>, vector<16xi32>,
      %gather3A_587 = tpu.vector_load_idx %arg8[%get3A_582] : memref<10000xf32, #tpu.memory_space<vmem>>[vector<16xi32>], vector<16xf32>,
      %shift_right_arithmetic3A_588 = arith.constant 4 : i32
      %shift_right_arithmetic3A_589 = vector.broadcast %shift_right_arithmetic3A_588 : i32 to vector<16xi32>
      %shift_right_arithmetic3A_590 = arith.shrsi %get3A_586, %shift_right_arithmetic3A_589 : vector<16xi32>
      %and3A_591 = arith.constant 15 : i32
      %and3A_592 = vector.broadcast %and3A_591 : i32 to vector<16xi32>
      %and3A_593 = arith.andi %get3A_586, %and3A_592 : vector<16xi32>
      tpu.vector_store_idx %arg9[%shift_right_arithmetic3A_590, %and3A_593], %gather3A_587 {add = true} : memref<640x16xf32, #tpu.memory_space<vmem>>[vector<16xi32>, vector<16xi32>], vector<16xf32>,
      %get3A_594 = arith.constant 78 : i32
      %get3A_595 = arith.index_cast %get3A_594 : i32 to index
      %get3A_596 = arith.constant 48 : index
      %get3A_597 = tpu.vector_load %arg6[%get3A_595, %get3A_596] {strides = array<i32>} : memref<79x128xi32, #tpu.memory_space<vmem>>, vector<16xi32>,
      %get3A_598 = arith.constant 78 : i32
      %get3A_599 = arith.index_cast %get3A_598 : i32 to index
      %get3A_600 = arith.constant 48 : index
      %get3A_601 = tpu.vector_load %arg7[%get3A_599, %get3A_600] {strides = array<i32>} : memref<79x128xi32, #tpu.memory_space<vmem>>, vector<16xi32>,
      %gather3A_602 = tpu.vector_load_idx %arg8[%get3A_597] : memref<10000xf32, #tpu.memory_space<vmem>>[vector<16xi32>], vector<16xf32>,
      %shift_right_arithmetic3A_603 = arith.constant 4 : i32
      %shift_right_arithmetic3A_604 = vector.broadcast %shift_right_arithmetic3A_603 : i32 to vector<16xi32>
      %shift_right_arithmetic3A_605 = arith.shrsi %get3A_601, %shift_right_arithmetic3A_604 : vector<16xi32>
      %and3A_606 = arith.constant 15 : i32
      %and3A_607 = vector.broadcast %and3A_606 : i32 to vector<16xi32>
      %and3A_608 = arith.andi %get3A_601, %and3A_607 : vector<16xi32>
      tpu.vector_store_idx %arg9[%shift_right_arithmetic3A_605, %and3A_608], %gather3A_602 {add = true} : memref<640x16xf32, #tpu.memory_space<vmem>>[vector<16xi32>, vector<16xi32>], vector<16xf32>,
      %get3A_609 = arith.constant 78 : i32
      %get3A_610 = arith.index_cast %get3A_609 : i32 to index
      %get3A_611 = arith.constant 64 : index
      %get3A_612 = tpu.vector_load %arg6[%get3A_610, %get3A_611] {strides = array<i32>} : memref<79x128xi32, #tpu.memory_space<vmem>>, vector<16xi32>,
      %get3A_613 = arith.constant 78 : i32
      %get3A_614 = arith.index_cast %get3A_613 : i32 to index
      %get3A_615 = arith.constant 64 : index
      %get3A_616 = tpu.vector_load %arg7[%get3A_614, %get3A_615] {strides = array<i32>} : memref<79x128xi32, #tpu.memory_space<vmem>>, vector<16xi32>,
      %gather3A_617 = tpu.vector_load_idx %arg8[%get3A_612] : memref<10000xf32, #tpu.memory_space<vmem>>[vector<16xi32>], vector<16xf32>,
      %shift_right_arithmetic3A_618 = arith.constant 4 : i32
      %shift_right_arithmetic3A_619 = vector.broadcast %shift_right_arithmetic3A_618 : i32 to vector<16xi32>
      %shift_right_arithmetic3A_620 = arith.shrsi %get3A_616, %shift_right_arithmetic3A_619 : vector<16xi32>
      %and3A_621 = arith.constant 15 : i32
      %and3A_622 = vector.broadcast %and3A_621 : i32 to vector<16xi32>
      %and3A_623 = arith.andi %get3A_616, %and3A_622 : vector<16xi32>
      tpu.vector_store_idx %arg9[%shift_right_arithmetic3A_620, %and3A_623], %gather3A_617 {add = true} : memref<640x16xf32, #tpu.memory_space<vmem>>[vector<16xi32>, vector<16xi32>], vector<16xf32>,
      %get3A_624 = arith.constant 78 : i32
      %get3A_625 = arith.index_cast %get3A_624 : i32 to index
      %get3A_626 = arith.constant 80 : index
      %get3A_627 = tpu.vector_load %arg6[%get3A_625, %get3A_626] {strides = array<i32>} : memref<79x128xi32, #tpu.memory_space<vmem>>, vector<16xi32>,
      %get3A_628 = arith.constant 78 : i32
      %get3A_629 = arith.index_cast %get3A_628 : i32 to index
      %get3A_630 = arith.constant 80 : index
      %get3A_631 = tpu.vector_load %arg7[%get3A_629, %get3A_630] {strides = array<i32>} : memref<79x128xi32, #tpu.memory_space<vmem>>, vector<16xi32>,
      %gather3A_632 = tpu.vector_load_idx %arg8[%get3A_627] : memref<10000xf32, #tpu.memory_space<vmem>>[vector<16xi32>], vector<16xf32>,
      %shift_right_arithmetic3A_633 = arith.constant 4 : i32
      %shift_right_arithmetic3A_634 = vector.broadcast %shift_right_arithmetic3A_633 : i32 to vector<16xi32>
      %shift_right_arithmetic3A_635 = arith.shrsi %get3A_631, %shift_right_arithmetic3A_634 : vector<16xi32>
      %and3A_636 = arith.constant 15 : i32
      %and3A_637 = vector.broadcast %and3A_636 : i32 to vector<16xi32>
      %and3A_638 = arith.andi %get3A_631, %and3A_637 : vector<16xi32>
      tpu.vector_store_idx %arg9[%shift_right_arithmetic3A_635, %and3A_638], %gather3A_632 {add = true} : memref<640x16xf32, #tpu.memory_space<vmem>>[vector<16xi32>, vector<16xi32>], vector<16xf32>,
      %get3A_639 = arith.constant 78 : i32
      %get3A_640 = arith.index_cast %get3A_639 : i32 to index
      %get3A_641 = arith.constant 96 : index
      %get3A_642 = tpu.vector_load %arg6[%get3A_640, %get3A_641] {strides = array<i32>} : memref<79x128xi32, #tpu.memory_space<vmem>>, vector<16xi32>,
      %get3A_643 = arith.constant 78 : i32
      %get3A_644 = arith.index_cast %get3A_643 : i32 to index
      %get3A_645 = arith.constant 96 : index
      %get3A_646 = tpu.vector_load %arg7[%get3A_644, %get3A_645] {strides = array<i32>} : memref<79x128xi32, #tpu.memory_space<vmem>>, vector<16xi32>,
      %gather3A_647 = tpu.vector_load_idx %arg8[%get3A_642] : memref<10000xf32, #tpu.memory_space<vmem>>[vector<16xi32>], vector<16xf32>,
      %shift_right_arithmetic3A_648 = arith.constant 4 : i32
      %shift_right_arithmetic3A_649 = vector.broadcast %shift_right_arithmetic3A_648 : i32 to vector<16xi32>
      %shift_right_arithmetic3A_650 = arith.shrsi %get3A_646, %shift_right_arithmetic3A_649 : vector<16xi32>
      %and3A_651 = arith.constant 15 : i32
      %and3A_652 = vector.broadcast %and3A_651 : i32 to vector<16xi32>
      %and3A_653 = arith.andi %get3A_646, %and3A_652 : vector<16xi32>
      tpu.vector_store_idx %arg9[%shift_right_arithmetic3A_650, %and3A_653], %gather3A_647 {add = true} : memref<640x16xf32, #tpu.memory_space<vmem>>[vector<16xi32>, vector<16xi32>], vector<16xf32>,
      %get3A_654 = arith.constant 78 : i32
      %get3A_655 = arith.index_cast %get3A_654 : i32 to index
      %get3A_656 = arith.constant 112 : index
      %get3A_657 = tpu.vector_load %arg6[%get3A_655, %get3A_656] {strides = array<i32>} : memref<79x128xi32, #tpu.memory_space<vmem>>, vector<16xi32>,
      %get3A_658 = arith.constant 78 : i32
      %get3A_659 = arith.index_cast %get3A_658 : i32 to index
      %get3A_660 = arith.constant 112 : index
      %get3A_661 = tpu.vector_load %arg7[%get3A_659, %get3A_660] {strides = array<i32>} : memref<79x128xi32, #tpu.memory_space<vmem>>, vector<16xi32>,
      %gather3A_662 = tpu.vector_load_idx %arg8[%get3A_657] : memref<10000xf32, #tpu.memory_space<vmem>>[vector<16xi32>], vector<16xf32>,
      %shift_right_arithmetic3A_663 = arith.constant 4 : i32
      %shift_right_arithmetic3A_664 = vector.broadcast %shift_right_arithmetic3A_663 : i32 to vector<16xi32>
      %shift_right_arithmetic3A_665 = arith.shrsi %get3A_661, %shift_right_arithmetic3A_664 : vector<16xi32>
      %and3A_666 = arith.constant 15 : i32
      %and3A_667 = vector.broadcast %and3A_666 : i32 to vector<16xi32>
      %and3A_668 = arith.andi %get3A_661, %and3A_667 : vector<16xi32>
      tpu.vector_store_idx %arg9[%shift_right_arithmetic3A_665, %and3A_668], %gather3A_662 {add = true} : memref<640x16xf32, #tpu.memory_space<vmem>>[vector<16xi32>, vector<16xi32>], vector<16xf32>,
    } else {
    }
    %iota3A = tpu.iota {dimensions = array<i32: 0>} : vector<16xi32>
    %add3A_249 = arith.constant 0 : i32
    %add3A_250 = vector.broadcast %add3A_249 : i32 to vector<16xi32>
    %add3A_251 = arith.addi %iota3A, %add3A_250 : vector<16xi32>
    %swap3A = arith.constant 0 : i32
    %swap3A_252 = arith.index_cast %swap3A : i32 to index
    %swap3A_253 = arith.constant 0 : index
    %swap3A_254 = tpu.vector_load %arg10[%swap3A_252, %swap3A_253] {strides = array<i32>} : memref<5x128xi32, #tpu.memory_space<vmem>>, vector<16xi32>,
    tpu.vector_store %arg10[%swap3A_252, %swap3A_253], %add3A_251 {strides = array<i32>} : memref<5x128xi32, #tpu.memory_space<vmem>>, vector<16xi32>,
    %add3A_255 = arith.constant 16 : i32
    %add3A_256 = vector.broadcast %add3A_255 : i32 to vector<16xi32>
    %add3A_257 = arith.addi %iota3A, %add3A_256 : vector<16xi32>
    %swap3A_258 = arith.constant 0 : i32
    %swap3A_259 = arith.index_cast %swap3A_258 : i32 to index
    %swap3A_260 = arith.constant 16 : index
    %swap3A_261 = tpu.vector_load %arg10[%swap3A_259, %swap3A_260] {strides = array<i32>} : memref<5x128xi32, #tpu.memory_space<vmem>>, vector<16xi32>,
    tpu.vector_store %arg10[%swap3A_259, %swap3A_260], %add3A_257 {strides = array<i32>} : memref<5x128xi32, #tpu.memory_space<vmem>>, vector<16xi32>,
    %add3A_262 = arith.constant 32 : i32
    %add3A_263 = vector.broadcast %add3A_262 : i32 to vector<16xi32>
    %add3A_264 = arith.addi %iota3A, %add3A_263 : vector<16xi32>
    %swap3A_265 = arith.constant 0 : i32
    %swap3A_266 = arith.index_cast %swap3A_265 : i32 to index
    %swap3A_267 = arith.constant 32 : index
    %swap3A_268 = tpu.vector_load %arg10[%swap3A_266, %swap3A_267] {strides = array<i32>} : memref<5x128xi32, #tpu.memory_space<vmem>>, vector<16xi32>,
    tpu.vector_store %arg10[%swap3A_266, %swap3A_267], %add3A_264 {strides = array<i32>} : memref<5x128xi32, #tpu.memory_space<vmem>>, vector<16xi32>,
    %add3A_269 = arith.constant 48 : i32
    %add3A_270 = vector.broadcast %add3A_269 : i32 to vector<16xi32>
    %add3A_271 = arith.addi %iota3A, %add3A_270 : vector<16xi32>
    %swap3A_272 = arith.constant 0 : i32
    %swap3A_273 = arith.index_cast %swap3A_272 : i32 to index
    %swap3A_274 = arith.constant 48 : index
    %swap3A_275 = tpu.vector_load %arg10[%swap3A_273, %swap3A_274] {strides = array<i32>} : memref<5x128xi32, #tpu.memory_space<vmem>>, vector<16xi32>,
    tpu.vector_store %arg10[%swap3A_273, %swap3A_274], %add3A_271 {strides = array<i32>} : memref<5x128xi32, #tpu.memory_space<vmem>>, vector<16xi32>,
    %add3A_276 = arith.constant 64 : i32
    %add3A_277 = vector.broadcast %add3A_276 : i32 to vector<16xi32>
    %add3A_278 = arith.addi %iota3A, %add3A_277 : vector<16xi32>
    %swap3A_279 = arith.constant 0 : i32
    %swap3A_280 = arith.index_cast %swap3A_279 : i32 to index
    %swap3A_281 = arith.constant 64 : index
    %swap3A_282 = tpu.vector_load %arg10[%swap3A_280, %swap3A_281] {strides = array<i32>} : memref<5x128xi32, #tpu.memory_space<vmem>>, vector<16xi32>,
    tpu.vector_store %arg10[%swap3A_280, %swap3A_281], %add3A_278 {strides = array<i32>} : memref<5x128xi32, #tpu.memory_space<vmem>>, vector<16xi32>,
    %add3A_283 = arith.constant 80 : i32
    %add3A_284 = vector.broadcast %add3A_283 : i32 to vector<16xi32>
    %add3A_285 = arith.addi %iota3A, %add3A_284 : vector<16xi32>
    %swap3A_286 = arith.constant 0 : i32
    %swap3A_287 = arith.index_cast %swap3A_286 : i32 to index
    %swap3A_288 = arith.constant 80 : index
    %swap3A_289 = tpu.vector_load %arg10[%swap3A_287, %swap3A_288] {strides = array<i32>} : memref<5x128xi32, #tpu.memory_space<vmem>>, vector<16xi32>,
    tpu.vector_store %arg10[%swap3A_287, %swap3A_288], %add3A_285 {strides = array<i32>} : memref<5x128xi32, #tpu.memory_space<vmem>>, vector<16xi32>,
    %add3A_290 = arith.constant 96 : i32
    %add3A_291 = vector.broadcast %add3A_290 : i32 to vector<16xi32>
    %add3A_292 = arith.addi %iota3A, %add3A_291 : vector<16xi32>
    %swap3A_293 = arith.constant 0 : i32
    %swap3A_294 = arith.index_cast %swap3A_293 : i32 to index
    %swap3A_295 = arith.constant 96 : index
    %swap3A_296 = tpu.vector_load %arg10[%swap3A_294, %swap3A_295] {strides = array<i32>} : memref<5x128xi32, #tpu.memory_space<vmem>>, vector<16xi32>,
    tpu.vector_store %arg10[%swap3A_294, %swap3A_295], %add3A_292 {strides = array<i32>} : memref<5x128xi32, #tpu.memory_space<vmem>>, vector<16xi32>,
    %add3A_297 = arith.constant 112 : i32
    %add3A_298 = vector.broadcast %add3A_297 : i32 to vector<16xi32>
    %add3A_299 = arith.addi %iota3A, %add3A_298 : vector<16xi32>
    %swap3A_300 = arith.constant 0 : i32
    %swap3A_301 = arith.index_cast %swap3A_300 : i32 to index
    %swap3A_302 = arith.constant 112 : index
    %swap3A_303 = tpu.vector_load %arg10[%swap3A_301, %swap3A_302] {strides = array<i32>} : memref<5x128xi32, #tpu.memory_space<vmem>>, vector<16xi32>,
    tpu.vector_store %arg10[%swap3A_301, %swap3A_302], %add3A_299 {strides = array<i32>} : memref<5x128xi32, #tpu.memory_space<vmem>>, vector<16xi32>,
    %add3A_304 = arith.constant 128 : i32
    %add3A_305 = vector.broadcast %add3A_304 : i32 to vector<16xi32>
    %add3A_306 = arith.addi %iota3A, %add3A_305 : vector<16xi32>
    %swap3A_307 = arith.constant 1 : i32
    %swap3A_308 = arith.index_cast %swap3A_307 : i32 to index
    %swap3A_309 = arith.constant 0 : index
    %swap3A_310 = tpu.vector_load %arg10[%swap3A_308, %swap3A_309] {strides = array<i32>} : memref<5x128xi32, #tpu.memory_space<vmem>>, vector<16xi32>,
    tpu.vector_store %arg10[%swap3A_308, %swap3A_309], %add3A_306 {strides = array<i32>} : memref<5x128xi32, #tpu.memory_space<vmem>>, vector<16xi32>,
    %add3A_311 = arith.constant 144 : i32
    %add3A_312 = vector.broadcast %add3A_311 : i32 to vector<16xi32>
    %add3A_313 = arith.addi %iota3A, %add3A_312 : vector<16xi32>
    %swap3A_314 = arith.constant 1 : i32
    %swap3A_315 = arith.index_cast %swap3A_314 : i32 to index
    %swap3A_316 = arith.constant 16 : index
    %swap3A_317 = tpu.vector_load %arg10[%swap3A_315, %swap3A_316] {strides = array<i32>} : memref<5x128xi32, #tpu.memory_space<vmem>>, vector<16xi32>,
    tpu.vector_store %arg10[%swap3A_315, %swap3A_316], %add3A_313 {strides = array<i32>} : memref<5x128xi32, #tpu.memory_space<vmem>>, vector<16xi32>,
    %add3A_318 = arith.constant 160 : i32
    %add3A_319 = vector.broadcast %add3A_318 : i32 to vector<16xi32>
    %add3A_320 = arith.addi %iota3A, %add3A_319 : vector<16xi32>
    %swap3A_321 = arith.constant 1 : i32
    %swap3A_322 = arith.index_cast %swap3A_321 : i32 to index
    %swap3A_323 = arith.constant 32 : index
    %swap3A_324 = tpu.vector_load %arg10[%swap3A_322, %swap3A_323] {strides = array<i32>} : memref<5x128xi32, #tpu.memory_space<vmem>>, vector<16xi32>,
    tpu.vector_store %arg10[%swap3A_322, %swap3A_323], %add3A_320 {strides = array<i32>} : memref<5x128xi32, #tpu.memory_space<vmem>>, vector<16xi32>,
    %add3A_325 = arith.constant 176 : i32
    %add3A_326 = vector.broadcast %add3A_325 : i32 to vector<16xi32>
    %add3A_327 = arith.addi %iota3A, %add3A_326 : vector<16xi32>
    %swap3A_328 = arith.constant 1 : i32
    %swap3A_329 = arith.index_cast %swap3A_328 : i32 to index
    %swap3A_330 = arith.constant 48 : index
    %swap3A_331 = tpu.vector_load %arg10[%swap3A_329, %swap3A_330] {strides = array<i32>} : memref<5x128xi32, #tpu.memory_space<vmem>>, vector<16xi32>,
    tpu.vector_store %arg10[%swap3A_329, %swap3A_330], %add3A_327 {strides = array<i32>} : memref<5x128xi32, #tpu.memory_space<vmem>>, vector<16xi32>,
    %add3A_332 = arith.constant 192 : i32
    %add3A_333 = vector.broadcast %add3A_332 : i32 to vector<16xi32>
    %add3A_334 = arith.addi %iota3A, %add3A_333 : vector<16xi32>
    %swap3A_335 = arith.constant 1 : i32
    %swap3A_336 = arith.index_cast %swap3A_335 : i32 to index
    %swap3A_337 = arith.constant 64 : index
    %swap3A_338 = tpu.vector_load %arg10[%swap3A_336, %swap3A_337] {strides = array<i32>} : memref<5x128xi32, #tpu.memory_space<vmem>>, vector<16xi32>,
    tpu.vector_store %arg10[%swap3A_336, %swap3A_337], %add3A_334 {strides = array<i32>} : memref<5x128xi32, #tpu.memory_space<vmem>>, vector<16xi32>,
    %add3A_339 = arith.constant 208 : i32
    %add3A_340 = vector.broadcast %add3A_339 : i32 to vector<16xi32>
    %add3A_341 = arith.addi %iota3A, %add3A_340 : vector<16xi32>
    %swap3A_342 = arith.constant 1 : i32
    %swap3A_343 = arith.index_cast %swap3A_342 : i32 to index
    %swap3A_344 = arith.constant 80 : index
    %swap3A_345 = tpu.vector_load %arg10[%swap3A_343, %swap3A_344] {strides = array<i32>} : memref<5x128xi32, #tpu.memory_space<vmem>>, vector<16xi32>,
    tpu.vector_store %arg10[%swap3A_343, %swap3A_344], %add3A_341 {strides = array<i32>} : memref<5x128xi32, #tpu.memory_space<vmem>>, vector<16xi32>,
    %add3A_346 = arith.constant 224 : i32
    %add3A_347 = vector.broadcast %add3A_346 : i32 to vector<16xi32>
    %add3A_348 = arith.addi %iota3A, %add3A_347 : vector<16xi32>
    %swap3A_349 = arith.constant 1 : i32
    %swap3A_350 = arith.index_cast %swap3A_349 : i32 to index
    %swap3A_351 = arith.constant 96 : index
    %swap3A_352 = tpu.vector_load %arg10[%swap3A_350, %swap3A_351] {strides = array<i32>} : memref<5x128xi32, #tpu.memory_space<vmem>>, vector<16xi32>,
    tpu.vector_store %arg10[%swap3A_350, %swap3A_351], %add3A_348 {strides = array<i32>} : memref<5x128xi32, #tpu.memory_space<vmem>>, vector<16xi32>,
    %add3A_353 = arith.constant 240 : i32
    %add3A_354 = vector.broadcast %add3A_353 : i32 to vector<16xi32>
    %add3A_355 = arith.addi %iota3A, %add3A_354 : vector<16xi32>
    %swap3A_356 = arith.constant 1 : i32
    %swap3A_357 = arith.index_cast %swap3A_356 : i32 to index
    %swap3A_358 = arith.constant 112 : index
    %swap3A_359 = tpu.vector_load %arg10[%swap3A_357, %swap3A_358] {strides = array<i32>} : memref<5x128xi32, #tpu.memory_space<vmem>>, vector<16xi32>,
    tpu.vector_store %arg10[%swap3A_357, %swap3A_358], %add3A_355 {strides = array<i32>} : memref<5x128xi32, #tpu.memory_space<vmem>>, vector<16xi32>,
    %add3A_360 = arith.constant 256 : i32
    %add3A_361 = vector.broadcast %add3A_360 : i32 to vector<16xi32>
    %add3A_362 = arith.addi %iota3A, %add3A_361 : vector<16xi32>
    %swap3A_363 = arith.constant 2 : i32
    %swap3A_364 = arith.index_cast %swap3A_363 : i32 to index
    %swap3A_365 = arith.constant 0 : index
    %swap3A_366 = tpu.vector_load %arg10[%swap3A_364, %swap3A_365] {strides = array<i32>} : memref<5x128xi32, #tpu.memory_space<vmem>>, vector<16xi32>,
    tpu.vector_store %arg10[%swap3A_364, %swap3A_365], %add3A_362 {strides = array<i32>} : memref<5x128xi32, #tpu.memory_space<vmem>>, vector<16xi32>,
    %add3A_367 = arith.constant 272 : i32
    %add3A_368 = vector.broadcast %add3A_367 : i32 to vector<16xi32>
    %add3A_369 = arith.addi %iota3A, %add3A_368 : vector<16xi32>
    %swap3A_370 = arith.constant 2 : i32
    %swap3A_371 = arith.index_cast %swap3A_370 : i32 to index
    %swap3A_372 = arith.constant 16 : index
    %swap3A_373 = tpu.vector_load %arg10[%swap3A_371, %swap3A_372] {strides = array<i32>} : memref<5x128xi32, #tpu.memory_space<vmem>>, vector<16xi32>,
    tpu.vector_store %arg10[%swap3A_371, %swap3A_372], %add3A_369 {strides = array<i32>} : memref<5x128xi32, #tpu.memory_space<vmem>>, vector<16xi32>,
    %add3A_374 = arith.constant 288 : i32
    %add3A_375 = vector.broadcast %add3A_374 : i32 to vector<16xi32>
    %add3A_376 = arith.addi %iota3A, %add3A_375 : vector<16xi32>
    %swap3A_377 = arith.constant 2 : i32
    %swap3A_378 = arith.index_cast %swap3A_377 : i32 to index
    %swap3A_379 = arith.constant 32 : index
    %swap3A_380 = tpu.vector_load %arg10[%swap3A_378, %swap3A_379] {strides = array<i32>} : memref<5x128xi32, #tpu.memory_space<vmem>>, vector<16xi32>,
    tpu.vector_store %arg10[%swap3A_378, %swap3A_379], %add3A_376 {strides = array<i32>} : memref<5x128xi32, #tpu.memory_space<vmem>>, vector<16xi32>,
    %add3A_381 = arith.constant 304 : i32
    %add3A_382 = vector.broadcast %add3A_381 : i32 to vector<16xi32>
    %add3A_383 = arith.addi %iota3A, %add3A_382 : vector<16xi32>
    %swap3A_384 = arith.constant 2 : i32
    %swap3A_385 = arith.index_cast %swap3A_384 : i32 to index
    %swap3A_386 = arith.constant 48 : index
    %swap3A_387 = tpu.vector_load %arg10[%swap3A_385, %swap3A_386] {strides = array<i32>} : memref<5x128xi32, #tpu.memory_space<vmem>>, vector<16xi32>,
    tpu.vector_store %arg10[%swap3A_385, %swap3A_386], %add3A_383 {strides = array<i32>} : memref<5x128xi32, #tpu.memory_space<vmem>>, vector<16xi32>,
    %add3A_388 = arith.constant 320 : i32
    %add3A_389 = vector.broadcast %add3A_388 : i32 to vector<16xi32>
    %add3A_390 = arith.addi %iota3A, %add3A_389 : vector<16xi32>
    %swap3A_391 = arith.constant 2 : i32
    %swap3A_392 = arith.index_cast %swap3A_391 : i32 to index
    %swap3A_393 = arith.constant 64 : index
    %swap3A_394 = tpu.vector_load %arg10[%swap3A_392, %swap3A_393] {strides = array<i32>} : memref<5x128xi32, #tpu.memory_space<vmem>>, vector<16xi32>,
    tpu.vector_store %arg10[%swap3A_392, %swap3A_393], %add3A_390 {strides = array<i32>} : memref<5x128xi32, #tpu.memory_space<vmem>>, vector<16xi32>,
    %add3A_395 = arith.constant 336 : i32
    %add3A_396 = vector.broadcast %add3A_395 : i32 to vector<16xi32>
    %add3A_397 = arith.addi %iota3A, %add3A_396 : vector<16xi32>
    %swap3A_398 = arith.constant 2 : i32
    %swap3A_399 = arith.index_cast %swap3A_398 : i32 to index
    %swap3A_400 = arith.constant 80 : index
    %swap3A_401 = tpu.vector_load %arg10[%swap3A_399, %swap3A_400] {strides = array<i32>} : memref<5x128xi32, #tpu.memory_space<vmem>>, vector<16xi32>,
    tpu.vector_store %arg10[%swap3A_399, %swap3A_400], %add3A_397 {strides = array<i32>} : memref<5x128xi32, #tpu.memory_space<vmem>>, vector<16xi32>,
    %add3A_402 = arith.constant 352 : i32
    %add3A_403 = vector.broadcast %add3A_402 : i32 to vector<16xi32>
    %add3A_404 = arith.addi %iota3A, %add3A_403 : vector<16xi32>
    %swap3A_405 = arith.constant 2 : i32
    %swap3A_406 = arith.index_cast %swap3A_405 : i32 to index
    %swap3A_407 = arith.constant 96 : index
    %swap3A_408 = tpu.vector_load %arg10[%swap3A_406, %swap3A_407] {strides = array<i32>} : memref<5x128xi32, #tpu.memory_space<vmem>>, vector<16xi32>,
    tpu.vector_store %arg10[%swap3A_406, %swap3A_407], %add3A_404 {strides = array<i32>} : memref<5x128xi32, #tpu.memory_space<vmem>>, vector<16xi32>,
    %add3A_409 = arith.constant 368 : i32
    %add3A_410 = vector.broadcast %add3A_409 : i32 to vector<16xi32>
    %add3A_411 = arith.addi %iota3A, %add3A_410 : vector<16xi32>
    %swap3A_412 = arith.constant 2 : i32
    %swap3A_413 = arith.index_cast %swap3A_412 : i32 to index
    %swap3A_414 = arith.constant 112 : index
    %swap3A_415 = tpu.vector_load %arg10[%swap3A_413, %swap3A_414] {strides = array<i32>} : memref<5x128xi32, #tpu.memory_space<vmem>>, vector<16xi32>,
    tpu.vector_store %arg10[%swap3A_413, %swap3A_414], %add3A_411 {strides = array<i32>} : memref<5x128xi32, #tpu.memory_space<vmem>>, vector<16xi32>,
    %add3A_416 = arith.constant 384 : i32
    %add3A_417 = vector.broadcast %add3A_416 : i32 to vector<16xi32>
    %add3A_418 = arith.addi %iota3A, %add3A_417 : vector<16xi32>
    %swap3A_419 = arith.constant 3 : i32
    %swap3A_420 = arith.index_cast %swap3A_419 : i32 to index
    %swap3A_421 = arith.constant 0 : index
    %swap3A_422 = tpu.vector_load %arg10[%swap3A_420, %swap3A_421] {strides = array<i32>} : memref<5x128xi32, #tpu.memory_space<vmem>>, vector<16xi32>,
    tpu.vector_store %arg10[%swap3A_420, %swap3A_421], %add3A_418 {strides = array<i32>} : memref<5x128xi32, #tpu.memory_space<vmem>>, vector<16xi32>,
    %add3A_423 = arith.constant 400 : i32
    %add3A_424 = vector.broadcast %add3A_423 : i32 to vector<16xi32>
    %add3A_425 = arith.addi %iota3A, %add3A_424 : vector<16xi32>
    %swap3A_426 = arith.constant 3 : i32
    %swap3A_427 = arith.index_cast %swap3A_426 : i32 to index
    %swap3A_428 = arith.constant 16 : index
    %swap3A_429 = tpu.vector_load %arg10[%swap3A_427, %swap3A_428] {strides = array<i32>} : memref<5x128xi32, #tpu.memory_space<vmem>>, vector<16xi32>,
    tpu.vector_store %arg10[%swap3A_427, %swap3A_428], %add3A_425 {strides = array<i32>} : memref<5x128xi32, #tpu.memory_space<vmem>>, vector<16xi32>,
    %add3A_430 = arith.constant 416 : i32
    %add3A_431 = vector.broadcast %add3A_430 : i32 to vector<16xi32>
    %add3A_432 = arith.addi %iota3A, %add3A_431 : vector<16xi32>
    %swap3A_433 = arith.constant 3 : i32
    %swap3A_434 = arith.index_cast %swap3A_433 : i32 to index
    %swap3A_435 = arith.constant 32 : index
    %swap3A_436 = tpu.vector_load %arg10[%swap3A_434, %swap3A_435] {strides = array<i32>} : memref<5x128xi32, #tpu.memory_space<vmem>>, vector<16xi32>,
    tpu.vector_store %arg10[%swap3A_434, %swap3A_435], %add3A_432 {strides = array<i32>} : memref<5x128xi32, #tpu.memory_space<vmem>>, vector<16xi32>,
    %add3A_437 = arith.constant 432 : i32
    %add3A_438 = vector.broadcast %add3A_437 : i32 to vector<16xi32>
    %add3A_439 = arith.addi %iota3A, %add3A_438 : vector<16xi32>
    %swap3A_440 = arith.constant 3 : i32
    %swap3A_441 = arith.index_cast %swap3A_440 : i32 to index
    %swap3A_442 = arith.constant 48 : index
    %swap3A_443 = tpu.vector_load %arg10[%swap3A_441, %swap3A_442] {strides = array<i32>} : memref<5x128xi32, #tpu.memory_space<vmem>>, vector<16xi32>,
    tpu.vector_store %arg10[%swap3A_441, %swap3A_442], %add3A_439 {strides = array<i32>} : memref<5x128xi32, #tpu.memory_space<vmem>>, vector<16xi32>,
    %add3A_444 = arith.constant 448 : i32
    %add3A_445 = vector.broadcast %add3A_444 : i32 to vector<16xi32>
    %add3A_446 = arith.addi %iota3A, %add3A_445 : vector<16xi32>
    %swap3A_447 = arith.constant 3 : i32
    %swap3A_448 = arith.index_cast %swap3A_447 : i32 to index
    %swap3A_449 = arith.constant 64 : index
    %swap3A_450 = tpu.vector_load %arg10[%swap3A_448, %swap3A_449] {strides = array<i32>} : memref<5x128xi32, #tpu.memory_space<vmem>>, vector<16xi32>,
    tpu.vector_store %arg10[%swap3A_448, %swap3A_449], %add3A_446 {strides = array<i32>} : memref<5x128xi32, #tpu.memory_space<vmem>>, vector<16xi32>,
    %add3A_451 = arith.constant 464 : i32
    %add3A_452 = vector.broadcast %add3A_451 : i32 to vector<16xi32>
    %add3A_453 = arith.addi %iota3A, %add3A_452 : vector<16xi32>
    %swap3A_454 = arith.constant 3 : i32
    %swap3A_455 = arith.index_cast %swap3A_454 : i32 to index
    %swap3A_456 = arith.constant 80 : index
    %swap3A_457 = tpu.vector_load %arg10[%swap3A_455, %swap3A_456] {strides = array<i32>} : memref<5x128xi32, #tpu.memory_space<vmem>>, vector<16xi32>,
    tpu.vector_store %arg10[%swap3A_455, %swap3A_456], %add3A_453 {strides = array<i32>} : memref<5x128xi32, #tpu.memory_space<vmem>>, vector<16xi32>,
    %add3A_458 = arith.constant 480 : i32
    %add3A_459 = vector.broadcast %add3A_458 : i32 to vector<16xi32>
    %add3A_460 = arith.addi %iota3A, %add3A_459 : vector<16xi32>
    %swap3A_461 = arith.constant 3 : i32
    %swap3A_462 = arith.index_cast %swap3A_461 : i32 to index
    %swap3A_463 = arith.constant 96 : index
    %swap3A_464 = tpu.vector_load %arg10[%swap3A_462, %swap3A_463] {strides = array<i32>} : memref<5x128xi32, #tpu.memory_space<vmem>>, vector<16xi32>,
    tpu.vector_store %arg10[%swap3A_462, %swap3A_463], %add3A_460 {strides = array<i32>} : memref<5x128xi32, #tpu.memory_space<vmem>>, vector<16xi32>,
    %add3A_465 = arith.constant 496 : i32
    %add3A_466 = vector.broadcast %add3A_465 : i32 to vector<16xi32>
    %add3A_467 = arith.addi %iota3A, %add3A_466 : vector<16xi32>
    %swap3A_468 = arith.constant 3 : i32
    %swap3A_469 = arith.index_cast %swap3A_468 : i32 to index
    %swap3A_470 = arith.constant 112 : index
    %swap3A_471 = tpu.vector_load %arg10[%swap3A_469, %swap3A_470] {strides = array<i32>} : memref<5x128xi32, #tpu.memory_space<vmem>>, vector<16xi32>,
    tpu.vector_store %arg10[%swap3A_469, %swap3A_470], %add3A_467 {strides = array<i32>} : memref<5x128xi32, #tpu.memory_space<vmem>>, vector<16xi32>,
    %add3A_472 = arith.constant 512 : i32
    %add3A_473 = vector.broadcast %add3A_472 : i32 to vector<16xi32>
    %add3A_474 = arith.addi %iota3A, %add3A_473 : vector<16xi32>
    %swap3A_475 = arith.constant 4 : i32
    %swap3A_476 = arith.index_cast %swap3A_475 : i32 to index
    %swap3A_477 = arith.constant 0 : index
    %swap3A_478 = tpu.vector_load %arg10[%swap3A_476, %swap3A_477] {strides = array<i32>} : memref<5x128xi32, #tpu.memory_space<vmem>>, vector<16xi32>,
    tpu.vector_store %arg10[%swap3A_476, %swap3A_477], %add3A_474 {strides = array<i32>} : memref<5x128xi32, #tpu.memory_space<vmem>>, vector<16xi32>,
    %add3A_479 = arith.constant 528 : i32
    %add3A_480 = vector.broadcast %add3A_479 : i32 to vector<16xi32>
    %add3A_481 = arith.addi %iota3A, %add3A_480 : vector<16xi32>
    %swap3A_482 = arith.constant 4 : i32
    %swap3A_483 = arith.index_cast %swap3A_482 : i32 to index
    %swap3A_484 = arith.constant 16 : index
    %swap3A_485 = tpu.vector_load %arg10[%swap3A_483, %swap3A_484] {strides = array<i32>} : memref<5x128xi32, #tpu.memory_space<vmem>>, vector<16xi32>,
    tpu.vector_store %arg10[%swap3A_483, %swap3A_484], %add3A_481 {strides = array<i32>} : memref<5x128xi32, #tpu.memory_space<vmem>>, vector<16xi32>,
    %add3A_486 = arith.constant 544 : i32
    %add3A_487 = vector.broadcast %add3A_486 : i32 to vector<16xi32>
    %add3A_488 = arith.addi %iota3A, %add3A_487 : vector<16xi32>
    %swap3A_489 = arith.constant 4 : i32
    %swap3A_490 = arith.index_cast %swap3A_489 : i32 to index
    %swap3A_491 = arith.constant 32 : index
    %swap3A_492 = tpu.vector_load %arg10[%swap3A_490, %swap3A_491] {strides = array<i32>} : memref<5x128xi32, #tpu.memory_space<vmem>>, vector<16xi32>,
    tpu.vector_store %arg10[%swap3A_490, %swap3A_491], %add3A_488 {strides = array<i32>} : memref<5x128xi32, #tpu.memory_space<vmem>>, vector<16xi32>,
    %add3A_493 = arith.constant 560 : i32
    %add3A_494 = vector.broadcast %add3A_493 : i32 to vector<16xi32>
    %add3A_495 = arith.addi %iota3A, %add3A_494 : vector<16xi32>
    %swap3A_496 = arith.constant 4 : i32
    %swap3A_497 = arith.index_cast %swap3A_496 : i32 to index
    %swap3A_498 = arith.constant 48 : index
    %swap3A_499 = tpu.vector_load %arg10[%swap3A_497, %swap3A_498] {strides = array<i32>} : memref<5x128xi32, #tpu.memory_space<vmem>>, vector<16xi32>,
    tpu.vector_store %arg10[%swap3A_497, %swap3A_498], %add3A_495 {strides = array<i32>} : memref<5x128xi32, #tpu.memory_space<vmem>>, vector<16xi32>,
    %add3A_500 = arith.constant 576 : i32
    %add3A_501 = vector.broadcast %add3A_500 : i32 to vector<16xi32>
    %add3A_502 = arith.addi %iota3A, %add3A_501 : vector<16xi32>
    %swap3A_503 = arith.constant 4 : i32
    %swap3A_504 = arith.index_cast %swap3A_503 : i32 to index
    %swap3A_505 = arith.constant 64 : index
    %swap3A_506 = tpu.vector_load %arg10[%swap3A_504, %swap3A_505] {strides = array<i32>} : memref<5x128xi32, #tpu.memory_space<vmem>>, vector<16xi32>,
    tpu.vector_store %arg10[%swap3A_504, %swap3A_505], %add3A_502 {strides = array<i32>} : memref<5x128xi32, #tpu.memory_space<vmem>>, vector<16xi32>,
    %add3A_507 = arith.constant 592 : i32
    %add3A_508 = vector.broadcast %add3A_507 : i32 to vector<16xi32>
    %add3A_509 = arith.addi %iota3A, %add3A_508 : vector<16xi32>
    %swap3A_510 = arith.constant 4 : i32
    %swap3A_511 = arith.index_cast %swap3A_510 : i32 to index
    %swap3A_512 = arith.constant 80 : index
    %swap3A_513 = tpu.vector_load %arg10[%swap3A_511, %swap3A_512] {strides = array<i32>} : memref<5x128xi32, #tpu.memory_space<vmem>>, vector<16xi32>,
    tpu.vector_store %arg10[%swap3A_511, %swap3A_512], %add3A_509 {strides = array<i32>} : memref<5x128xi32, #tpu.memory_space<vmem>>, vector<16xi32>,
    %add3A_514 = arith.constant 608 : i32
    %add3A_515 = vector.broadcast %add3A_514 : i32 to vector<16xi32>
    %add3A_516 = arith.addi %iota3A, %add3A_515 : vector<16xi32>
    %swap3A_517 = arith.constant 4 : i32
    %swap3A_518 = arith.index_cast %swap3A_517 : i32 to index
    %swap3A_519 = arith.constant 96 : index
    %swap3A_520 = tpu.vector_load %arg10[%swap3A_518, %swap3A_519] {strides = array<i32>} : memref<5x128xi32, #tpu.memory_space<vmem>>, vector<16xi32>,
    tpu.vector_store %arg10[%swap3A_518, %swap3A_519], %add3A_516 {strides = array<i32>} : memref<5x128xi32, #tpu.memory_space<vmem>>, vector<16xi32>,
    %add3A_521 = arith.constant 624 : i32
    %add3A_522 = vector.broadcast %add3A_521 : i32 to vector<16xi32>
    %add3A_523 = arith.addi %iota3A, %add3A_522 : vector<16xi32>
    %swap3A_524 = arith.constant 4 : i32
    %swap3A_525 = arith.index_cast %swap3A_524 : i32 to index
    %swap3A_526 = arith.constant 112 : index
    %swap3A_527 = tpu.vector_load %arg10[%swap3A_525, %swap3A_526] {strides = array<i32>} : memref<5x128xi32, #tpu.memory_space<vmem>>, vector<16xi32>,
    tpu.vector_store %arg10[%swap3A_525, %swap3A_526], %add3A_523 {strides = array<i32>} : memref<5x128xi32, #tpu.memory_space<vmem>>, vector<16xi32>,
    %run_scoped3A = arith.constant 0 : i32
    "tpu.region"() ({
      %run_scoped3A_549 = tpu.sem_alloc : memref<!tpu.dma_semaphore, #tpu.memory_space<semaphore_mem>>
      %dma_start3A = arith.constant 0 : i32
      %dma_start3A_550 = arith.constant 0 : i32
      %dma_start3A_551 = tpu.memref_slice %arg9[%dma_start3A, %dma_start3A_550] : memref<640x16xf32, #tpu.memory_space<vmem>> -> memref<128x16xf32, #tpu.memory_space<vmem>>
      %dma_start3A_552 = arith.constant 0 : i32
      %dma_start3A_553 = tpu.memref_slice %arg10[%run_scoped3A, %dma_start3A_552] : memref<5x128xi32, #tpu.memory_space<vmem>> -> memref<1x128xi32, #tpu.memory_space<vmem>>
      %dma_start3A_554 = tpu.memref_squeeze %dma_start3A_553 : memref<1x128xi32, #tpu.memory_space<vmem>> -> memref<128xi32, #tpu.memory_space<vmem>>
      %dma_start3A_555 = arith.constant 0 : i32
      %dma_start3A_556 = arith.constant 0 : i32
      %dma_start3A_557 = tpu.memref_slice %arg13[%dma_start3A_555, %dma_start3A_556] : memref<640x16xf32, #tpu.memory_space<vmem_shared>> -> memref<640x16xf32, #tpu.memory_space<vmem_shared>>
      tpu.enqueue_indirect_dma source(%dma_start3A_551 : memref<128x16xf32, #tpu.memory_space<vmem>>) target(%dma_start3A_557 : memref<640x16xf32, #tpu.memory_space<vmem_shared>>) offsets(%dma_start3A_554 : memref<128xi32, #tpu.memory_space<vmem>>) semaphore(%run_scoped3A_549 : memref<!tpu.dma_semaphore, #tpu.memory_space<semaphore_mem>>) {add = true}
      %dma_wait3A = arith.constant 0 : i32
      %dma_wait3A_558 = arith.constant 0 : i32
      %dma_wait3A_559 = tpu.memref_slice %arg9[%dma_wait3A, %dma_wait3A_558] : memref<640x16xf32, #tpu.memory_space<vmem>> -> memref<128x16xf32, #tpu.memory_space<vmem>>
      %dma_wait3A_560 = arith.constant 0 : i32
      %dma_wait3A_561 = tpu.memref_slice %arg10[%run_scoped3A, %dma_wait3A_560] : memref<5x128xi32, #tpu.memory_space<vmem>> -> memref<1x128xi32, #tpu.memory_space<vmem>>
      %dma_wait3A_562 = tpu.memref_squeeze %dma_wait3A_561 : memref<1x128xi32, #tpu.memory_space<vmem>> -> memref<128xi32, #tpu.memory_space<vmem>>
      %dma_wait3A_563 = arith.constant 0 : i32
      %dma_wait3A_564 = arith.constant 0 : i32
      %dma_wait3A_565 = tpu.memref_slice %arg13[%dma_wait3A_563, %dma_wait3A_564] : memref<640x16xf32, #tpu.memory_space<vmem_shared>> -> memref<640x16xf32, #tpu.memory_space<vmem_shared>>
      tpu.wait_indirect_dma semaphore(%run_scoped3A_549 : memref<!tpu.dma_semaphore, #tpu.memory_space<semaphore_mem>>) src(%dma_wait3A_559 : memref<128x16xf32, #tpu.memory_space<vmem>>) dst(%dma_wait3A_565 : memref<640x16xf32, #tpu.memory_space<vmem_shared>>)
      tpu.yield
    }) : () -> ()
    %run_scoped3A_528 = arith.constant 1 : i32
    "tpu.region"() ({
      %run_scoped3A_549 = tpu.sem_alloc : memref<!tpu.dma_semaphore, #tpu.memory_space<semaphore_mem>>
      %dma_start3A = arith.constant 128 : i32
      %dma_start3A_550 = arith.constant 0 : i32
      %dma_start3A_551 = tpu.memref_slice %arg9[%dma_start3A, %dma_start3A_550] : memref<640x16xf32, #tpu.memory_space<vmem>> -> memref<128x16xf32, #tpu.memory_space<vmem>>
      %dma_start3A_552 = arith.constant 0 : i32
      %dma_start3A_553 = tpu.memref_slice %arg10[%run_scoped3A_528, %dma_start3A_552] : memref<5x128xi32, #tpu.memory_space<vmem>> -> memref<1x128xi32, #tpu.memory_space<vmem>>
      %dma_start3A_554 = tpu.memref_squeeze %dma_start3A_553 : memref<1x128xi32, #tpu.memory_space<vmem>> -> memref<128xi32, #tpu.memory_space<vmem>>
      %dma_start3A_555 = arith.constant 0 : i32
      %dma_start3A_556 = arith.constant 0 : i32
      %dma_start3A_557 = tpu.memref_slice %arg13[%dma_start3A_555, %dma_start3A_556] : memref<640x16xf32, #tpu.memory_space<vmem_shared>> -> memref<640x16xf32, #tpu.memory_space<vmem_shared>>
      tpu.enqueue_indirect_dma source(%dma_start3A_551 : memref<128x16xf32, #tpu.memory_space<vmem>>) target(%dma_start3A_557 : memref<640x16xf32, #tpu.memory_space<vmem_shared>>) offsets(%dma_start3A_554 : memref<128xi32, #tpu.memory_space<vmem>>) semaphore(%run_scoped3A_549 : memref<!tpu.dma_semaphore, #tpu.memory_space<semaphore_mem>>) {add = true}
      %dma_wait3A = arith.constant 128 : i32
      %dma_wait3A_558 = arith.constant 0 : i32
      %dma_wait3A_559 = tpu.memref_slice %arg9[%dma_wait3A, %dma_wait3A_558] : memref<640x16xf32, #tpu.memory_space<vmem>> -> memref<128x16xf32, #tpu.memory_space<vmem>>
      %dma_wait3A_560 = arith.constant 0 : i32
      %dma_wait3A_561 = tpu.memref_slice %arg10[%run_scoped3A_528, %dma_wait3A_560] : memref<5x128xi32, #tpu.memory_space<vmem>> -> memref<1x128xi32, #tpu.memory_space<vmem>>
      %dma_wait3A_562 = tpu.memref_squeeze %dma_wait3A_561 : memref<1x128xi32, #tpu.memory_space<vmem>> -> memref<128xi32, #tpu.memory_space<vmem>>
      %dma_wait3A_563 = arith.constant 0 : i32
      %dma_wait3A_564 = arith.constant 0 : i32
      %dma_wait3A_565 = tpu.memref_slice %arg13[%dma_wait3A_563, %dma_wait3A_564] : memref<640x16xf32, #tpu.memory_space<vmem_shared>> -> memref<640x16xf32, #tpu.memory_space<vmem_shared>>
      tpu.wait_indirect_dma semaphore(%run_scoped3A_549 : memref<!tpu.dma_semaphore, #tpu.memory_space<semaphore_mem>>) src(%dma_wait3A_559 : memref<128x16xf32, #tpu.memory_space<vmem>>) dst(%dma_wait3A_565 : memref<640x16xf32, #tpu.memory_space<vmem_shared>>)
      tpu.yield
    }) : () -> ()
    %run_scoped3A_529 = arith.constant 2 : i32
    "tpu.region"() ({
      %run_scoped3A_549 = tpu.sem_alloc : memref<!tpu.dma_semaphore, #tpu.memory_space<semaphore_mem>>
      %dma_start3A = arith.constant 256 : i32
      %dma_start3A_550 = arith.constant 0 : i32
      %dma_start3A_551 = tpu.memref_slice %arg9[%dma_start3A, %dma_start3A_550] : memref<640x16xf32, #tpu.memory_space<vmem>> -> memref<128x16xf32, #tpu.memory_space<vmem>>
      %dma_start3A_552 = arith.constant 0 : i32
      %dma_start3A_553 = tpu.memref_slice %arg10[%run_scoped3A_529, %dma_start3A_552] : memref<5x128xi32, #tpu.memory_space<vmem>> -> memref<1x128xi32, #tpu.memory_space<vmem>>
      %dma_start3A_554 = tpu.memref_squeeze %dma_start3A_553 : memref<1x128xi32, #tpu.memory_space<vmem>> -> memref<128xi32, #tpu.memory_space<vmem>>
      %dma_start3A_555 = arith.constant 0 : i32
      %dma_start3A_556 = arith.constant 0 : i32
      %dma_start3A_557 = tpu.memref_slice %arg13[%dma_start3A_555, %dma_start3A_556] : memref<640x16xf32, #tpu.memory_space<vmem_shared>> -> memref<640x16xf32, #tpu.memory_space<vmem_shared>>
      tpu.enqueue_indirect_dma source(%dma_start3A_551 : memref<128x16xf32, #tpu.memory_space<vmem>>) target(%dma_start3A_557 : memref<640x16xf32, #tpu.memory_space<vmem_shared>>) offsets(%dma_start3A_554 : memref<128xi32, #tpu.memory_space<vmem>>) semaphore(%run_scoped3A_549 : memref<!tpu.dma_semaphore, #tpu.memory_space<semaphore_mem>>) {add = true}
      %dma_wait3A = arith.constant 256 : i32
      %dma_wait3A_558 = arith.constant 0 : i32
      %dma_wait3A_559 = tpu.memref_slice %arg9[%dma_wait3A, %dma_wait3A_558] : memref<640x16xf32, #tpu.memory_space<vmem>> -> memref<128x16xf32, #tpu.memory_space<vmem>>
      %dma_wait3A_560 = arith.constant 0 : i32
      %dma_wait3A_561 = tpu.memref_slice %arg10[%run_scoped3A_529, %dma_wait3A_560] : memref<5x128xi32, #tpu.memory_space<vmem>> -> memref<1x128xi32, #tpu.memory_space<vmem>>
      %dma_wait3A_562 = tpu.memref_squeeze %dma_wait3A_561 : memref<1x128xi32, #tpu.memory_space<vmem>> -> memref<128xi32, #tpu.memory_space<vmem>>
      %dma_wait3A_563 = arith.constant 0 : i32
      %dma_wait3A_564 = arith.constant 0 : i32
      %dma_wait3A_565 = tpu.memref_slice %arg13[%dma_wait3A_563, %dma_wait3A_564] : memref<640x16xf32, #tpu.memory_space<vmem_shared>> -> memref<640x16xf32, #tpu.memory_space<vmem_shared>>
      tpu.wait_indirect_dma semaphore(%run_scoped3A_549 : memref<!tpu.dma_semaphore, #tpu.memory_space<semaphore_mem>>) src(%dma_wait3A_559 : memref<128x16xf32, #tpu.memory_space<vmem>>) dst(%dma_wait3A_565 : memref<640x16xf32, #tpu.memory_space<vmem_shared>>)
      tpu.yield
    }) : () -> ()
    %run_scoped3A_530 = arith.constant 3 : i32
    "tpu.region"() ({
      %run_scoped3A_549 = tpu.sem_alloc : memref<!tpu.dma_semaphore, #tpu.memory_space<semaphore_mem>>
      %dma_start3A = arith.constant 384 : i32
      %dma_start3A_550 = arith.constant 0 : i32
      %dma_start3A_551 = tpu.memref_slice %arg9[%dma_start3A, %dma_start3A_550] : memref<640x16xf32, #tpu.memory_space<vmem>> -> memref<128x16xf32, #tpu.memory_space<vmem>>
      %dma_start3A_552 = arith.constant 0 : i32
      %dma_start3A_553 = tpu.memref_slice %arg10[%run_scoped3A_530, %dma_start3A_552] : memref<5x128xi32, #tpu.memory_space<vmem>> -> memref<1x128xi32, #tpu.memory_space<vmem>>
      %dma_start3A_554 = tpu.memref_squeeze %dma_start3A_553 : memref<1x128xi32, #tpu.memory_space<vmem>> -> memref<128xi32, #tpu.memory_space<vmem>>
      %dma_start3A_555 = arith.constant 0 : i32
      %dma_start3A_556 = arith.constant 0 : i32
      %dma_start3A_557 = tpu.memref_slice %arg13[%dma_start3A_555, %dma_start3A_556] : memref<640x16xf32, #tpu.memory_space<vmem_shared>> -> memref<640x16xf32, #tpu.memory_space<vmem_shared>>
      tpu.enqueue_indirect_dma source(%dma_start3A_551 : memref<128x16xf32, #tpu.memory_space<vmem>>) target(%dma_start3A_557 : memref<640x16xf32, #tpu.memory_space<vmem_shared>>) offsets(%dma_start3A_554 : memref<128xi32, #tpu.memory_space<vmem>>) semaphore(%run_scoped3A_549 : memref<!tpu.dma_semaphore, #tpu.memory_space<semaphore_mem>>) {add = true}
      %dma_wait3A = arith.constant 384 : i32
      %dma_wait3A_558 = arith.constant 0 : i32
      %dma_wait3A_559 = tpu.memref_slice %arg9[%dma_wait3A, %dma_wait3A_558] : memref<640x16xf32, #tpu.memory_space<vmem>> -> memref<128x16xf32, #tpu.memory_space<vmem>>
      %dma_wait3A_560 = arith.constant 0 : i32
      %dma_wait3A_561 = tpu.memref_slice %arg10[%run_scoped3A_530, %dma_wait3A_560] : memref<5x128xi32, #tpu.memory_space<vmem>> -> memref<1x128xi32, #tpu.memory_space<vmem>>
      %dma_wait3A_562 = tpu.memref_squeeze %dma_wait3A_561 : memref<1x128xi32, #tpu.memory_space<vmem>> -> memref<128xi32, #tpu.memory_space<vmem>>
      %dma_wait3A_563 = arith.constant 0 : i32
      %dma_wait3A_564 = arith.constant 0 : i32
      %dma_wait3A_565 = tpu.memref_slice %arg13[%dma_wait3A_563, %dma_wait3A_564] : memref<640x16xf32, #tpu.memory_space<vmem_shared>> -> memref<640x16xf32, #tpu.memory_space<vmem_shared>>
      tpu.wait_indirect_dma semaphore(%run_scoped3A_549 : memref<!tpu.dma_semaphore, #tpu.memory_space<semaphore_mem>>) src(%dma_wait3A_559 : memref<128x16xf32, #tpu.memory_space<vmem>>) dst(%dma_wait3A_565 : memref<640x16xf32, #tpu.memory_space<vmem_shared>>)
      tpu.yield
    }) : () -> ()
    %run_scoped3A_531 = arith.constant 4 : i32
    "tpu.region"() ({
      %run_scoped3A_549 = tpu.sem_alloc : memref<!tpu.dma_semaphore, #tpu.memory_space<semaphore_mem>>
      %dma_start3A = arith.constant 512 : i32
      %dma_start3A_550 = arith.constant 0 : i32
      %dma_start3A_551 = tpu.memref_slice %arg9[%dma_start3A, %dma_start3A_550] : memref<640x16xf32, #tpu.memory_space<vmem>> -> memref<128x16xf32, #tpu.memory_space<vmem>>
      %dma_start3A_552 = arith.constant 0 : i32
      %dma_start3A_553 = tpu.memref_slice %arg10[%run_scoped3A_531, %dma_start3A_552] : memref<5x128xi32, #tpu.memory_space<vmem>> -> memref<1x128xi32, #tpu.memory_space<vmem>>
      %dma_start3A_554 = tpu.memref_squeeze %dma_start3A_553 : memref<1x128xi32, #tpu.memory_space<vmem>> -> memref<128xi32, #tpu.memory_space<vmem>>
      %dma_start3A_555 = arith.constant 0 : i32
      %dma_start3A_556 = arith.constant 0 : i32
      %dma_start3A_557 = tpu.memref_slice %arg13[%dma_start3A_555, %dma_start3A_556] : memref<640x16xf32, #tpu.memory_space<vmem_shared>> -> memref<640x16xf32, #tpu.memory_space<vmem_shared>>
      tpu.enqueue_indirect_dma source(%dma_start3A_551 : memref<128x16xf32, #tpu.memory_space<vmem>>) target(%dma_start3A_557 : memref<640x16xf32, #tpu.memory_space<vmem_shared>>) offsets(%dma_start3A_554 : memref<128xi32, #tpu.memory_space<vmem>>) semaphore(%run_scoped3A_549 : memref<!tpu.dma_semaphore, #tpu.memory_space<semaphore_mem>>) {add = true}
      %dma_wait3A = arith.constant 512 : i32
      %dma_wait3A_558 = arith.constant 0 : i32
      %dma_wait3A_559 = tpu.memref_slice %arg9[%dma_wait3A, %dma_wait3A_558] : memref<640x16xf32, #tpu.memory_space<vmem>> -> memref<128x16xf32, #tpu.memory_space<vmem>>
      %dma_wait3A_560 = arith.constant 0 : i32
      %dma_wait3A_561 = tpu.memref_slice %arg10[%run_scoped3A_531, %dma_wait3A_560] : memref<5x128xi32, #tpu.memory_space<vmem>> -> memref<1x128xi32, #tpu.memory_space<vmem>>
      %dma_wait3A_562 = tpu.memref_squeeze %dma_wait3A_561 : memref<1x128xi32, #tpu.memory_space<vmem>> -> memref<128xi32, #tpu.memory_space<vmem>>
      %dma_wait3A_563 = arith.constant 0 : i32
      %dma_wait3A_564 = arith.constant 0 : i32
      %dma_wait3A_565 = tpu.memref_slice %arg13[%dma_wait3A_563, %dma_wait3A_564] : memref<640x16xf32, #tpu.memory_space<vmem_shared>> -> memref<640x16xf32, #tpu.memory_space<vmem_shared>>
      tpu.wait_indirect_dma semaphore(%run_scoped3A_549 : memref<!tpu.dma_semaphore, #tpu.memory_space<semaphore_mem>>) src(%dma_wait3A_559 : memref<128x16xf32, #tpu.memory_space<vmem>>) dst(%dma_wait3A_565 : memref<640x16xf32, #tpu.memory_space<vmem_shared>>)
      tpu.yield
    }) : () -> ()
    %barrier3A_532 = arith.constant 0 : index
    tpu.barrier barrier_id(%barrier3A_532)
    %mul3A_533 = arith.constant 40 : i32
    %mul3A_534 = arith.muli %arg1, %mul3A_533 : i32
    "tpu.region"() ({
      %run_scoped3A_549 = tpu.sem_alloc : memref<!tpu.dma_semaphore, #tpu.memory_space<semaphore_mem>>
      %dma_start3A = arith.constant 0 : i32
      %dma_start3A_550 = tpu.memref_slice %arg13[%mul3A_534, %dma_start3A] : memref<640x16xf32, #tpu.memory_space<vmem_shared>> -> memref<40x16xf32, #tpu.memory_space<vmem_shared>>
      %dma_start3A_551 = arith.constant 0 : i32
      %dma_start3A_552 = tpu.memref_slice %arg13[%mul3A_534, %dma_start3A_551] : memref<640x16xf32, #tpu.memory_space<vmem_shared>> -> memref<40x16xf32, #tpu.memory_space<vmem_shared>>
      tpu.enqueue_dma source(%dma_start3A_552 : memref<40x16xf32, #tpu.memory_space<vmem_shared>>) target(%arg11 : memref<40x16xf32, #tpu.memory_space<vmem>>) target_semaphore(%run_scoped3A_549 : memref<!tpu.dma_semaphore, #tpu.memory_space<semaphore_mem>>)
      %dma_wait3A = arith.constant 0 : i32
      %dma_wait3A_553 = tpu.memref_slice %arg13[%mul3A_534, %dma_wait3A] : memref<640x16xf32, #tpu.memory_space<vmem_shared>> -> memref<40x16xf32, #tpu.memory_space<vmem_shared>>
      %dma_wait3A_554 = arith.constant 0 : i32
      %dma_wait3A_555 = tpu.memref_slice %arg13[%mul3A_534, %dma_wait3A_554] : memref<640x16xf32, #tpu.memory_space<vmem_shared>> -> memref<40x16xf32, #tpu.memory_space<vmem_shared>>
      tpu.wait_dma2 semaphore(%run_scoped3A_549 : memref<!tpu.dma_semaphore, #tpu.memory_space<semaphore_mem>>) src(%dma_wait3A_555 : memref<40x16xf32, #tpu.memory_space<vmem_shared>>) dst(%arg11 : memref<40x16xf32, #tpu.memory_space<vmem>>)
      tpu.yield
    }) : () -> ()
    %scan3A_535 = arith.constant 0 : i32
    %scan3A_536 = arith.constant 0 : i32
    %scan3A_537 = arith.constant 40 : i32
    %scan3A_538 = arith.addi %scan3A_536, %scan3A_537 : i32
    %scan3A_539 = arith.constant 8 : i32
    %scan3A_540 = scf.for %scan3A_549 = %scan3A_536 to %scan3A_538 step %scan3A_539 iter_args(%scan3A_550 = %scan3A_535) -> (i32)  : i32 {
      %get3A_551 = arith.index_cast %scan3A_549 : i32 to index
      %get3A_552 = arith.constant 0 : index
      %get3A_553 = tpu.vector_load %arg11[%get3A_551, %get3A_552] {strides = array<i32>} : memref<40x16xf32, #tpu.memory_space<vmem>>, vector<16xf32>,
      %mul3A_554 = arith.constant 16 : i32
      %mul3A_555 = arith.muli %scan3A_549, %mul3A_554 : i32
      %swap3A_556 = arith.index_cast %mul3A_555 : i32 to index
      %swap3A_557 = tpu.vector_load %arg12[%swap3A_556] {strides = array<i32>} : memref<640xf32, #tpu.memory_space<vmem>>, vector<16xf32>,
      tpu.vector_store %arg12[%swap3A_556], %get3A_553 {strides = array<i32>} : memref<640xf32, #tpu.memory_space<vmem>>, vector<16xf32>,
      %scan3A_558 = arith.constant 0 : i32
      %scan3A_559 = arith.constant 1 : i32
      %scan3A_560 = arith.addi %scan3A_549, %scan3A_559 : i32
      %get3A_561 = arith.index_cast %scan3A_560 : i32 to index
      %get3A_562 = arith.constant 0 : index
      %get3A_563 = tpu.vector_load %arg11[%get3A_561, %get3A_562] {strides = array<i32>} : memref<40x16xf32, #tpu.memory_space<vmem>>, vector<16xf32>,
      %mul3A_564 = arith.constant 16 : i32
      %mul3A_565 = arith.muli %scan3A_560, %mul3A_564 : i32
      %swap3A_566 = arith.index_cast %mul3A_565 : i32 to index
      %swap3A_567 = tpu.vector_load %arg12[%swap3A_566] {strides = array<i32>} : memref<640xf32, #tpu.memory_space<vmem>>, vector<16xf32>,
      tpu.vector_store %arg12[%swap3A_566], %get3A_563 {strides = array<i32>} : memref<640xf32, #tpu.memory_space<vmem>>, vector<16xf32>,
      %scan3A_568 = arith.constant 0 : i32
      %scan3A_569 = arith.constant 2 : i32
      %scan3A_570 = arith.addi %scan3A_549, %scan3A_569 : i32
      %get3A_571 = arith.index_cast %scan3A_570 : i32 to index
      %get3A_572 = arith.constant 0 : index
      %get3A_573 = tpu.vector_load %arg11[%get3A_571, %get3A_572] {strides = array<i32>} : memref<40x16xf32, #tpu.memory_space<vmem>>, vector<16xf32>,
      %mul3A_574 = arith.constant 16 : i32
      %mul3A_575 = arith.muli %scan3A_570, %mul3A_574 : i32
      %swap3A_576 = arith.index_cast %mul3A_575 : i32 to index
      %swap3A_577 = tpu.vector_load %arg12[%swap3A_576] {strides = array<i32>} : memref<640xf32, #tpu.memory_space<vmem>>, vector<16xf32>,
      tpu.vector_store %arg12[%swap3A_576], %get3A_573 {strides = array<i32>} : memref<640xf32, #tpu.memory_space<vmem>>, vector<16xf32>,
      %scan3A_578 = arith.constant 0 : i32
      %scan3A_579 = arith.constant 3 : i32
      %scan3A_580 = arith.addi %scan3A_549, %scan3A_579 : i32
      %get3A_581 = arith.index_cast %scan3A_580 : i32 to index
      %get3A_582 = arith.constant 0 : index
      %get3A_583 = tpu.vector_load %arg11[%get3A_581, %get3A_582] {strides = array<i32>} : memref<40x16xf32, #tpu.memory_space<vmem>>, vector<16xf32>,
      %mul3A_584 = arith.constant 16 : i32
      %mul3A_585 = arith.muli %scan3A_580, %mul3A_584 : i32
      %swap3A_586 = arith.index_cast %mul3A_585 : i32 to index
      %swap3A_587 = tpu.vector_load %arg12[%swap3A_586] {strides = array<i32>} : memref<640xf32, #tpu.memory_space<vmem>>, vector<16xf32>,
      tpu.vector_store %arg12[%swap3A_586], %get3A_583 {strides = array<i32>} : memref<640xf32, #tpu.memory_space<vmem>>, vector<16xf32>,
      %scan3A_588 = arith.constant 0 : i32
      %scan3A_589 = arith.constant 4 : i32
      %scan3A_590 = arith.addi %scan3A_549, %scan3A_589 : i32
      %get3A_591 = arith.index_cast %scan3A_590 : i32 to index
      %get3A_592 = arith.constant 0 : index
      %get3A_593 = tpu.vector_load %arg11[%get3A_591, %get3A_592] {strides = array<i32>} : memref<40x16xf32, #tpu.memory_space<vmem>>, vector<16xf32>,
      %mul3A_594 = arith.constant 16 : i32
      %mul3A_595 = arith.muli %scan3A_590, %mul3A_594 : i32
      %swap3A_596 = arith.index_cast %mul3A_595 : i32 to index
      %swap3A_597 = tpu.vector_load %arg12[%swap3A_596] {strides = array<i32>} : memref<640xf32, #tpu.memory_space<vmem>>, vector<16xf32>,
      tpu.vector_store %arg12[%swap3A_596], %get3A_593 {strides = array<i32>} : memref<640xf32, #tpu.memory_space<vmem>>, vector<16xf32>,
      %scan3A_598 = arith.constant 0 : i32
      %scan3A_599 = arith.constant 5 : i32
      %scan3A_600 = arith.addi %scan3A_549, %scan3A_599 : i32
      %get3A_601 = arith.index_cast %scan3A_600 : i32 to index
      %get3A_602 = arith.constant 0 : index
      %get3A_603 = tpu.vector_load %arg11[%get3A_601, %get3A_602] {strides = array<i32>} : memref<40x16xf32, #tpu.memory_space<vmem>>, vector<16xf32>,
      %mul3A_604 = arith.constant 16 : i32
      %mul3A_605 = arith.muli %scan3A_600, %mul3A_604 : i32
      %swap3A_606 = arith.index_cast %mul3A_605 : i32 to index
      %swap3A_607 = tpu.vector_load %arg12[%swap3A_606] {strides = array<i32>} : memref<640xf32, #tpu.memory_space<vmem>>, vector<16xf32>,
      tpu.vector_store %arg12[%swap3A_606], %get3A_603 {strides = array<i32>} : memref<640xf32, #tpu.memory_space<vmem>>, vector<16xf32>,
      %scan3A_608 = arith.constant 0 : i32
      %scan3A_609 = arith.constant 6 : i32
      %scan3A_610 = arith.addi %scan3A_549, %scan3A_609 : i32
      %get3A_611 = arith.index_cast %scan3A_610 : i32 to index
      %get3A_612 = arith.constant 0 : index
      %get3A_613 = tpu.vector_load %arg11[%get3A_611, %get3A_612] {strides = array<i32>} : memref<40x16xf32, #tpu.memory_space<vmem>>, vector<16xf32>,
      %mul3A_614 = arith.constant 16 : i32
      %mul3A_615 = arith.muli %scan3A_610, %mul3A_614 : i32
      %swap3A_616 = arith.index_cast %mul3A_615 : i32 to index
      %swap3A_617 = tpu.vector_load %arg12[%swap3A_616] {strides = array<i32>} : memref<640xf32, #tpu.memory_space<vmem>>, vector<16xf32>,
      tpu.vector_store %arg12[%swap3A_616], %get3A_613 {strides = array<i32>} : memref<640xf32, #tpu.memory_space<vmem>>, vector<16xf32>,
      %scan3A_618 = arith.constant 0 : i32
      %scan3A_619 = arith.constant 7 : i32
      %scan3A_620 = arith.addi %scan3A_549, %scan3A_619 : i32
      %get3A_621 = arith.index_cast %scan3A_620 : i32 to index
      %get3A_622 = arith.constant 0 : index
      %get3A_623 = tpu.vector_load %arg11[%get3A_621, %get3A_622] {strides = array<i32>} : memref<40x16xf32, #tpu.memory_space<vmem>>, vector<16xf32>,
      %mul3A_624 = arith.constant 16 : i32
      %mul3A_625 = arith.muli %scan3A_620, %mul3A_624 : i32
      %swap3A_626 = arith.index_cast %mul3A_625 : i32 to index
      %swap3A_627 = tpu.vector_load %arg12[%swap3A_626] {strides = array<i32>} : memref<640xf32, #tpu.memory_space<vmem>>, vector<16xf32>,
      tpu.vector_store %arg12[%swap3A_626], %get3A_623 {strides = array<i32>} : memref<640xf32, #tpu.memory_space<vmem>>, vector<16xf32>,
      %scan3A_628 = arith.constant 0 : i32
      scf.yield %scan3A_628 : i32
    }
    %scan3A_541 = arith.constant 40 : i32
    %mul3A_542 = arith.constant 10240 : i32
    %mul3A_543 = arith.muli %arg0, %mul3A_542 : i32
    %mul3A_544 = arith.constant 40 : i32
    %mul3A_545 = arith.muli %arg1, %mul3A_544 : i32
    %mul3A_546 = arith.constant 16 : i32
    %mul3A_547 = arith.muli %mul3A_545, %mul3A_546 : i32
    %add3A_548 = arith.addi %mul3A_543, %mul3A_547 : i32
    "tpu.region"() ({
      %run_scoped3A_549 = tpu.sem_alloc : memref<!tpu.dma_semaphore, #tpu.memory_space<semaphore_mem>>
      %dma_start3A = tpu.memref_slice %arg5[%add3A_548] : memref<20480xf32, #tpu.memory_space<hbm>> -> memref<640xf32, #tpu.memory_space<hbm>>
      %dma_start3A_550 = tpu.memref_slice %arg5[%add3A_548] : memref<20480xf32, #tpu.memory_space<hbm>> -> memref<640xf32, #tpu.memory_space<hbm>>
      tpu.enqueue_dma source(%arg12 : memref<640xf32, #tpu.memory_space<vmem>>) target(%dma_start3A_550 : memref<640xf32, #tpu.memory_space<hbm>>) target_semaphore(%run_scoped3A_549 : memref<!tpu.dma_semaphore, #tpu.memory_space<semaphore_mem>>)
      %dma_wait3A = tpu.memref_slice %arg5[%add3A_548] : memref<20480xf32, #tpu.memory_space<hbm>> -> memref<640xf32, #tpu.memory_space<hbm>>
      %dma_wait3A_551 = tpu.memref_slice %arg5[%add3A_548] : memref<20480xf32, #tpu.memory_space<hbm>> -> memref<640xf32, #tpu.memory_space<hbm>>
      tpu.wait_dma2 semaphore(%run_scoped3A_549 : memref<!tpu.dma_semaphore, #tpu.memory_space<semaphore_mem>>) src(%arg12 : memref<640xf32, #tpu.memory_space<vmem>>) dst(%dma_wait3A_551 : memref<640xf32, #tpu.memory_space<hbm>>)
      tpu.yield
    }) : () -> ()
    return
  }
}

module attributes {stable_mosaic.version = 14 : i64} {
  func.func @_tc_d_body(%arg0: i32, %arg1: memref<10240xf32, #tpu.memory_space<vmem>>, %arg2: memref<1x10000xf32, #tpu.memory_space<vmem>>, %arg3: memref<1x10240xf32, #tpu.memory_space<vmem>>) attributes {dimension_semantics = [#tpu.dimension_semantics<arbitrary>], iteration_bounds = array<i64: 2>, scalar_prefetch = 0 : i64, scratch_operands = 1 : i64, tpu.core_type = #tpu.core_type<tc>, window_params = [{transform_indices = @transform_0, window_bounds = array<i64: 10240>}, {pipeline_mode = #tpu.pipeline_mode<synchronous>, transform_indices = @transform_1, window_bounds = array<i64: 1, 10000>}]} {
    %get3A = arith.constant 0 : index
    %get3A_0 = vector.load %arg1[%get3A] : memref<10240xf32, #tpu.memory_space<vmem>>, vector<10240xf32>
    %reshape3A = vector.shape_cast %get3A_0 : vector<10240xf32> to vector<1x10240xf32>
    %eq3A = arith.constant 0 : i32
    %eq3A_1 = arith.cmpi eq, %arg0, %eq3A : i32
    %convert_element_type3A = arith.extui %eq3A_1 : i1 to i32
    %cond3A = arith.constant 0 : i32
    %cond3A_2 = arith.cmpi ne, %convert_element_type3A, %cond3A : i32
    scf.if %cond3A_2 {
      %swap3A = arith.constant 0 : index
      %swap3A_8 = arith.constant 0 : index
      %swap3A_9 = vector.load %arg3[%swap3A, %swap3A_8] : memref<1x10240xf32, #tpu.memory_space<vmem>>, vector<1x10240xf32>
      tpu.vector_store %arg3[%swap3A, %swap3A_8], %reshape3A {strides = array<i32>} : memref<1x10240xf32, #tpu.memory_space<vmem>>, vector<1x10240xf32>,
    } else {
    }
    %eq3A_3 = arith.constant 1 : i32
    %eq3A_4 = arith.cmpi eq, %arg0, %eq3A_3 : i32
    %convert_element_type3A_5 = arith.extui %eq3A_4 : i1 to i32
    %cond3A_6 = arith.constant 0 : i32
    %cond3A_7 = arith.cmpi ne, %convert_element_type3A_5, %cond3A_6 : i32
    scf.if %cond3A_7 {
      %get3A_8 = arith.constant 0 : index
      %get3A_9 = arith.constant 0 : index
      %get3A_10 = vector.load %arg3[%get3A_8, %get3A_9] : memref<1x10240xf32, #tpu.memory_space<vmem>>, vector<1x10000xf32>
      %slice3A = vector.extract_strided_slice %reshape3A {offsets = [0, 0], sizes = [1, 10000], strides = [1, 1]} : vector<1x10240xf32> to vector<1x10000xf32>
      %add3A = arith.addf %get3A_10, %slice3A : vector<1x10000xf32>
      %add3A_11 = arith.constant 1.000000e+00 : f32
      %add3A_12 = vector.broadcast %add3A_11 : f32 to vector<1x10000xf32>
      %add3A_13 = arith.addf %add3A, %add3A_12 : vector<1x10000xf32>
      %rsqrt3A = math.rsqrt %add3A_13 : vector<1x10000xf32>
      %swap3A = arith.constant 0 : index
      %swap3A_14 = arith.constant 0 : index
      %swap3A_15 = vector.load %arg2[%swap3A, %swap3A_14] : memref<1x10000xf32, #tpu.memory_space<vmem>>, vector<1x10000xf32>
      tpu.vector_store %arg2[%swap3A, %swap3A_14], %rsqrt3A {strides = array<i32>} : memref<1x10000xf32, #tpu.memory_space<vmem>>, vector<1x10000xf32>,
    } else {
    }
    return
  }
  func.func @transform_0(%arg0: i32) -> i32 {
    %c0_i32 = arith.constant 0 : i32
    return %arg0 : i32
  }
  func.func @transform_1(%arg0: i32) -> (i32, i32) {
    %c0_i32 = arith.constant 0 : i32
    %c0_i32_0 = arith.constant 0 : i32
    %c0_i32_1 = arith.constant 0 : i32
    return %c0_i32, %c0_i32_0 : i32, i32
  }
}

module attributes {stable_mosaic.version = 14 : i64} {
  func.func @_tc_y_body(%arg0: memref<10000x128xf32, #tpu.memory_space<vmem>>, %arg1: memref<128x32xf32, #tpu.memory_space<vmem>>, %arg2: memref<1x10000xf32, #tpu.memory_space<vmem>>, %arg3: memref<10000x32xf32, #tpu.memory_space<vmem>>) attributes {dimension_semantics = [], scalar_prefetch = 0 : i64, scratch_operands = 0 : i64, tpu.core_type = #tpu.core_type<tc>} {
    %get3A = arith.constant 0 : index
    %get3A_0 = arith.constant 0 : index
    %get3A_1 = vector.load %arg0[%get3A, %get3A_0] : memref<10000x128xf32, #tpu.memory_space<vmem>>, vector<10000x128xf32>
    %get3A_2 = arith.constant 0 : index
    %get3A_3 = arith.constant 0 : index
    %get3A_4 = vector.load %arg1[%get3A_2, %get3A_3] : memref<128x32xf32, #tpu.memory_space<vmem>>, vector<128x32xf32>
    %dot_general3A = arith.constant dense<0.000000e+00> : vector<10000x32xf32>
    %dot_general3A_5 = tpu.matmul %get3A_1, %get3A_4, %dot_general3A {dimension_numbers = #tpu.dot_dimension_numbers<[1], [0], [0], [1], [0, 0, 1, 1], [], []>, transpose_lhs_hint = false} : vector<10000x128xf32>, vector<128x32xf32>, vector<10000x32xf32> -> vector<10000x32xf32>
    %get3A_6 = arith.constant 0 : index
    %get3A_7 = arith.constant 0 : index
    %get3A_8 = vector.load %arg2[%get3A_6, %get3A_7] : memref<1x10000xf32, #tpu.memory_space<vmem>>, vector<1x10000xf32>
    %transpose3A = tpu.transpose %get3A_8, [1, 0] : vector<1x10000xf32> -> vector<10000x1xf32>
    %mul3A = vector.broadcast %transpose3A : vector<10000x1xf32> to vector<10000x32xf32>
    %mul3A_9 = arith.mulf %mul3A, %dot_general3A_5 : vector<10000x32xf32>
    %swap3A = arith.constant 0 : index
    %swap3A_10 = arith.constant 0 : index
    %swap3A_11 = vector.load %arg3[%swap3A, %swap3A_10] : memref<10000x32xf32, #tpu.memory_space<vmem>>, vector<10000x32xf32>
    tpu.vector_store %arg3[%swap3A, %swap3A_10], %mul3A_9 {strides = array<i32>} : memref<10000x32xf32, #tpu.memory_space<vmem>>, vector<10000x32xf32>,
    return
  }
}

module attributes {stable_mosaic.version = 14 : i64} {
  func.func @_tc_h_body(%arg0: memref<2x10000x32xf32, #tpu.memory_space<vmem>>, %arg1: memref<10000x32xf32, #tpu.memory_space<vmem>>, %arg2: memref<1x10000xf32, #tpu.memory_space<vmem>>, %arg3: memref<1x32xf32, #tpu.memory_space<vmem>>, %arg4: memref<32x1xf32, #tpu.memory_space<vmem>>, %arg5: memref<1x10000xf32, #tpu.memory_space<vmem>>) attributes {dimension_semantics = [], scalar_prefetch = 0 : i64, scratch_operands = 0 : i64, tpu.core_type = #tpu.core_type<tc>} {
    %get3A = arith.constant 0 : index
    %get3A_0 = arith.constant 0 : index
    %get3A_1 = vector.load %arg2[%get3A, %get3A_0] : memref<1x10000xf32, #tpu.memory_space<vmem>>, vector<1x10000xf32>
    %transpose3A = tpu.transpose %get3A_1, [1, 0] : vector<1x10000xf32> -> vector<10000x1xf32>
    %get3A_2 = arith.constant 0 : index
    %get3A_3 = arith.constant 0 : index
    %get3A_4 = arith.constant 0 : index
    %get3A_5 = vector.load %arg0[%get3A_2, %get3A_3, %get3A_4] : memref<2x10000x32xf32, #tpu.memory_space<vmem>>, vector<1x10000x32xf32>
    %get3A_6 = vector.shape_cast %get3A_5 : vector<1x10000x32xf32> to vector<10000x32xf32>
    %get3A_7 = arith.constant 1 : index
    %get3A_8 = arith.constant 0 : index
    %get3A_9 = arith.constant 0 : index
    %get3A_10 = vector.load %arg0[%get3A_7, %get3A_8, %get3A_9] : memref<2x10000x32xf32, #tpu.memory_space<vmem>>, vector<1x10000x32xf32>
    %get3A_11 = vector.shape_cast %get3A_10 : vector<1x10000x32xf32> to vector<10000x32xf32>
    %add3A = arith.addf %get3A_6, %get3A_11 : vector<10000x32xf32>
    %get3A_12 = arith.constant 0 : index
    %get3A_13 = arith.constant 0 : index
    %get3A_14 = vector.load %arg1[%get3A_12, %get3A_13] : memref<10000x32xf32, #tpu.memory_space<vmem>>, vector<10000x32xf32>
    %add3A_15 = arith.addf %add3A, %get3A_14 : vector<10000x32xf32>
    %mul3A = vector.broadcast %transpose3A : vector<10000x1xf32> to vector<10000x32xf32>
    %mul3A_16 = arith.mulf %mul3A, %add3A_15 : vector<10000x32xf32>
    %get3A_17 = arith.constant 0 : index
    %get3A_18 = arith.constant 0 : index
    %get3A_19 = vector.load %arg3[%get3A_17, %get3A_18] : memref<1x32xf32, #tpu.memory_space<vmem>>, vector<1x32xf32>
    %add3A_20 = vector.broadcast %get3A_19 : vector<1x32xf32> to vector<10000x32xf32>
    %add3A_21 = arith.addf %mul3A_16, %add3A_20 : vector<10000x32xf32>
    %max3A = arith.constant 0.000000e+00 : f32
    %max3A_22 = vector.broadcast %max3A : f32 to vector<10000x32xf32>
    %max3A_23 = arith.maximumf %add3A_21, %max3A_22 : vector<10000x32xf32>
    %get3A_24 = arith.constant 0 : index
    %get3A_25 = arith.constant 0 : index
    %get3A_26 = vector.load %arg4[%get3A_24, %get3A_25] : memref<32x1xf32, #tpu.memory_space<vmem>>, vector<32x1xf32>
    %dot_general3A = arith.constant dense<0.000000e+00> : vector<10000x1xf32>
    %dot_general3A_27 = tpu.matmul %max3A_23, %get3A_26, %dot_general3A {dimension_numbers = #tpu.dot_dimension_numbers<[1], [0], [0], [1], [0, 0, 1, 1], [], []>, transpose_lhs_hint = false} : vector<10000x32xf32>, vector<32x1xf32>, vector<10000x1xf32> -> vector<10000x1xf32>
    %mul3A_28 = arith.mulf %transpose3A, %dot_general3A_27 : vector<10000x1xf32>
    %transpose3A_29 = tpu.transpose %mul3A_28, [1, 0] : vector<10000x1xf32> -> vector<1x10000xf32>
    %swap3A = arith.constant 0 : index
    %swap3A_30 = arith.constant 0 : index
    %swap3A_31 = vector.load %arg5[%swap3A, %swap3A_30] : memref<1x10000xf32, #tpu.memory_space<vmem>>, vector<1x10000xf32>
    tpu.vector_store %arg5[%swap3A, %swap3A_30], %transpose3A_29 {strides = array<i32>} : memref<1x10000xf32, #tpu.memory_space<vmem>>, vector<1x10000xf32>,
    return
  }
}

module attributes {stable_mosaic.version = 14 : i64} {
  func.func @_tc_out_body(%arg0: i32, %arg1: memref<10240xf32, #tpu.memory_space<vmem>>, %arg2: memref<1x10000xf32, #tpu.memory_space<vmem>>, %arg3: memref<1x10000xf32, #tpu.memory_space<vmem>>, %arg4: memref<1x1xf32, #tpu.memory_space<vmem>>, %arg5: memref<10000x1xf32, #tpu.memory_space<vmem>>, %arg6: memref<1x10240xf32, #tpu.memory_space<vmem>>) attributes {dimension_semantics = [#tpu.dimension_semantics<arbitrary>], iteration_bounds = array<i64: 2>, scalar_prefetch = 0 : i64, scratch_operands = 1 : i64, tpu.core_type = #tpu.core_type<tc>, window_params = [{transform_indices = @transform_0, window_bounds = array<i64: 10240>}, {pipeline_mode = #tpu.pipeline_mode<synchronous>, transform_indices = @transform_1, window_bounds = array<i64: 1, 10000>}, {pipeline_mode = #tpu.pipeline_mode<synchronous>, transform_indices = @transform_2, window_bounds = array<i64: 1, 10000>}, {pipeline_mode = #tpu.pipeline_mode<synchronous>, transform_indices = @transform_3, window_bounds = array<i64: 1, 1>}, {pipeline_mode = #tpu.pipeline_mode<synchronous>, transform_indices = @transform_4, window_bounds = array<i64: 10000, 1>}]} {
    %get3A = arith.constant 0 : index
    %get3A_0 = vector.load %arg1[%get3A] : memref<10240xf32, #tpu.memory_space<vmem>>, vector<10240xf32>
    %reshape3A = vector.shape_cast %get3A_0 : vector<10240xf32> to vector<1x10240xf32>
    %eq3A = arith.constant 0 : i32
    %eq3A_1 = arith.cmpi eq, %arg0, %eq3A : i32
    %convert_element_type3A = arith.extui %eq3A_1 : i1 to i32
    %cond3A = arith.constant 0 : i32
    %cond3A_2 = arith.cmpi ne, %convert_element_type3A, %cond3A : i32
    scf.if %cond3A_2 {
      %swap3A = arith.constant 0 : index
      %swap3A_8 = arith.constant 0 : index
      %swap3A_9 = vector.load %arg6[%swap3A, %swap3A_8] : memref<1x10240xf32, #tpu.memory_space<vmem>>, vector<1x10240xf32>
      tpu.vector_store %arg6[%swap3A, %swap3A_8], %reshape3A {strides = array<i32>} : memref<1x10240xf32, #tpu.memory_space<vmem>>, vector<1x10240xf32>,
    } else {
    }
    %eq3A_3 = arith.constant 1 : i32
    %eq3A_4 = arith.cmpi eq, %arg0, %eq3A_3 : i32
    %convert_element_type3A_5 = arith.extui %eq3A_4 : i1 to i32
    %cond3A_6 = arith.constant 0 : i32
    %cond3A_7 = arith.cmpi ne, %convert_element_type3A_5, %cond3A_6 : i32
    scf.if %cond3A_7 {
      %get3A_8 = arith.constant 0 : index
      %get3A_9 = arith.constant 0 : index
      %get3A_10 = vector.load %arg3[%get3A_8, %get3A_9] : memref<1x10000xf32, #tpu.memory_space<vmem>>, vector<1x10000xf32>
      %get3A_11 = arith.constant 0 : index
      %get3A_12 = arith.constant 0 : index
      %get3A_13 = vector.load %arg6[%get3A_11, %get3A_12] : memref<1x10240xf32, #tpu.memory_space<vmem>>, vector<1x10000xf32>
      %slice3A = vector.extract_strided_slice %reshape3A {offsets = [0, 0], sizes = [1, 10000], strides = [1, 1]} : vector<1x10240xf32> to vector<1x10000xf32>
      %add3A = arith.addf %get3A_13, %slice3A : vector<1x10000xf32>
      %get3A_14 = arith.constant 0 : index
      %get3A_15 = arith.constant 0 : index
      %get3A_16 = vector.load %arg2[%get3A_14, %get3A_15] : memref<1x10000xf32, #tpu.memory_space<vmem>>, vector<1x10000xf32>
      %add3A_17 = arith.addf %add3A, %get3A_16 : vector<1x10000xf32>
      %mul3A = arith.mulf %get3A_10, %add3A_17 : vector<1x10000xf32>
      %get3A_18 = arith.constant 0 : index
      %get3A_19 = arith.constant 0 : index
      %get3A_20 = vector.load %arg4[%get3A_18, %get3A_19] : memref<1x1xf32, #tpu.memory_space<vmem>>, vector<1x1xf32>
      %add3A_21 = vector.broadcast %get3A_20 : vector<1x1xf32> to vector<1x10000xf32>
      %add3A_22 = arith.addf %mul3A, %add3A_21 : vector<1x10000xf32>
      %transpose3A = tpu.transpose %add3A_22, [1, 0] : vector<1x10000xf32> -> vector<10000x1xf32>
      %swap3A = arith.constant 0 : index
      %swap3A_23 = arith.constant 0 : index
      %swap3A_24 = vector.load %arg5[%swap3A, %swap3A_23] : memref<10000x1xf32, #tpu.memory_space<vmem>>, vector<10000x1xf32>
      tpu.vector_store %arg5[%swap3A, %swap3A_23], %transpose3A {strides = array<i32>} : memref<10000x1xf32, #tpu.memory_space<vmem>>, vector<10000x1xf32>,
    } else {
    }
    return
  }
  func.func @transform_0(%arg0: i32) -> i32 {
    %c0_i32 = arith.constant 0 : i32
    return %arg0 : i32
  }
  func.func @transform_1(%arg0: i32) -> (i32, i32) {
    %c0_i32 = arith.constant 0 : i32
    %c0_i32_0 = arith.constant 0 : i32
    %c0_i32_1 = arith.constant 0 : i32
    return %c0_i32, %c0_i32_0 : i32, i32
  }
  func.func @transform_2(%arg0: i32) -> (i32, i32) {
    %c0_i32 = arith.constant 0 : i32
    %c0_i32_0 = arith.constant 0 : i32
    %c0_i32_1 = arith.constant 0 : i32
    return %c0_i32, %c0_i32_0 : i32, i32
  }
  func.func @transform_3(%arg0: i32) -> (i32, i32) {
    %c0_i32 = arith.constant 0 : i32
    %c0_i32_0 = arith.constant 0 : i32
    %c0_i32_1 = arith.constant 0 : i32
    return %c0_i32, %c0_i32_0 : i32, i32
  }
  func.func @transform_4(%arg0: i32) -> (i32, i32) {
    %c0_i32 = arith.constant 0 : i32
    %c0_i32_0 = arith.constant 0 : i32
    %c0_i32_1 = arith.constant 0 : i32
    return %c0_i32, %c0_i32_0 : i32, i32
  }
}

</mosaic_0001>

<sc_bundles>
// kernel: kernel.12.cloned.1.call-start
scs
__scs_entry_jumppad:
0x0: {  	(pc) =	sbr.rel $0x88, $3  }
0x1: {  	(tag) =	ssettag $0x0;
	lr =	simm.s32 $0x1  }
0x2: {  	[smem:$0x3F9B] =	sst lr;
	_ =	strace $0xD0000000  }
0x3: {  	_ = 	snop  }
0x4: {  	_ = 	snop  }
0x5: {  	_ = 	snop  }
0x6: {  	_ = 	snop  }
0x7: {  	_ = 	snop  }
__scs_overlays_trampoline_lowered:
0x8: {  	[smem:$0x3FAA] =	sst s0  }
0x9: {  	[smem:$0x3FAB] =	sst s1  }
0xa: {  	[smem:$0x3FAC] =	sst s2  }
0xb: {  	[smem:$0x3FAD] =	sst s3  }
0xc: {  	[smem:$0x3FAE] =	sst s4  }
0xd: {  	[smem:$0x3FAF] =	sst s5  }
0xe: {  	[smem:$0x3FB0] =	sst s6  }
0xf: {  	[smem:$0x3FB1] =	sst s7  }
0x10: {  	[smem:$0x3FB2] =	sst s8  }
0x11: {  	[smem:$0x3FB3] =	sst s9;
	s0 =	simm.s32 @!p0 $0x0  }
0x12: {  	s1 =	sld [smem:$0x3F99];
	s0 =	simm.s32 @p0 $0x1  }
0x13: {  	[smem:$0x3FB4] =	sst s0;
	s0 =	simm.s32 @!p1 $0x0  }
0x14: {  	s2 =	sld [smem:$0x3F98];
	s0 =	simm.s32 @p1 $0x1  }
0x15: {  	[smem:$0x3FB5] =	sst s0;
	s0 =	simm.s32 @!p2 $0x0  }
0x16: {  	s3 =	sld [smem:$0x3FDB];
	s0 =	simm.s32 @p2 $0x1  }
0x17: {  	s4 =	simm.s32 $0x1BF5;
	[smem:$0x3FB7] =	sst s0  }
0x18: {  	s0 =	sld [smem:$0x3F9A];
	_ =	swait.ge [sflag:s4], $0x0  }
0x19: {  	s7 =	sld [smem:$0x3F9B]  }
0x1a: {  	s8 =	sadd.s32 $0xFFFFE003, lr  }
0x1b: {  	s9 =	sadd.s32 $0xFFFFFEF7, lr;
	s5 =	simm.s32 $0xFFFFFFFF;
	p2 =	slt.u32 s8, $0xFFFFF086  }
0x1c: {  	p1 =	slt.u32 s9, $0xF7A;
	s5 =	simm.s32 @!p2 $0x0  }
0x1d: {  	s5 =	simm.s32 @p1 $0x1;
	p0 =	seq.s32 s7, s2  }
0x1e: {  	s7 =	smul.u32 @!p0 $0xF7A, s2;
	p2 =	seq.s32 @!p0 s5, $0x0  }
0x1f: {  	s9 =	smul.u32 $0xF7A, s1;
	s8 =	simm.s32 @!p0 $0x1BF5;
	p2 =	por !p2, p0  }
0x20: {  	[sflag:s8] =	ssyncset.s32 @!p0 $0xFFFFF086;
	s6 =	sadd.s32 @!p0 s3, s7;
	s7 =	simm.s32 @!p0 $0x108  }
0x21: {  	s3 =	sadd.s32 s3, s9;
	s6 =	sadd.s32 @!p0 $0x88, s6;
	s7 =	simm.s32 @p2 $0x1082  }
0x22: {  	[simem:s7], [sflag:s8] =	dma.local @!p0 [hbm:s6], $0xF7A  }
0x23: {  	s9 =	sor.u32 $0xD0000000, s2;
	s6 =	simm.s32 $0x108;
	_ =	swait.ge @!p0 [sflag:s8], $0x0  }
0x24: {  	s3 =	sadd.s32 $0x88, s3;
	s6 =	simm.s32 @!p1 $0x1082;
	[sflag:s4] =	ssyncset.s32 $0xFFFFF086  }
0x25: {  	[simem:s6], [sflag:s4] =	dma.local [hbm:s3], $0xF7A  }
0x26: {  	[smem:$0x3F9B] =	sst s1;
	(tag) =	ssettag s2;
	_ =	strace s9  }
0x27: {  	s1 =	sld [smem:$0x3FAB]  }
0x28: {  	s2 =	sld [smem:$0x3FAC]  }
0x29: {  	s4 =	sld [smem:$0x3FAE]  }
0x2a: {  	p0 =	seq.s32 s5, $0x0;
	s5 =	sld [smem:$0x3FAF]  }
0x2b: {  	s6 =	sld [smem:$0x3FB0]  }
0x2c: {  	s7 =	sld [smem:$0x3FB1]  }
0x2d: {  	s3 =	simm.s32 $0x108;
	s8 =	sld [smem:$0x3FB2]  }
0x2e: {  	s3 =	simm.s32 @!p0 $0x1082;
	s9 =	sld [smem:$0x3FB3]  }
0x2f: {  	lr =	sadd.s32 s0, s3;
	s0 =	sld [smem:$0x3FAA]  }
0x30: {  	s3 =	sld [smem:$0x3FAD]  }
0x31: {  	[smem:$0x3FB6] =	sst s10  }
0x32: {  	s10 =	sld [smem:$0x3FB4];
	_ =	sdelay $0x3  }
0x33: {  	p0 =	seq.s32 s10, $0x1;
	s10 =	sld [smem:$0x3FB6];
	_ =	sdelay $0x3  }
0x34: {  	[smem:$0x3FB6] =	sst s10  }
0x35: {  	s10 =	sld [smem:$0x3FB5];
	_ =	sdelay $0x3  }
0x36: {  	p1 =	seq.s32 s10, $0x1;
	s10 =	sld [smem:$0x3FB6];
	_ =	sdelay $0x3  }
0x37: {  	[smem:$0x3FB6] =	sst s10  }
0x38: {  	s10 =	sld [smem:$0x3FB7]  }
0x39: {  	_ = 	snop;
	(pc) =	sbr.ind lr, $3  }
0x3a: {  	_ = 	snop  }
0x3b: {  	_ = 	snop  }
0x3c: {  	p2 =	seq.s32 s10, $0x1;
	s10 =	sld [smem:$0x3FB6]  }
0x3d: {  	_ =	shalt  }
0x3e: {  	_ =	shalt  }
0x3f: {  	_ =	shalt  }
0x40: {  	_ =	shalt  }
0x41: {  	_ =	shalt  }
0x42: {  	_ =	shalt  }
0x43: {  	_ =	shalt  }
0x44: {  	_ =	shalt  }
0x45: {  	_ =	shalt  }
0x46: {  	_ =	shalt  }
0x47: {  	_ =	shalt  }
0x48: {  	_ =	shalt  }
0x49: {  	_ =	shalt  }
0x4a: {  	_ =	shalt  }
0x4b: {  	_ =	shalt  }
0x4c: {  	_ =	shalt  }
0x4d: {  	_ =	shalt  }
0x4e: {  	_ =	shalt  }
0x4f: {  	_ =	shalt  }
0x50: {  	_ =	shalt  }
0x51: {  	_ =	shalt  }
0x52: {  	_ =	shalt  }
0x53: {  	_ =	shalt  }
0x54: {  	_ =	shalt  }
0x55: {  	_ =	shalt  }
0x56: {  	_ =	shalt  }
0x57: {  	_ =	shalt  }
0x58: {  	_ =	shalt  }
0x59: {  	_ =	shalt  }
0x5a: {  	_ =	shalt  }
0x5b: {  	_ =	shalt  }
0x5c: {  	_ =	shalt  }
0x5d: {  	_ =	shalt  }
0x5e: {  	_ =	shalt  }
0x5f: {  	_ =	shalt  }
0x60: {  	_ =	shalt  }
0x61: {  	_ =	shalt  }
0x62: {  	_ =	shalt  }
0x63: {  	_ =	shalt  }
0x64: {  	_ =	shalt  }
0x65: {  	_ =	shalt  }
0x66: {  	_ =	shalt  }
0x67: {  	_ =	shalt  }
0x68: {  	_ =	shalt  }
0x69: {  	_ =	shalt  }
0x6a: {  	_ =	shalt  }
0x6b: {  	_ =	shalt  }
0x6c: {  	_ =	shalt  }
0x6d: {  	_ =	shalt  }
0x6e: {  	_ =	shalt  }
0x6f: {  	_ =	shalt  }
0x70: {  	_ =	shalt  }
0x71: {  	_ =	shalt  }
0x72: {  	_ =	shalt  }
0x73: {  	_ =	shalt  }
0x74: {  	_ =	shalt  }
0x75: {  	_ =	shalt  }
0x76: {  	_ =	shalt  }
0x77: {  	_ =	shalt  }
0x78: {  	_ =	shalt  }
0x79: {  	_ =	shalt  }
0x7a: {  	_ =	shalt  }
0x7b: {  	_ =	shalt  }
0x7c: {  	_ =	shalt  }
0x7d: {  	_ =	shalt  }
0x7e: {  	_ =	shalt  }
0x7f: {  	_ =	shalt  }
0x80: {  	_ =	shalt  }
0x81: {  	_ =	shalt  }
0x82: {  	_ =	shalt  }
0x83: {  	_ =	shalt  }
0x84: {  	_ =	shalt  }
0x85: {  	_ =	shalt  }
0x86: {  	_ =	shalt  }
0x87: {  	_ =	shalt  }
.Lfunc_end0:
.L_simem_size_0:
called_computation.1_lowered:
.L_overlay_start_0:
0x88: {  	s2 =	sld [smem:$0x3FD9]  }
0x89: {  	s3 =	sld [smem:$0x3FFE];
	_ =	sdelay $0x1  }
0x8a: {  	s1 =	srdreg.scid  }
0x8b: {  	s0 =	sand.u32 $0x1, s1  }
0x8c: {  	s16 =	sshll.u32 s0, $0xA;
	s2 =	sadd.s32 s3, s2  }
0x8d: {  	s2 =	sadd.s32 s2, s16  }
0x8e: {  	[smem:$0x3FC2] =	sst s2  }
0x8f: {  	_ = 	snop  }
0x90: {  	(tm) =	ssettm $0x1  }
0x91: {  	s17 =	sld [smem:$0x3FFB];
	_ =	sdelay $0x3  }
0x92: {  	_ =	strace s17  }
0x93: {  	s2 =	sld [smem:$0x3FFC];
	_ =	sdelay $0x3  }
0x94: {  	_ =	strace s2  }
0x95: {  	s2 =	sld [smem:$0x3FFD];
	_ =	sdelay $0x3  }
0x96: {  	_ =	strace s2  }
0x97: {  	_ =	strace $0x8FFFFFFF  }
0x98: {  	s18 =	sld [smem:$0x3FDB];
	_ =	sdelay $0x1  }
0x99: {  	s19 =	simm.s32 $_scs_section_size  }
0x9a: {  	s4 =	simm.s32 $_size__tile_overlayer_lowered;
	s5 =	simm.s32 $_tile_overlayer_lowered  }
0x9b: {  	s22 =	simm.s32 $0x1BFF;
	s21 =	sshll.u32 s5, $0x1;
	s2 =	sadd.s32 s19, s18  }
0x9c: {  	s6 =	simm.s32 $0x0;
	s20 =	sshll.u32 s4, $0x1;
	s4 =	sadd.s32 s21, s2  }
0x9d: {  	[timem:s6], [sflag:s22] =	dma.local [hbm:s4], s20  }
0x9e: {  	_ =	swait.ge [sflag:s22], s20  }
0x9f: {  	s3 =	ssub.s32 $0x0, s20;
	[sflag:s22] =	ssyncset.done $0x0  }
0xa0: {  	[sflag:s22] =	ssyncadd.s32 s3;
	_ =	sdelay $0x1  }
0xa1: {  	s23 =	simm.s32 $0x1B8B  }
0xa2: {  	_ =	swait.ge [sflag:s23], $0x1  }
0xa3: {  	[sflag:s23] =	ssyncset.done $0x0  }
0xa4: {  	s25 =	simm.s32 $0x1B8E;
	s24 =	sld [smem:$0x3FFE];
	[sflag:s23] =	ssyncadd.s32 $0xFFFFFFFF  }
0xa5: {  	s26 =	simm.s32 $execute0_lowered;
	[smem:$0x3FD2] =	sst s25  }
0xa6: {  	s4 =	sshll.u32 s26, $0x1;
	_ =	strace $0x80000049;
	[dreg:$0x1] =	wrdreg $0xFFFFFFFF  }
0xa7: {  	s28 =	simm.s32 $_size_execute0_lowered;
	s2 =	sadd.s32 s2, s4;
	[dreg:$0x0] =	wrdreg $0x0  }
0xa8: {  	s4 =	sshll.u32 s28, $0x1;
	[dreg:$0x2] =	wrdreg s2  }
0xa9: {  	[dreg:$0x3] =	wrdreg s4  }
0xaa: {  	[dreg:$0x4] =	wrdreg $0xC0  }
0xab: {  	_ =	task [dreg:s6], $0x5FFFF  }
0xac: {  	[dreg:$0x1] =	wrdreg $0xFFFFFFFF  }
0xad: {  	[dreg:$0x0] =	wrdreg $0x60  }
0xae: {  	[dreg:$0x2] =	wrdreg s24  }
0xaf: {  	[dreg:$0x3] =	wrdreg $0xFD200  }
0xb0: {  	[dreg:$0x4] =	wrdreg $0x9  }
0xb1: {  	_ =	task.clear_ibuf [dreg:s6], $0x5FFFF;
	_ =	strace $0x90000049  }
0xb2: {  	s29 =	simm.s32 $0x9;
	_ =	strace $0x8000004B  }
0xb3: {  	_ =	swait.ge [sflag:s29], $0x1  }
0xb4: {  	[sflag:s29] =	ssyncadd.s32 $0xFFFFFFFF  }
0xb5: {  	_ =	strace $0x9000004B  }
0xb6: {  	_ =	sfence  }
0xb7: {  	s30 =	sld [smem:$0x0];
	_ =	sdelay $0x2  }
0xb8: {  	s31 =	sshll.u32 s1, $0xD;
	s1 =	sshrl.u32 s1, $0x2  }
0xb9: {  	s3 =	sand.u32 $0x4000, s31;
	s1 =	sadd.s32 s1, s30  }
0xba: {  	s0 =	sor.u32 s3, s0;
	s1 =	sshll.u32 s1, $0x11  }
0xbb: {  	s0 =	sor.u32 s1, s0  }
0xbc: {  	s0 =	sadd.s32 $0x8F2B, s0  }
0xbd: {  	[sflag:s0] =	ssyncadd.remote.s32 $0x1  }
0xbe: {  	_ =	sfence.sel $0xFFFF  }
0xbf: {  	[dreg:$0x0] =	wrdreg $0xFFFFFFFF;
	(pc) =	sbr.abs _section_cstart, $3  }
0xc0: {  	[dreg:$0x1] =	wrdreg $0xFFFFFFFF  }
0xc1: {  	_ =	task.clear_ibuf [dreg:s6], $0x2FFFF;
	_ =	strace $0x9FFFFFFF  }
0xc2: {  	(tm) =	ssettm $0x7FFFFFFF  }
0xc3: {  	_ =	shalt  }
tec
execute0_lowered:
.L_overlay_start_1:
0x0: {  	(tag) =	ssettag $0x1  }
0x1: {  	s5 =	rddreg [dreg:$0x0]  }
0x2: {  	s2 =	rddreg [dreg:$0x1]  }
0x3: {  	s4 =	srdreg.scid;
	s1 =	stileid.u32  }
0x4: {  	s3 =	simm.s32 $0x0;
	s14 =	simm.s32 $0x3;
	s15 =	simm.s32 $0x80  }
0x5: {  	s16 =	simm.s32 $0x5F00;
	s17 =	simm.s32 $0x100;
	s18 =	simm.s32 $0x6F00  }
0x6: {  	s19 =	simm.s32 $0x180;
	s20 =	simm.s32 $0x7F00;
	s21 =	simm.s32 $0x1  }
0x7: {  	s22 =	simm.s32 $0x2;
	s23 =	simm.s32 $0x0;
	s6 =	sand.u32 $0x1, s4  }
0x8: {  	s7 =	smul.u32 $0x4E20, s1;
	[smem:$0x7FF] =	sst s3;
	s9 =	sadd.s32 $0xAE00, s5  }
0x9: {  	s10 =	sadd.s32 $0x1000, s5;
	s30 =	sshll.u32 s1, $0x1;
	s4 =	smul.u32 $0x4E200, s6  }
0xa: {  	p0 =	slt.u32 s1, $0x2;
	_ =	strace $0x8000004A;
	s11 =	ssub.s32 $0x2, s6  }
0xb: {  	s6 =	sor.u32 s6, s30;
	s29 =	sshrl.u32 s11, $0x1;
	s8 =	sadd.s32 s7, s4  }
0xc: {  	s31 =	sshll.u32 s6, $0x4;
	s4 =	sadd.s32 $0x14C00, s5;
	s8 =	sshrl.u32 s8, $0x3  }
0xd: {  	s13 =	ssub.s32 s11, s29;
	s12 =	sadd.s32 s8, s5;
	s8 =	smul.u32 $0x4E0, s6  }
0xe: {  	s11 =	sor.u32 $0x9C00, s31;
	s5 =	simm.s32 $0x4F;
	s6 =	sadd.s32 s7, s2  }
0xf: {  	s5 =	simm.s32 @!p0 $0x4E;
	p0 =	sgt.u32 s1, $0x1;
	s7 =	sadd.s32 s9, s8  }
0x10: {  	s8 =	sadd.s32 s10, s8;
	s9 =	sadd.s32 s9, s11;
	s10 =	sadd.s32 s10, s11  }
0x11: {  	v0 =	vimm.f32 $0.0e+00;
	s11 =	sadd.s32 $0x1EA00, s12;
	s12 =	smax.u32 s13, $0x1;
	s13 =	simm.s32 $0xAF00  }
.LBB2_1:
0x12: {  	s24 =	simm.s32 $0xAF80  }
0x13: {  	[tilespmem:s24+$0xFFFFFF80] =	vst v0  }
0x14: {  	[tilespmem:s24+$0x70] =	vst v0  }
0x15: {  	[tilespmem:s24+$0x60] =	vst v0  }
0x16: {  	[tilespmem:s24+$0x50] =	vst v0  }
0x17: {  	[tilespmem:s24+$0x40] =	vst v0  }
0x18: {  	[tilespmem:s24+$0x30] =	vst v0  }
0x19: {  	[tilespmem:s24+$0x20] =	vst v0  }
0x1a: {  	[tilespmem:s24+$0x10] =	vst v0  }
0x1b: {  	[tilespmem:s24+$0x0] =	vst v0  }
0x1c: {  	[tilespmem:s24+$0xFFFFFFF0] =	vst v0  }
0x1d: {  	[tilespmem:s24+$0xFFFFFFE0] =	vst v0  }
0x1e: {  	[tilespmem:s24+$0xFFFFFFD0] =	vst v0  }
0x1f: {  	[tilespmem:s24+$0xFFFFFFC0] =	vst v0  }
0x20: {  	[tilespmem:s24+$0xFFFFFFB0] =	vst v0  }
0x21: {  	s25 =	simm.s32 $0x0;
	[tilespmem:s24+$0xFFFFFFA0] =	vst v0  }
.LBB2_2:
0x22: {  	s25 =	sadd.s32 $0x8, s25;
	[tilespmem:s24+$0xFFFFFF90] =	vst v0;
	s24 =	sadd.s32 $0x100, s24  }
0x23: {  	[tilespmem:s24+$0xFFFFFF80] =	vst v0;
	p1 =	slt.u32 s25, $0x268  }
0x24: {  	[tilespmem:s24+$0x70] =	vst v0  }
0x25: {  	[tilespmem:s24+$0x60] =	vst v0  }
0x26: {  	[tilespmem:s24+$0x50] =	vst v0  }
0x27: {  	[tilespmem:s24+$0x40] =	vst v0  }
0x28: {  	[tilespmem:s24+$0x30] =	vst v0  }
0x29: {  	[tilespmem:s24+$0x20] =	vst v0  }
0x2a: {  	[tilespmem:s24+$0x10] =	vst v0  }
0x2b: {  	[tilespmem:s24+$0x0] =	vst v0  }
0x2c: {  	[tilespmem:s24+$0xFFFFFFF0] =	vst v0  }
.Ltmp0:
0x2d: {  	[tilespmem:s24+$0xFFFFFFE0] =	vst v0;
	(pc) =	sbr.rel @p1 .LBB2_2-.Ltmp0, $4  }
0x2e: {  	[tilespmem:s24+$0xFFFFFFD0] =	vst v0  }
0x2f: {  	[tilespmem:s24+$0xFFFFFFC0] =	vst v0  }
0x30: {  	[tilespmem:s24+$0xFFFFFFB0] =	vst v0  }
0x31: {  	[tilespmem:s24+$0xFFFFFFA0] =	vst v0  }
0x32: {  	[tilespmem:s24+$0xFFFFFF90] =	vst v0  }
0x33: {  	[tilespmem:$0xFD00] =	vst v0  }
0x34: {  	[tilespmem:$0xFD10] =	vst v0  }
0x35: {  	[spmem:s6] =	stream.linear.scatter [tilespmem:s13], [sflag:$0x3], $0x4E20, $0x38;
	[tilespmem:$0x14B40] =	vst v63  }
0x36: {  	_ =	swait.ge [sflag:s14], $0x4E20  }
0x37: {  	[sflag:s14] =	ssyncset.done $0x0  }
0x38: {  	[sflag:s14] =	ssyncadd.s32 $0xFFFFB1E0  }
0x39: {  	[tilespmem:s3], [sflag:$0x3] =	stream.linear.gather [hbm4b:s7+s3], $0x2700, $0x38;
	[tilespmem:$0x14B40] =	vst v63  }
0x3a: {  	_ =	swait.ge [sflag:s14], $0x2700  }
0x3b: {  	[sflag:s14] =	ssyncset.done $0x0  }
0x3c: {  	s24 =	simm.s32 @p0 $0x0;
	s25 =	simm.s32 @p0 $0x2780;
	[sflag:s14] =	ssyncadd.s32 $0xFFFFD900  }
0x3d: {  	[tilespmem:s25], [sflag:$0x3] =	stream.linear.gather @p0 [hbm4b:s8+s24], $0x2700, $0x38;
	[tilespmem:$0x14B40] =	vst v63  }
0x3e: {  	s24 =	simm.s32 @p0 $0x3  }
0x3f: {  	_ =	swait.ge @p0 [sflag:s24], $0x2700  }
0x40: {  	[sflag:s24] =	ssyncset.done @p0 $0x0  }
0x41: {  	s25 =	simm.s32 @!p0 $0x2700;
	[sflag:s24] =	ssyncadd.s32 @p0 $0xFFFFD900;
	s24 =	simm.s32 @!p0 $0x0  }
0x42: {  	[tilespmem:s25], [sflag:$0x3] =	stream.linear.gather @!p0 [hbm4b:s9+s24], $0x80, $0x38;
	[tilespmem:$0x14B40] =	vst v63  }
0x43: {  	s25 =	simm.s32 @!p0 $0x3  }
0x44: {  	_ =	swait.ge @!p0 [sflag:s25], $0x80  }
0x45: {  	[sflag:s25] =	ssyncset.done @!p0 $0x0  }
0x46: {  	s26 =	simm.s32 @!p0 $0x2780;
	[sflag:s25] =	ssyncadd.s32 @!p0 $0xFFFFFF80  }
0x47: {  	[tilespmem:s26], [sflag:$0x3] =	stream.linear.gather @!p0 [hbm4b:s8+s24], $0x2700, $0x38;
	[tilespmem:$0x14B40] =	vst v63  }
0x48: {  	_ =	swait.ge @!p0 [sflag:s25], $0x2700  }
0x49: {  	[sflag:s25] =	ssyncset.done @!p0 $0x0  }
0x4a: {  	s26 =	simm.s32 @!p0 $0x4E80;
	[sflag:s25] =	ssyncadd.s32 @!p0 $0xFFFFD900  }
0x4b: {  	[tilespmem:s26], [sflag:$0x3] =	stream.linear.gather @!p0 [hbm4b:s10+s24], $0x80, $0x38;
	[tilespmem:$0x14B40] =	vst v63  }
0x4c: {  	_ =	swait.ge @!p0 [sflag:s25], $0x80  }
0x4d: {  	[sflag:s25] =	ssyncset.done @!p0 $0x0  }
0x4e: {  	[sflag:s25] =	ssyncadd.s32 @!p0 $0xFFFFFF80  }
0x4f: {  	s29 =	simm.s32 $0x0;
	s24 =	simm.s32 $0x4F00;
	[bflag:$0x0] =	sbarrier.arrive $0xFFFF  }
0x50: {  	[tilespmem:s24], [sflag:$0x1] =	stream.indirect.gather [hbm4b:s4+s15], $0x20, s29, s15, $0xb8;
	[tilespmem:$0x14B40] =	vst v63  }
0x51: {  	_ = 	snop  }
0x52: {  	[tilespmem:s16], [sflag:$0x1] =	stream.indirect.gather [hbm4b:s4+s15], $0x20, s15, s15, $0xb8;
	[tilespmem:$0x14B40] =	vst v63  }
0x53: {  	s28 =	simm.s32 $0x200  }
0x54: {  	[tilespmem:s18], [sflag:$0x1] =	stream.indirect.gather [hbm4b:s4+s15], $0x20, s17, s15, $0xb8;
	[tilespmem:$0x14B40] =	vst v63  }
0x55: {  	s30 =	simm.s32 $0x2780;
	s26 =	simm.s32 $0x4;
	s25 =	simm.s32 $0x8F00  }
0x56: {  	[tilespmem:s20], [sflag:$0x1] =	stream.indirect.gather [hbm4b:s4+s15], $0x20, s19, s15, $0xb8;
	[tilespmem:$0x14B40] =	vst v63  }
.LBB2_4:
0x57: {  	s31 =	smulhi.u32 $0xAAAAAAAB, s29;
	_ =	sdelay $0x1  }
0x58: {  	s31 =	sshrl.u32 s31, $0x2  }
0x59: {  	s31 =	smul.u32 $0xFFFE8000, s31  }
0x5a: {  	_ =	swait.ge [sflag:s21], $0x1000  }
0x5b: {  	[sflag:s21] =	ssyncset.done $0x0;
	s31 =	sshra.s32 s31, $0x2  }
0x5c: {  	p1 =	slt.u32 s29, $0x2;
	[sflag:s21] =	ssyncadd.s32 $0xFFFFF000;
	s31 =	sadd.s32 s31, s24  }
0x5d: {  	[spmem:s2] =	stream.indirect.scatter.add.f32 [tilespmem:s31], [sflag:$0x2], $0x20, s30, s15, $0xb8;
	[tilespmem:$0x14B40] =	vst v63  }
0x5e: {  	s0 =	smulhi.u32 $0xAAAAAAAB, s26;
	s29 =	sadd.s32 $0x4, s29;
	s31 =	simm.s32 @!p1 $0x2  }
0x5f: {  	p2 =	sge.u32 s29, s5;
	_ =	swait.ge @!p1 [sflag:s31], $0x1000  }
0x60: {  	s29 =	sadd.s32 $0xFFFFFFFD, s29;
	s0 =	sshrl.u32 s0, $0x2;
	[sflag:s31] =	ssyncset.done @!p1 $0x0  }
0x61: {  	s0 =	smul.u32 $0xFFFE8000, s0;
	[sflag:s31] =	ssyncadd.s32 @!p1 $0xFFFFF000;
	p1 =	sne.s32 s29, s5  }
.Ltmp1:
0x62: {  	_ = 	snop;
	(pc) =	sbr.rel @p1 .LBB2_4-.Ltmp1, $4  }
0x63: {  	s26 =	sadd.s32 $0x1, s26;
	s0 =	sshra.s32 s0, $0x2  }
0x64: {  	s0 =	sadd.s32 s0, s25;
	s25 =	sadd.s32 $0x1000, s25;
	s31 =	simm.s32 @!p2 $0x80  }
0x65: {  	[tilespmem:s0], [sflag:$0x1] =	stream.indirect.gather @!p2 [hbm4b:s4+s31], $0x20, s28, s31, $0xb8;
	[tilespmem:$0x14B40] =	vst v63  }
0x66: {  	s24 =	sadd.s32 $0x1000, s24;
	s30 =	sadd.s32 $0x80, s30;
	s28 =	sadd.s32 $0x80, s28  }
0x67: {  	_ =	swait.ge [sflag:s22], $0x1000  }
0x68: {  	[sflag:s22] =	ssyncset.done $0x0  }
0x69: {  	[sflag:s22] =	ssyncadd.s32 $0xFFFFF000  }
0x6a: {  	_ =	swait.ge [sflag:s22], $0x1000  }
0x6b: {  	s0 =	sshll.u32 s1, $0x6;
	s23 =	sadd.s32 $0x1, s23;
	[sflag:s22] =	ssyncset.done $0x0  }
0x6c: {  	s24 =	sshrl.u32 s6, $0x3;
	p1 =	sne.s32 s23, s12;
	[sflag:s22] =	ssyncadd.s32 $0xFFFFF000  }
.Ltmp2:
0x6d: {  	s0 =	sor.u32 $0x1C03, s0;
	[bflag:$0x0] =	sbarrier.arrive $0xFFFF;
	(pc) =	sbr.rel @p1 .LBB2_1-.Ltmp2, $4  }
0x6e: {  	[hbm:s11], [sflag:s0] =	dma.local [spmem:s24], $0x9C4  }
0x6f: {  	_ =	swait.ge [sflag:s14], $0x9C4  }
0x70: {  	[sflag:s14] =	ssyncset.done $0x0  }
0x71: {  	[sflag:s14] =	ssyncadd.s32 $0xFFFFF63C  }
0x72: {  	_ =	sfence.sel $0x180000  }
0x73: {  	[bflag:$0x0] =	sbarrier.arrive $0xFFFF  }
0x74: {  	_ =	strace $0x9000004A  }
0x75: {  	[bflag:$0x2] =	sbarrier.arrive $0xFFFF  }
0x76: {  	p0 =	sne.s32 s1, $0x0;
	s0 =	rddreg [dreg:$0x2]  }
0x77: {  	s0 =	sadd.s32 @!p0 $0x100000, s0  }
0x78: {  	[sflag:s0] =	ssyncadd.tile.s32 @!p0 $0x1;
	_ =	shalt  }
.Lfunc_end2:
_tile_overlayer_lowered:
.L_overlay_start_2:
0x79: {  	(tag) =	ssettag $0x2  }
0x7a: {  	s0 =	rddreg [dreg:$0x0];
	s2 =	stileid.u32  }
0x7b: {  	s1 =	rddreg [dreg:$0x1];
	p0 =	sne.s32 s2, $0x0  }
0x7c: {  	s3 =	rddreg [dreg:$0x2];
	[bflag:$0x3] =	sbarrier.arrive $0xFFFF;
	s2 =	simm.s32 @!p0 $0x1C03  }
0x7d: {  	[timem:s3], [sflag:s2] =	dma.local @!p0 [hbm:s0], s1  }
0x7e: {  	s0 =	simm.s32 @!p0 $0x3  }
0x7f: {  	_ =	swait.ge @!p0 [sflag:s0], s1  }
0x80: {  	s1 =	ssub.s32 @!p0 $0x0, s1;
	[sflag:s0] =	ssyncset.done @!p0 $0x0  }
0x81: {  	[sflag:s0] =	ssyncadd.s32 @!p0 s1  }
0x82: {  	[bflag:$0x3] =	sbarrier.arrive $0xFFFF  }
0x83: {  	_ =	shalt  }

// kernel: kernel.15.cloned.1.call-start
scs
__scs_entry_jumppad:
0x0: {  	(pc) =	sbr.rel $0x88, $3  }
0x1: {  	(tag) =	ssettag $0x0;
	lr =	simm.s32 $0x1  }
0x2: {  	[smem:$0x3F9B] =	sst lr;
	_ =	strace $0xD0000000  }
0x3: {  	_ = 	snop  }
0x4: {  	_ = 	snop  }
0x5: {  	_ = 	snop  }
0x6: {  	_ = 	snop  }
0x7: {  	_ = 	snop  }
__scs_overlays_trampoline_lowered:
0x8: {  	[smem:$0x3FAA] =	sst s0  }
0x9: {  	[smem:$0x3FAB] =	sst s1  }
0xa: {  	[smem:$0x3FAC] =	sst s2  }
0xb: {  	[smem:$0x3FAD] =	sst s3  }
0xc: {  	[smem:$0x3FAE] =	sst s4  }
0xd: {  	[smem:$0x3FAF] =	sst s5  }
0xe: {  	[smem:$0x3FB0] =	sst s6  }
0xf: {  	[smem:$0x3FB1] =	sst s7  }
0x10: {  	[smem:$0x3FB2] =	sst s8  }
0x11: {  	[smem:$0x3FB3] =	sst s9;
	s0 =	simm.s32 @!p0 $0x0  }
0x12: {  	s1 =	sld [smem:$0x3F99];
	s0 =	simm.s32 @p0 $0x1  }
0x13: {  	[smem:$0x3FB4] =	sst s0;
	s0 =	simm.s32 @!p1 $0x0  }
0x14: {  	s2 =	sld [smem:$0x3F98];
	s0 =	simm.s32 @p1 $0x1  }
0x15: {  	[smem:$0x3FB5] =	sst s0;
	s0 =	simm.s32 @!p2 $0x0  }
0x16: {  	s3 =	sld [smem:$0x3FDB];
	s0 =	simm.s32 @p2 $0x1  }
0x17: {  	s4 =	simm.s32 $0x1BF5;
	[smem:$0x3FB7] =	sst s0  }
0x18: {  	s0 =	sld [smem:$0x3F9A];
	_ =	swait.ge [sflag:s4], $0x0  }
0x19: {  	s7 =	sld [smem:$0x3F9B]  }
0x1a: {  	s8 =	sadd.s32 $0xFFFFE003, lr  }
0x1b: {  	s9 =	sadd.s32 $0xFFFFFEF7, lr;
	s5 =	simm.s32 $0xFFFFFFFF;
	p2 =	slt.u32 s8, $0xFFFFF086  }
0x1c: {  	p1 =	slt.u32 s9, $0xF7A;
	s5 =	simm.s32 @!p2 $0x0  }
0x1d: {  	s5 =	simm.s32 @p1 $0x1;
	p0 =	seq.s32 s7, s2  }
0x1e: {  	s7 =	smul.u32 @!p0 $0xF7A, s2;
	p2 =	seq.s32 @!p0 s5, $0x0  }
0x1f: {  	s9 =	smul.u32 $0xF7A, s1;
	s8 =	simm.s32 @!p0 $0x1BF5;
	p2 =	por !p2, p0  }
0x20: {  	[sflag:s8] =	ssyncset.s32 @!p0 $0xFFFFF086;
	s6 =	sadd.s32 @!p0 s3, s7;
	s7 =	simm.s32 @!p0 $0x108  }
0x21: {  	s3 =	sadd.s32 s3, s9;
	s6 =	sadd.s32 @!p0 $0x88, s6;
	s7 =	simm.s32 @p2 $0x1082  }
0x22: {  	[simem:s7], [sflag:s8] =	dma.local @!p0 [hbm:s6], $0xF7A  }
0x23: {  	s9 =	sor.u32 $0xD0000000, s2;
	s6 =	simm.s32 $0x108;
	_ =	swait.ge @!p0 [sflag:s8], $0x0  }
0x24: {  	s3 =	sadd.s32 $0x88, s3;
	s6 =	simm.s32 @!p1 $0x1082;
	[sflag:s4] =	ssyncset.s32 $0xFFFFF086  }
0x25: {  	[simem:s6], [sflag:s4] =	dma.local [hbm:s3], $0xF7A  }
0x26: {  	[smem:$0x3F9B] =	sst s1;
	(tag) =	ssettag s2;
	_ =	strace s9  }
0x27: {  	s1 =	sld [smem:$0x3FAB]  }
0x28: {  	s2 =	sld [smem:$0x3FAC]  }
0x29: {  	s4 =	sld [smem:$0x3FAE]  }
0x2a: {  	p0 =	seq.s32 s5, $0x0;
	s5 =	sld [smem:$0x3FAF]  }
0x2b: {  	s6 =	sld [smem:$0x3FB0]  }
0x2c: {  	s7 =	sld [smem:$0x3FB1]  }
0x2d: {  	s3 =	simm.s32 $0x108;
	s8 =	sld [smem:$0x3FB2]  }
0x2e: {  	s3 =	simm.s32 @!p0 $0x1082;
	s9 =	sld [smem:$0x3FB3]  }
0x2f: {  	lr =	sadd.s32 s0, s3;
	s0 =	sld [smem:$0x3FAA]  }
0x30: {  	s3 =	sld [smem:$0x3FAD]  }
0x31: {  	[smem:$0x3FB6] =	sst s10  }
0x32: {  	s10 =	sld [smem:$0x3FB4];
	_ =	sdelay $0x3  }
0x33: {  	p0 =	seq.s32 s10, $0x1;
	s10 =	sld [smem:$0x3FB6];
	_ =	sdelay $0x3  }
0x34: {  	[smem:$0x3FB6] =	sst s10  }
0x35: {  	s10 =	sld [smem:$0x3FB5];
	_ =	sdelay $0x3  }
0x36: {  	p1 =	seq.s32 s10, $0x1;
	s10 =	sld [smem:$0x3FB6];
	_ =	sdelay $0x3  }
0x37: {  	[smem:$0x3FB6] =	sst s10  }
0x38: {  	s10 =	sld [smem:$0x3FB7]  }
0x39: {  	_ = 	snop;
	(pc) =	sbr.ind lr, $3  }
0x3a: {  	_ = 	snop  }
0x3b: {  	_ = 	snop  }
0x3c: {  	p2 =	seq.s32 s10, $0x1;
	s10 =	sld [smem:$0x3FB6]  }
0x3d: {  	_ =	shalt  }
0x3e: {  	_ =	shalt  }
0x3f: {  	_ =	shalt  }
0x40: {  	_ =	shalt  }
0x41: {  	_ =	shalt  }
0x42: {  	_ =	shalt  }
0x43: {  	_ =	shalt  }
0x44: {  	_ =	shalt  }
0x45: {  	_ =	shalt  }
0x46: {  	_ =	shalt  }
0x47: {  	_ =	shalt  }
0x48: {  	_ =	shalt  }
0x49: {  	_ =	shalt  }
0x4a: {  	_ =	shalt  }
0x4b: {  	_ =	shalt  }
0x4c: {  	_ =	shalt  }
0x4d: {  	_ =	shalt  }
0x4e: {  	_ =	shalt  }
0x4f: {  	_ =	shalt  }
0x50: {  	_ =	shalt  }
0x51: {  	_ =	shalt  }
0x52: {  	_ =	shalt  }
0x53: {  	_ =	shalt  }
0x54: {  	_ =	shalt  }
0x55: {  	_ =	shalt  }
0x56: {  	_ =	shalt  }
0x57: {  	_ =	shalt  }
0x58: {  	_ =	shalt  }
0x59: {  	_ =	shalt  }
0x5a: {  	_ =	shalt  }
0x5b: {  	_ =	shalt  }
0x5c: {  	_ =	shalt  }
0x5d: {  	_ =	shalt  }
0x5e: {  	_ =	shalt  }
0x5f: {  	_ =	shalt  }
0x60: {  	_ =	shalt  }
0x61: {  	_ =	shalt  }
0x62: {  	_ =	shalt  }
0x63: {  	_ =	shalt  }
0x64: {  	_ =	shalt  }
0x65: {  	_ =	shalt  }
0x66: {  	_ =	shalt  }
0x67: {  	_ =	shalt  }
0x68: {  	_ =	shalt  }
0x69: {  	_ =	shalt  }
0x6a: {  	_ =	shalt  }
0x6b: {  	_ =	shalt  }
0x6c: {  	_ =	shalt  }
0x6d: {  	_ =	shalt  }
0x6e: {  	_ =	shalt  }
0x6f: {  	_ =	shalt  }
0x70: {  	_ =	shalt  }
0x71: {  	_ =	shalt  }
0x72: {  	_ =	shalt  }
0x73: {  	_ =	shalt  }
0x74: {  	_ =	shalt  }
0x75: {  	_ =	shalt  }
0x76: {  	_ =	shalt  }
0x77: {  	_ =	shalt  }
0x78: {  	_ =	shalt  }
0x79: {  	_ =	shalt  }
0x7a: {  	_ =	shalt  }
0x7b: {  	_ =	shalt  }
0x7c: {  	_ =	shalt  }
0x7d: {  	_ =	shalt  }
0x7e: {  	_ =	shalt  }
0x7f: {  	_ =	shalt  }
0x80: {  	_ =	shalt  }
0x81: {  	_ =	shalt  }
0x82: {  	_ =	shalt  }
0x83: {  	_ =	shalt  }
0x84: {  	_ =	shalt  }
0x85: {  	_ =	shalt  }
0x86: {  	_ =	shalt  }
0x87: {  	_ =	shalt  }
.Lfunc_end0:
.L_simem_size_0:
called_computation.2_lowered:
.L_overlay_start_0:
0x88: {  	s2 =	sld [smem:$0x3FD9]  }
0x89: {  	s3 =	sld [smem:$0x3FFE];
	_ =	sdelay $0x1  }
0x8a: {  	s1 =	srdreg.scid  }
0x8b: {  	s0 =	sand.u32 $0x1, s1  }
0x8c: {  	s16 =	sshll.u32 s0, $0xA;
	s2 =	sadd.s32 s3, s2  }
0x8d: {  	s2 =	sadd.s32 s2, s16  }
0x8e: {  	[smem:$0x3FC2] =	sst s2  }
0x8f: {  	_ = 	snop  }
0x90: {  	(tm) =	ssettm $0x1  }
0x91: {  	s17 =	sld [smem:$0x3FFB];
	_ =	sdelay $0x3  }
0x92: {  	_ =	strace s17  }
0x93: {  	s2 =	sld [smem:$0x3FFC];
	_ =	sdelay $0x3  }
0x94: {  	_ =	strace s2  }
0x95: {  	s2 =	sld [smem:$0x3FFD];
	_ =	sdelay $0x3  }
0x96: {  	_ =	strace s2  }
0x97: {  	_ =	strace $0x8FFFFFFF  }
0x98: {  	s18 =	sld [smem:$0x3FDB];
	_ =	sdelay $0x1  }
0x99: {  	s19 =	simm.s32 $_scs_section_size  }
0x9a: {  	s4 =	simm.s32 $_size__tile_overlayer_lowered;
	s5 =	simm.s32 $_tile_overlayer_lowered  }
0x9b: {  	s22 =	simm.s32 $0x1BFF;
	s21 =	sshll.u32 s5, $0x1;
	s2 =	sadd.s32 s19, s18  }
0x9c: {  	s6 =	simm.s32 $0x0;
	s20 =	sshll.u32 s4, $0x1;
	s4 =	sadd.s32 s21, s2  }
0x9d: {  	[timem:s6], [sflag:s22] =	dma.local [hbm:s4], s20  }
0x9e: {  	_ =	swait.ge [sflag:s22], s20  }
0x9f: {  	s3 =	ssub.s32 $0x0, s20;
	[sflag:s22] =	ssyncset.done $0x0  }
0xa0: {  	[sflag:s22] =	ssyncadd.s32 s3;
	_ =	sdelay $0x1  }
0xa1: {  	s23 =	simm.s32 $0x1B8B  }
0xa2: {  	_ =	swait.ge [sflag:s23], $0x1  }
0xa3: {  	[sflag:s23] =	ssyncset.done $0x0  }
0xa4: {  	s25 =	simm.s32 $0x1B8E;
	s24 =	sld [smem:$0x3FFE];
	[sflag:s23] =	ssyncadd.s32 $0xFFFFFFFF  }
0xa5: {  	s26 =	simm.s32 $execute0_lowered;
	[smem:$0x3FD2] =	sst s25  }
0xa6: {  	s4 =	sshll.u32 s26, $0x1;
	_ =	strace $0x8000004C;
	[dreg:$0x1] =	wrdreg $0xFFFFFFFF  }
0xa7: {  	s28 =	simm.s32 $_size_execute0_lowered;
	s2 =	sadd.s32 s2, s4;
	[dreg:$0x0] =	wrdreg $0x0  }
0xa8: {  	s4 =	sshll.u32 s28, $0x1;
	[dreg:$0x2] =	wrdreg s2  }
0xa9: {  	[dreg:$0x3] =	wrdreg s4  }
0xaa: {  	[dreg:$0x4] =	wrdreg $0xC0  }
0xab: {  	_ =	task [dreg:s6], $0x5FFFF  }
0xac: {  	[dreg:$0x1] =	wrdreg $0xFFFFFFFF  }
0xad: {  	[dreg:$0x0] =	wrdreg $0x60  }
0xae: {  	[dreg:$0x2] =	wrdreg s24  }
0xaf: {  	[dreg:$0x3] =	wrdreg $0xA5900  }
0xb0: {  	[dreg:$0x4] =	wrdreg $0x9  }
0xb1: {  	_ =	task.clear_ibuf [dreg:s6], $0x5FFFF;
	_ =	strace $0x9000004C  }
0xb2: {  	s29 =	simm.s32 $0x9;
	_ =	strace $0x8000004E  }
0xb3: {  	_ =	swait.ge [sflag:s29], $0x1  }
0xb4: {  	[sflag:s29] =	ssyncadd.s32 $0xFFFFFFFF  }
0xb5: {  	_ =	strace $0x9000004E  }
0xb6: {  	_ =	sfence  }
0xb7: {  	s30 =	sld [smem:$0x0];
	_ =	sdelay $0x2  }
0xb8: {  	s31 =	sshll.u32 s1, $0xD;
	s1 =	sshrl.u32 s1, $0x2  }
0xb9: {  	s3 =	sand.u32 $0x4000, s31;
	s1 =	sadd.s32 s1, s30  }
0xba: {  	s0 =	sor.u32 s3, s0;
	s1 =	sshll.u32 s1, $0x11  }
0xbb: {  	s0 =	sor.u32 s1, s0  }
0xbc: {  	s0 =	sadd.s32 $0x8F2B, s0  }
0xbd: {  	[sflag:s0] =	ssyncadd.remote.s32 $0x1  }
0xbe: {  	_ =	sfence.sel $0xFFFF  }
0xbf: {  	[dreg:$0x0] =	wrdreg $0xFFFFFFFF;
	(pc) =	sbr.abs _section_cstart, $3  }
0xc0: {  	[dreg:$0x1] =	wrdreg $0xFFFFFFFF  }
0xc1: {  	_ =	task.clear_ibuf [dreg:s6], $0x2FFFF;
	_ =	strace $0x9FFFFFFF  }
0xc2: {  	(tm) =	ssettm $0x7FFFFFFF  }
0xc3: {  	_ =	shalt  }
tec
execute0_lowered:
.L_overlay_start_1:
0x0: {  	(tag) =	ssettag $0x1  }
0x1: {  	s5 =	rddreg [dreg:$0x0]  }
0x2: {  	s1 =	rddreg [dreg:$0x1];
	s2 =	srdreg.scid  }
0x3: {  	s0 =	rddreg [dreg:$0x2];
	s3 =	simm.s32 $0x0;
	s14 =	simm.s32 $0xA090  }
0x4: {  	s15 =	simm.s32 $0x7610;
	s16 =	simm.s32 $0x80;
	s17 =	simm.s32 $0x9E10  }
0x5: {  	v0 =	vimm.f32 $0.0e+00;
	v1 =	vlaneseq.u32;
	s18 =	simm.s32 $0x9E90;
	s19 =	simm.s32 $0x7E10;
	s20 =	simm.s32 $0x9F10  }
0x6: {  	s21 =	simm.s32 $0x8610;
	s22 =	simm.s32 $0x9F90;
	s23 =	simm.s32 $0x8E10;
	v2 =	vor.u32 $0x10, v1;
	v3 =	vor.u32 $0x20, v1;
	v4 =	vor.u32 $0x30, v1  }
0x7: {  	s24 =	simm.s32 $0xA010;
	s25 =	simm.s32 $0x9610;
	s26 =	simm.s32 $0xA310;
	v5 =	vor.u32 $0x40, v1;
	v6 =	vor.u32 $0x50, v1;
	v7 =	vor.u32 $0x60, v1  }
0x8: {  	s6 =	sand.u32 $0x1, s2;
	s2 =	stileid.u32;
	[smem:$0x7FF] =	sst s3;
	v8 =	vor.u32 $0x70, v1;
	v9 =	vor.u32 $0x80, v1;
	v10 =	vor.u32 $0x90, v1  }
0x9: {  	s8 =	sadd.s32 $0xAE00, s5;
	s9 =	sadd.s32 $0x1000, s5;
	v11 =	vor.u32 $0xA0, v1;
	v12 =	vor.u32 $0xB0, v1;
	v13 =	vor.u32 $0xC0, v1;
	s4 =	smul.u32 $0x2800, s6  }
0xa: {  	s28 =	simm.s32 $0x0;
	v14 =	vor.u32 $0xD0, v1;
	v15 =	vor.u32 $0xE0, v1;
	v16 =	vor.u32 $0xF0, v1;
	s7 =	smul.u32 $0x280, s2;
	_ =	strace $0x8000004D  }
0xb: {  	v17 =	vor.u32 $0x100, v1;
	v18 =	vor.u32 $0x110, v1;
	v19 =	vor.u32 $0x120, v1;
	s10 =	sshll.u32 s2, $0x1;
	s29 =	ssub.s32 $0x2, s6;
	s12 =	smul.u32 $0xA00, s2  }
0xc: {  	v20 =	vor.u32 $0x130, v1;
	v21 =	vor.u32 $0x140, v1;
	v22 =	vor.u32 $0x150, v1;
	p0 =	sgt.u32 s2, $0x1;
	s10 =	sor.u32 s6, s10;
	s31 =	sshrl.u32 s29, $0x1  }
0xd: {  	v23 =	vor.u32 $0x160, v1;
	v24 =	vor.u32 $0x170, v1;
	v25 =	vor.u32 $0x180, v1;
	s7 =	sadd.s32 s7, s4;
	s4 =	sadd.s32 $0x14C00, s5;
	s30 =	smul.u32 $0x4E0, s10  }
0xe: {  	v26 =	vor.u32 $0x190, v1;
	v27 =	vor.u32 $0x1A0, v1;
	v28 =	vor.u32 $0x1B0, v1;
	s10 =	sshll.u32 s10, $0x4;
	s13 =	ssub.s32 s29, s31;
	s7 =	sshrl.u32 s7, $0x3  }
0xf: {  	v29 =	vor.u32 $0x1C0, v1;
	v30 =	vor.u32 $0x1D0, v1;
	v31 =	vor.u32 $0x1E0, v1;
	s12 =	sshrl.u32 s12, $0x2;
	s10 =	sor.u32 $0x9C00, s10;
	s11 =	sadd.s32 s7, s5  }
0x10: {  	v32 =	vor.u32 $0x1F0, v1;
	v33 =	vor.u32 $0x200, v1;
	v34 =	vor.u32 $0x210, v1;
	s5 =	sadd.s32 s8, s30;
	s6 =	sadd.s32 s9, s30;
	s7 =	sadd.s32 s8, s10  }
0x11: {  	v35 =	vor.u32 $0x220, v1;
	v36 =	vor.u32 $0x230, v1;
	v37 =	vor.u32 $0x240, v1;
	s8 =	sadd.s32 s9, s10;
	s9 =	sadd.s32 s12, s1;
	s12 =	simm.s32 $0x1  }
0x12: {  	v38 =	vor.u32 $0x250, v1;
	v39 =	vor.u32 $0x260, v1;
	v40 =	vor.u32 $0x270, v1;
	s10 =	sadd.s32 $0x15200, s11;
	s11 =	smax.u32 s13, $0x1;
	s13 =	simm.s32 $0x4F00  }
.LBB2_1:
0x13: {  	[tilespmem:s3], [sflag:$0x1] =	stream.linear.gather [hbm4b:s5+s3], $0x2700, $0x38;
	[tilespmem:$0xA810] =	vst v63  }
0x14: {  	_ =	swait.ge [sflag:s12], $0x2700  }
0x15: {  	[sflag:s12] =	ssyncset.done $0x0  }
0x16: {  	s29 =	simm.s32 @p0 $0x0;
	s30 =	simm.s32 @p0 $0x2780;
	[sflag:s12] =	ssyncadd.s32 $0xFFFFD900  }
0x17: {  	[tilespmem:s30], [sflag:$0x1] =	stream.linear.gather @p0 [hbm4b:s6+s29], $0x2700, $0x38;
	[tilespmem:$0xA810] =	vst v63  }
0x18: {  	s29 =	simm.s32 @p0 $0x1  }
0x19: {  	_ =	swait.ge @p0 [sflag:s29], $0x2700  }
0x1a: {  	[sflag:s29] =	ssyncset.done @p0 $0x0  }
0x1b: {  	s30 =	simm.s32 @!p0 $0x2700;
	[sflag:s29] =	ssyncadd.s32 @p0 $0xFFFFD900;
	s29 =	simm.s32 @!p0 $0x0  }
0x1c: {  	[tilespmem:s30], [sflag:$0x1] =	stream.linear.gather @!p0 [hbm4b:s7+s29], $0x80, $0x38;
	[tilespmem:$0xA810] =	vst v63  }
0x1d: {  	s30 =	simm.s32 @!p0 $0x1  }
0x1e: {  	_ =	swait.ge @!p0 [sflag:s30], $0x80  }
0x1f: {  	[sflag:s30] =	ssyncset.done @!p0 $0x0  }
0x20: {  	s31 =	simm.s32 @!p0 $0x2780;
	[sflag:s30] =	ssyncadd.s32 @!p0 $0xFFFFFF80  }
0x21: {  	[tilespmem:s31], [sflag:$0x1] =	stream.linear.gather @!p0 [hbm4b:s6+s29], $0x2700, $0x38;
	[tilespmem:$0xA810] =	vst v63  }
0x22: {  	_ =	swait.ge @!p0 [sflag:s30], $0x2700  }
0x23: {  	[sflag:s30] =	ssyncset.done @!p0 $0x0  }
0x24: {  	s31 =	simm.s32 @!p0 $0x4E80;
	[sflag:s30] =	ssyncadd.s32 @!p0 $0xFFFFD900  }
0x25: {  	[tilespmem:s31], [sflag:$0x1] =	stream.linear.gather @!p0 [hbm4b:s8+s29], $0x80, $0x38;
	[tilespmem:$0xA810] =	vst v63  }
0x26: {  	_ =	swait.ge @!p0 [sflag:s30], $0x80  }
0x27: {  	[sflag:s30] =	ssyncset.done @!p0 $0x0  }
0x28: {  	[sflag:s30] =	ssyncadd.s32 @!p0 $0xFFFFFF80  }
0x29: {  	[tilespmem:s13], [sflag:$0x1] =	stream.linear.gather [hbm4b:s4+s3], $0x2710, $0x38;
	[tilespmem:$0xA810] =	vst v63  }
0x2a: {  	_ =	swait.ge [sflag:s12], $0x2710  }
0x2b: {  	[sflag:s12] =	ssyncset.done $0x0  }
0x2c: {  	s29 =	simm.s32 $0x7650;
	[sflag:s12] =	ssyncadd.s32 $0xFFFFD8F0  }
0x2d: {  	[tilespmem:s29+$0xFFFFFFC0] =	vst v0  }
0x2e: {  	[tilespmem:s29+$0x30] =	vst v0  }
0x2f: {  	[tilespmem:s29+$0x20] =	vst v0  }
0x30: {  	[tilespmem:s29+$0x10] =	vst v0  }
0x31: {  	[tilespmem:s29+$0x0] =	vst v0  }
0x32: {  	[tilespmem:s29+$0xFFFFFFF0] =	vst v0  }
0x33: {  	s30 =	simm.s32 $0x0;
	[tilespmem:s29+$0xFFFFFFE0] =	vst v0  }
.LBB2_2:
0x34: {  	s30 =	sadd.s32 $0x8, s30;
	[tilespmem:s29+$0xFFFFFFD0] =	vst v0;
	s29 =	sadd.s32 $0x80, s29  }
0x35: {  	[tilespmem:s29+$0xFFFFFFC0] =	vst v0;
	p1 =	slt.u32 s30, $0x278  }
0x36: {  	[tilespmem:s29+$0x30] =	vst v0  }
.Ltmp0:
0x37: {  	[tilespmem:s29+$0x20] =	vst v0;
	(pc) =	sbr.rel @p1 .LBB2_2-.Ltmp0, $4  }
0x38: {  	[tilespmem:s29+$0x10] =	vst v0  }
0x39: {  	[tilespmem:s29+$0x0] =	vst v0  }
0x3a: {  	[tilespmem:s29+$0xFFFFFFF0] =	vst v0  }
0x3b: {  	[tilespmem:s29+$0xFFFFFFE0] =	vst v0  }
0x3c: {  	[tilespmem:s29+$0xFFFFFFD0] =	vst v0  }
0x3d: {  	[tilespmem:$0xA090] =	vst v0  }
0x3e: {  	[tilespmem:$0xA0A0] =	vst v0  }
0x3f: {  	[tilespmem:$0xA0B0] =	vst v0  }
0x40: {  	[tilespmem:$0xA0C0] =	vst v0  }
0x41: {  	[tilespmem:$0xA0D0] =	vst v0  }
0x42: {  	[tilespmem:$0xA0E0] =	vst v0  }
0x43: {  	[tilespmem:$0xA0F0] =	vst v0  }
0x44: {  	[tilespmem:$0xA100] =	vst v0  }
0x45: {  	[tilespmem:$0xA110] =	vst v0  }
0x46: {  	[tilespmem:$0xA120] =	vst v0  }
0x47: {  	[tilespmem:$0xA130] =	vst v0  }
0x48: {  	[tilespmem:$0xA140] =	vst v0  }
0x49: {  	[tilespmem:$0xA150] =	vst v0  }
0x4a: {  	[tilespmem:$0xA160] =	vst v0  }
0x4b: {  	[tilespmem:$0xA170] =	vst v0  }
0x4c: {  	[tilespmem:$0xA180] =	vst v0  }
0x4d: {  	[tilespmem:$0xA190] =	vst v0  }
0x4e: {  	[tilespmem:$0xA1A0] =	vst v0  }
0x4f: {  	[tilespmem:$0xA1B0] =	vst v0  }
0x50: {  	[tilespmem:$0xA1C0] =	vst v0  }
0x51: {  	[tilespmem:$0xA1D0] =	vst v0  }
0x52: {  	[tilespmem:$0xA1E0] =	vst v0  }
0x53: {  	[tilespmem:$0xA1F0] =	vst v0  }
0x54: {  	[tilespmem:$0xA200] =	vst v0  }
0x55: {  	[tilespmem:$0xA210] =	vst v0  }
0x56: {  	[tilespmem:$0xA220] =	vst v0  }
0x57: {  	[tilespmem:$0xA230] =	vst v0  }
0x58: {  	[tilespmem:$0xA240] =	vst v0  }
0x59: {  	[tilespmem:$0xA250] =	vst v0  }
0x5a: {  	[tilespmem:$0xA260] =	vst v0  }
0x5b: {  	[tilespmem:$0xA270] =	vst v0  }
0x5c: {  	[tilespmem:$0xA280] =	vst v0  }
0x5d: {  	[tilespmem:$0xA290] =	vst v0  }
0x5e: {  	[tilespmem:$0xA2A0] =	vst v0  }
0x5f: {  	[tilespmem:$0xA2B0] =	vst v0  }
0x60: {  	[tilespmem:$0xA2C0] =	vst v0  }
0x61: {  	[tilespmem:$0xA2D0] =	vst v0  }
0x62: {  	[tilespmem:$0xA2E0] =	vst v0  }
0x63: {  	[tilespmem:$0xA2F0] =	vst v0  }
0x64: {  	[tilespmem:$0xA300] =	vst v0  }
0x65: {  	[spmem:s9] =	stream.linear.scatter [tilespmem:s14], [sflag:$0x1], $0x280, $0x38;
	[tilespmem:$0xA810] =	vst v63  }
0x66: {  	_ =	swait.ge [sflag:s12], $0x280  }
0x67: {  	[sflag:s12] =	ssyncset.done $0x0  }
0x68: {  	s29 =	simm.s32 $0xFFFFFFFC;
	[sflag:s12] =	ssyncadd.s32 $0xFFFFFD80  }
0x69: {  	s30 =	simm.s32 $0x100;
	s31 =	simm.s32 $0x2880;
	[bflag:$0x0] =	sbarrier.arrive $0xFFFF  }
.LBB2_4:
0x6a: {  	v41 =	vld [tilespmem:s30+$0xFFFFFF00];
	_ =	sdelay $0x4  }
0x6b: {  	v42 =	vld [tilespmem:s31+$0xFFFFFF00];
	_ =	sdelay $0x2  }
0x6c: {  	v41 =	vld.idx.msk [tilespmem:v41+s13+$0x0], $0xffff;
	_ =	sdelay $0x4  }
0x6d: {  	[tilespmem:v42+s15+$0x0] =	vst.idx.add.f32.msk $0xffff, v41  }
0x6e: {  	v41 =	vld [tilespmem:s30+$0xFFFFFF10];
	_ =	sdelay $0x4  }
0x6f: {  	v42 =	vld [tilespmem:s31+$0xFFFFFF10];
	_ =	sdelay $0x2  }
0x70: {  	v41 =	vld.idx.msk [tilespmem:v41+s13+$0x0], $0xffff;
	_ =	sdelay $0x4  }
0x71: {  	[tilespmem:v42+s15+$0x0] =	vst.idx.add.f32.msk $0xffff, v41  }
0x72: {  	v41 =	vld [tilespmem:s30+$0xFFFFFF20];
	_ =	sdelay $0x4  }
0x73: {  	v42 =	vld [tilespmem:s31+$0xFFFFFF20];
	_ =	sdelay $0x2  }
0x74: {  	v41 =	vld.idx.msk [tilespmem:v41+s13+$0x0], $0xffff;
	_ =	sdelay $0x4  }
0x75: {  	[tilespmem:v42+s15+$0x0] =	vst.idx.add.f32.msk $0xffff, v41  }
0x76: {  	v41 =	vld [tilespmem:s30+$0xFFFFFF30];
	_ =	sdelay $0x4  }
0x77: {  	v42 =	vld [tilespmem:s31+$0xFFFFFF30];
	_ =	sdelay $0x2  }
0x78: {  	v41 =	vld.idx.msk [tilespmem:v41+s13+$0x0], $0xffff;
	_ =	sdelay $0x4  }
0x79: {  	[tilespmem:v42+s15+$0x0] =	vst.idx.add.f32.msk $0xffff, v41  }
0x7a: {  	v41 =	vld [tilespmem:s30+$0xFFFFFF40];
	_ =	sdelay $0x4  }
0x7b: {  	v42 =	vld [tilespmem:s31+$0xFFFFFF40];
	_ =	sdelay $0x2  }
0x7c: {  	v41 =	vld.idx.msk [tilespmem:v41+s13+$0x0], $0xffff;
	_ =	sdelay $0x4  }
0x7d: {  	[tilespmem:v42+s15+$0x0] =	vst.idx.add.f32.msk $0xffff, v41  }
0x7e: {  	v41 =	vld [tilespmem:s30+$0xFFFFFF50];
	_ =	sdelay $0x4  }
0x7f: {  	v42 =	vld [tilespmem:s31+$0xFFFFFF50];
	_ =	sdelay $0x2  }
0x80: {  	v41 =	vld.idx.msk [tilespmem:v41+s13+$0x0], $0xffff;
	_ =	sdelay $0x4  }
0x81: {  	[tilespmem:v42+s15+$0x0] =	vst.idx.add.f32.msk $0xffff, v41  }
0x82: {  	v41 =	vld [tilespmem:s30+$0xFFFFFF60];
	_ =	sdelay $0x4  }
0x83: {  	v42 =	vld [tilespmem:s31+$0xFFFFFF60];
	_ =	sdelay $0x2  }
0x84: {  	v41 =	vld.idx.msk [tilespmem:v41+s13+$0x0], $0xffff;
	_ =	sdelay $0x4  }
0x85: {  	[tilespmem:v42+s15+$0x0] =	vst.idx.add.f32.msk $0xffff, v41  }
0x86: {  	v41 =	vld [tilespmem:s30+$0xFFFFFF70];
	_ =	sdelay $0x4  }
0x87: {  	v42 =	vld [tilespmem:s31+$0xFFFFFF70];
	_ =	sdelay $0x2  }
0x88: {  	v41 =	vld.idx.msk [tilespmem:v41+s13+$0x0], $0xffff;
	_ =	sdelay $0x4  }
0x89: {  	[tilespmem:v42+s15+$0x0] =	vst.idx.add.f32.msk $0xffff, v41  }
0x8a: {  	v41 =	vld [tilespmem:s30+$0xFFFFFF80];
	_ =	sdelay $0x4  }
0x8b: {  	v42 =	vld [tilespmem:s31+$0xFFFFFF80];
	_ =	sdelay $0x2  }
0x8c: {  	v41 =	vld.idx.msk [tilespmem:v41+s13+$0x0], $0xffff;
	_ =	sdelay $0x4  }
0x8d: {  	[tilespmem:v42+s15+$0x0] =	vst.idx.add.f32.msk $0xffff, v41  }
0x8e: {  	v41 =	vld [tilespmem:s30+$0xFFFFFF90];
	_ =	sdelay $0x4  }
0x8f: {  	v42 =	vld [tilespmem:s31+$0xFFFFFF90];
	_ =	sdelay $0x2  }
0x90: {  	v41 =	vld.idx.msk [tilespmem:v41+s13+$0x0], $0xffff;
	_ =	sdelay $0x4  }
0x91: {  	[tilespmem:v42+s15+$0x0] =	vst.idx.add.f32.msk $0xffff, v41  }
0x92: {  	v41 =	vld [tilespmem:s30+$0xFFFFFFA0];
	_ =	sdelay $0x4  }
0x93: {  	v42 =	vld [tilespmem:s31+$0xFFFFFFA0];
	_ =	sdelay $0x2  }
0x94: {  	v41 =	vld.idx.msk [tilespmem:v41+s13+$0x0], $0xffff;
	_ =	sdelay $0x4  }
0x95: {  	[tilespmem:v42+s15+$0x0] =	vst.idx.add.f32.msk $0xffff, v41  }
0x96: {  	v41 =	vld [tilespmem:s30+$0xFFFFFFB0];
	_ =	sdelay $0x4  }
0x97: {  	v42 =	vld [tilespmem:s31+$0xFFFFFFB0];
	_ =	sdelay $0x2  }
0x98: {  	v41 =	vld.idx.msk [tilespmem:v41+s13+$0x0], $0xffff;
	_ =	sdelay $0x4  }
0x99: {  	[tilespmem:v42+s15+$0x0] =	vst.idx.add.f32.msk $0xffff, v41  }
0x9a: {  	v41 =	vld [tilespmem:s30+$0xFFFFFFC0];
	_ =	sdelay $0x4  }
0x9b: {  	v42 =	vld [tilespmem:s31+$0xFFFFFFC0];
	_ =	sdelay $0x2  }
0x9c: {  	v41 =	vld.idx.msk [tilespmem:v41+s13+$0x0], $0xffff;
	_ =	sdelay $0x4  }
0x9d: {  	[tilespmem:v42+s15+$0x0] =	vst.idx.add.f32.msk $0xffff, v41  }
0x9e: {  	v41 =	vld [tilespmem:s30+$0xFFFFFFD0];
	_ =	sdelay $0x4  }
0x9f: {  	v42 =	vld [tilespmem:s31+$0xFFFFFFD0];
	_ =	sdelay $0x2  }
0xa0: {  	v41 =	vld.idx.msk [tilespmem:v41+s13+$0x0], $0xffff;
	_ =	sdelay $0x4  }
0xa1: {  	[tilespmem:v42+s15+$0x0] =	vst.idx.add.f32.msk $0xffff, v41  }
0xa2: {  	v41 =	vld [tilespmem:s30+$0xFFFFFFE0];
	_ =	sdelay $0x4  }
0xa3: {  	v42 =	vld [tilespmem:s31+$0xFFFFFFE0];
	_ =	sdelay $0x2  }
0xa4: {  	v41 =	vld.idx.msk [tilespmem:v41+s13+$0x0], $0xffff;
	_ =	sdelay $0x4  }
0xa5: {  	[tilespmem:v42+s15+$0x0] =	vst.idx.add.f32.msk $0xffff, v41  }
0xa6: {  	v41 =	vld [tilespmem:s30+$0xFFFFFFF0];
	_ =	sdelay $0x4  }
0xa7: {  	v42 =	vld [tilespmem:s31+$0xFFFFFFF0];
	_ =	sdelay $0x2  }
0xa8: {  	v41 =	vld.idx.msk [tilespmem:v41+s13+$0x0], $0xffff;
	_ =	sdelay $0x4  }
0xa9: {  	[tilespmem:v42+s15+$0x0] =	vst.idx.add.f32.msk $0xffff, v41  }
0xaa: {  	v41 =	vld [tilespmem:s30+$0x0];
	_ =	sdelay $0x4  }
0xab: {  	v42 =	vld [tilespmem:s31+$0x0];
	_ =	sdelay $0x2  }
0xac: {  	v41 =	vld.idx.msk [tilespmem:v41+s13+$0x0], $0xffff;
	_ =	sdelay $0x4  }
0xad: {  	[tilespmem:v42+s15+$0x0] =	vst.idx.add.f32.msk $0xffff, v41  }
0xae: {  	v41 =	vld [tilespmem:s30+$0x10];
	_ =	sdelay $0x4  }
0xaf: {  	v42 =	vld [tilespmem:s31+$0x10];
	_ =	sdelay $0x2  }
0xb0: {  	v41 =	vld.idx.msk [tilespmem:v41+s13+$0x0], $0xffff;
	_ =	sdelay $0x4  }
0xb1: {  	[tilespmem:v42+s15+$0x0] =	vst.idx.add.f32.msk $0xffff, v41  }
0xb2: {  	v41 =	vld [tilespmem:s30+$0x20];
	_ =	sdelay $0x4  }
0xb3: {  	v42 =	vld [tilespmem:s31+$0x20];
	_ =	sdelay $0x2  }
0xb4: {  	v41 =	vld.idx.msk [tilespmem:v41+s13+$0x0], $0xffff;
	_ =	sdelay $0x4  }
0xb5: {  	[tilespmem:v42+s15+$0x0] =	vst.idx.add.f32.msk $0xffff, v41  }
0xb6: {  	v41 =	vld [tilespmem:s30+$0x30];
	_ =	sdelay $0x4  }
0xb7: {  	v42 =	vld [tilespmem:s31+$0x30];
	_ =	sdelay $0x2  }
0xb8: {  	v41 =	vld.idx.msk [tilespmem:v41+s13+$0x0], $0xffff;
	_ =	sdelay $0x4  }
0xb9: {  	[tilespmem:v42+s15+$0x0] =	vst.idx.add.f32.msk $0xffff, v41  }
0xba: {  	v41 =	vld [tilespmem:s30+$0x40];
	_ =	sdelay $0x4  }
0xbb: {  	v42 =	vld [tilespmem:s31+$0x40];
	_ =	sdelay $0x2  }
0xbc: {  	v41 =	vld.idx.msk [tilespmem:v41+s13+$0x0], $0xffff;
	_ =	sdelay $0x4  }
0xbd: {  	[tilespmem:v42+s15+$0x0] =	vst.idx.add.f32.msk $0xffff, v41  }
0xbe: {  	v41 =	vld [tilespmem:s30+$0x50];
	_ =	sdelay $0x4  }
0xbf: {  	v42 =	vld [tilespmem:s31+$0x50];
	_ =	sdelay $0x2  }
0xc0: {  	v41 =	vld.idx.msk [tilespmem:v41+s13+$0x0], $0xffff;
	_ =	sdelay $0x4  }
0xc1: {  	[tilespmem:v42+s15+$0x0] =	vst.idx.add.f32.msk $0xffff, v41  }
0xc2: {  	v41 =	vld [tilespmem:s30+$0x60];
	_ =	sdelay $0x4  }
0xc3: {  	v42 =	vld [tilespmem:s31+$0x60];
	_ =	sdelay $0x2  }
0xc4: {  	v41 =	vld.idx.msk [tilespmem:v41+s13+$0x0], $0xffff;
	_ =	sdelay $0x4  }
0xc5: {  	[tilespmem:v42+s15+$0x0] =	vst.idx.add.f32.msk $0xffff, v41  }
0xc6: {  	v41 =	vld [tilespmem:s30+$0x70];
	_ =	sdelay $0x4  }
0xc7: {  	v42 =	vld [tilespmem:s31+$0x70];
	_ =	sdelay $0x2  }
0xc8: {  	v41 =	vld.idx.msk [tilespmem:v41+s13+$0x0], $0xffff;
	_ =	sdelay $0x4  }
0xc9: {  	[tilespmem:v42+s15+$0x0] =	vst.idx.add.f32.msk $0xffff, v41  }
0xca: {  	v41 =	vld [tilespmem:s30+$0x80];
	_ =	sdelay $0x4  }
0xcb: {  	v42 =	vld [tilespmem:s31+$0x80];
	_ =	sdelay $0x2  }
0xcc: {  	v41 =	vld.idx.msk [tilespmem:v41+s13+$0x0], $0xffff;
	_ =	sdelay $0x4  }
0xcd: {  	[tilespmem:v42+s15+$0x0] =	vst.idx.add.f32.msk $0xffff, v41  }
0xce: {  	v41 =	vld [tilespmem:s30+$0x90];
	_ =	sdelay $0x4  }
0xcf: {  	v42 =	vld [tilespmem:s31+$0x90];
	_ =	sdelay $0x2  }
0xd0: {  	v41 =	vld.idx.msk [tilespmem:v41+s13+$0x0], $0xffff;
	_ =	sdelay $0x4  }
0xd1: {  	[tilespmem:v42+s15+$0x0] =	vst.idx.add.f32.msk $0xffff, v41  }
0xd2: {  	v41 =	vld [tilespmem:s30+$0xA0];
	_ =	sdelay $0x4  }
0xd3: {  	v42 =	vld [tilespmem:s31+$0xA0];
	_ =	sdelay $0x2  }
0xd4: {  	v41 =	vld.idx.msk [tilespmem:v41+s13+$0x0], $0xffff;
	_ =	sdelay $0x4  }
0xd5: {  	[tilespmem:v42+s15+$0x0] =	vst.idx.add.f32.msk $0xffff, v41  }
0xd6: {  	v41 =	vld [tilespmem:s30+$0xB0];
	_ =	sdelay $0x4  }
0xd7: {  	v42 =	vld [tilespmem:s31+$0xB0];
	_ =	sdelay $0x2  }
0xd8: {  	v41 =	vld.idx.msk [tilespmem:v41+s13+$0x0], $0xffff;
	_ =	sdelay $0x4  }
0xd9: {  	[tilespmem:v42+s15+$0x0] =	vst.idx.add.f32.msk $0xffff, v41  }
0xda: {  	v41 =	vld [tilespmem:s30+$0xC0];
	_ =	sdelay $0x4  }
0xdb: {  	v42 =	vld [tilespmem:s31+$0xC0];
	_ =	sdelay $0x2  }
0xdc: {  	v41 =	vld.idx.msk [tilespmem:v41+s13+$0x0], $0xffff;
	_ =	sdelay $0x4  }
0xdd: {  	[tilespmem:v42+s15+$0x0] =	vst.idx.add.f32.msk $0xffff, v41  }
0xde: {  	v41 =	vld [tilespmem:s30+$0xD0];
	_ =	sdelay $0x4  }
0xdf: {  	v42 =	vld [tilespmem:s31+$0xD0];
	_ =	sdelay $0x2  }
0xe0: {  	v41 =	vld.idx.msk [tilespmem:v41+s13+$0x0], $0xffff;
	_ =	sdelay $0x4  }
0xe1: {  	[tilespmem:v42+s15+$0x0] =	vst.idx.add.f32.msk $0xffff, v41  }
0xe2: {  	v41 =	vld [tilespmem:s30+$0xE0];
	_ =	sdelay $0x4  }
0xe3: {  	v42 =	vld [tilespmem:s31+$0xE0];
	_ =	sdelay $0x2  }
0xe4: {  	v41 =	vld.idx.msk [tilespmem:v41+s13+$0x0], $0xffff;
	_ =	sdelay $0x4  }
0xe5: {  	[tilespmem:v42+s15+$0x0] =	vst.idx.add.f32.msk $0xffff, v41  }
0xe6: {  	v41 =	vld [tilespmem:s30+$0xF0];
	_ =	sdelay $0x4  }
0xe7: {  	v42 =	vld [tilespmem:s31+$0xF0];
	_ =	sdelay $0x1  }
0xe8: {  	s29 =	sadd.s32 $0x4, s29  }
0xe9: {  	p1 =	slt.u32 s29, $0x48;
	v41 =	vld.idx.msk [tilespmem:v41+s13+$0x0], $0xffff  }
.Ltmp1:
0xea: {  	_ = 	snop;
	(pc) =	sbr.rel @p1 .LBB2_4-.Ltmp1, $2  }
0xeb: {  	_ =	sdelay $0x2  }
0xec: {  	s30 =	sadd.s32 $0x200, s30;
	s31 =	sadd.s32 $0x200, s31;
	[tilespmem:v42+s15+$0x0] =	vst.idx.add.f32.msk $0xffff, v41  }
0xed: {  	v41 =	vld [tilespmem:$0x2600];
	_ =	sdelay $0x4  }
0xee: {  	v42 =	vld [tilespmem:$0x4D80];
	_ =	sdelay $0x2  }
0xef: {  	v41 =	vld.idx.msk [tilespmem:v41+s13+$0x0], $0xffff;
	_ =	sdelay $0x4  }
0xf0: {  	[tilespmem:v42+s15+$0x0] =	vst.idx.add.f32.msk $0xffff, v41  }
0xf1: {  	v41 =	vld [tilespmem:$0x2610];
	_ =	sdelay $0x4  }
0xf2: {  	v42 =	vld [tilespmem:$0x4D90];
	_ =	sdelay $0x2  }
0xf3: {  	v41 =	vld.idx.msk [tilespmem:v41+s13+$0x0], $0xffff;
	_ =	sdelay $0x4  }
0xf4: {  	[tilespmem:v42+s15+$0x0] =	vst.idx.add.f32.msk $0xffff, v41  }
0xf5: {  	v41 =	vld [tilespmem:$0x2620];
	_ =	sdelay $0x4  }
0xf6: {  	v42 =	vld [tilespmem:$0x4DA0];
	_ =	sdelay $0x2  }
0xf7: {  	v41 =	vld.idx.msk [tilespmem:v41+s13+$0x0], $0xffff;
	_ =	sdelay $0x4  }
0xf8: {  	[tilespmem:v42+s15+$0x0] =	vst.idx.add.f32.msk $0xffff, v41  }
0xf9: {  	v41 =	vld [tilespmem:$0x2630];
	_ =	sdelay $0x4  }
0xfa: {  	v42 =	vld [tilespmem:$0x4DB0];
	_ =	sdelay $0x2  }
0xfb: {  	v41 =	vld.idx.msk [tilespmem:v41+s13+$0x0], $0xffff;
	_ =	sdelay $0x4  }
0xfc: {  	[tilespmem:v42+s15+$0x0] =	vst.idx.add.f32.msk $0xffff, v41  }
0xfd: {  	v41 =	vld [tilespmem:$0x2640];
	_ =	sdelay $0x4  }
0xfe: {  	v42 =	vld [tilespmem:$0x4DC0];
	_ =	sdelay $0x2  }
0xff: {  	v41 =	vld.idx.msk [tilespmem:v41+s13+$0x0], $0xffff;
	_ =	sdelay $0x4  }
0x100: {  	[tilespmem:v42+s15+$0x0] =	vst.idx.add.f32.msk $0xffff, v41  }
0x101: {  	v41 =	vld [tilespmem:$0x2650];
	_ =	sdelay $0x4  }
0x102: {  	v42 =	vld [tilespmem:$0x4DD0];
	_ =	sdelay $0x2  }
0x103: {  	v41 =	vld.idx.msk [tilespmem:v41+s13+$0x0], $0xffff;
	_ =	sdelay $0x4  }
0x104: {  	[tilespmem:v42+s15+$0x0] =	vst.idx.add.f32.msk $0xffff, v41  }
0x105: {  	v41 =	vld [tilespmem:$0x2660];
	_ =	sdelay $0x4  }
0x106: {  	v42 =	vld [tilespmem:$0x4DE0];
	_ =	sdelay $0x2  }
0x107: {  	v41 =	vld.idx.msk [tilespmem:v41+s13+$0x0], $0xffff;
	_ =	sdelay $0x4  }
0x108: {  	[tilespmem:v42+s15+$0x0] =	vst.idx.add.f32.msk $0xffff, v41  }
0x109: {  	v41 =	vld [tilespmem:$0x2670];
	_ =	sdelay $0x4  }
0x10a: {  	v42 =	vld [tilespmem:$0x4DF0];
	_ =	sdelay $0x2  }
0x10b: {  	v41 =	vld.idx.msk [tilespmem:v41+s13+$0x0], $0xffff;
	_ =	sdelay $0x4  }
0x10c: {  	[tilespmem:v42+s15+$0x0] =	vst.idx.add.f32.msk $0xffff, v41  }
0x10d: {  	v41 =	vld [tilespmem:$0x2680];
	_ =	sdelay $0x4  }
0x10e: {  	v42 =	vld [tilespmem:$0x4E00];
	_ =	sdelay $0x2  }
0x10f: {  	v41 =	vld.idx.msk [tilespmem:v41+s13+$0x0], $0xffff;
	_ =	sdelay $0x4  }
0x110: {  	[tilespmem:v42+s15+$0x0] =	vst.idx.add.f32.msk $0xffff, v41  }
0x111: {  	v41 =	vld [tilespmem:$0x2690];
	_ =	sdelay $0x4  }
0x112: {  	v42 =	vld [tilespmem:$0x4E10];
	_ =	sdelay $0x2  }
0x113: {  	v41 =	vld.idx.msk [tilespmem:v41+s13+$0x0], $0xffff;
	_ =	sdelay $0x4  }
0x114: {  	[tilespmem:v42+s15+$0x0] =	vst.idx.add.f32.msk $0xffff, v41  }
0x115: {  	v41 =	vld [tilespmem:$0x26A0];
	_ =	sdelay $0x4  }
0x116: {  	v42 =	vld [tilespmem:$0x4E20];
	_ =	sdelay $0x2  }
0x117: {  	v41 =	vld.idx.msk [tilespmem:v41+s13+$0x0], $0xffff;
	_ =	sdelay $0x4  }
0x118: {  	[tilespmem:v42+s15+$0x0] =	vst.idx.add.f32.msk $0xffff, v41  }
0x119: {  	v41 =	vld [tilespmem:$0x26B0];
	_ =	sdelay $0x4  }
0x11a: {  	v42 =	vld [tilespmem:$0x4E30];
	_ =	sdelay $0x2  }
0x11b: {  	v41 =	vld.idx.msk [tilespmem:v41+s13+$0x0], $0xffff;
	_ =	sdelay $0x4  }
0x11c: {  	[tilespmem:v42+s15+$0x0] =	vst.idx.add.f32.msk $0xffff, v41  }
0x11d: {  	v41 =	vld [tilespmem:$0x26C0];
	_ =	sdelay $0x4  }
0x11e: {  	v42 =	vld [tilespmem:$0x4E40];
	_ =	sdelay $0x2  }
0x11f: {  	v41 =	vld.idx.msk [tilespmem:v41+s13+$0x0], $0xffff;
	_ =	sdelay $0x4  }
0x120: {  	[tilespmem:v42+s15+$0x0] =	vst.idx.add.f32.msk $0xffff, v41  }
0x121: {  	v41 =	vld [tilespmem:$0x26D0];
	_ =	sdelay $0x4  }
0x122: {  	v42 =	vld [tilespmem:$0x4E50];
	_ =	sdelay $0x2  }
0x123: {  	v41 =	vld.idx.msk [tilespmem:v41+s13+$0x0], $0xffff;
	_ =	sdelay $0x4  }
0x124: {  	[tilespmem:v42+s15+$0x0] =	vst.idx.add.f32.msk $0xffff, v41  }
0x125: {  	v41 =	vld [tilespmem:$0x26E0];
	_ =	sdelay $0x4  }
0x126: {  	v42 =	vld [tilespmem:$0x4E60];
	_ =	sdelay $0x2  }
0x127: {  	v41 =	vld.idx.msk [tilespmem:v41+s13+$0x0], $0xffff;
	_ =	sdelay $0x4  }
0x128: {  	[tilespmem:v42+s15+$0x0] =	vst.idx.add.f32.msk $0xffff, v41  }
0x129: {  	v41 =	vld [tilespmem:$0x26F0];
	_ =	sdelay $0x4  }
0x12a: {  	v42 =	vld [tilespmem:$0x4E70];
	_ =	sdelay $0x2  }
0x12b: {  	v41 =	vld.idx.msk [tilespmem:v41+s13+$0x0], $0xffff;
	_ =	sdelay $0x4  }
0x12c: {  	[tilespmem:v42+s15+$0x0] =	vst.idx.add.f32.msk $0xffff, v41  }
0x12d: {  	v41 =	vld @!p0 [tilespmem:$0x2700];
	_ =	sdelay $0x4  }
0x12e: {  	v42 =	vld @!p0 [tilespmem:$0x4E80];
	_ =	sdelay $0x1  }
0x12f: {  	s29 =	simm.s32 @!p0 $0x4F00  }
0x130: {  	v41 =	vld.idx.msk @!p0 [tilespmem:v41+s29+$0x0], $0xffff;
	_ =	sdelay $0x3  }
0x131: {  	s30 =	simm.s32 @!p0 $0x7610  }
0x132: {  	[tilespmem:v42+s30+$0x0] =	vst.idx.add.f32.msk @!p0 $0xffff, v41  }
0x133: {  	v41 =	vld @!p0 [tilespmem:$0x2710];
	_ =	sdelay $0x4  }
0x134: {  	v42 =	vld @!p0 [tilespmem:$0x4E90];
	_ =	sdelay $0x2  }
0x135: {  	v41 =	vld.idx.msk @!p0 [tilespmem:v41+s29+$0x0], $0xffff;
	_ =	sdelay $0x4  }
0x136: {  	[tilespmem:v42+s30+$0x0] =	vst.idx.add.f32.msk @!p0 $0xffff, v41  }
0x137: {  	v41 =	vld @!p0 [tilespmem:$0x2720];
	_ =	sdelay $0x4  }
0x138: {  	v42 =	vld @!p0 [tilespmem:$0x4EA0];
	_ =	sdelay $0x2  }
0x139: {  	v41 =	vld.idx.msk @!p0 [tilespmem:v41+s29+$0x0], $0xffff;
	_ =	sdelay $0x4  }
0x13a: {  	[tilespmem:v42+s30+$0x0] =	vst.idx.add.f32.msk @!p0 $0xffff, v41  }
0x13b: {  	v41 =	vld @!p0 [tilespmem:$0x2730];
	_ =	sdelay $0x4  }
0x13c: {  	v42 =	vld @!p0 [tilespmem:$0x4EB0];
	_ =	sdelay $0x2  }
0x13d: {  	v41 =	vld.idx.msk @!p0 [tilespmem:v41+s29+$0x0], $0xffff;
	_ =	sdelay $0x4  }
0x13e: {  	[tilespmem:v42+s30+$0x0] =	vst.idx.add.f32.msk @!p0 $0xffff, v41  }
0x13f: {  	v41 =	vld @!p0 [tilespmem:$0x2740];
	_ =	sdelay $0x4  }
0x140: {  	v42 =	vld @!p0 [tilespmem:$0x4EC0];
	_ =	sdelay $0x2  }
0x141: {  	v41 =	vld.idx.msk @!p0 [tilespmem:v41+s29+$0x0], $0xffff;
	_ =	sdelay $0x4  }
0x142: {  	[tilespmem:v42+s30+$0x0] =	vst.idx.add.f32.msk @!p0 $0xffff, v41  }
0x143: {  	v41 =	vld @!p0 [tilespmem:$0x2750];
	_ =	sdelay $0x4  }
0x144: {  	v42 =	vld @!p0 [tilespmem:$0x4ED0];
	_ =	sdelay $0x2  }
0x145: {  	v41 =	vld.idx.msk @!p0 [tilespmem:v41+s29+$0x0], $0xffff;
	_ =	sdelay $0x4  }
0x146: {  	[tilespmem:v42+s30+$0x0] =	vst.idx.add.f32.msk @!p0 $0xffff, v41  }
0x147: {  	v41 =	vld @!p0 [tilespmem:$0x2760];
	_ =	sdelay $0x4  }
0x148: {  	v42 =	vld @!p0 [tilespmem:$0x4EE0];
	_ =	sdelay $0x2  }
0x149: {  	v41 =	vld.idx.msk @!p0 [tilespmem:v41+s29+$0x0], $0xffff;
	_ =	sdelay $0x4  }
0x14a: {  	[tilespmem:v42+s30+$0x0] =	vst.idx.add.f32.msk @!p0 $0xffff, v41  }
0x14b: {  	v41 =	vld @!p0 [tilespmem:$0x2770];
	_ =	sdelay $0x4  }
0x14c: {  	v42 =	vld @!p0 [tilespmem:$0x4EF0];
	_ =	sdelay $0x2  }
0x14d: {  	v41 =	vld.idx.msk @!p0 [tilespmem:v41+s29+$0x0], $0xffff;
	_ =	sdelay $0x4  }
0x14e: {  	[tilespmem:v42+s30+$0x0] =	vst.idx.add.f32.msk @!p0 $0xffff, v41  }
0x14f: {  	[tilespmem:$0x9E10] =	vst v1  }
0x150: {  	[tilespmem:$0x9E20] =	vst v2  }
0x151: {  	[tilespmem:$0x9E30] =	vst v3  }
0x152: {  	[tilespmem:$0x9E40] =	vst v4  }
0x153: {  	[tilespmem:$0x9E50] =	vst v5  }
0x154: {  	[tilespmem:$0x9E60] =	vst v6  }
0x155: {  	[tilespmem:$0x9E70] =	vst v7  }
0x156: {  	[tilespmem:$0x9E80] =	vst v8  }
0x157: {  	[tilespmem:$0x9E90] =	vst v9  }
0x158: {  	[tilespmem:$0x9EA0] =	vst v10  }
0x159: {  	[tilespmem:$0x9EB0] =	vst v11  }
0x15a: {  	[tilespmem:$0x9EC0] =	vst v12  }
0x15b: {  	[tilespmem:$0x9ED0] =	vst v13  }
0x15c: {  	[tilespmem:$0x9EE0] =	vst v14  }
0x15d: {  	[tilespmem:$0x9EF0] =	vst v15  }
0x15e: {  	[tilespmem:$0x9F00] =	vst v16  }
0x15f: {  	[tilespmem:$0x9F10] =	vst v17  }
0x160: {  	[tilespmem:$0x9F20] =	vst v18  }
0x161: {  	[tilespmem:$0x9F30] =	vst v19  }
0x162: {  	[tilespmem:$0x9F40] =	vst v20  }
0x163: {  	[tilespmem:$0x9F50] =	vst v21  }
0x164: {  	[tilespmem:$0x9F60] =	vst v22  }
0x165: {  	[tilespmem:$0x9F70] =	vst v23  }
0x166: {  	[tilespmem:$0x9F80] =	vst v24  }
0x167: {  	[tilespmem:$0x9F90] =	vst v25  }
0x168: {  	[tilespmem:$0x9FA0] =	vst v26  }
0x169: {  	[tilespmem:$0x9FB0] =	vst v27  }
0x16a: {  	[tilespmem:$0x9FC0] =	vst v28  }
0x16b: {  	[tilespmem:$0x9FD0] =	vst v29  }
0x16c: {  	[tilespmem:$0x9FE0] =	vst v30  }
0x16d: {  	[tilespmem:$0x9FF0] =	vst v31  }
0x16e: {  	[tilespmem:$0xA000] =	vst v32  }
0x16f: {  	[tilespmem:$0xA010] =	vst v33  }
0x170: {  	[tilespmem:$0xA020] =	vst v34  }
0x171: {  	[tilespmem:$0xA030] =	vst v35  }
0x172: {  	[tilespmem:$0xA040] =	vst v36  }
0x173: {  	[tilespmem:$0xA050] =	vst v37  }
0x174: {  	[tilespmem:$0xA060] =	vst v38  }
0x175: {  	[tilespmem:$0xA070] =	vst v39  }
0x176: {  	[tilespmem:$0xA080] =	vst v40  }
0x177: {  	[spmem:s1] =	stream.indirect.scatter.add.f32 [tilespmem:s15], [sflag:$0x1], $0x10, s17, s16, $0xb8;
	[tilespmem:$0xA810] =	vst v63  }
0x178: {  	_ =	swait.ge [sflag:s12], $0x800  }
0x179: {  	[sflag:s12] =	ssyncset.done $0x0  }
0x17a: {  	[sflag:s12] =	ssyncadd.s32 $0xFFFFF800  }
0x17b: {  	[spmem:s1] =	stream.indirect.scatter.add.f32 [tilespmem:s19], [sflag:$0x1], $0x10, s18, s16, $0xb8;
	[tilespmem:$0xA810] =	vst v63  }
0x17c: {  	_ =	swait.ge [sflag:s12], $0x800  }
0x17d: {  	[sflag:s12] =	ssyncset.done $0x0  }
0x17e: {  	[sflag:s12] =	ssyncadd.s32 $0xFFFFF800  }
0x17f: {  	[spmem:s1] =	stream.indirect.scatter.add.f32 [tilespmem:s21], [sflag:$0x1], $0x10, s20, s16, $0xb8;
	[tilespmem:$0xA810] =	vst v63  }
0x180: {  	_ =	swait.ge [sflag:s12], $0x800  }
0x181: {  	[sflag:s12] =	ssyncset.done $0x0  }
0x182: {  	[sflag:s12] =	ssyncadd.s32 $0xFFFFF800  }
0x183: {  	[spmem:s1] =	stream.indirect.scatter.add.f32 [tilespmem:s23], [sflag:$0x1], $0x10, s22, s16, $0xb8;
	[tilespmem:$0xA810] =	vst v63  }
0x184: {  	_ =	swait.ge [sflag:s12], $0x800  }
0x185: {  	[sflag:s12] =	ssyncset.done $0x0  }
0x186: {  	[sflag:s12] =	ssyncadd.s32 $0xFFFFF800  }
0x187: {  	[spmem:s1] =	stream.indirect.scatter.add.f32 [tilespmem:s25], [sflag:$0x1], $0x10, s24, s16, $0xb8;
	[tilespmem:$0xA810] =	vst v63  }
0x188: {  	_ =	swait.ge [sflag:s12], $0x800  }
0x189: {  	[sflag:s12] =	ssyncset.done $0x0  }
0x18a: {  	[sflag:s12] =	ssyncadd.s32 $0xFFFFF800  }
0x18b: {  	[bflag:$0x0] =	sbarrier.arrive $0xFFFF  }
0x18c: {  	[tilespmem:s14], [sflag:$0x1] =	stream.linear.gather [spmem:s9], $0x280, $0x38;
	[tilespmem:$0xA810] =	vst v63  }
0x18d: {  	_ =	swait.ge [sflag:s12], $0x280  }
0x18e: {  	[sflag:s12] =	ssyncset.done $0x0  }
0x18f: {  	[sflag:s12] =	ssyncadd.s32 $0xFFFFFD80  }
0x190: {  	v59 =	vld [tilespmem:$0xA090]  }
0x191: {  	v60 =	vld [tilespmem:$0xA0A0]  }
0x192: {  	v43 =	vld [tilespmem:$0xA0B0]  }
0x193: {  	v44 =	vld [tilespmem:$0xA0C0]  }
0x194: {  	v45 =	vld [tilespmem:$0xA0D0]  }
0x195: {  	v61 =	vld [tilespmem:$0xA0E0];
	[tilespmem:$0xA310] =	vst v59  }
0x196: {  	v62 =	vld [tilespmem:$0xA0F0];
	[tilespmem:$0xA320] =	vst v60  }
0x197: {  	v63 =	vld [tilespmem:$0xA100];
	[tilespmem:$0xA330] =	vst v43  }
0x198: {  	v48 =	vld [tilespmem:$0xA110];
	[tilespmem:$0xA340] =	vst v44  }
0x199: {  	v49 =	vld [tilespmem:$0xA120];
	[tilespmem:$0xA350] =	vst v45  }
0x19a: {  	v50 =	vld [tilespmem:$0xA130];
	[tilespmem:$0xA360] =	vst v61  }
0x19b: {  	v51 =	vld [tilespmem:$0xA140];
	[tilespmem:$0xA370] =	vst v62  }
0x19c: {  	v52 =	vld [tilespmem:$0xA150];
	[tilespmem:$0xA380] =	vst v63  }
0x19d: {  	v53 =	vld [tilespmem:$0xA160];
	[tilespmem:$0xA390] =	vst v48  }
0x19e: {  	v54 =	vld [tilespmem:$0xA170];
	[tilespmem:$0xA3A0] =	vst v49  }
0x19f: {  	v55 =	vld [tilespmem:$0xA180];
	[tilespmem:$0xA3B0] =	vst v50  }
0x1a0: {  	v56 =	vld [tilespmem:$0xA190];
	[tilespmem:$0xA3C0] =	vst v51  }
0x1a1: {  	v57 =	vld [tilespmem:$0xA1A0];
	[tilespmem:$0xA3D0] =	vst v52  }
0x1a2: {  	v58 =	vld [tilespmem:$0xA1B0];
	[tilespmem:$0xA3E0] =	vst v53  }
0x1a3: {  	[tilespmem:$0xA3F0] =	vst v54;
	v59 =	vld [tilespmem:$0xA1C0]  }
0x1a4: {  	[tilespmem:$0xA400] =	vst v55;
	v60 =	vld [tilespmem:$0xA1D0]  }
0x1a5: {  	[tilespmem:$0xA410] =	vst v56;
	v61 =	vld [tilespmem:$0xA1E0]  }
0x1a6: {  	[tilespmem:$0xA420] =	vst v57;
	v62 =	vld [tilespmem:$0xA1F0]  }
0x1a7: {  	[tilespmem:$0xA430] =	vst v58;
	v63 =	vld [tilespmem:$0xA200]  }
0x1a8: {  	v48 =	vld [tilespmem:$0xA210];
	[tilespmem:$0xA440] =	vst v59  }
0x1a9: {  	v49 =	vld [tilespmem:$0xA220];
	[tilespmem:$0xA450] =	vst v60  }
0x1aa: {  	v50 =	vld [tilespmem:$0xA230];
	[tilespmem:$0xA460] =	vst v61  }
0x1ab: {  	v51 =	vld [tilespmem:$0xA240];
	[tilespmem:$0xA470] =	vst v62  }
0x1ac: {  	v52 =	vld [tilespmem:$0xA250];
	[tilespmem:$0xA480] =	vst v63  }
0x1ad: {  	v53 =	vld [tilespmem:$0xA260];
	[tilespmem:$0xA490] =	vst v48  }
0x1ae: {  	v54 =	vld [tilespmem:$0xA270];
	[tilespmem:$0xA4A0] =	vst v49  }
0x1af: {  	v55 =	vld [tilespmem:$0xA280];
	[tilespmem:$0xA4B0] =	vst v50  }
0x1b0: {  	v56 =	vld [tilespmem:$0xA290];
	[tilespmem:$0xA4C0] =	vst v51  }
0x1b1: {  	v57 =	vld [tilespmem:$0xA2A0];
	[tilespmem:$0xA4D0] =	vst v52  }
0x1b2: {  	v58 =	vld [tilespmem:$0xA2B0];
	[tilespmem:$0xA4E0] =	vst v53  }
0x1b3: {  	[tilespmem:$0xA4F0] =	vst v54;
	v59 =	vld [tilespmem:$0xA2C0]  }
0x1b4: {  	[tilespmem:$0xA500] =	vst v55;
	v60 =	vld [tilespmem:$0xA2D0]  }
0x1b5: {  	[tilespmem:$0xA510] =	vst v56;
	v61 =	vld [tilespmem:$0xA2E0]  }
0x1b6: {  	[tilespmem:$0xA520] =	vst v57;
	v62 =	vld [tilespmem:$0xA2F0]  }
0x1b7: {  	[tilespmem:$0xA530] =	vst v58;
	v63 =	vld [tilespmem:$0xA300]  }
0x1b8: {  	[tilespmem:$0xA540] =	vst v59  }
0x1b9: {  	[tilespmem:$0xA550] =	vst v60  }
0x1ba: {  	s28 =	sadd.s32 $0x1, s28;
	[tilespmem:$0xA560] =	vst v61  }
0x1bb: {  	p1 =	sne.s32 s28, s11;
	[tilespmem:$0xA570] =	vst v62  }
.Ltmp2:
0x1bc: {  	[tilespmem:$0xA580] =	vst v63;
	(pc) =	sbr.rel @p1 .LBB2_1-.Ltmp2, $4  }
0x1bd: {  	[hbm4b:s10+s3] =	stream.linear.scatter [tilespmem:s26], [sflag:$0x1], $0x280, $0x38;
	[tilespmem:$0xA810] =	vst v63  }
0x1be: {  	_ =	swait.ge [sflag:s12], $0x280  }
0x1bf: {  	[sflag:s12] =	ssyncset.done $0x0  }
0x1c0: {  	[sflag:s12] =	ssyncadd.s32 $0xFFFFFD80  }
0x1c1: {  	_ =	sfence.sel $0x180000  }
0x1c2: {  	[bflag:$0x0] =	sbarrier.arrive $0xFFFF  }
0x1c3: {  	p0 =	sne.s32 s2, $0x0;
	_ =	strace $0x9000004D  }
0x1c4: {  	s0 =	sadd.s32 @!p0 $0x100000, s0;
	[bflag:$0x2] =	sbarrier.arrive $0xFFFF  }
0x1c5: {  	[sflag:s0] =	ssyncadd.tile.s32 @!p0 $0x1;
	_ =	shalt  }
.Lfunc_end2:
_tile_overlayer_lowered:
.L_overlay_start_2:
0x1c6: {  	(tag) =	ssettag $0x2  }
0x1c7: {  	s0 =	rddreg [dreg:$0x0];
	s2 =	stileid.u32  }
0x1c8: {  	s1 =	rddreg [dreg:$0x1];
	p0 =	sne.s32 s2, $0x0  }
0x1c9: {  	s3 =	rddreg [dreg:$0x2];
	[bflag:$0x3] =	sbarrier.arrive $0xFFFF;
	s2 =	simm.s32 @!p0 $0x1C01  }
0x1ca: {  	[timem:s3], [sflag:s2] =	dma.local @!p0 [hbm:s0], s1  }
0x1cb: {  	s0 =	simm.s32 @!p0 $0x1  }
0x1cc: {  	_ =	swait.ge @!p0 [sflag:s0], s1  }
0x1cd: {  	s1 =	ssub.s32 @!p0 $0x0, s1;
	[sflag:s0] =	ssyncset.done @!p0 $0x0  }
0x1ce: {  	[sflag:s0] =	ssyncadd.s32 @!p0 s1  }
0x1cf: {  	[bflag:$0x3] =	sbarrier.arrive $0xFFFF  }
0x1d0: {  	_ =	shalt  }

// kernel: kernel.9.cloned.1.call-start
scs
__scs_entry_jumppad:
0x0: {  	(pc) =	sbr.rel $0x88, $3  }
0x1: {  	(tag) =	ssettag $0x0;
	lr =	simm.s32 $0x1  }
0x2: {  	[smem:$0x3F9B] =	sst lr;
	_ =	strace $0xD0000000  }
0x3: {  	_ = 	snop  }
0x4: {  	_ = 	snop  }
0x5: {  	_ = 	snop  }
0x6: {  	_ = 	snop  }
0x7: {  	_ = 	snop  }
__scs_overlays_trampoline_lowered:
0x8: {  	[smem:$0x3FAA] =	sst s0  }
0x9: {  	[smem:$0x3FAB] =	sst s1  }
0xa: {  	[smem:$0x3FAC] =	sst s2  }
0xb: {  	[smem:$0x3FAD] =	sst s3  }
0xc: {  	[smem:$0x3FAE] =	sst s4  }
0xd: {  	[smem:$0x3FAF] =	sst s5  }
0xe: {  	[smem:$0x3FB0] =	sst s6  }
0xf: {  	[smem:$0x3FB1] =	sst s7  }
0x10: {  	[smem:$0x3FB2] =	sst s8  }
0x11: {  	[smem:$0x3FB3] =	sst s9;
	s0 =	simm.s32 @!p0 $0x0  }
0x12: {  	s1 =	sld [smem:$0x3F99];
	s0 =	simm.s32 @p0 $0x1  }
0x13: {  	[smem:$0x3FB4] =	sst s0;
	s0 =	simm.s32 @!p1 $0x0  }
0x14: {  	s2 =	sld [smem:$0x3F98];
	s0 =	simm.s32 @p1 $0x1  }
0x15: {  	[smem:$0x3FB5] =	sst s0;
	s0 =	simm.s32 @!p2 $0x0  }
0x16: {  	s3 =	sld [smem:$0x3FDB];
	s0 =	simm.s32 @p2 $0x1  }
0x17: {  	s4 =	simm.s32 $0x1BF5;
	[smem:$0x3FB7] =	sst s0  }
0x18: {  	s0 =	sld [smem:$0x3F9A];
	_ =	swait.ge [sflag:s4], $0x0  }
0x19: {  	s7 =	sld [smem:$0x3F9B]  }
0x1a: {  	s8 =	sadd.s32 $0xFFFFE003, lr  }
0x1b: {  	s9 =	sadd.s32 $0xFFFFFEF7, lr;
	s5 =	simm.s32 $0xFFFFFFFF;
	p2 =	slt.u32 s8, $0xFFFFF086  }
0x1c: {  	p1 =	slt.u32 s9, $0xF7A;
	s5 =	simm.s32 @!p2 $0x0  }
0x1d: {  	s5 =	simm.s32 @p1 $0x1;
	p0 =	seq.s32 s7, s2  }
0x1e: {  	s7 =	smul.u32 @!p0 $0xF7A, s2;
	p2 =	seq.s32 @!p0 s5, $0x0  }
0x1f: {  	s9 =	smul.u32 $0xF7A, s1;
	s8 =	simm.s32 @!p0 $0x1BF5;
	p2 =	por !p2, p0  }
0x20: {  	[sflag:s8] =	ssyncset.s32 @!p0 $0xFFFFF086;
	s6 =	sadd.s32 @!p0 s3, s7;
	s7 =	simm.s32 @!p0 $0x108  }
0x21: {  	s3 =	sadd.s32 s3, s9;
	s6 =	sadd.s32 @!p0 $0x88, s6;
	s7 =	simm.s32 @p2 $0x1082  }
0x22: {  	[simem:s7], [sflag:s8] =	dma.local @!p0 [hbm:s6], $0xF7A  }
0x23: {  	s9 =	sor.u32 $0xD0000000, s2;
	s6 =	simm.s32 $0x108;
	_ =	swait.ge @!p0 [sflag:s8], $0x0  }
0x24: {  	s3 =	sadd.s32 $0x88, s3;
	s6 =	simm.s32 @!p1 $0x1082;
	[sflag:s4] =	ssyncset.s32 $0xFFFFF086  }
0x25: {  	[simem:s6], [sflag:s4] =	dma.local [hbm:s3], $0xF7A  }
0x26: {  	[smem:$0x3F9B] =	sst s1;
	(tag) =	ssettag s2;
	_ =	strace s9  }
0x27: {  	s1 =	sld [smem:$0x3FAB]  }
0x28: {  	s2 =	sld [smem:$0x3FAC]  }
0x29: {  	s4 =	sld [smem:$0x3FAE]  }
0x2a: {  	p0 =	seq.s32 s5, $0x0;
	s5 =	sld [smem:$0x3FAF]  }
0x2b: {  	s6 =	sld [smem:$0x3FB0]  }
0x2c: {  	s7 =	sld [smem:$0x3FB1]  }
0x2d: {  	s3 =	simm.s32 $0x108;
	s8 =	sld [smem:$0x3FB2]  }
0x2e: {  	s3 =	simm.s32 @!p0 $0x1082;
	s9 =	sld [smem:$0x3FB3]  }
0x2f: {  	lr =	sadd.s32 s0, s3;
	s0 =	sld [smem:$0x3FAA]  }
0x30: {  	s3 =	sld [smem:$0x3FAD]  }
0x31: {  	[smem:$0x3FB6] =	sst s10  }
0x32: {  	s10 =	sld [smem:$0x3FB4];
	_ =	sdelay $0x3  }
0x33: {  	p0 =	seq.s32 s10, $0x1;
	s10 =	sld [smem:$0x3FB6];
	_ =	sdelay $0x3  }
0x34: {  	[smem:$0x3FB6] =	sst s10  }
0x35: {  	s10 =	sld [smem:$0x3FB5];
	_ =	sdelay $0x3  }
0x36: {  	p1 =	seq.s32 s10, $0x1;
	s10 =	sld [smem:$0x3FB6];
	_ =	sdelay $0x3  }
0x37: {  	[smem:$0x3FB6] =	sst s10  }
0x38: {  	s10 =	sld [smem:$0x3FB7]  }
0x39: {  	_ = 	snop;
	(pc) =	sbr.ind lr, $3  }
0x3a: {  	_ = 	snop  }
0x3b: {  	_ = 	snop  }
0x3c: {  	p2 =	seq.s32 s10, $0x1;
	s10 =	sld [smem:$0x3FB6]  }
0x3d: {  	_ =	shalt  }
0x3e: {  	_ =	shalt  }
0x3f: {  	_ =	shalt  }
0x40: {  	_ =	shalt  }
0x41: {  	_ =	shalt  }
0x42: {  	_ =	shalt  }
0x43: {  	_ =	shalt  }
0x44: {  	_ =	shalt  }
0x45: {  	_ =	shalt  }
0x46: {  	_ =	shalt  }
0x47: {  	_ =	shalt  }
0x48: {  	_ =	shalt  }
0x49: {  	_ =	shalt  }
0x4a: {  	_ =	shalt  }
0x4b: {  	_ =	shalt  }
0x4c: {  	_ =	shalt  }
0x4d: {  	_ =	shalt  }
0x4e: {  	_ =	shalt  }
0x4f: {  	_ =	shalt  }
0x50: {  	_ =	shalt  }
0x51: {  	_ =	shalt  }
0x52: {  	_ =	shalt  }
0x53: {  	_ =	shalt  }
0x54: {  	_ =	shalt  }
0x55: {  	_ =	shalt  }
0x56: {  	_ =	shalt  }
0x57: {  	_ =	shalt  }
0x58: {  	_ =	shalt  }
0x59: {  	_ =	shalt  }
0x5a: {  	_ =	shalt  }
0x5b: {  	_ =	shalt  }
0x5c: {  	_ =	shalt  }
0x5d: {  	_ =	shalt  }
0x5e: {  	_ =	shalt  }
0x5f: {  	_ =	shalt  }
0x60: {  	_ =	shalt  }
0x61: {  	_ =	shalt  }
0x62: {  	_ =	shalt  }
0x63: {  	_ =	shalt  }
0x64: {  	_ =	shalt  }
0x65: {  	_ =	shalt  }
0x66: {  	_ =	shalt  }
0x67: {  	_ =	shalt  }
0x68: {  	_ =	shalt  }
0x69: {  	_ =	shalt  }
0x6a: {  	_ =	shalt  }
0x6b: {  	_ =	shalt  }
0x6c: {  	_ =	shalt  }
0x6d: {  	_ =	shalt  }
0x6e: {  	_ =	shalt  }
0x6f: {  	_ =	shalt  }
0x70: {  	_ =	shalt  }
0x71: {  	_ =	shalt  }
0x72: {  	_ =	shalt  }
0x73: {  	_ =	shalt  }
0x74: {  	_ =	shalt  }
0x75: {  	_ =	shalt  }
0x76: {  	_ =	shalt  }
0x77: {  	_ =	shalt  }
0x78: {  	_ =	shalt  }
0x79: {  	_ =	shalt  }
0x7a: {  	_ =	shalt  }
0x7b: {  	_ =	shalt  }
0x7c: {  	_ =	shalt  }
0x7d: {  	_ =	shalt  }
0x7e: {  	_ =	shalt  }
0x7f: {  	_ =	shalt  }
0x80: {  	_ =	shalt  }
0x81: {  	_ =	shalt  }
0x82: {  	_ =	shalt  }
0x83: {  	_ =	shalt  }
0x84: {  	_ =	shalt  }
0x85: {  	_ =	shalt  }
0x86: {  	_ =	shalt  }
0x87: {  	_ =	shalt  }
.Lfunc_end0:
.L_simem_size_0:
called_computation_lowered:
.L_overlay_start_0:
0x88: {  	s2 =	sld [smem:$0x3FD9]  }
0x89: {  	s3 =	sld [smem:$0x3FFE];
	_ =	sdelay $0x1  }
0x8a: {  	s1 =	srdreg.scid  }
0x8b: {  	s0 =	sand.u32 $0x1, s1  }
0x8c: {  	s16 =	sshll.u32 s0, $0xA;
	s2 =	sadd.s32 s3, s2  }
0x8d: {  	s2 =	sadd.s32 s2, s16  }
0x8e: {  	[smem:$0x3FC2] =	sst s2  }
0x8f: {  	_ = 	snop  }
0x90: {  	(tm) =	ssettm $0x1  }
0x91: {  	s17 =	sld [smem:$0x3FFB];
	_ =	sdelay $0x3  }
0x92: {  	_ =	strace s17  }
0x93: {  	s2 =	sld [smem:$0x3FFC];
	_ =	sdelay $0x3  }
0x94: {  	_ =	strace s2  }
0x95: {  	s2 =	sld [smem:$0x3FFD];
	_ =	sdelay $0x3  }
0x96: {  	_ =	strace s2  }
0x97: {  	_ =	strace $0x8FFFFFFF  }
0x98: {  	s18 =	sld [smem:$0x3FDB];
	_ =	sdelay $0x1  }
0x99: {  	s19 =	simm.s32 $_scs_section_size  }
0x9a: {  	s4 =	simm.s32 $_size__tile_overlayer_lowered;
	s5 =	simm.s32 $_tile_overlayer_lowered  }
0x9b: {  	s22 =	simm.s32 $0x1BFF;
	s21 =	sshll.u32 s5, $0x1;
	s2 =	sadd.s32 s19, s18  }
0x9c: {  	s6 =	simm.s32 $0x0;
	s20 =	sshll.u32 s4, $0x1;
	s4 =	sadd.s32 s21, s2  }
0x9d: {  	[timem:s6], [sflag:s22] =	dma.local [hbm:s4], s20  }
0x9e: {  	_ =	swait.ge [sflag:s22], s20  }
0x9f: {  	s3 =	ssub.s32 $0x0, s20;
	[sflag:s22] =	ssyncset.done $0x0  }
0xa0: {  	[sflag:s22] =	ssyncadd.s32 s3;
	_ =	sdelay $0x1  }
0xa1: {  	s23 =	simm.s32 $0x1B8B  }
0xa2: {  	_ =	swait.ge [sflag:s23], $0x1  }
0xa3: {  	[sflag:s23] =	ssyncset.done $0x0  }
0xa4: {  	s25 =	simm.s32 $0x1B8E;
	s24 =	sld [smem:$0x3FFE];
	[sflag:s23] =	ssyncadd.s32 $0xFFFFFFFF  }
0xa5: {  	s26 =	simm.s32 $execute0_lowered;
	[smem:$0x3FD2] =	sst s25  }
0xa6: {  	s4 =	sshll.u32 s26, $0x1;
	_ =	strace $0x80000046;
	[dreg:$0x1] =	wrdreg $0xFFFFFFFF  }
0xa7: {  	s28 =	simm.s32 $_size_execute0_lowered;
	s2 =	sadd.s32 s2, s4;
	[dreg:$0x0] =	wrdreg $0x0  }
0xa8: {  	s4 =	sshll.u32 s28, $0x1;
	[dreg:$0x2] =	wrdreg s2  }
0xa9: {  	[dreg:$0x3] =	wrdreg s4  }
0xaa: {  	[dreg:$0x4] =	wrdreg $0xC0  }
0xab: {  	_ =	task [dreg:s6], $0x5FFFF  }
0xac: {  	[dreg:$0x1] =	wrdreg $0xFFFFFFFF  }
0xad: {  	[dreg:$0x0] =	wrdreg $0x60  }
0xae: {  	[dreg:$0x2] =	wrdreg s24  }
0xaf: {  	[dreg:$0x3] =	wrdreg $0x57000  }
0xb0: {  	[dreg:$0x4] =	wrdreg $0x9  }
0xb1: {  	_ =	task.clear_ibuf [dreg:s6], $0x5FFFF;
	_ =	strace $0x90000046  }
0xb2: {  	s29 =	simm.s32 $0x9;
	_ =	strace $0x80000048  }
0xb3: {  	_ =	swait.ge [sflag:s29], $0x1  }
0xb4: {  	[sflag:s29] =	ssyncadd.s32 $0xFFFFFFFF  }
0xb5: {  	_ =	strace $0x90000048  }
0xb6: {  	_ =	sfence  }
0xb7: {  	s30 =	sld [smem:$0x0];
	_ =	sdelay $0x2  }
0xb8: {  	s31 =	sshll.u32 s1, $0xD;
	s1 =	sshrl.u32 s1, $0x2  }
0xb9: {  	s3 =	sand.u32 $0x4000, s31;
	s1 =	sadd.s32 s1, s30  }
0xba: {  	s0 =	sor.u32 s3, s0;
	s1 =	sshll.u32 s1, $0x11  }
0xbb: {  	s0 =	sor.u32 s1, s0  }
0xbc: {  	s0 =	sadd.s32 $0x8F2B, s0  }
0xbd: {  	[sflag:s0] =	ssyncadd.remote.s32 $0x1  }
0xbe: {  	_ =	sfence.sel $0xFFFF  }
0xbf: {  	[dreg:$0x0] =	wrdreg $0xFFFFFFFF;
	(pc) =	sbr.abs _section_cstart, $3  }
0xc0: {  	[dreg:$0x1] =	wrdreg $0xFFFFFFFF  }
0xc1: {  	_ =	task.clear_ibuf [dreg:s6], $0x2FFFF;
	_ =	strace $0x9FFFFFFF  }
0xc2: {  	(tm) =	ssettm $0x7FFFFFFF  }
0xc3: {  	_ =	shalt  }
tec
execute0_lowered:
.L_overlay_start_1:
0x0: {  	(tag) =	ssettag $0x1  }
0x1: {  	s4 =	rddreg [dreg:$0x0]  }
0x2: {  	s2 =	rddreg [dreg:$0x1]  }
0x3: {  	s0 =	srdreg.scid;
	s1 =	rddreg [dreg:$0x2]  }
0x4: {  	s3 =	simm.s32 $0x0;
	v0 =	vimm.f32 $0.0e+00;
	v1 =	vimm.f32 $1.000000000e+00;
	v2 =	vlaneseq.u32;
	s12 =	simm.s32 $0x80;
	s13 =	simm.s32 $0x4F80  }
0x5: {  	s14 =	simm.s32 $0x5000;
	s15 =	simm.s32 $0x2F80;
	s16 =	simm.s32 $0x5080;
	v3 =	vor.u32 $0x10, v2;
	v4 =	vor.u32 $0x20, v2;
	v5 =	vor.u32 $0x30, v2  }
0x6: {  	s17 =	simm.s32 $0x3780;
	s18 =	simm.s32 $0x5100;
	s19 =	simm.s32 $0x3F80;
	v6 =	vor.u32 $0x40, v2;
	v7 =	vor.u32 $0x50, v2;
	v8 =	vor.u32 $0x60, v2  }
0x7: {  	s20 =	simm.s32 $0x5180;
	s21 =	simm.s32 $0x4780;
	s5 =	sand.u32 $0x1, s0;
	v9 =	vor.u32 $0x70, v2;
	v10 =	vor.u32 $0x80, v2;
	v11 =	vor.u32 $0x90, v2  }
0x8: {  	s22 =	simm.s32 $0x5480;
	s0 =	stileid.u32;
	v12 =	vor.u32 $0xA0, v2;
	v13 =	vor.u32 $0xB0, v2;
	v14 =	vor.u32 $0xC0, v2;
	s6 =	smul.u32 $0x2800, s5  }
0x9: {  	s23 =	simm.s32 $0x0;
	[smem:$0x7FF] =	sst s3;
	v15 =	vor.u32 $0xD0, v2;
	v16 =	vor.u32 $0xE0, v2;
	v17 =	vor.u32 $0xF0, v2;
	s7 =	smul.u32 $0x280, s0  }
0xa: {  	s26 =	sadd.s32 $0x1000, s4;
	v18 =	vor.u32 $0x100, v2;
	v19 =	vor.u32 $0x110, v2;
	v20 =	vor.u32 $0x120, v2;
	_ =	strace $0x80000047;
	s28 =	sshll.u32 s0, $0x1  }
0xb: {  	v21 =	vor.u32 $0x130, v2;
	v22 =	vor.u32 $0x140, v2;
	v23 =	vor.u32 $0x150, v2;
	s29 =	ssub.s32 $0x2, s5;
	s30 =	smul.u32 $0xA00, s0;
	s6 =	sadd.s32 s7, s6  }
0xc: {  	v24 =	vor.u32 $0x160, v2;
	v25 =	vor.u32 $0x170, v2;
	v26 =	vor.u32 $0x180, v2;
	p0 =	sgt.u32 s0, $0x1;
	s9 =	sshrl.u32 s29, $0x1;
	s6 =	sshrl.u32 s6, $0x3  }
0xd: {  	v27 =	vor.u32 $0x190, v2;
	v28 =	vor.u32 $0x1A0, v2;
	v29 =	vor.u32 $0x1B0, v2;
	s9 =	ssub.s32 s29, s9;
	s11 =	sshrl.u32 s30, $0x2;
	s8 =	sadd.s32 s6, s4  }
0xe: {  	v30 =	vor.u32 $0x1C0, v2;
	v31 =	vor.u32 $0x1D0, v2;
	v32 =	vor.u32 $0x1E0, v2;
	s4 =	sor.u32 s5, s28;
	s6 =	sadd.s32 s11, s2;
	s11 =	simm.s32 $0x2780  }
0xf: {  	v33 =	vor.u32 $0x1F0, v2;
	v34 =	vor.u32 $0x200, v2;
	v35 =	vor.u32 $0x210, v2;
	s10 =	smul.u32 $0x4E0, s4;
	s4 =	sshll.u32 s4, $0x4;
	s7 =	sadd.s32 $0x14C00, s8  }
0x10: {  	v36 =	vor.u32 $0x220, v2;
	v37 =	vor.u32 $0x230, v2;
	v38 =	vor.u32 $0x240, v2;
	s8 =	smax.u32 s9, $0x1;
	s9 =	simm.s32 $0x1;
	s31 =	sadd.s32 s4, s26  }
0x11: {  	v39 =	vor.u32 $0x250, v2;
	v40 =	vor.u32 $0x260, v2;
	v41 =	vor.u32 $0x270, v2;
	s4 =	sadd.s32 s26, s10;
	s5 =	sadd.s32 $0x9C00, s31;
	s10 =	simm.s32 $0x5200  }
.LBB2_1:
0x12: {  	[tilespmem:s3], [sflag:$0x1] =	stream.linear.gather [hbm4b:s4+s3], $0x2700, $0x38;
	[tilespmem:$0x5980] =	vst v63  }
0x13: {  	_ =	swait.ge [sflag:s9], $0x2700  }
0x14: {  	[sflag:s9] =	ssyncset.done $0x0  }
0x15: {  	s24 =	simm.s32 @!p0 $0x0;
	s25 =	simm.s32 @!p0 $0x2700;
	[sflag:s9] =	ssyncadd.s32 $0xFFFFD900  }
0x16: {  	[tilespmem:s25], [sflag:$0x1] =	stream.linear.gather @!p0 [hbm4b:s5+s24], $0x80, $0x38;
	[tilespmem:$0x5980] =	vst v63  }
0x17: {  	s24 =	simm.s32 @!p0 $0x1  }
0x18: {  	_ =	swait.ge @!p0 [sflag:s24], $0x80  }
0x19: {  	[sflag:s24] =	ssyncset.done @!p0 $0x0  }
0x1a: {  	[sflag:s24] =	ssyncadd.s32 @!p0 $0xFFFFFF80;
	s24 =	simm.s32 $0x27C0  }
0x1b: {  	[tilespmem:s24+$0xFFFFFFC0] =	vst v0  }
0x1c: {  	[tilespmem:s24+$0x30] =	vst v0  }
0x1d: {  	[tilespmem:s24+$0x20] =	vst v0  }
0x1e: {  	[tilespmem:s24+$0x10] =	vst v0  }
0x1f: {  	[tilespmem:s24+$0x0] =	vst v0  }
0x20: {  	[tilespmem:s24+$0xFFFFFFF0] =	vst v0  }
0x21: {  	s25 =	simm.s32 $0x0;
	[tilespmem:s24+$0xFFFFFFE0] =	vst v0  }
.LBB2_2:
0x22: {  	s25 =	sadd.s32 $0x8, s25;
	[tilespmem:s24+$0xFFFFFFD0] =	vst v0;
	s24 =	sadd.s32 $0x80, s24  }
0x23: {  	[tilespmem:s24+$0xFFFFFFC0] =	vst v0;
	p1 =	slt.u32 s25, $0x278  }
0x24: {  	[tilespmem:s24+$0x30] =	vst v0  }
.Ltmp0:
0x25: {  	[tilespmem:s24+$0x20] =	vst v0;
	(pc) =	sbr.rel @p1 .LBB2_2-.Ltmp0, $4  }
0x26: {  	[tilespmem:s24+$0x10] =	vst v0  }
0x27: {  	[tilespmem:s24+$0x0] =	vst v0  }
0x28: {  	[tilespmem:s24+$0xFFFFFFF0] =	vst v0  }
0x29: {  	[tilespmem:s24+$0xFFFFFFE0] =	vst v0  }
0x2a: {  	[tilespmem:s24+$0xFFFFFFD0] =	vst v0  }
0x2b: {  	[tilespmem:$0x5200] =	vst v0  }
0x2c: {  	[tilespmem:$0x5210] =	vst v0  }
0x2d: {  	[tilespmem:$0x5220] =	vst v0  }
0x2e: {  	[tilespmem:$0x5230] =	vst v0  }
0x2f: {  	[tilespmem:$0x5240] =	vst v0  }
0x30: {  	[tilespmem:$0x5250] =	vst v0  }
0x31: {  	[tilespmem:$0x5260] =	vst v0  }
0x32: {  	[tilespmem:$0x5270] =	vst v0  }
0x33: {  	[tilespmem:$0x5280] =	vst v0  }
0x34: {  	[tilespmem:$0x5290] =	vst v0  }
0x35: {  	[tilespmem:$0x52A0] =	vst v0  }
0x36: {  	[tilespmem:$0x52B0] =	vst v0  }
0x37: {  	[tilespmem:$0x52C0] =	vst v0  }
0x38: {  	[tilespmem:$0x52D0] =	vst v0  }
0x39: {  	[tilespmem:$0x52E0] =	vst v0  }
0x3a: {  	[tilespmem:$0x52F0] =	vst v0  }
0x3b: {  	[tilespmem:$0x5300] =	vst v0  }
0x3c: {  	[tilespmem:$0x5310] =	vst v0  }
0x3d: {  	[tilespmem:$0x5320] =	vst v0  }
0x3e: {  	[tilespmem:$0x5330] =	vst v0  }
0x3f: {  	[tilespmem:$0x5340] =	vst v0  }
0x40: {  	[tilespmem:$0x5350] =	vst v0  }
0x41: {  	[tilespmem:$0x5360] =	vst v0  }
0x42: {  	[tilespmem:$0x5370] =	vst v0  }
0x43: {  	[tilespmem:$0x5380] =	vst v0  }
0x44: {  	[tilespmem:$0x5390] =	vst v0  }
0x45: {  	[tilespmem:$0x53A0] =	vst v0  }
0x46: {  	[tilespmem:$0x53B0] =	vst v0  }
0x47: {  	[tilespmem:$0x53C0] =	vst v0  }
0x48: {  	[tilespmem:$0x53D0] =	vst v0  }
0x49: {  	[tilespmem:$0x53E0] =	vst v0  }
0x4a: {  	[tilespmem:$0x53F0] =	vst v0  }
0x4b: {  	[tilespmem:$0x5400] =	vst v0  }
0x4c: {  	[tilespmem:$0x5410] =	vst v0  }
0x4d: {  	[tilespmem:$0x5420] =	vst v0  }
0x4e: {  	[tilespmem:$0x5430] =	vst v0  }
0x4f: {  	[tilespmem:$0x5440] =	vst v0  }
0x50: {  	[tilespmem:$0x5450] =	vst v0  }
0x51: {  	[tilespmem:$0x5460] =	vst v0  }
0x52: {  	[tilespmem:$0x5470] =	vst v0  }
0x53: {  	[spmem:s6] =	stream.linear.scatter [tilespmem:s10], [sflag:$0x1], $0x280, $0x38;
	[tilespmem:$0x5980] =	vst v63  }
0x54: {  	_ =	swait.ge [sflag:s9], $0x280  }
0x55: {  	[sflag:s9] =	ssyncset.done $0x0  }
0x56: {  	[sflag:s9] =	ssyncadd.s32 $0xFFFFFD80  }
0x57: {  	s24 =	simm.s32 $0xFFFFFFFC;
	s25 =	simm.s32 $0x100;
	[bflag:$0x0] =	sbarrier.arrive $0xFFFF  }
.LBB2_4:
0x58: {  	v42 =	vld [tilespmem:s25+$0xFFFFFF00];
	_ =	sdelay $0x7  }
0x59: {  	[tilespmem:v42+s11+$0x0] =	vst.idx.add.f32.msk $0xffff, v1  }
0x5a: {  	v42 =	vld [tilespmem:s25+$0xFFFFFF10];
	_ =	sdelay $0x7  }
0x5b: {  	[tilespmem:v42+s11+$0x0] =	vst.idx.add.f32.msk $0xffff, v1  }
0x5c: {  	v42 =	vld [tilespmem:s25+$0xFFFFFF20];
	_ =	sdelay $0x7  }
0x5d: {  	[tilespmem:v42+s11+$0x0] =	vst.idx.add.f32.msk $0xffff, v1  }
0x5e: {  	v42 =	vld [tilespmem:s25+$0xFFFFFF30];
	_ =	sdelay $0x7  }
0x5f: {  	[tilespmem:v42+s11+$0x0] =	vst.idx.add.f32.msk $0xffff, v1  }
0x60: {  	v42 =	vld [tilespmem:s25+$0xFFFFFF40];
	_ =	sdelay $0x7  }
0x61: {  	[tilespmem:v42+s11+$0x0] =	vst.idx.add.f32.msk $0xffff, v1  }
0x62: {  	v42 =	vld [tilespmem:s25+$0xFFFFFF50];
	_ =	sdelay $0x7  }
0x63: {  	[tilespmem:v42+s11+$0x0] =	vst.idx.add.f32.msk $0xffff, v1  }
0x64: {  	v42 =	vld [tilespmem:s25+$0xFFFFFF60];
	_ =	sdelay $0x7  }
0x65: {  	[tilespmem:v42+s11+$0x0] =	vst.idx.add.f32.msk $0xffff, v1  }
0x66: {  	v42 =	vld [tilespmem:s25+$0xFFFFFF70];
	_ =	sdelay $0x7  }
0x67: {  	[tilespmem:v42+s11+$0x0] =	vst.idx.add.f32.msk $0xffff, v1  }
0x68: {  	v42 =	vld [tilespmem:s25+$0xFFFFFF80];
	_ =	sdelay $0x7  }
0x69: {  	[tilespmem:v42+s11+$0x0] =	vst.idx.add.f32.msk $0xffff, v1  }
0x6a: {  	v42 =	vld [tilespmem:s25+$0xFFFFFF90];
	_ =	sdelay $0x7  }
0x6b: {  	[tilespmem:v42+s11+$0x0] =	vst.idx.add.f32.msk $0xffff, v1  }
0x6c: {  	v42 =	vld [tilespmem:s25+$0xFFFFFFA0];
	_ =	sdelay $0x7  }
0x6d: {  	[tilespmem:v42+s11+$0x0] =	vst.idx.add.f32.msk $0xffff, v1  }
0x6e: {  	v42 =	vld [tilespmem:s25+$0xFFFFFFB0];
	_ =	sdelay $0x7  }
0x6f: {  	[tilespmem:v42+s11+$0x0] =	vst.idx.add.f32.msk $0xffff, v1  }
0x70: {  	v42 =	vld [tilespmem:s25+$0xFFFFFFC0];
	_ =	sdelay $0x7  }
0x71: {  	[tilespmem:v42+s11+$0x0] =	vst.idx.add.f32.msk $0xffff, v1  }
0x72: {  	v42 =	vld [tilespmem:s25+$0xFFFFFFD0];
	_ =	sdelay $0x7  }
0x73: {  	[tilespmem:v42+s11+$0x0] =	vst.idx.add.f32.msk $0xffff, v1  }
0x74: {  	v42 =	vld [tilespmem:s25+$0xFFFFFFE0];
	_ =	sdelay $0x7  }
0x75: {  	[tilespmem:v42+s11+$0x0] =	vst.idx.add.f32.msk $0xffff, v1  }
0x76: {  	v42 =	vld [tilespmem:s25+$0xFFFFFFF0];
	_ =	sdelay $0x7  }
0x77: {  	[tilespmem:v42+s11+$0x0] =	vst.idx.add.f32.msk $0xffff, v1  }
0x78: {  	v42 =	vld [tilespmem:s25+$0x0];
	_ =	sdelay $0x7  }
0x79: {  	[tilespmem:v42+s11+$0x0] =	vst.idx.add.f32.msk $0xffff, v1  }
0x7a: {  	v42 =	vld [tilespmem:s25+$0x10];
	_ =	sdelay $0x7  }
0x7b: {  	[tilespmem:v42+s11+$0x0] =	vst.idx.add.f32.msk $0xffff, v1  }
0x7c: {  	v42 =	vld [tilespmem:s25+$0x20];
	_ =	sdelay $0x7  }
0x7d: {  	[tilespmem:v42+s11+$0x0] =	vst.idx.add.f32.msk $0xffff, v1  }
0x7e: {  	v42 =	vld [tilespmem:s25+$0x30];
	_ =	sdelay $0x7  }
0x7f: {  	[tilespmem:v42+s11+$0x0] =	vst.idx.add.f32.msk $0xffff, v1  }
0x80: {  	v42 =	vld [tilespmem:s25+$0x40];
	_ =	sdelay $0x7  }
0x81: {  	[tilespmem:v42+s11+$0x0] =	vst.idx.add.f32.msk $0xffff, v1  }
0x82: {  	v42 =	vld [tilespmem:s25+$0x50];
	_ =	sdelay $0x7  }
0x83: {  	[tilespmem:v42+s11+$0x0] =	vst.idx.add.f32.msk $0xffff, v1  }
0x84: {  	v42 =	vld [tilespmem:s25+$0x60];
	_ =	sdelay $0x7  }
0x85: {  	[tilespmem:v42+s11+$0x0] =	vst.idx.add.f32.msk $0xffff, v1  }
0x86: {  	v42 =	vld [tilespmem:s25+$0x70];
	_ =	sdelay $0x7  }
0x87: {  	[tilespmem:v42+s11+$0x0] =	vst.idx.add.f32.msk $0xffff, v1  }
0x88: {  	v42 =	vld [tilespmem:s25+$0x80];
	_ =	sdelay $0x7  }
0x89: {  	[tilespmem:v42+s11+$0x0] =	vst.idx.add.f32.msk $0xffff, v1  }
0x8a: {  	v42 =	vld [tilespmem:s25+$0x90];
	_ =	sdelay $0x7  }
0x8b: {  	[tilespmem:v42+s11+$0x0] =	vst.idx.add.f32.msk $0xffff, v1  }
0x8c: {  	v42 =	vld [tilespmem:s25+$0xA0];
	_ =	sdelay $0x7  }
0x8d: {  	[tilespmem:v42+s11+$0x0] =	vst.idx.add.f32.msk $0xffff, v1  }
0x8e: {  	v42 =	vld [tilespmem:s25+$0xB0];
	_ =	sdelay $0x7  }
0x8f: {  	[tilespmem:v42+s11+$0x0] =	vst.idx.add.f32.msk $0xffff, v1  }
0x90: {  	v42 =	vld [tilespmem:s25+$0xC0];
	_ =	sdelay $0x7  }
0x91: {  	[tilespmem:v42+s11+$0x0] =	vst.idx.add.f32.msk $0xffff, v1  }
0x92: {  	v42 =	vld [tilespmem:s25+$0xD0];
	_ =	sdelay $0x7  }
0x93: {  	[tilespmem:v42+s11+$0x0] =	vst.idx.add.f32.msk $0xffff, v1  }
0x94: {  	v42 =	vld [tilespmem:s25+$0xE0];
	_ =	sdelay $0x7  }
0x95: {  	[tilespmem:v42+s11+$0x0] =	vst.idx.add.f32.msk $0xffff, v1  }
0x96: {  	v42 =	vld [tilespmem:s25+$0xF0];
	_ =	sdelay $0x1  }
0x97: {  	s24 =	sadd.s32 $0x4, s24  }
0x98: {  	p1 =	slt.u32 s24, $0x48  }
.Ltmp1:
0x99: {  	_ = 	snop;
	(pc) =	sbr.rel @p1 .LBB2_4-.Ltmp1, $2  }
0x9a: {  	_ =	sdelay $0x2  }
0x9b: {  	s25 =	sadd.s32 $0x200, s25;
	[tilespmem:v42+s11+$0x0] =	vst.idx.add.f32.msk $0xffff, v1  }
0x9c: {  	v42 =	vld [tilespmem:$0x2600];
	_ =	sdelay $0x7  }
0x9d: {  	[tilespmem:v42+s11+$0x0] =	vst.idx.add.f32.msk $0xffff, v1  }
0x9e: {  	v42 =	vld [tilespmem:$0x2610];
	_ =	sdelay $0x7  }
0x9f: {  	[tilespmem:v42+s11+$0x0] =	vst.idx.add.f32.msk $0xffff, v1  }
0xa0: {  	v42 =	vld [tilespmem:$0x2620];
	_ =	sdelay $0x7  }
0xa1: {  	[tilespmem:v42+s11+$0x0] =	vst.idx.add.f32.msk $0xffff, v1  }
0xa2: {  	v42 =	vld [tilespmem:$0x2630];
	_ =	sdelay $0x7  }
0xa3: {  	[tilespmem:v42+s11+$0x0] =	vst.idx.add.f32.msk $0xffff, v1  }
0xa4: {  	v42 =	vld [tilespmem:$0x2640];
	_ =	sdelay $0x7  }
0xa5: {  	[tilespmem:v42+s11+$0x0] =	vst.idx.add.f32.msk $0xffff, v1  }
0xa6: {  	v42 =	vld [tilespmem:$0x2650];
	_ =	sdelay $0x7  }
0xa7: {  	[tilespmem:v42+s11+$0x0] =	vst.idx.add.f32.msk $0xffff, v1  }
0xa8: {  	v42 =	vld [tilespmem:$0x2660];
	_ =	sdelay $0x7  }
0xa9: {  	[tilespmem:v42+s11+$0x0] =	vst.idx.add.f32.msk $0xffff, v1  }
0xaa: {  	v42 =	vld [tilespmem:$0x2670];
	_ =	sdelay $0x7  }
0xab: {  	[tilespmem:v42+s11+$0x0] =	vst.idx.add.f32.msk $0xffff, v1  }
0xac: {  	v42 =	vld [tilespmem:$0x2680];
	_ =	sdelay $0x7  }
0xad: {  	[tilespmem:v42+s11+$0x0] =	vst.idx.add.f32.msk $0xffff, v1  }
0xae: {  	v42 =	vld [tilespmem:$0x2690];
	_ =	sdelay $0x7  }
0xaf: {  	[tilespmem:v42+s11+$0x0] =	vst.idx.add.f32.msk $0xffff, v1  }
0xb0: {  	v42 =	vld [tilespmem:$0x26A0];
	_ =	sdelay $0x7  }
0xb1: {  	[tilespmem:v42+s11+$0x0] =	vst.idx.add.f32.msk $0xffff, v1  }
0xb2: {  	v42 =	vld [tilespmem:$0x26B0];
	_ =	sdelay $0x7  }
0xb3: {  	[tilespmem:v42+s11+$0x0] =	vst.idx.add.f32.msk $0xffff, v1  }
0xb4: {  	v42 =	vld [tilespmem:$0x26C0];
	_ =	sdelay $0x7  }
0xb5: {  	[tilespmem:v42+s11+$0x0] =	vst.idx.add.f32.msk $0xffff, v1  }
0xb6: {  	v42 =	vld [tilespmem:$0x26D0];
	_ =	sdelay $0x7  }
0xb7: {  	[tilespmem:v42+s11+$0x0] =	vst.idx.add.f32.msk $0xffff, v1  }
0xb8: {  	v42 =	vld [tilespmem:$0x26E0];
	_ =	sdelay $0x7  }
0xb9: {  	[tilespmem:v42+s11+$0x0] =	vst.idx.add.f32.msk $0xffff, v1  }
0xba: {  	v42 =	vld [tilespmem:$0x26F0];
	_ =	sdelay $0x7  }
0xbb: {  	[tilespmem:v42+s11+$0x0] =	vst.idx.add.f32.msk $0xffff, v1  }
0xbc: {  	v42 =	vld @!p0 [tilespmem:$0x2700];
	_ =	sdelay $0x6  }
0xbd: {  	v43 =	vimm.f32 @!p0 $1.000000000e+00;
	s24 =	simm.s32 @!p0 $0x2780  }
0xbe: {  	[tilespmem:v42+s24+$0x0] =	vst.idx.add.f32.msk @!p0 $0xffff, v43  }
0xbf: {  	v42 =	vld @!p0 [tilespmem:$0x2710];
	_ =	sdelay $0x7  }
0xc0: {  	[tilespmem:v42+s24+$0x0] =	vst.idx.add.f32.msk @!p0 $0xffff, v43  }
0xc1: {  	v42 =	vld @!p0 [tilespmem:$0x2720];
	_ =	sdelay $0x7  }
0xc2: {  	[tilespmem:v42+s24+$0x0] =	vst.idx.add.f32.msk @!p0 $0xffff, v43  }
0xc3: {  	v42 =	vld @!p0 [tilespmem:$0x2730];
	_ =	sdelay $0x7  }
0xc4: {  	[tilespmem:v42+s24+$0x0] =	vst.idx.add.f32.msk @!p0 $0xffff, v43  }
0xc5: {  	v42 =	vld @!p0 [tilespmem:$0x2740];
	_ =	sdelay $0x7  }
0xc6: {  	[tilespmem:v42+s24+$0x0] =	vst.idx.add.f32.msk @!p0 $0xffff, v43  }
0xc7: {  	v42 =	vld @!p0 [tilespmem:$0x2750];
	_ =	sdelay $0x7  }
0xc8: {  	[tilespmem:v42+s24+$0x0] =	vst.idx.add.f32.msk @!p0 $0xffff, v43  }
0xc9: {  	v42 =	vld @!p0 [tilespmem:$0x2760];
	_ =	sdelay $0x7  }
0xca: {  	[tilespmem:v42+s24+$0x0] =	vst.idx.add.f32.msk @!p0 $0xffff, v43  }
0xcb: {  	v42 =	vld @!p0 [tilespmem:$0x2770];
	_ =	sdelay $0x7  }
0xcc: {  	[tilespmem:v42+s24+$0x0] =	vst.idx.add.f32.msk @!p0 $0xffff, v43  }
0xcd: {  	[tilespmem:$0x4F80] =	vst v2  }
0xce: {  	[tilespmem:$0x4F90] =	vst v3  }
0xcf: {  	[tilespmem:$0x4FA0] =	vst v4  }
0xd0: {  	[tilespmem:$0x4FB0] =	vst v5  }
0xd1: {  	[tilespmem:$0x4FC0] =	vst v6  }
0xd2: {  	[tilespmem:$0x4FD0] =	vst v7  }
0xd3: {  	[tilespmem:$0x4FE0] =	vst v8  }
0xd4: {  	[tilespmem:$0x4FF0] =	vst v9  }
0xd5: {  	[tilespmem:$0x5000] =	vst v10  }
0xd6: {  	[tilespmem:$0x5010] =	vst v11  }
0xd7: {  	[tilespmem:$0x5020] =	vst v12  }
0xd8: {  	[tilespmem:$0x5030] =	vst v13  }
0xd9: {  	[tilespmem:$0x5040] =	vst v14  }
0xda: {  	[tilespmem:$0x5050] =	vst v15  }
0xdb: {  	[tilespmem:$0x5060] =	vst v16  }
0xdc: {  	[tilespmem:$0x5070] =	vst v17  }
0xdd: {  	[tilespmem:$0x5080] =	vst v18  }
0xde: {  	[tilespmem:$0x5090] =	vst v19  }
0xdf: {  	[tilespmem:$0x50A0] =	vst v20  }
0xe0: {  	[tilespmem:$0x50B0] =	vst v21  }
0xe1: {  	[tilespmem:$0x50C0] =	vst v22  }
0xe2: {  	[tilespmem:$0x50D0] =	vst v23  }
0xe3: {  	[tilespmem:$0x50E0] =	vst v24  }
0xe4: {  	[tilespmem:$0x50F0] =	vst v25  }
0xe5: {  	[tilespmem:$0x5100] =	vst v26  }
0xe6: {  	[tilespmem:$0x5110] =	vst v27  }
0xe7: {  	[tilespmem:$0x5120] =	vst v28  }
0xe8: {  	[tilespmem:$0x5130] =	vst v29  }
0xe9: {  	[tilespmem:$0x5140] =	vst v30  }
0xea: {  	[tilespmem:$0x5150] =	vst v31  }
0xeb: {  	[tilespmem:$0x5160] =	vst v32  }
0xec: {  	[tilespmem:$0x5170] =	vst v33  }
0xed: {  	[tilespmem:$0x5180] =	vst v34  }
0xee: {  	[tilespmem:$0x5190] =	vst v35  }
0xef: {  	[tilespmem:$0x51A0] =	vst v36  }
0xf0: {  	[tilespmem:$0x51B0] =	vst v37  }
0xf1: {  	[tilespmem:$0x51C0] =	vst v38  }
0xf2: {  	[tilespmem:$0x51D0] =	vst v39  }
0xf3: {  	[tilespmem:$0x51E0] =	vst v40  }
0xf4: {  	[tilespmem:$0x51F0] =	vst v41  }
0xf5: {  	[spmem:s2] =	stream.indirect.scatter.add.f32 [tilespmem:s11], [sflag:$0x1], $0x10, s13, s12, $0xb8;
	[tilespmem:$0x5980] =	vst v63  }
0xf6: {  	_ =	swait.ge [sflag:s9], $0x800  }
0xf7: {  	[sflag:s9] =	ssyncset.done $0x0  }
0xf8: {  	[sflag:s9] =	ssyncadd.s32 $0xFFFFF800  }
0xf9: {  	[spmem:s2] =	stream.indirect.scatter.add.f32 [tilespmem:s15], [sflag:$0x1], $0x10, s14, s12, $0xb8;
	[tilespmem:$0x5980] =	vst v63  }
0xfa: {  	_ =	swait.ge [sflag:s9], $0x800  }
0xfb: {  	[sflag:s9] =	ssyncset.done $0x0  }
0xfc: {  	[sflag:s9] =	ssyncadd.s32 $0xFFFFF800  }
0xfd: {  	[spmem:s2] =	stream.indirect.scatter.add.f32 [tilespmem:s17], [sflag:$0x1], $0x10, s16, s12, $0xb8;
	[tilespmem:$0x5980] =	vst v63  }
0xfe: {  	_ =	swait.ge [sflag:s9], $0x800  }
0xff: {  	[sflag:s9] =	ssyncset.done $0x0  }
0x100: {  	[sflag:s9] =	ssyncadd.s32 $0xFFFFF800  }
0x101: {  	[spmem:s2] =	stream.indirect.scatter.add.f32 [tilespmem:s19], [sflag:$0x1], $0x10, s18, s12, $0xb8;
	[tilespmem:$0x5980] =	vst v63  }
0x102: {  	_ =	swait.ge [sflag:s9], $0x800  }
0x103: {  	[sflag:s9] =	ssyncset.done $0x0  }
0x104: {  	[sflag:s9] =	ssyncadd.s32 $0xFFFFF800  }
0x105: {  	[spmem:s2] =	stream.indirect.scatter.add.f32 [tilespmem:s21], [sflag:$0x1], $0x10, s20, s12, $0xb8;
	[tilespmem:$0x5980] =	vst v63  }
0x106: {  	_ =	swait.ge [sflag:s9], $0x800  }
0x107: {  	[sflag:s9] =	ssyncset.done $0x0  }
0x108: {  	[sflag:s9] =	ssyncadd.s32 $0xFFFFF800  }
0x109: {  	[bflag:$0x0] =	sbarrier.arrive $0xFFFF  }
0x10a: {  	[tilespmem:s10], [sflag:$0x1] =	stream.linear.gather [spmem:s6], $0x280, $0x38;
	[tilespmem:$0x5980] =	vst v63  }
0x10b: {  	_ =	swait.ge [sflag:s9], $0x280  }
0x10c: {  	[sflag:s9] =	ssyncset.done $0x0  }
0x10d: {  	[sflag:s9] =	ssyncadd.s32 $0xFFFFFD80  }
0x10e: {  	v59 =	vld [tilespmem:$0x5200]  }
0x10f: {  	v60 =	vld [tilespmem:$0x5210]  }
0x110: {  	v44 =	vld [tilespmem:$0x5220]  }
0x111: {  	v45 =	vld [tilespmem:$0x5230]  }
0x112: {  	v46 =	vld [tilespmem:$0x5240]  }
0x113: {  	v61 =	vld [tilespmem:$0x5250];
	[tilespmem:$0x5480] =	vst v59  }
0x114: {  	v62 =	vld [tilespmem:$0x5260];
	[tilespmem:$0x5490] =	vst v60  }
0x115: {  	v63 =	vld [tilespmem:$0x5270];
	[tilespmem:$0x54A0] =	vst v44  }
0x116: {  	v48 =	vld [tilespmem:$0x5280];
	[tilespmem:$0x54B0] =	vst v45  }
0x117: {  	v49 =	vld [tilespmem:$0x5290];
	[tilespmem:$0x54C0] =	vst v46  }
0x118: {  	v50 =	vld [tilespmem:$0x52A0];
	[tilespmem:$0x54D0] =	vst v61  }
0x119: {  	v51 =	vld [tilespmem:$0x52B0];
	[tilespmem:$0x54E0] =	vst v62  }
0x11a: {  	v52 =	vld [tilespmem:$0x52C0];
	[tilespmem:$0x54F0] =	vst v63  }
0x11b: {  	v53 =	vld [tilespmem:$0x52D0];
	[tilespmem:$0x5500] =	vst v48  }
0x11c: {  	v54 =	vld [tilespmem:$0x52E0];
	[tilespmem:$0x5510] =	vst v49  }
0x11d: {  	v55 =	vld [tilespmem:$0x52F0];
	[tilespmem:$0x5520] =	vst v50  }
0x11e: {  	v56 =	vld [tilespmem:$0x5300];
	[tilespmem:$0x5530] =	vst v51  }
0x11f: {  	v57 =	vld [tilespmem:$0x5310];
	[tilespmem:$0x5540] =	vst v52  }
0x120: {  	v58 =	vld [tilespmem:$0x5320];
	[tilespmem:$0x5550] =	vst v53  }
0x121: {  	[tilespmem:$0x5560] =	vst v54;
	v59 =	vld [tilespmem:$0x5330]  }
0x122: {  	[tilespmem:$0x5570] =	vst v55;
	v60 =	vld [tilespmem:$0x5340]  }
0x123: {  	[tilespmem:$0x5580] =	vst v56;
	v61 =	vld [tilespmem:$0x5350]  }
0x124: {  	[tilespmem:$0x5590] =	vst v57;
	v62 =	vld [tilespmem:$0x5360]  }
0x125: {  	[tilespmem:$0x55A0] =	vst v58;
	v63 =	vld [tilespmem:$0x5370]  }
0x126: {  	v48 =	vld [tilespmem:$0x5380];
	[tilespmem:$0x55B0] =	vst v59  }
0x127: {  	v49 =	vld [tilespmem:$0x5390];
	[tilespmem:$0x55C0] =	vst v60  }
0x128: {  	v50 =	vld [tilespmem:$0x53A0];
	[tilespmem:$0x55D0] =	vst v61  }
0x129: {  	v51 =	vld [tilespmem:$0x53B0];
	[tilespmem:$0x55E0] =	vst v62  }
0x12a: {  	v52 =	vld [tilespmem:$0x53C0];
	[tilespmem:$0x55F0] =	vst v63  }
0x12b: {  	v53 =	vld [tilespmem:$0x53D0];
	[tilespmem:$0x5600] =	vst v48  }
0x12c: {  	v54 =	vld [tilespmem:$0x53E0];
	[tilespmem:$0x5610] =	vst v49  }
0x12d: {  	v55 =	vld [tilespmem:$0x53F0];
	[tilespmem:$0x5620] =	vst v50  }
0x12e: {  	v56 =	vld [tilespmem:$0x5400];
	[tilespmem:$0x5630] =	vst v51  }
0x12f: {  	v57 =	vld [tilespmem:$0x5410];
	[tilespmem:$0x5640] =	vst v52  }
0x130: {  	v58 =	vld [tilespmem:$0x5420];
	[tilespmem:$0x5650] =	vst v53  }
0x131: {  	[tilespmem:$0x5660] =	vst v54;
	v59 =	vld [tilespmem:$0x5430]  }
0x132: {  	[tilespmem:$0x5670] =	vst v55;
	v60 =	vld [tilespmem:$0x5440]  }
0x133: {  	[tilespmem:$0x5680] =	vst v56;
	v61 =	vld [tilespmem:$0x5450]  }
0x134: {  	[tilespmem:$0x5690] =	vst v57;
	v62 =	vld [tilespmem:$0x5460]  }
0x135: {  	[tilespmem:$0x56A0] =	vst v58;
	v63 =	vld [tilespmem:$0x5470]  }
0x136: {  	[tilespmem:$0x56B0] =	vst v59  }
0x137: {  	[tilespmem:$0x56C0] =	vst v60  }
0x138: {  	s23 =	sadd.s32 $0x1, s23;
	[tilespmem:$0x56D0] =	vst v61  }
0x139: {  	p1 =	sne.s32 s23, s8;
	[tilespmem:$0x56E0] =	vst v62  }
.Ltmp2:
0x13a: {  	[tilespmem:$0x56F0] =	vst v63;
	(pc) =	sbr.rel @p1 .LBB2_1-.Ltmp2, $4  }
0x13b: {  	[hbm4b:s7+s3] =	stream.linear.scatter [tilespmem:s22], [sflag:$0x1], $0x280, $0x38;
	[tilespmem:$0x5980] =	vst v63  }
0x13c: {  	_ =	swait.ge [sflag:s9], $0x280  }
0x13d: {  	[sflag:s9] =	ssyncset.done $0x0  }
0x13e: {  	[sflag:s9] =	ssyncadd.s32 $0xFFFFFD80  }
0x13f: {  	_ =	sfence.sel $0x180000  }
0x140: {  	[bflag:$0x0] =	sbarrier.arrive $0xFFFF  }
0x141: {  	p0 =	sne.s32 s0, $0x0;
	_ =	strace $0x90000047  }
0x142: {  	s0 =	sadd.s32 @!p0 $0x100000, s1;
	[bflag:$0x2] =	sbarrier.arrive $0xFFFF  }
0x143: {  	[sflag:s0] =	ssyncadd.tile.s32 @!p0 $0x1;
	_ =	shalt  }
.Lfunc_end2:
_tile_overlayer_lowered:
.L_overlay_start_2:
0x144: {  	(tag) =	ssettag $0x2  }
0x145: {  	s0 =	rddreg [dreg:$0x0];
	s2 =	stileid.u32  }
0x146: {  	s1 =	rddreg [dreg:$0x1];
	p0 =	sne.s32 s2, $0x0  }
0x147: {  	s3 =	rddreg [dreg:$0x2];
	[bflag:$0x3] =	sbarrier.arrive $0xFFFF;
	s2 =	simm.s32 @!p0 $0x1C01  }
0x148: {  	[timem:s3], [sflag:s2] =	dma.local @!p0 [hbm:s0], s1  }
0x149: {  	s0 =	simm.s32 @!p0 $0x1  }
0x14a: {  	_ =	swait.ge @!p0 [sflag:s0], s1  }
0x14b: {  	s1 =	ssub.s32 @!p0 $0x0, s1;
	[sflag:s0] =	ssyncset.done @!p0 $0x0  }
0x14c: {  	[sflag:s0] =	ssyncadd.s32 @!p0 s1  }
0x14d: {  	[bflag:$0x3] =	sbarrier.arrive $0xFFFF  }
0x14e: {  	_ =	shalt  }

</sc_bundles>
